<compile_context>
chip_gen: v7x
topology: tpu7x:2x2x1
jax: 0.10.2.dev20260603
libtpu: 0.0.44.dev20260713+nightly
codegen_flags: <defaults>
</compile_context>

<pallas_src>
import jax
import jax.numpy as jnp
from jax import lax
from jax.experimental import pallas as pl
from jax.experimental.pallas import tpu as pltpu
from jax.experimental.pallas import tpu_sc as plsc

N = 10000
E = 320000
D = 128
NPAD = 10240
NC = 2
NS = 16
NW = NC * NS
EPW = E // NW
CH = 80
NCHUNK = EPW // CH
GR = CH // 16
ROWS_PT = NPAD // NS
TAU = 1.0 / (128.0 ** 0.5)

_f32 = jnp.float32
_i32 = jnp.int32


def _proj_body(z_ref, wq_ref, bq_ref, wk_ref, bk_ref, wv_ref, bv_ref,
               q_ref, k_ref, v_ref):
    z = z_ref[...]
    q_ref[...] = jnp.dot(z, wq_ref[...], preferred_element_type=_f32) + bq_ref[...]
    k_ref[...] = jnp.dot(z, wk_ref[...], preferred_element_type=_f32) + bk_ref[...]
    v_ref[...] = jnp.dot(z, wv_ref[...], preferred_element_type=_f32) + bv_ref[...]


def _project(z, wqt, bq, wkt, bk, wvt, bv):
    blk = 1000
    grid = (N // blk,)
    zspec = pl.BlockSpec((blk, D), lambda i: (i, 0))
    wspec = pl.BlockSpec((D, D), lambda i: (0, 0))
    bspec = pl.BlockSpec((1, D), lambda i: (0, 0))
    ospec = pl.BlockSpec((blk, D), lambda i: (i, 0))
    out = pl.pallas_call(
        _proj_body,
        grid=grid,
        in_specs=[zspec, wspec, bspec, wspec, bspec, wspec, bspec],
        out_specs=[ospec, ospec, ospec],
        out_shape=[jax.ShapeDtypeStruct((N, D), _f32)] * 3,
    )(z, wqt, bq, wkt, bk, wvt, bv)
    return out


def _iota16():
    return lax.iota(_i32, 16)


def _edge_body(k_hbm, q_hbm, v_hbm, src_hbm, dst_hbm, zrow_hbm, zd_hbm,
               expe_hbm, hu_hbm, dp_hbm,
               src0, dst0, src1, dst1, dsc0, dsc1, k_rows, q_rows, v_rows,
               e0, e1, hu_sh, d_sh, sidx, sk, sq, sv, s_hu, s_d, s_e):
    c = lax.axis_index("c")
    s = lax.axis_index("s")
    wid = s * NC + c
    ebase = wid * EPW

    pltpu.sync_copy(zrow_hbm, hu_sh.at[pl.ds(s * ROWS_PT, ROWS_PT)])
    pltpu.sync_copy(zd_hbm, d_sh.at[pl.ds(s * ROWS_PT, ROWS_PT)])
    plsc.subcore_barrier()

    srcs = (src0, src1)
    dsts = (dst0, dst1)
    dscs = (dsc0, dsc1)
    ebufs = (e0, e1)

    iota16 = _iota16()

    def compute_dot(eb):
        def group_body(g, carry):
            def edge_body(r, evec):
                e = g * 16 + r
                acc = k_rows[e, pl.ds(0, 16)] * q_rows[e, pl.ds(0, 16)]
                for cc in range(1, D // 16):
                    sl = pl.ds(cc * 16, 16)
                    acc = acc + k_rows[e, sl] * q_rows[e, sl]
                se = jnp.sum(acc)
                return jnp.where(iota16 == r, se, evec)

            evec = lax.fori_loop(0, 16, edge_body, jnp.zeros((16,), _f32),
                                 unroll=4)
            eb[pl.ds(g * 16, 16)] = jnp.exp(evec * TAU)
            return carry

        lax.fori_loop(0, GR, group_body, 0)

    def scale_v(vb, eb):
        def group_body(g, carry):
            ev = eb[pl.ds(g * 16, 16)]

            def edge_body(r, carry2):
                e = g * 16 + r
                ee = jnp.sum(jnp.where(iota16 == r, ev, 0.0))
                for cc in range(D // 16):
                    sl = pl.ds(cc * 16, 16)
                    vb[e, sl] = vb[e, sl] * ee
                return carry2

            lax.fori_loop(0, 16, edge_body, 0, unroll=4)
            return carry

        lax.fori_loop(0, GR, group_body, 0)

    def chunk(g, p, first):
        sp, dp_ = srcs[p], dsts[p]
        sn, dn = srcs[1 - p], dsts[1 - p]
        ep, en = ebufs[p], ebufs[1 - p]
        pltpu.make_async_copy(k_hbm.at[sp], k_rows, sk).wait()
        pltpu.make_async_copy(q_hbm.at[dp_], q_rows, sq).wait()
        basen = jnp.minimum((g + 1) * CH + ebase, E - CH)
        ci_s = pltpu.async_copy(src_hbm.at[pl.ds(basen, CH)], sn, sidx)
        ci_d = pltpu.async_copy(dst_hbm.at[pl.ds(basen, CH)], dn, sidx)
        if not first:
            pltpu.make_async_copy(v_rows, hu_sh.at[dscs[1 - p]], s_hu).wait()
            pltpu.make_async_copy(en, d_sh.at[dscs[1 - p]], s_d).wait()
            pltpu.make_async_copy(
                en, expe_hbm.at[pl.ds(g * CH + ebase - CH, CH)], s_e).wait()
        cv = pltpu.async_copy(v_hbm.at[sp], v_rows, sv)
        compute_dot(ep)
        ci_s.wait()
        ci_d.wait()
        pltpu.async_copy(k_hbm.at[sn], k_rows, sk)
        pltpu.async_copy(q_hbm.at[dn], q_rows, sq)
        cv.wait()
        scale_v(v_rows, ep)
        for gg in range(GR):
            sl = pl.ds(gg * 16, 16)
            dscs[p][sl] = dp_[sl]
        pltpu.async_copy(v_rows, hu_sh.at[dscs[p]], s_hu, add=True)
        pltpu.async_copy(ep, d_sh.at[dscs[p]], s_d, add=True)
        pltpu.async_copy(ep, expe_hbm.at[pl.ds(g * CH + ebase, CH)], s_e)

    pltpu.sync_copy(src_hbm.at[pl.ds(ebase, CH)], src0)
    pltpu.sync_copy(dst_hbm.at[pl.ds(ebase, CH)], dst0)
    pltpu.async_copy(k_hbm.at[src0], k_rows, sk)
    pltpu.async_copy(q_hbm.at[dst0], q_rows, sq)
    chunk(jnp.int32(0), 0, True)

    def loop_body(it, carry):
        g1 = 1 + 2 * it
        chunk(g1, 1, False)
        chunk(g1 + 1, 0, False)
        return carry

    lax.fori_loop(0, (NCHUNK - 1) // 2, loop_body, 0)

    pltpu.make_async_copy(v_rows, hu_sh.at[dsc0], s_hu).wait()
    pltpu.make_async_copy(e0, d_sh.at[dsc0], s_d).wait()
    pltpu.make_async_copy(
        e0, expe_hbm.at[pl.ds(ebase + EPW - CH, CH)], s_e).wait()
    pltpu.make_async_copy(k_hbm.at[src1], k_rows, sk).wait()
    pltpu.make_async_copy(q_hbm.at[dst1], q_rows, sq).wait()
    plsc.subcore_barrier()

    pltpu.sync_copy(hu_sh.at[pl.ds(s * ROWS_PT, ROWS_PT)],
                    hu_hbm.at[pl.ds(c * NPAD + s * ROWS_PT, ROWS_PT)])
    pltpu.sync_copy(d_sh.at[pl.ds(s * ROWS_PT, ROWS_PT)],
                    dp_hbm.at[pl.ds(c * NPAD + s * ROWS_PT, ROWS_PT)])


def _edge_phase(k, q, v, src, dst):
    zrow = jnp.zeros((ROWS_PT, D), _f32)
    zd = jnp.zeros((ROWS_PT,), _f32)
    mesh = plsc.VectorSubcoreMesh(core_axis_name="c", subcore_axis_name="s")
    fn = pl.kernel(
        _edge_body,
        out_type=[
            jax.ShapeDtypeStruct((E,), _f32),
            jax.ShapeDtypeStruct((NC * NPAD, D), _f32),
            jax.ShapeDtypeStruct((NC * NPAD,), _f32),
        ],
        mesh=mesh,
        compiler_params=pltpu.CompilerParams(needs_layout_passes=False),
        scratch_types=[
            pltpu.VMEM((CH,), _i32),
            pltpu.VMEM((CH,), _i32),
            pltpu.VMEM((CH,), _i32),
            pltpu.VMEM((CH,), _i32),
            pltpu.VMEM((CH,), _i32),
            pltpu.VMEM((CH,), _i32),
            pltpu.VMEM((CH, D), _f32),
            pltpu.VMEM((CH, D), _f32),
            pltpu.VMEM((CH, D), _f32),
            pltpu.VMEM((CH,), _f32),
            pltpu.VMEM((CH,), _f32),
            pltpu.VMEM_SHARED((NPAD, D), _f32),
            pltpu.VMEM_SHARED((NPAD,), _f32),
            pltpu.SemaphoreType.DMA,
            pltpu.SemaphoreType.DMA,
            pltpu.SemaphoreType.DMA,
            pltpu.SemaphoreType.DMA,
            pltpu.SemaphoreType.DMA,
            pltpu.SemaphoreType.DMA,
            pltpu.SemaphoreType.DMA,
        ],
    )
    return fn(k, q, v, src, dst, zrow, zd)




_HB = 80
_NHB = N // _HB
_CHB = 2000
_NCHB = EPW // _CHB


def _final_body(hu_hbm, dp_hbm, expe_hbm, dst_hbm,
                h_hbm, alpha_hbm,
                dfbuf, dall, hu0, hu1, hout, ev_buf, dste_buf, alpha_buf,
                sem0, sem1, sem2, sem3):
    c = lax.axis_index("c")
    s = lax.axis_index("s")
    wid = s * NC + c
    iota16 = _iota16()
    ebase = wid * EPW

    ce = pltpu.async_copy(expe_hbm.at[pl.ds(ebase, EPW)], ev_buf, sem2)
    cd = pltpu.async_copy(dst_hbm.at[pl.ds(ebase, EPW)], dste_buf, sem3)

    pltpu.sync_copy(dp_hbm, dfbuf)

    def dred_body(i, carry):
        sl = pl.ds(i * 16, 16)
        dall[sl] = dfbuf[sl] + dfbuf[pl.ds(NPAD + i * 16, 16)]
        return carry

    lax.fori_loop(0, NPAD // 16, dred_body, 0, unroll=8)

    def h_body(t, carry):
        nb = (wid + t * NW) * _HB
        c0 = pltpu.async_copy(hu_hbm.at[pl.ds(nb, _HB)], hu0, sem0)
        c1 = pltpu.async_copy(hu_hbm.at[pl.ds(NPAD + nb, _HB)], hu1, sem1)
        c0.wait()
        c1.wait()

        def grp_body(g2, carry2):
            dg = dall[pl.ds(nb + g2 * 16, 16)]
            rcp = jnp.where(dg > 0.0, 1.0 / dg, 0.0)

            def row_body(r2, carry3):
                row = g2 * 16 + r2
                ee = jnp.sum(jnp.where(iota16 == r2, rcp, 0.0))
                for cc in range(D // 16):
                    sl = pl.ds(cc * 16, 16)
                    hout[row, sl] = (hu0[row, sl] + hu1[row, sl]) * ee
                return carry3

            lax.fori_loop(0, 16, row_body, 0, unroll=4)
            return carry2

        lax.fori_loop(0, _HB // 16, grp_body, 0)
        pltpu.sync_copy(hout, h_hbm.at[pl.ds(nb, _HB)])
        return carry

    my_blocks = (_NHB - wid + NW - 1) // NW
    lax.fori_loop(0, my_blocks, h_body, 0)

    ce.wait()
    cd.wait()

    def g_body(g, carry2):
        sl = pl.ds(g * 16, 16)
        dv = plsc.load_gather(dall, [dste_buf[sl]])
        alpha_buf[sl] = ev_buf[sl] / dv
        return carry2

    lax.fori_loop(0, EPW // 16, g_body, 0, unroll=4)
    pltpu.sync_copy(alpha_buf, alpha_hbm.at[pl.ds(ebase, EPW)])


def _finalize(hu_p, dp, expe, dst):
    mesh = plsc.VectorSubcoreMesh(core_axis_name="c", subcore_axis_name="s")
    fn = pl.kernel(
        _final_body,
        out_type=[
            jax.ShapeDtypeStruct((N, D), _f32),
            jax.ShapeDtypeStruct((E,), _f32),
        ],
        mesh=mesh,
        compiler_params=pltpu.CompilerParams(needs_layout_passes=False),
        scratch_types=[
            pltpu.VMEM((NC * NPAD,), _f32),
            pltpu.VMEM((NPAD,), _f32),
            pltpu.VMEM((_HB, D), _f32),
            pltpu.VMEM((_HB, D), _f32),
            pltpu.VMEM((_HB, D), _f32),
            pltpu.VMEM((EPW,), _f32),
            pltpu.VMEM((EPW,), _i32),
            pltpu.VMEM((EPW,), _f32),
            pltpu.SemaphoreType.DMA,
            pltpu.SemaphoreType.DMA,
            pltpu.SemaphoreType.DMA,
            pltpu.SemaphoreType.DMA,
        ],
    )
    return fn(hu_p, dp, expe, dst)


def kernel(z, edge_index, Wq, bq, Wk, bk, Wv, bv):
    q, k, v = _project(z, Wq.T, bq.reshape(1, D), Wk.T, bk.reshape(1, D),
                       Wv.T, bv.reshape(1, D))
    src = edge_index[0]
    dst = edge_index[1]
    expe, hu_p, dp = _edge_phase(k, q, v, src, dst)
    h, alpha = _finalize(hu_p, dp, expe, dst)
    return h, alpha

# --- scband reference (transcript-rebuilt; emitter-appended) ---
"""Pipeline reference for scband-dot-gatlayer-13872744366437 (READ-ONLY COPY).

The authoritative reference and input builder live on the scoring server;
editing this copy changes nothing except your own understanding.
"""

import jax, jax.numpy as jnp
import numpy as np

N = 10000
E = 320000
IN_DIM = 128
OUT_DIM = 128


def setup_inputs(seed: int = 0) -> dict:
    key = jax.random.key(seed)
    ks = jax.random.split(key, 8)
    z = jax.random.normal(ks[0], (N, IN_DIM), dtype=jnp.float32)
    edge_index = jax.random.randint(ks[1], (2, E), 0, N, dtype=jnp.int32)
    s = 1.0 / np.sqrt(IN_DIM)
    Wq = jax.random.uniform(ks[2], (OUT_DIM, IN_DIM), dtype=jnp.float32, minval=-s, maxval=s)
    bq = jnp.zeros((OUT_DIM,), dtype=jnp.float32)
    Wk = jax.random.uniform(ks[3], (OUT_DIM, IN_DIM), dtype=jnp.float32, minval=-s, maxval=s)
    bk = jnp.zeros((OUT_DIM,), dtype=jnp.float32)
    Wv = jax.random.uniform(ks[4], (OUT_DIM, IN_DIM), dtype=jnp.float32, minval=-s, maxval=s)
    bv = jnp.zeros((OUT_DIM,), dtype=jnp.float32)
    return {"z": z, "edge_index": edge_index, "Wq": Wq, "bq": bq, "Wk": Wk, "bk": bk, "Wv": Wv, "bv": bv}


def reference(z, edge_index, Wq, bq, Wk, bk, Wv, bv):
    n = z.shape[0]
    out_dim = Wq.shape[0]
    tau = 1.0 / jnp.sqrt(jnp.asarray(out_dim, dtype=z.dtype))
    q = z @ Wq.T + bq
    k = z @ Wk.T + bk
    v = z @ Wv.T + bv
    src = edge_index[0]
    dst = edge_index[1]
    # edge_attention: e = (k_src * q_dst).sum(-1) * tau
    e = jnp.sum(k[src] * q[dst], axis=-1) * tau
    # reduce: softmax over incoming edges per dst node (numerically stable)
    m = jax.ops.segment_max(e, dst, num_segments=n)
    m_safe = jnp.where(jnp.isfinite(m), m, 0.0)
    ex = jnp.exp(e - m_safe[dst])
    denom = jax.ops.segment_sum(ex, dst, num_segments=n)
    alpha = ex / denom[dst]
    # h = sum_over_incoming(alpha * v_src)
    h = jax.ops.segment_sum(alpha[:, None] * v[src], dst, num_segments=n)
    return h, alpha

if __name__ == "__main__":
    import jax
    _d = setup_inputs()
    print(jax.jit(kernel)(*tuple(_d.values())))

</pallas_src>

<mosaic_0001>
#map = affine_map<(d0, d1) -> (0, 0)>
#map1 = affine_map<(d0, d1) -> (0)>
module attributes {stable_mosaic.version = 14 : i64} {
  func.func @_final_body(%arg0: i32, %arg1: i32, %arg2: memref<20480x128xf32, #tpu.memory_space<hbm>>, %arg3: memref<20480xf32, #tpu.memory_space<hbm>>, %arg4: memref<320000xf32, #tpu.memory_space<hbm>>, %arg5: memref<320000xi32, #tpu.memory_space<hbm>>, %arg6: memref<10000x128xf32, #tpu.memory_space<hbm>>, %arg7: memref<320000xf32, #tpu.memory_space<hbm>>, %arg8: memref<20480xf32, #tpu.memory_space<vmem>>, %arg9: memref<10240xf32, #tpu.memory_space<vmem>>, %arg10: memref<80x128xf32, #tpu.memory_space<vmem>>, %arg11: memref<80x128xf32, #tpu.memory_space<vmem>>, %arg12: memref<80x128xf32, #tpu.memory_space<vmem>>, %arg13: memref<10000xf32, #tpu.memory_space<vmem>>, %arg14: memref<10000xi32, #tpu.memory_space<vmem>>, %arg15: memref<10000xf32, #tpu.memory_space<vmem>>, %arg16: memref<!tpu.dma_semaphore, #tpu.memory_space<semaphore_mem>>, %arg17: memref<!tpu.dma_semaphore, #tpu.memory_space<semaphore_mem>>, %arg18: memref<!tpu.dma_semaphore, #tpu.memory_space<semaphore_mem>>, %arg19: memref<!tpu.dma_semaphore, #tpu.memory_space<semaphore_mem>>) attributes {dimension_semantics = [#tpu.dimension_semantics<core_parallel>, #tpu.dimension_semantics<subcore_parallel>], iteration_bounds = array<i64: 2, 16>, scalar_prefetch = 0 : i64, scratch_operands = 12 : i64, tpu.core_type = #tpu.core_type<sc_vector_subcore>, window_params = [{transform_indices = #map}, {transform_indices = #map1}, {transform_indices = #map1}, {transform_indices = #map1}, {transform_indices = #map}, {transform_indices = #map1}]} {
    %mul3A = arith.constant 2 : i32
    %mul3A_0 = arith.muli %arg1, %mul3A : i32
    %add3A = arith.addi %mul3A_0, %arg0 : i32
    %iota3A = tpu.iota {dimensions = array<i32: 0>} : vector<16xi32>
    %mul3A_1 = arith.constant 10000 : i32
    %mul3A_2 = arith.muli %add3A, %mul3A_1 : i32
    %dma_start3A = tpu.memref_slice %arg4[%mul3A_2] : memref<320000xf32, #tpu.memory_space<hbm>> -> memref<10000xf32, #tpu.memory_space<hbm>>
    %dma_start3A_3 = tpu.memref_slice %arg4[%mul3A_2] : memref<320000xf32, #tpu.memory_space<hbm>> -> memref<10000xf32, #tpu.memory_space<hbm>>
    tpu.enqueue_dma source(%dma_start3A_3 : memref<10000xf32, #tpu.memory_space<hbm>>) target(%arg13 : memref<10000xf32, #tpu.memory_space<vmem>>) target_semaphore(%arg18 : memref<!tpu.dma_semaphore, #tpu.memory_space<semaphore_mem>>)
    %dma_start3A_4 = tpu.memref_slice %arg5[%mul3A_2] : memref<320000xi32, #tpu.memory_space<hbm>> -> memref<10000xi32, #tpu.memory_space<hbm>>
    %dma_start3A_5 = tpu.memref_slice %arg5[%mul3A_2] : memref<320000xi32, #tpu.memory_space<hbm>> -> memref<10000xi32, #tpu.memory_space<hbm>>
    tpu.enqueue_dma source(%dma_start3A_5 : memref<10000xi32, #tpu.memory_space<hbm>>) target(%arg14 : memref<10000xi32, #tpu.memory_space<vmem>>) target_semaphore(%arg19 : memref<!tpu.dma_semaphore, #tpu.memory_space<semaphore_mem>>)
    "tpu.region"() ({
      %run_scoped3A = tpu.sem_alloc : memref<!tpu.dma_semaphore, #tpu.memory_space<semaphore_mem>>
      tpu.enqueue_dma source(%arg3 : memref<20480xf32, #tpu.memory_space<hbm>>) target(%arg8 : memref<20480xf32, #tpu.memory_space<vmem>>) target_semaphore(%run_scoped3A : memref<!tpu.dma_semaphore, #tpu.memory_space<semaphore_mem>>)
      tpu.wait_dma2 semaphore(%run_scoped3A : memref<!tpu.dma_semaphore, #tpu.memory_space<semaphore_mem>>) src(%arg3 : memref<20480xf32, #tpu.memory_space<hbm>>) dst(%arg8 : memref<20480xf32, #tpu.memory_space<vmem>>)
      tpu.yield
    }) : () -> ()
    %scan3A = arith.constant 0 : i32
    %scan3A_6 = arith.constant 0 : i32
    %scan3A_7 = arith.constant 640 : i32
    %scan3A_8 = arith.addi %scan3A_6, %scan3A_7 : i32
    %scan3A_9 = arith.constant 8 : i32
    scf.for %scan3A_60 = %scan3A_6 to %scan3A_8 step %scan3A_9  : i32 {
      %mul3A_61 = arith.constant 16 : i32
      %mul3A_62 = arith.muli %scan3A_60, %mul3A_61 : i32
      %get3A_63 = arith.index_cast %mul3A_62 : i32 to index
      %get3A_64 = tpu.vector_load %arg8[%get3A_63] {strides = array<i32>} : memref<20480xf32, #tpu.memory_space<vmem>>, vector<16xf32>,
      %mul3A_65 = arith.constant 16 : i32
      %mul3A_66 = arith.muli %scan3A_60, %mul3A_65 : i32
      %add3A_67 = arith.constant 10240 : i32
      %add3A_68 = arith.addi %add3A_67, %mul3A_66 : i32
      %get3A_69 = arith.index_cast %add3A_68 : i32 to index
      %get3A_70 = tpu.vector_load %arg8[%get3A_69] {strides = array<i32>} : memref<20480xf32, #tpu.memory_space<vmem>>, vector<16xf32>,
      %add3A_71 = arith.addf %get3A_64, %get3A_70 : vector<16xf32>
      %swap3A_72 = arith.index_cast %mul3A_62 : i32 to index
      %swap3A_73 = tpu.vector_load %arg9[%swap3A_72] {strides = array<i32>} : memref<10240xf32, #tpu.memory_space<vmem>>, vector<16xf32>,
      tpu.vector_store %arg9[%swap3A_72], %add3A_71 {strides = array<i32>} : memref<10240xf32, #tpu.memory_space<vmem>>, vector<16xf32>,
      %scan3A_74 = arith.constant 1 : i32
      %scan3A_75 = arith.addi %scan3A_60, %scan3A_74 : i32
      %mul3A_76 = arith.constant 16 : i32
      %mul3A_77 = arith.muli %scan3A_75, %mul3A_76 : i32
      %get3A_78 = arith.index_cast %mul3A_77 : i32 to index
      %get3A_79 = tpu.vector_load %arg8[%get3A_78] {strides = array<i32>} : memref<20480xf32, #tpu.memory_space<vmem>>, vector<16xf32>,
      %mul3A_80 = arith.constant 16 : i32
      %mul3A_81 = arith.muli %scan3A_75, %mul3A_80 : i32
      %add3A_82 = arith.constant 10240 : i32
      %add3A_83 = arith.addi %add3A_82, %mul3A_81 : i32
      %get3A_84 = arith.index_cast %add3A_83 : i32 to index
      %get3A_85 = tpu.vector_load %arg8[%get3A_84] {strides = array<i32>} : memref<20480xf32, #tpu.memory_space<vmem>>, vector<16xf32>,
      %add3A_86 = arith.addf %get3A_79, %get3A_85 : vector<16xf32>
      %swap3A_87 = arith.index_cast %mul3A_77 : i32 to index
      %swap3A_88 = tpu.vector_load %arg9[%swap3A_87] {strides = array<i32>} : memref<10240xf32, #tpu.memory_space<vmem>>, vector<16xf32>,
      tpu.vector_store %arg9[%swap3A_87], %add3A_86 {strides = array<i32>} : memref<10240xf32, #tpu.memory_space<vmem>>, vector<16xf32>,
      %scan3A_89 = arith.constant 2 : i32
      %scan3A_90 = arith.addi %scan3A_60, %scan3A_89 : i32
      %mul3A_91 = arith.constant 16 : i32
      %mul3A_92 = arith.muli %scan3A_90, %mul3A_91 : i32
      %get3A_93 = arith.index_cast %mul3A_92 : i32 to index
      %get3A_94 = tpu.vector_load %arg8[%get3A_93] {strides = array<i32>} : memref<20480xf32, #tpu.memory_space<vmem>>, vector<16xf32>,
      %mul3A_95 = arith.constant 16 : i32
      %mul3A_96 = arith.muli %scan3A_90, %mul3A_95 : i32
      %add3A_97 = arith.constant 10240 : i32
      %add3A_98 = arith.addi %add3A_97, %mul3A_96 : i32
      %get3A_99 = arith.index_cast %add3A_98 : i32 to index
      %get3A_100 = tpu.vector_load %arg8[%get3A_99] {strides = array<i32>} : memref<20480xf32, #tpu.memory_space<vmem>>, vector<16xf32>,
      %add3A_101 = arith.addf %get3A_94, %get3A_100 : vector<16xf32>
      %swap3A_102 = arith.index_cast %mul3A_92 : i32 to index
      %swap3A_103 = tpu.vector_load %arg9[%swap3A_102] {strides = array<i32>} : memref<10240xf32, #tpu.memory_space<vmem>>, vector<16xf32>,
      tpu.vector_store %arg9[%swap3A_102], %add3A_101 {strides = array<i32>} : memref<10240xf32, #tpu.memory_space<vmem>>, vector<16xf32>,
      %scan3A_104 = arith.constant 3 : i32
      %scan3A_105 = arith.addi %scan3A_60, %scan3A_104 : i32
      %mul3A_106 = arith.constant 16 : i32
      %mul3A_107 = arith.muli %scan3A_105, %mul3A_106 : i32
      %get3A_108 = arith.index_cast %mul3A_107 : i32 to index
      %get3A_109 = tpu.vector_load %arg8[%get3A_108] {strides = array<i32>} : memref<20480xf32, #tpu.memory_space<vmem>>, vector<16xf32>,
      %mul3A_110 = arith.constant 16 : i32
      %mul3A_111 = arith.muli %scan3A_105, %mul3A_110 : i32
      %add3A_112 = arith.constant 10240 : i32
      %add3A_113 = arith.addi %add3A_112, %mul3A_111 : i32
      %get3A_114 = arith.index_cast %add3A_113 : i32 to index
      %get3A_115 = tpu.vector_load %arg8[%get3A_114] {strides = array<i32>} : memref<20480xf32, #tpu.memory_space<vmem>>, vector<16xf32>,
      %add3A_116 = arith.addf %get3A_109, %get3A_115 : vector<16xf32>
      %swap3A_117 = arith.index_cast %mul3A_107 : i32 to index
      %swap3A_118 = tpu.vector_load %arg9[%swap3A_117] {strides = array<i32>} : memref<10240xf32, #tpu.memory_space<vmem>>, vector<16xf32>,
      tpu.vector_store %arg9[%swap3A_117], %add3A_116 {strides = array<i32>} : memref<10240xf32, #tpu.memory_space<vmem>>, vector<16xf32>,
      %scan3A_119 = arith.constant 4 : i32
      %scan3A_120 = arith.addi %scan3A_60, %scan3A_119 : i32
      %mul3A_121 = arith.constant 16 : i32
      %mul3A_122 = arith.muli %scan3A_120, %mul3A_121 : i32
      %get3A_123 = arith.index_cast %mul3A_122 : i32 to index
      %get3A_124 = tpu.vector_load %arg8[%get3A_123] {strides = array<i32>} : memref<20480xf32, #tpu.memory_space<vmem>>, vector<16xf32>,
      %mul3A_125 = arith.constant 16 : i32
      %mul3A_126 = arith.muli %scan3A_120, %mul3A_125 : i32
      %add3A_127 = arith.constant 10240 : i32
      %add3A_128 = arith.addi %add3A_127, %mul3A_126 : i32
      %get3A_129 = arith.index_cast %add3A_128 : i32 to index
      %get3A_130 = tpu.vector_load %arg8[%get3A_129] {strides = array<i32>} : memref<20480xf32, #tpu.memory_space<vmem>>, vector<16xf32>,
      %add3A_131 = arith.addf %get3A_124, %get3A_130 : vector<16xf32>
      %swap3A_132 = arith.index_cast %mul3A_122 : i32 to index
      %swap3A_133 = tpu.vector_load %arg9[%swap3A_132] {strides = array<i32>} : memref<10240xf32, #tpu.memory_space<vmem>>, vector<16xf32>,
      tpu.vector_store %arg9[%swap3A_132], %add3A_131 {strides = array<i32>} : memref<10240xf32, #tpu.memory_space<vmem>>, vector<16xf32>,
      %scan3A_134 = arith.constant 5 : i32
      %scan3A_135 = arith.addi %scan3A_60, %scan3A_134 : i32
      %mul3A_136 = arith.constant 16 : i32
      %mul3A_137 = arith.muli %scan3A_135, %mul3A_136 : i32
      %get3A_138 = arith.index_cast %mul3A_137 : i32 to index
      %get3A_139 = tpu.vector_load %arg8[%get3A_138] {strides = array<i32>} : memref<20480xf32, #tpu.memory_space<vmem>>, vector<16xf32>,
      %mul3A_140 = arith.constant 16 : i32
      %mul3A_141 = arith.muli %scan3A_135, %mul3A_140 : i32
      %add3A_142 = arith.constant 10240 : i32
      %add3A_143 = arith.addi %add3A_142, %mul3A_141 : i32
      %get3A_144 = arith.index_cast %add3A_143 : i32 to index
      %get3A_145 = tpu.vector_load %arg8[%get3A_144] {strides = array<i32>} : memref<20480xf32, #tpu.memory_space<vmem>>, vector<16xf32>,
      %add3A_146 = arith.addf %get3A_139, %get3A_145 : vector<16xf32>
      %swap3A_147 = arith.index_cast %mul3A_137 : i32 to index
      %swap3A_148 = tpu.vector_load %arg9[%swap3A_147] {strides = array<i32>} : memref<10240xf32, #tpu.memory_space<vmem>>, vector<16xf32>,
      tpu.vector_store %arg9[%swap3A_147], %add3A_146 {strides = array<i32>} : memref<10240xf32, #tpu.memory_space<vmem>>, vector<16xf32>,
      %scan3A_149 = arith.constant 6 : i32
      %scan3A_150 = arith.addi %scan3A_60, %scan3A_149 : i32
      %mul3A_151 = arith.constant 16 : i32
      %mul3A_152 = arith.muli %scan3A_150, %mul3A_151 : i32
      %get3A_153 = arith.index_cast %mul3A_152 : i32 to index
      %get3A_154 = tpu.vector_load %arg8[%get3A_153] {strides = array<i32>} : memref<20480xf32, #tpu.memory_space<vmem>>, vector<16xf32>,
      %mul3A_155 = arith.constant 16 : i32
      %mul3A_156 = arith.muli %scan3A_150, %mul3A_155 : i32
      %add3A_157 = arith.constant 10240 : i32
      %add3A_158 = arith.addi %add3A_157, %mul3A_156 : i32
      %get3A_159 = arith.index_cast %add3A_158 : i32 to index
      %get3A_160 = tpu.vector_load %arg8[%get3A_159] {strides = array<i32>} : memref<20480xf32, #tpu.memory_space<vmem>>, vector<16xf32>,
      %add3A_161 = arith.addf %get3A_154, %get3A_160 : vector<16xf32>
      %swap3A_162 = arith.index_cast %mul3A_152 : i32 to index
      %swap3A_163 = tpu.vector_load %arg9[%swap3A_162] {strides = array<i32>} : memref<10240xf32, #tpu.memory_space<vmem>>, vector<16xf32>,
      tpu.vector_store %arg9[%swap3A_162], %add3A_161 {strides = array<i32>} : memref<10240xf32, #tpu.memory_space<vmem>>, vector<16xf32>,
      %scan3A_164 = arith.constant 7 : i32
      %scan3A_165 = arith.addi %scan3A_60, %scan3A_164 : i32
      %mul3A_166 = arith.constant 16 : i32
      %mul3A_167 = arith.muli %scan3A_165, %mul3A_166 : i32
      %get3A_168 = arith.index_cast %mul3A_167 : i32 to index
      %get3A_169 = tpu.vector_load %arg8[%get3A_168] {strides = array<i32>} : memref<20480xf32, #tpu.memory_space<vmem>>, vector<16xf32>,
      %mul3A_170 = arith.constant 16 : i32
      %mul3A_171 = arith.muli %scan3A_165, %mul3A_170 : i32
      %add3A_172 = arith.constant 10240 : i32
      %add3A_173 = arith.addi %add3A_172, %mul3A_171 : i32
      %get3A_174 = arith.index_cast %add3A_173 : i32 to index
      %get3A_175 = tpu.vector_load %arg8[%get3A_174] {strides = array<i32>} : memref<20480xf32, #tpu.memory_space<vmem>>, vector<16xf32>,
      %add3A_176 = arith.addf %get3A_169, %get3A_175 : vector<16xf32>
      %swap3A_177 = arith.index_cast %mul3A_167 : i32 to index
      %swap3A_178 = tpu.vector_load %arg9[%swap3A_177] {strides = array<i32>} : memref<10240xf32, #tpu.memory_space<vmem>>, vector<16xf32>,
      tpu.vector_store %arg9[%swap3A_177], %add3A_176 {strides = array<i32>} : memref<10240xf32, #tpu.memory_space<vmem>>, vector<16xf32>,
    }
    %scan3A_10 = arith.constant 640 : i32
    %sub3A = arith.constant 125 : i32
    %sub3A_11 = arith.subi %sub3A, %add3A : i32
    %add3A_12 = arith.constant 32 : i32
    %add3A_13 = arith.addi %sub3A_11, %add3A_12 : i32
    %sub3A_14 = arith.constant 1 : i32
    %sub3A_15 = arith.subi %add3A_13, %sub3A_14 : i32
    %jit3A = arith.constant 32 : i32
    %div3A = arith.divsi %sub3A_15, %jit3A : i32
    %sign3A = arith.constant 0 : i32
    %sign3A_16 = arith.cmpi sgt, %sub3A_15, %sign3A : i32
    %sign3A_17 = arith.extui %sign3A_16 : i1 to i32
    %sign3A_18 = arith.constant 0 : i32
    %sign3A_19 = arith.cmpi slt, %sub3A_15, %sign3A_18 : i32
    %sign3A_20 = arith.extui %sign3A_19 : i1 to i32
    %sign3A_21 = arith.subi %sign3A_17, %sign3A_20 : i32
    %sign3A_22 = arith.constant 0 : i32
    %sign3A_23 = arith.cmpi sgt, %jit3A, %sign3A_22 : i32
    %sign3A_24 = arith.extui %sign3A_23 : i1 to i32
    %sign3A_25 = arith.constant 0 : i32
    %sign3A_26 = arith.cmpi slt, %jit3A, %sign3A_25 : i32
    %sign3A_27 = arith.extui %sign3A_26 : i1 to i32
    %sign3A_28 = arith.subi %sign3A_24, %sign3A_27 : i32
    %ne3A = arith.cmpi ne, %sign3A_21, %sign3A_28 : i32
    %rem3A = arith.remsi %sub3A_15, %jit3A : i32
    %ne3A_29 = arith.constant 0 : i32
    %ne3A_30 = arith.cmpi ne, %rem3A, %ne3A_29 : i32
    %and3A = arith.andi %ne3A, %ne3A_30 : i1
    %sub3A_31 = arith.constant 1 : i32
    %sub3A_32 = arith.subi %div3A, %sub3A_31 : i32
    %select_n3A = arith.select %and3A, %sub3A_32, %div3A : i32
    %while3A = arith.constant 0 : i32
    %while3A_33 = arith.constant 0 : i32
    %while3A_34 = arith.subi %select_n3A, %while3A_33 : i32
    %while3A_35 = arith.addi %while3A_33, %while3A_34 : i32
    %while3A_36 = arith.constant 1 : i32
    %while3A_37 = arith.divsi %while3A_34, %while3A_36 : i32
    %while3A_38 = arith.muli %while3A_37, %while3A_36 : i32
    %while3A_39 = arith.addi %while3A_33, %while3A_38 : i32
    %while3A_40 = arith.constant 1 : i32
    scf.for %while3A_60 = %while3A_33 to %while3A_39 step %while3A_40  : i32 {
      %mul3A_61 = arith.constant 32 : i32
      %mul3A_62 = arith.muli %while3A_60, %mul3A_61 : i32
      %add3A_63 = arith.addi %add3A, %mul3A_62 : i32
      %mul3A_64 = arith.constant 80 : i32
      %mul3A_65 = arith.muli %add3A_63, %mul3A_64 : i32
      %dma_start3A_66 = arith.constant 0 : i32
      %dma_start3A_67 = tpu.memref_slice %arg2[%mul3A_65, %dma_start3A_66] : memref<20480x128xf32, #tpu.memory_space<hbm>> -> memref<80x128xf32, #tpu.memory_space<hbm>>
      %dma_start3A_68 = arith.constant 0 : i32
      %dma_start3A_69 = tpu.memref_slice %arg2[%mul3A_65, %dma_start3A_68] : memref<20480x128xf32, #tpu.memory_space<hbm>> -> memref<80x128xf32, #tpu.memory_space<hbm>>
      tpu.enqueue_dma source(%dma_start3A_69 : memref<80x128xf32, #tpu.memory_space<hbm>>) target(%arg10 : memref<80x128xf32, #tpu.memory_space<vmem>>) target_semaphore(%arg16 : memref<!tpu.dma_semaphore, #tpu.memory_space<semaphore_mem>>)
      %add3A_70 = arith.constant 10240 : i32
      %add3A_71 = arith.addi %add3A_70, %mul3A_65 : i32
      %dma_start3A_72 = arith.constant 0 : i32
      %dma_start3A_73 = tpu.memref_slice %arg2[%add3A_71, %dma_start3A_72] : memref<20480x128xf32, #tpu.memory_space<hbm>> -> memref<80x128xf32, #tpu.memory_space<hbm>>
      %dma_start3A_74 = arith.constant 0 : i32
      %dma_start3A_75 = tpu.memref_slice %arg2[%add3A_71, %dma_start3A_74] : memref<20480x128xf32, #tpu.memory_space<hbm>> -> memref<80x128xf32, #tpu.memory_space<hbm>>
      tpu.enqueue_dma source(%dma_start3A_75 : memref<80x128xf32, #tpu.memory_space<hbm>>) target(%arg11 : memref<80x128xf32, #tpu.memory_space<vmem>>) target_semaphore(%arg17 : memref<!tpu.dma_semaphore, #tpu.memory_space<semaphore_mem>>)
      %dma_wait3A_76 = arith.constant 0 : i32
      %dma_wait3A_77 = tpu.memref_slice %arg2[%mul3A_65, %dma_wait3A_76] : memref<20480x128xf32, #tpu.memory_space<hbm>> -> memref<80x128xf32, #tpu.memory_space<hbm>>
      %dma_wait3A_78 = arith.constant 0 : i32
      %dma_wait3A_79 = tpu.memref_slice %arg2[%mul3A_65, %dma_wait3A_78] : memref<20480x128xf32, #tpu.memory_space<hbm>> -> memref<80x128xf32, #tpu.memory_space<hbm>>
      tpu.wait_dma2 semaphore(%arg16 : memref<!tpu.dma_semaphore, #tpu.memory_space<semaphore_mem>>) src(%dma_wait3A_79 : memref<80x128xf32, #tpu.memory_space<hbm>>) dst(%arg10 : memref<80x128xf32, #tpu.memory_space<vmem>>)
      %dma_wait3A_80 = arith.constant 0 : i32
      %dma_wait3A_81 = tpu.memref_slice %arg2[%add3A_71, %dma_wait3A_80] : memref<20480x128xf32, #tpu.memory_space<hbm>> -> memref<80x128xf32, #tpu.memory_space<hbm>>
      %dma_wait3A_82 = arith.constant 0 : i32
      %dma_wait3A_83 = tpu.memref_slice %arg2[%add3A_71, %dma_wait3A_82] : memref<20480x128xf32, #tpu.memory_space<hbm>> -> memref<80x128xf32, #tpu.memory_space<hbm>>
      tpu.wait_dma2 semaphore(%arg17 : memref<!tpu.dma_semaphore, #tpu.memory_space<semaphore_mem>>) src(%dma_wait3A_83 : memref<80x128xf32, #tpu.memory_space<hbm>>) dst(%arg11 : memref<80x128xf32, #tpu.memory_space<vmem>>)
      %scan3A_84 = arith.constant 0 : i32
      %scan3A_85 = arith.constant 0 : i32
      %scan3A_86 = arith.constant 5 : i32
      %scan3A_87 = arith.addi %scan3A_85, %scan3A_86 : i32
      %scan3A_88 = arith.constant 1 : i32
      scf.for %scan3A_90 = %scan3A_85 to %scan3A_87 step %scan3A_88  : i32 {
        %mul3A_91 = arith.constant 16 : i32
        %mul3A_92 = arith.muli %scan3A_90, %mul3A_91 : i32
        %add3A_93 = arith.addi %mul3A_65, %mul3A_92 : i32
        %get3A_94 = arith.index_cast %add3A_93 : i32 to index
        %get3A_95 = tpu.vector_load %arg9[%get3A_94] {strides = array<i32>} : memref<10240xf32, #tpu.memory_space<vmem>>, vector<16xf32>,
        %gt3A = arith.constant 0.000000e+00 : f32
        %gt3A_96 = vector.broadcast %gt3A : f32 to vector<16xf32>
        %gt3A_97 = arith.cmpf ogt, %get3A_95, %gt3A_96 : vector<16xf32>
        %div3A_98 = arith.constant 1.000000e+00 : f32
        %div3A_99 = vector.broadcast %div3A_98 : f32 to vector<16xf32>
        %div3A_100 = arith.divf %div3A_99, %get3A_95 : vector<16xf32>
        %jit3A_101 = arith.constant 0.000000e+00 : f32
        %broadcast_in_dim3A = vector.broadcast %jit3A_101 : f32 to vector<16xf32>
        %select_n3A_102 = arith.select %gt3A_97, %div3A_100, %broadcast_in_dim3A : vector<16xi1>, vector<16xf32>
        %scan3A_103 = arith.constant 0 : i32
        %scan3A_104 = arith.constant 0 : i32
        %scan3A_105 = arith.constant 16 : i32
        %scan3A_106 = arith.addi %scan3A_104, %scan3A_105 : i32
        %scan3A_107 = arith.constant 4 : i32
        scf.for %scan3A_109 = %scan3A_104 to %scan3A_106 step %scan3A_107  : i32 {
          %mul3A_110 = arith.constant 16 : i32
          %mul3A_111 = arith.muli %scan3A_90, %mul3A_110 : i32
          %add3A_112 = arith.addi %mul3A_111, %scan3A_109 : i32
          %eq3A = vector.broadcast %scan3A_109 : i32 to vector<16xi32>
          %eq3A_113 = arith.cmpi eq, %iota3A, %eq3A : vector<16xi32>
          %jit3A_114 = arith.constant 0.000000e+00 : f32
          %broadcast_in_dim3A_115 = vector.broadcast %jit3A_114 : f32 to vector<16xf32>
          %select_n3A_116 = arith.select %eq3A_113, %select_n3A_102, %broadcast_in_dim3A_115 : vector<16xi1>, vector<16xf32>
          %reduce_sum3A = arith.constant true
          %reduce_sum3A_117 = vector.broadcast %reduce_sum3A : i1 to vector<16xi1>
          %reduce_sum3A_118 = tpu.scan <sum>, %select_n3A_116 masked %reduce_sum3A_117 : vector<16xf32>, vector<16xi1> -> vector<16xf32>
          %reduce_sum3A_119 = vector.extract %reduce_sum3A_118[15] : f32 from vector<16xf32>
          %get3A_120 = arith.index_cast %add3A_112 : i32 to index
          %get3A_121 = arith.constant 0 : index
          %get3A_122 = tpu.vector_load %arg10[%get3A_120, %get3A_121] {strides = array<i32>} : memref<80x128xf32, #tpu.memory_space<vmem>>, vector<16xf32>,
          %get3A_123 = arith.index_cast %add3A_112 : i32 to index
          %get3A_124 = arith.constant 0 : index
          %get3A_125 = tpu.vector_load %arg11[%get3A_123, %get3A_124] {strides = array<i32>} : memref<80x128xf32, #tpu.memory_space<vmem>>, vector<16xf32>,
          %add3A_126 = arith.addf %get3A_122, %get3A_125 : vector<16xf32>
          %mul3A_127 = vector.broadcast %reduce_sum3A_119 : f32 to vector<16xf32>
          %mul3A_128 = arith.mulf %add3A_126, %mul3A_127 : vector<16xf32>
          %swap3A_129 = arith.index_cast %add3A_112 : i32 to index
          %swap3A_130 = arith.constant 0 : index
          %swap3A_131 = tpu.vector_load %arg12[%swap3A_129, %swap3A_130] {strides = array<i32>} : memref<80x128xf32, #tpu.memory_space<vmem>>, vector<16xf32>,
          tpu.vector_store %arg12[%swap3A_129, %swap3A_130], %mul3A_128 {strides = array<i32>} : memref<80x128xf32, #tpu.memory_space<vmem>>, vector<16xf32>,
          %get3A_132 = arith.index_cast %add3A_112 : i32 to index
          %get3A_133 = arith.constant 16 : index
          %get3A_134 = tpu.vector_load %arg10[%get3A_132, %get3A_133] {strides = array<i32>} : memref<80x128xf32, #tpu.memory_space<vmem>>, vector<16xf32>,
          %get3A_135 = arith.index_cast %add3A_112 : i32 to index
          %get3A_136 = arith.constant 16 : index
          %get3A_137 = tpu.vector_load %arg11[%get3A_135, %get3A_136] {strides = array<i32>} : memref<80x128xf32, #tpu.memory_space<vmem>>, vector<16xf32>,
          %add3A_138 = arith.addf %get3A_134, %get3A_137 : vector<16xf32>
          %mul3A_139 = vector.broadcast %reduce_sum3A_119 : f32 to vector<16xf32>
          %mul3A_140 = arith.mulf %add3A_138, %mul3A_139 : vector<16xf32>
          %swap3A_141 = arith.index_cast %add3A_112 : i32 to index
          %swap3A_142 = arith.constant 16 : index
          %swap3A_143 = tpu.vector_load %arg12[%swap3A_141, %swap3A_142] {strides = array<i32>} : memref<80x128xf32, #tpu.memory_space<vmem>>, vector<16xf32>,
          tpu.vector_store %arg12[%swap3A_141, %swap3A_142], %mul3A_140 {strides = array<i32>} : memref<80x128xf32, #tpu.memory_space<vmem>>, vector<16xf32>,
          %get3A_144 = arith.index_cast %add3A_112 : i32 to index
          %get3A_145 = arith.constant 32 : index
          %get3A_146 = tpu.vector_load %arg10[%get3A_144, %get3A_145] {strides = array<i32>} : memref<80x128xf32, #tpu.memory_space<vmem>>, vector<16xf32>,
          %get3A_147 = arith.index_cast %add3A_112 : i32 to index
          %get3A_148 = arith.constant 32 : index
          %get3A_149 = tpu.vector_load %arg11[%get3A_147, %get3A_148] {strides = array<i32>} : memref<80x128xf32, #tpu.memory_space<vmem>>, vector<16xf32>,
          %add3A_150 = arith.addf %get3A_146, %get3A_149 : vector<16xf32>
          %mul3A_151 = vector.broadcast %reduce_sum3A_119 : f32 to vector<16xf32>
          %mul3A_152 = arith.mulf %add3A_150, %mul3A_151 : vector<16xf32>
          %swap3A_153 = arith.index_cast %add3A_112 : i32 to index
          %swap3A_154 = arith.constant 32 : index
          %swap3A_155 = tpu.vector_load %arg12[%swap3A_153, %swap3A_154] {strides = array<i32>} : memref<80x128xf32, #tpu.memory_space<vmem>>, vector<16xf32>,
          tpu.vector_store %arg12[%swap3A_153, %swap3A_154], %mul3A_152 {strides = array<i32>} : memref<80x128xf32, #tpu.memory_space<vmem>>, vector<16xf32>,
          %get3A_156 = arith.index_cast %add3A_112 : i32 to index
          %get3A_157 = arith.constant 48 : index
          %get3A_158 = tpu.vector_load %arg10[%get3A_156, %get3A_157] {strides = array<i32>} : memref<80x128xf32, #tpu.memory_space<vmem>>, vector<16xf32>,
          %get3A_159 = arith.index_cast %add3A_112 : i32 to index
          %get3A_160 = arith.constant 48 : index
          %get3A_161 = tpu.vector_load %arg11[%get3A_159, %get3A_160] {strides = array<i32>} : memref<80x128xf32, #tpu.memory_space<vmem>>, vector<16xf32>,
          %add3A_162 = arith.addf %get3A_158, %get3A_161 : vector<16xf32>
          %mul3A_163 = vector.broadcast %reduce_sum3A_119 : f32 to vector<16xf32>
          %mul3A_164 = arith.mulf %add3A_162, %mul3A_163 : vector<16xf32>
          %swap3A_165 = arith.index_cast %add3A_112 : i32 to index
          %swap3A_166 = arith.constant 48 : index
          %swap3A_167 = tpu.vector_load %arg12[%swap3A_165, %swap3A_166] {strides = array<i32>} : memref<80x128xf32, #tpu.memory_space<vmem>>, vector<16xf32>,
          tpu.vector_store %arg12[%swap3A_165, %swap3A_166], %mul3A_164 {strides = array<i32>} : memref<80x128xf32, #tpu.memory_space<vmem>>, vector<16xf32>,
          %get3A_168 = arith.index_cast %add3A_112 : i32 to index
          %get3A_169 = arith.constant 64 : index
          %get3A_170 = tpu.vector_load %arg10[%get3A_168, %get3A_169] {strides = array<i32>} : memref<80x128xf32, #tpu.memory_space<vmem>>, vector<16xf32>,
          %get3A_171 = arith.index_cast %add3A_112 : i32 to index
          %get3A_172 = arith.constant 64 : index
          %get3A_173 = tpu.vector_load %arg11[%get3A_171, %get3A_172] {strides = array<i32>} : memref<80x128xf32, #tpu.memory_space<vmem>>, vector<16xf32>,
          %add3A_174 = arith.addf %get3A_170, %get3A_173 : vector<16xf32>
          %mul3A_175 = vector.broadcast %reduce_sum3A_119 : f32 to vector<16xf32>
          %mul3A_176 = arith.mulf %add3A_174, %mul3A_175 : vector<16xf32>
          %swap3A_177 = arith.index_cast %add3A_112 : i32 to index
          %swap3A_178 = arith.constant 64 : index
          %swap3A_179 = tpu.vector_load %arg12[%swap3A_177, %swap3A_178] {strides = array<i32>} : memref<80x128xf32, #tpu.memory_space<vmem>>, vector<16xf32>,
          tpu.vector_store %arg12[%swap3A_177, %swap3A_178], %mul3A_176 {strides = array<i32>} : memref<80x128xf32, #tpu.memory_space<vmem>>, vector<16xf32>,
          %get3A_180 = arith.index_cast %add3A_112 : i32 to index
          %get3A_181 = arith.constant 80 : index
          %get3A_182 = tpu.vector_load %arg10[%get3A_180, %get3A_181] {strides = array<i32>} : memref<80x128xf32, #tpu.memory_space<vmem>>, vector<16xf32>,
          %get3A_183 = arith.index_cast %add3A_112 : i32 to index
          %get3A_184 = arith.constant 80 : index
          %get3A_185 = tpu.vector_load %arg11[%get3A_183, %get3A_184] {strides = array<i32>} : memref<80x128xf32, #tpu.memory_space<vmem>>, vector<16xf32>,
          %add3A_186 = arith.addf %get3A_182, %get3A_185 : vector<16xf32>
          %mul3A_187 = vector.broadcast %reduce_sum3A_119 : f32 to vector<16xf32>
          %mul3A_188 = arith.mulf %add3A_186, %mul3A_187 : vector<16xf32>
          %swap3A_189 = arith.index_cast %add3A_112 : i32 to index
          %swap3A_190 = arith.constant 80 : index
          %swap3A_191 = tpu.vector_load %arg12[%swap3A_189, %swap3A_190] {strides = array<i32>} : memref<80x128xf32, #tpu.memory_space<vmem>>, vector<16xf32>,
          tpu.vector_store %arg12[%swap3A_189, %swap3A_190], %mul3A_188 {strides = array<i32>} : memref<80x128xf32, #tpu.memory_space<vmem>>, vector<16xf32>,
          %get3A_192 = arith.index_cast %add3A_112 : i32 to index
          %get3A_193 = arith.constant 96 : index
          %get3A_194 = tpu.vector_load %arg10[%get3A_192, %get3A_193] {strides = array<i32>} : memref<80x128xf32, #tpu.memory_space<vmem>>, vector<16xf32>,
          %get3A_195 = arith.index_cast %add3A_112 : i32 to index
          %get3A_196 = arith.constant 96 : index
          %get3A_197 = tpu.vector_load %arg11[%get3A_195, %get3A_196] {strides = array<i32>} : memref<80x128xf32, #tpu.memory_space<vmem>>, vector<16xf32>,
          %add3A_198 = arith.addf %get3A_194, %get3A_197 : vector<16xf32>
          %mul3A_199 = vector.broadcast %reduce_sum3A_119 : f32 to vector<16xf32>
          %mul3A_200 = arith.mulf %add3A_198, %mul3A_199 : vector<16xf32>
          %swap3A_201 = arith.index_cast %add3A_112 : i32 to index
          %swap3A_202 = arith.constant 96 : index
          %swap3A_203 = tpu.vector_load %arg12[%swap3A_201, %swap3A_202] {strides = array<i32>} : memref<80x128xf32, #tpu.memory_space<vmem>>, vector<16xf32>,
          tpu.vector_store %arg12[%swap3A_201, %swap3A_202], %mul3A_200 {strides = array<i32>} : memref<80x128xf32, #tpu.memory_space<vmem>>, vector<16xf32>,
          %get3A_204 = arith.index_cast %add3A_112 : i32 to index
          %get3A_205 = arith.constant 112 : index
          %get3A_206 = tpu.vector_load %arg10[%get3A_204, %get3A_205] {strides = array<i32>} : memref<80x128xf32, #tpu.memory_space<vmem>>, vector<16xf32>,
          %get3A_207 = arith.index_cast %add3A_112 : i32 to index
          %get3A_208 = arith.constant 112 : index
          %get3A_209 = tpu.vector_load %arg11[%get3A_207, %get3A_208] {strides = array<i32>} : memref<80x128xf32, #tpu.memory_space<vmem>>, vector<16xf32>,
          %add3A_210 = arith.addf %get3A_206, %get3A_209 : vector<16xf32>
          %mul3A_211 = vector.broadcast %reduce_sum3A_119 : f32 to vector<16xf32>
          %mul3A_212 = arith.mulf %add3A_210, %mul3A_211 : vector<16xf32>
          %swap3A_213 = arith.index_cast %add3A_112 : i32 to index
          %swap3A_214 = arith.constant 112 : index
          %swap3A_215 = tpu.vector_load %arg12[%swap3A_213, %swap3A_214] {strides = array<i32>} : memref<80x128xf32, #tpu.memory_space<vmem>>, vector<16xf32>,
          tpu.vector_store %arg12[%swap3A_213, %swap3A_214], %mul3A_212 {strides = array<i32>} : memref<80x128xf32, #tpu.memory_space<vmem>>, vector<16xf32>,
          %scan3A_216 = arith.constant 1 : i32
          %scan3A_217 = arith.addi %scan3A_109, %scan3A_216 : i32
          %mul3A_218 = arith.constant 16 : i32
          %mul3A_219 = arith.muli %scan3A_90, %mul3A_218 : i32
          %add3A_220 = arith.addi %mul3A_219, %scan3A_217 : i32
          %eq3A_221 = vector.broadcast %scan3A_217 : i32 to vector<16xi32>
          %eq3A_222 = arith.cmpi eq, %iota3A, %eq3A_221 : vector<16xi32>
          %jit3A_223 = arith.constant 0.000000e+00 : f32
          %broadcast_in_dim3A_224 = vector.broadcast %jit3A_223 : f32 to vector<16xf32>
          %select_n3A_225 = arith.select %eq3A_222, %select_n3A_102, %broadcast_in_dim3A_224 : vector<16xi1>, vector<16xf32>
          %reduce_sum3A_226 = arith.constant true
          %reduce_sum3A_227 = vector.broadcast %reduce_sum3A_226 : i1 to vector<16xi1>
          %reduce_sum3A_228 = tpu.scan <sum>, %select_n3A_225 masked %reduce_sum3A_227 : vector<16xf32>, vector<16xi1> -> vector<16xf32>
          %reduce_sum3A_229 = vector.extract %reduce_sum3A_228[15] : f32 from vector<16xf32>
          %get3A_230 = arith.index_cast %add3A_220 : i32 to index
          %get3A_231 = arith.constant 0 : index
          %get3A_232 = tpu.vector_load %arg10[%get3A_230, %get3A_231] {strides = array<i32>} : memref<80x128xf32, #tpu.memory_space<vmem>>, vector<16xf32>,
          %get3A_233 = arith.index_cast %add3A_220 : i32 to index
          %get3A_234 = arith.constant 0 : index
          %get3A_235 = tpu.vector_load %arg11[%get3A_233, %get3A_234] {strides = array<i32>} : memref<80x128xf32, #tpu.memory_space<vmem>>, vector<16xf32>,
          %add3A_236 = arith.addf %get3A_232, %get3A_235 : vector<16xf32>
          %mul3A_237 = vector.broadcast %reduce_sum3A_229 : f32 to vector<16xf32>
          %mul3A_238 = arith.mulf %add3A_236, %mul3A_237 : vector<16xf32>
          %swap3A_239 = arith.index_cast %add3A_220 : i32 to index
          %swap3A_240 = arith.constant 0 : index
          %swap3A_241 = tpu.vector_load %arg12[%swap3A_239, %swap3A_240] {strides = array<i32>} : memref<80x128xf32, #tpu.memory_space<vmem>>, vector<16xf32>,
          tpu.vector_store %arg12[%swap3A_239, %swap3A_240], %mul3A_238 {strides = array<i32>} : memref<80x128xf32, #tpu.memory_space<vmem>>, vector<16xf32>,
          %get3A_242 = arith.index_cast %add3A_220 : i32 to index
          %get3A_243 = arith.constant 16 : index
          %get3A_244 = tpu.vector_load %arg10[%get3A_242, %get3A_243] {strides = array<i32>} : memref<80x128xf32, #tpu.memory_space<vmem>>, vector<16xf32>,
          %get3A_245 = arith.index_cast %add3A_220 : i32 to index
          %get3A_246 = arith.constant 16 : index
          %get3A_247 = tpu.vector_load %arg11[%get3A_245, %get3A_246] {strides = array<i32>} : memref<80x128xf32, #tpu.memory_space<vmem>>, vector<16xf32>,
          %add3A_248 = arith.addf %get3A_244, %get3A_247 : vector<16xf32>
          %mul3A_249 = vector.broadcast %reduce_sum3A_229 : f32 to vector<16xf32>
          %mul3A_250 = arith.mulf %add3A_248, %mul3A_249 : vector<16xf32>
          %swap3A_251 = arith.index_cast %add3A_220 : i32 to index
          %swap3A_252 = arith.constant 16 : index
          %swap3A_253 = tpu.vector_load %arg12[%swap3A_251, %swap3A_252] {strides = array<i32>} : memref<80x128xf32, #tpu.memory_space<vmem>>, vector<16xf32>,
          tpu.vector_store %arg12[%swap3A_251, %swap3A_252], %mul3A_250 {strides = array<i32>} : memref<80x128xf32, #tpu.memory_space<vmem>>, vector<16xf32>,
          %get3A_254 = arith.index_cast %add3A_220 : i32 to index
          %get3A_255 = arith.constant 32 : index
          %get3A_256 = tpu.vector_load %arg10[%get3A_254, %get3A_255] {strides = array<i32>} : memref<80x128xf32, #tpu.memory_space<vmem>>, vector<16xf32>,
          %get3A_257 = arith.index_cast %add3A_220 : i32 to index
          %get3A_258 = arith.constant 32 : index
          %get3A_259 = tpu.vector_load %arg11[%get3A_257, %get3A_258] {strides = array<i32>} : memref<80x128xf32, #tpu.memory_space<vmem>>, vector<16xf32>,
          %add3A_260 = arith.addf %get3A_256, %get3A_259 : vector<16xf32>
          %mul3A_261 = vector.broadcast %reduce_sum3A_229 : f32 to vector<16xf32>
          %mul3A_262 = arith.mulf %add3A_260, %mul3A_261 : vector<16xf32>
          %swap3A_263 = arith.index_cast %add3A_220 : i32 to index
          %swap3A_264 = arith.constant 32 : index
          %swap3A_265 = tpu.vector_load %arg12[%swap3A_263, %swap3A_264] {strides = array<i32>} : memref<80x128xf32, #tpu.memory_space<vmem>>, vector<16xf32>,
          tpu.vector_store %arg12[%swap3A_263, %swap3A_264], %mul3A_262 {strides = array<i32>} : memref<80x128xf32, #tpu.memory_space<vmem>>, vector<16xf32>,
          %get3A_266 = arith.index_cast %add3A_220 : i32 to index
          %get3A_267 = arith.constant 48 : index
          %get3A_268 = tpu.vector_load %arg10[%get3A_266, %get3A_267] {strides = array<i32>} : memref<80x128xf32, #tpu.memory_space<vmem>>, vector<16xf32>,
          %get3A_269 = arith.index_cast %add3A_220 : i32 to index
          %get3A_270 = arith.constant 48 : index
          %get3A_271 = tpu.vector_load %arg11[%get3A_269, %get3A_270] {strides = array<i32>} : memref<80x128xf32, #tpu.memory_space<vmem>>, vector<16xf32>,
          %add3A_272 = arith.addf %get3A_268, %get3A_271 : vector<16xf32>
          %mul3A_273 = vector.broadcast %reduce_sum3A_229 : f32 to vector<16xf32>
          %mul3A_274 = arith.mulf %add3A_272, %mul3A_273 : vector<16xf32>
          %swap3A_275 = arith.index_cast %add3A_220 : i32 to index
          %swap3A_276 = arith.constant 48 : index
          %swap3A_277 = tpu.vector_load %arg12[%swap3A_275, %swap3A_276] {strides = array<i32>} : memref<80x128xf32, #tpu.memory_space<vmem>>, vector<16xf32>,
          tpu.vector_store %arg12[%swap3A_275, %swap3A_276], %mul3A_274 {strides = array<i32>} : memref<80x128xf32, #tpu.memory_space<vmem>>, vector<16xf32>,
          %get3A_278 = arith.index_cast %add3A_220 : i32 to index
          %get3A_279 = arith.constant 64 : index
          %get3A_280 = tpu.vector_load %arg10[%get3A_278, %get3A_279] {strides = array<i32>} : memref<80x128xf32, #tpu.memory_space<vmem>>, vector<16xf32>,
          %get3A_281 = arith.index_cast %add3A_220 : i32 to index
          %get3A_282 = arith.constant 64 : index
          %get3A_283 = tpu.vector_load %arg11[%get3A_281, %get3A_282] {strides = array<i32>} : memref<80x128xf32, #tpu.memory_space<vmem>>, vector<16xf32>,
          %add3A_284 = arith.addf %get3A_280, %get3A_283 : vector<16xf32>
          %mul3A_285 = vector.broadcast %reduce_sum3A_229 : f32 to vector<16xf32>
          %mul3A_286 = arith.mulf %add3A_284, %mul3A_285 : vector<16xf32>
          %swap3A_287 = arith.index_cast %add3A_220 : i32 to index
          %swap3A_288 = arith.constant 64 : index
          %swap3A_289 = tpu.vector_load %arg12[%swap3A_287, %swap3A_288] {strides = array<i32>} : memref<80x128xf32, #tpu.memory_space<vmem>>, vector<16xf32>,
          tpu.vector_store %arg12[%swap3A_287, %swap3A_288], %mul3A_286 {strides = array<i32>} : memref<80x128xf32, #tpu.memory_space<vmem>>, vector<16xf32>,
          %get3A_290 = arith.index_cast %add3A_220 : i32 to index
          %get3A_291 = arith.constant 80 : index
          %get3A_292 = tpu.vector_load %arg10[%get3A_290, %get3A_291] {strides = array<i32>} : memref<80x128xf32, #tpu.memory_space<vmem>>, vector<16xf32>,
          %get3A_293 = arith.index_cast %add3A_220 : i32 to index
          %get3A_294 = arith.constant 80 : index
          %get3A_295 = tpu.vector_load %arg11[%get3A_293, %get3A_294] {strides = array<i32>} : memref<80x128xf32, #tpu.memory_space<vmem>>, vector<16xf32>,
          %add3A_296 = arith.addf %get3A_292, %get3A_295 : vector<16xf32>
          %mul3A_297 = vector.broadcast %reduce_sum3A_229 : f32 to vector<16xf32>
          %mul3A_298 = arith.mulf %add3A_296, %mul3A_297 : vector<16xf32>
          %swap3A_299 = arith.index_cast %add3A_220 : i32 to index
          %swap3A_300 = arith.constant 80 : index
          %swap3A_301 = tpu.vector_load %arg12[%swap3A_299, %swap3A_300] {strides = array<i32>} : memref<80x128xf32, #tpu.memory_space<vmem>>, vector<16xf32>,
          tpu.vector_store %arg12[%swap3A_299, %swap3A_300], %mul3A_298 {strides = array<i32>} : memref<80x128xf32, #tpu.memory_space<vmem>>, vector<16xf32>,
          %get3A_302 = arith.index_cast %add3A_220 : i32 to index
          %get3A_303 = arith.constant 96 : index
          %get3A_304 = tpu.vector_load %arg10[%get3A_302, %get3A_303] {strides = array<i32>} : memref<80x128xf32, #tpu.memory_space<vmem>>, vector<16xf32>,
          %get3A_305 = arith.index_cast %add3A_220 : i32 to index
          %get3A_306 = arith.constant 96 : index
          %get3A_307 = tpu.vector_load %arg11[%get3A_305, %get3A_306] {strides = array<i32>} : memref<80x128xf32, #tpu.memory_space<vmem>>, vector<16xf32>,
          %add3A_308 = arith.addf %get3A_304, %get3A_307 : vector<16xf32>
          %mul3A_309 = vector.broadcast %reduce_sum3A_229 : f32 to vector<16xf32>
          %mul3A_310 = arith.mulf %add3A_308, %mul3A_309 : vector<16xf32>
          %swap3A_311 = arith.index_cast %add3A_220 : i32 to index
          %swap3A_312 = arith.constant 96 : index
          %swap3A_313 = tpu.vector_load %arg12[%swap3A_311, %swap3A_312] {strides = array<i32>} : memref<80x128xf32, #tpu.memory_space<vmem>>, vector<16xf32>,
          tpu.vector_store %arg12[%swap3A_311, %swap3A_312], %mul3A_310 {strides = array<i32>} : memref<80x128xf32, #tpu.memory_space<vmem>>, vector<16xf32>,
          %get3A_314 = arith.index_cast %add3A_220 : i32 to index
          %get3A_315 = arith.constant 112 : index
          %get3A_316 = tpu.vector_load %arg10[%get3A_314, %get3A_315] {strides = array<i32>} : memref<80x128xf32, #tpu.memory_space<vmem>>, vector<16xf32>,
          %get3A_317 = arith.index_cast %add3A_220 : i32 to index
          %get3A_318 = arith.constant 112 : index
          %get3A_319 = tpu.vector_load %arg11[%get3A_317, %get3A_318] {strides = array<i32>} : memref<80x128xf32, #tpu.memory_space<vmem>>, vector<16xf32>,
          %add3A_320 = arith.addf %get3A_316, %get3A_319 : vector<16xf32>
          %mul3A_321 = vector.broadcast %reduce_sum3A_229 : f32 to vector<16xf32>
          %mul3A_322 = arith.mulf %add3A_320, %mul3A_321 : vector<16xf32>
          %swap3A_323 = arith.index_cast %add3A_220 : i32 to index
          %swap3A_324 = arith.constant 112 : index
          %swap3A_325 = tpu.vector_load %arg12[%swap3A_323, %swap3A_324] {strides = array<i32>} : memref<80x128xf32, #tpu.memory_space<vmem>>, vector<16xf32>,
          tpu.vector_store %arg12[%swap3A_323, %swap3A_324], %mul3A_322 {strides = array<i32>} : memref<80x128xf32, #tpu.memory_space<vmem>>, vector<16xf32>,
          %scan3A_326 = arith.constant 2 : i32
          %scan3A_327 = arith.addi %scan3A_109, %scan3A_326 : i32
          %mul3A_328 = arith.constant 16 : i32
          %mul3A_329 = arith.muli %scan3A_90, %mul3A_328 : i32
          %add3A_330 = arith.addi %mul3A_329, %scan3A_327 : i32
          %eq3A_331 = vector.broadcast %scan3A_327 : i32 to vector<16xi32>
          %eq3A_332 = arith.cmpi eq, %iota3A, %eq3A_331 : vector<16xi32>
          %jit3A_333 = arith.constant 0.000000e+00 : f32
          %broadcast_in_dim3A_334 = vector.broadcast %jit3A_333 : f32 to vector<16xf32>
          %select_n3A_335 = arith.select %eq3A_332, %select_n3A_102, %broadcast_in_dim3A_334 : vector<16xi1>, vector<16xf32>
          %reduce_sum3A_336 = arith.constant true
          %reduce_sum3A_337 = vector.broadcast %reduce_sum3A_336 : i1 to vector<16xi1>
          %reduce_sum3A_338 = tpu.scan <sum>, %select_n3A_335 masked %reduce_sum3A_337 : vector<16xf32>, vector<16xi1> -> vector<16xf32>
          %reduce_sum3A_339 = vector.extract %reduce_sum3A_338[15] : f32 from vector<16xf32>
          %get3A_340 = arith.index_cast %add3A_330 : i32 to index
          %get3A_341 = arith.constant 0 : index
          %get3A_342 = tpu.vector_load %arg10[%get3A_340, %get3A_341] {strides = array<i32>} : memref<80x128xf32, #tpu.memory_space<vmem>>, vector<16xf32>,
          %get3A_343 = arith.index_cast %add3A_330 : i32 to index
          %get3A_344 = arith.constant 0 : index
          %get3A_345 = tpu.vector_load %arg11[%get3A_343, %get3A_344] {strides = array<i32>} : memref<80x128xf32, #tpu.memory_space<vmem>>, vector<16xf32>,
          %add3A_346 = arith.addf %get3A_342, %get3A_345 : vector<16xf32>
          %mul3A_347 = vector.broadcast %reduce_sum3A_339 : f32 to vector<16xf32>
          %mul3A_348 = arith.mulf %add3A_346, %mul3A_347 : vector<16xf32>
          %swap3A_349 = arith.index_cast %add3A_330 : i32 to index
          %swap3A_350 = arith.constant 0 : index
          %swap3A_351 = tpu.vector_load %arg12[%swap3A_349, %swap3A_350] {strides = array<i32>} : memref<80x128xf32, #tpu.memory_space<vmem>>, vector<16xf32>,
          tpu.vector_store %arg12[%swap3A_349, %swap3A_350], %mul3A_348 {strides = array<i32>} : memref<80x128xf32, #tpu.memory_space<vmem>>, vector<16xf32>,
          %get3A_352 = arith.index_cast %add3A_330 : i32 to index
          %get3A_353 = arith.constant 16 : index
          %get3A_354 = tpu.vector_load %arg10[%get3A_352, %get3A_353] {strides = array<i32>} : memref<80x128xf32, #tpu.memory_space<vmem>>, vector<16xf32>,
          %get3A_355 = arith.index_cast %add3A_330 : i32 to index
          %get3A_356 = arith.constant 16 : index
          %get3A_357 = tpu.vector_load %arg11[%get3A_355, %get3A_356] {strides = array<i32>} : memref<80x128xf32, #tpu.memory_space<vmem>>, vector<16xf32>,
          %add3A_358 = arith.addf %get3A_354, %get3A_357 : vector<16xf32>
          %mul3A_359 = vector.broadcast %reduce_sum3A_339 : f32 to vector<16xf32>
          %mul3A_360 = arith.mulf %add3A_358, %mul3A_359 : vector<16xf32>
          %swap3A_361 = arith.index_cast %add3A_330 : i32 to index
          %swap3A_362 = arith.constant 16 : index
          %swap3A_363 = tpu.vector_load %arg12[%swap3A_361, %swap3A_362] {strides = array<i32>} : memref<80x128xf32, #tpu.memory_space<vmem>>, vector<16xf32>,
          tpu.vector_store %arg12[%swap3A_361, %swap3A_362], %mul3A_360 {strides = array<i32>} : memref<80x128xf32, #tpu.memory_space<vmem>>, vector<16xf32>,
          %get3A_364 = arith.index_cast %add3A_330 : i32 to index
          %get3A_365 = arith.constant 32 : index
          %get3A_366 = tpu.vector_load %arg10[%get3A_364, %get3A_365] {strides = array<i32>} : memref<80x128xf32, #tpu.memory_space<vmem>>, vector<16xf32>,
          %get3A_367 = arith.index_cast %add3A_330 : i32 to index
          %get3A_368 = arith.constant 32 : index
          %get3A_369 = tpu.vector_load %arg11[%get3A_367, %get3A_368] {strides = array<i32>} : memref<80x128xf32, #tpu.memory_space<vmem>>, vector<16xf32>,
          %add3A_370 = arith.addf %get3A_366, %get3A_369 : vector<16xf32>
          %mul3A_371 = vector.broadcast %reduce_sum3A_339 : f32 to vector<16xf32>
          %mul3A_372 = arith.mulf %add3A_370, %mul3A_371 : vector<16xf32>
          %swap3A_373 = arith.index_cast %add3A_330 : i32 to index
          %swap3A_374 = arith.constant 32 : index
          %swap3A_375 = tpu.vector_load %arg12[%swap3A_373, %swap3A_374] {strides = array<i32>} : memref<80x128xf32, #tpu.memory_space<vmem>>, vector<16xf32>,
          tpu.vector_store %arg12[%swap3A_373, %swap3A_374], %mul3A_372 {strides = array<i32>} : memref<80x128xf32, #tpu.memory_space<vmem>>, vector<16xf32>,
          %get3A_376 = arith.index_cast %add3A_330 : i32 to index
          %get3A_377 = arith.constant 48 : index
          %get3A_378 = tpu.vector_load %arg10[%get3A_376, %get3A_377] {strides = array<i32>} : memref<80x128xf32, #tpu.memory_space<vmem>>, vector<16xf32>,
          %get3A_379 = arith.index_cast %add3A_330 : i32 to index
          %get3A_380 = arith.constant 48 : index
          %get3A_381 = tpu.vector_load %arg11[%get3A_379, %get3A_380] {strides = array<i32>} : memref<80x128xf32, #tpu.memory_space<vmem>>, vector<16xf32>,
          %add3A_382 = arith.addf %get3A_378, %get3A_381 : vector<16xf32>
          %mul3A_383 = vector.broadcast %reduce_sum3A_339 : f32 to vector<16xf32>
          %mul3A_384 = arith.mulf %add3A_382, %mul3A_383 : vector<16xf32>
          %swap3A_385 = arith.index_cast %add3A_330 : i32 to index
          %swap3A_386 = arith.constant 48 : index
          %swap3A_387 = tpu.vector_load %arg12[%swap3A_385, %swap3A_386] {strides = array<i32>} : memref<80x128xf32, #tpu.memory_space<vmem>>, vector<16xf32>,
          tpu.vector_store %arg12[%swap3A_385, %swap3A_386], %mul3A_384 {strides = array<i32>} : memref<80x128xf32, #tpu.memory_space<vmem>>, vector<16xf32>,
          %get3A_388 = arith.index_cast %add3A_330 : i32 to index
          %get3A_389 = arith.constant 64 : index
          %get3A_390 = tpu.vector_load %arg10[%get3A_388, %get3A_389] {strides = array<i32>} : memref<80x128xf32, #tpu.memory_space<vmem>>, vector<16xf32>,
          %get3A_391 = arith.index_cast %add3A_330 : i32 to index
          %get3A_392 = arith.constant 64 : index
          %get3A_393 = tpu.vector_load %arg11[%get3A_391, %get3A_392] {strides = array<i32>} : memref<80x128xf32, #tpu.memory_space<vmem>>, vector<16xf32>,
          %add3A_394 = arith.addf %get3A_390, %get3A_393 : vector<16xf32>
          %mul3A_395 = vector.broadcast %reduce_sum3A_339 : f32 to vector<16xf32>
          %mul3A_396 = arith.mulf %add3A_394, %mul3A_395 : vector<16xf32>
          %swap3A_397 = arith.index_cast %add3A_330 : i32 to index
          %swap3A_398 = arith.constant 64 : index
          %swap3A_399 = tpu.vector_load %arg12[%swap3A_397, %swap3A_398] {strides = array<i32>} : memref<80x128xf32, #tpu.memory_space<vmem>>, vector<16xf32>,
          tpu.vector_store %arg12[%swap3A_397, %swap3A_398], %mul3A_396 {strides = array<i32>} : memref<80x128xf32, #tpu.memory_space<vmem>>, vector<16xf32>,
          %get3A_400 = arith.index_cast %add3A_330 : i32 to index
          %get3A_401 = arith.constant 80 : index
          %get3A_402 = tpu.vector_load %arg10[%get3A_400, %get3A_401] {strides = array<i32>} : memref<80x128xf32, #tpu.memory_space<vmem>>, vector<16xf32>,
          %get3A_403 = arith.index_cast %add3A_330 : i32 to index
          %get3A_404 = arith.constant 80 : index
          %get3A_405 = tpu.vector_load %arg11[%get3A_403, %get3A_404] {strides = array<i32>} : memref<80x128xf32, #tpu.memory_space<vmem>>, vector<16xf32>,
          %add3A_406 = arith.addf %get3A_402, %get3A_405 : vector<16xf32>
          %mul3A_407 = vector.broadcast %reduce_sum3A_339 : f32 to vector<16xf32>
          %mul3A_408 = arith.mulf %add3A_406, %mul3A_407 : vector<16xf32>
          %swap3A_409 = arith.index_cast %add3A_330 : i32 to index
          %swap3A_410 = arith.constant 80 : index
          %swap3A_411 = tpu.vector_load %arg12[%swap3A_409, %swap3A_410] {strides = array<i32>} : memref<80x128xf32, #tpu.memory_space<vmem>>, vector<16xf32>,
          tpu.vector_store %arg12[%swap3A_409, %swap3A_410], %mul3A_408 {strides = array<i32>} : memref<80x128xf32, #tpu.memory_space<vmem>>, vector<16xf32>,
          %get3A_412 = arith.index_cast %add3A_330 : i32 to index
          %get3A_413 = arith.constant 96 : index
          %get3A_414 = tpu.vector_load %arg10[%get3A_412, %get3A_413] {strides = array<i32>} : memref<80x128xf32, #tpu.memory_space<vmem>>, vector<16xf32>,
          %get3A_415 = arith.index_cast %add3A_330 : i32 to index
          %get3A_416 = arith.constant 96 : index
          %get3A_417 = tpu.vector_load %arg11[%get3A_415, %get3A_416] {strides = array<i32>} : memref<80x128xf32, #tpu.memory_space<vmem>>, vector<16xf32>,
          %add3A_418 = arith.addf %get3A_414, %get3A_417 : vector<16xf32>
          %mul3A_419 = vector.broadcast %reduce_sum3A_339 : f32 to vector<16xf32>
          %mul3A_420 = arith.mulf %add3A_418, %mul3A_419 : vector<16xf32>
          %swap3A_421 = arith.index_cast %add3A_330 : i32 to index
          %swap3A_422 = arith.constant 96 : index
          %swap3A_423 = tpu.vector_load %arg12[%swap3A_421, %swap3A_422] {strides = array<i32>} : memref<80x128xf32, #tpu.memory_space<vmem>>, vector<16xf32>,
          tpu.vector_store %arg12[%swap3A_421, %swap3A_422], %mul3A_420 {strides = array<i32>} : memref<80x128xf32, #tpu.memory_space<vmem>>, vector<16xf32>,
          %get3A_424 = arith.index_cast %add3A_330 : i32 to index
          %get3A_425 = arith.constant 112 : index
          %get3A_426 = tpu.vector_load %arg10[%get3A_424, %get3A_425] {strides = array<i32>} : memref<80x128xf32, #tpu.memory_space<vmem>>, vector<16xf32>,
          %get3A_427 = arith.index_cast %add3A_330 : i32 to index
          %get3A_428 = arith.constant 112 : index
          %get3A_429 = tpu.vector_load %arg11[%get3A_427, %get3A_428] {strides = array<i32>} : memref<80x128xf32, #tpu.memory_space<vmem>>, vector<16xf32>,
          %add3A_430 = arith.addf %get3A_426, %get3A_429 : vector<16xf32>
          %mul3A_431 = vector.broadcast %reduce_sum3A_339 : f32 to vector<16xf32>
          %mul3A_432 = arith.mulf %add3A_430, %mul3A_431 : vector<16xf32>
          %swap3A_433 = arith.index_cast %add3A_330 : i32 to index
          %swap3A_434 = arith.constant 112 : index
          %swap3A_435 = tpu.vector_load %arg12[%swap3A_433, %swap3A_434] {strides = array<i32>} : memref<80x128xf32, #tpu.memory_space<vmem>>, vector<16xf32>,
          tpu.vector_store %arg12[%swap3A_433, %swap3A_434], %mul3A_432 {strides = array<i32>} : memref<80x128xf32, #tpu.memory_space<vmem>>, vector<16xf32>,
          %scan3A_436 = arith.constant 3 : i32
          %scan3A_437 = arith.addi %scan3A_109, %scan3A_436 : i32
          %mul3A_438 = arith.constant 16 : i32
          %mul3A_439 = arith.muli %scan3A_90, %mul3A_438 : i32
          %add3A_440 = arith.addi %mul3A_439, %scan3A_437 : i32
          %eq3A_441 = vector.broadcast %scan3A_437 : i32 to vector<16xi32>
          %eq3A_442 = arith.cmpi eq, %iota3A, %eq3A_441 : vector<16xi32>
          %jit3A_443 = arith.constant 0.000000e+00 : f32
          %broadcast_in_dim3A_444 = vector.broadcast %jit3A_443 : f32 to vector<16xf32>
          %select_n3A_445 = arith.select %eq3A_442, %select_n3A_102, %broadcast_in_dim3A_444 : vector<16xi1>, vector<16xf32>
          %reduce_sum3A_446 = arith.constant true
          %reduce_sum3A_447 = vector.broadcast %reduce_sum3A_446 : i1 to vector<16xi1>
          %reduce_sum3A_448 = tpu.scan <sum>, %select_n3A_445 masked %reduce_sum3A_447 : vector<16xf32>, vector<16xi1> -> vector<16xf32>
          %reduce_sum3A_449 = vector.extract %reduce_sum3A_448[15] : f32 from vector<16xf32>
          %get3A_450 = arith.index_cast %add3A_440 : i32 to index
          %get3A_451 = arith.constant 0 : index
          %get3A_452 = tpu.vector_load %arg10[%get3A_450, %get3A_451] {strides = array<i32>} : memref<80x128xf32, #tpu.memory_space<vmem>>, vector<16xf32>,
          %get3A_453 = arith.index_cast %add3A_440 : i32 to index
          %get3A_454 = arith.constant 0 : index
          %get3A_455 = tpu.vector_load %arg11[%get3A_453, %get3A_454] {strides = array<i32>} : memref<80x128xf32, #tpu.memory_space<vmem>>, vector<16xf32>,
          %add3A_456 = arith.addf %get3A_452, %get3A_455 : vector<16xf32>
          %mul3A_457 = vector.broadcast %reduce_sum3A_449 : f32 to vector<16xf32>
          %mul3A_458 = arith.mulf %add3A_456, %mul3A_457 : vector<16xf32>
          %swap3A_459 = arith.index_cast %add3A_440 : i32 to index
          %swap3A_460 = arith.constant 0 : index
          %swap3A_461 = tpu.vector_load %arg12[%swap3A_459, %swap3A_460] {strides = array<i32>} : memref<80x128xf32, #tpu.memory_space<vmem>>, vector<16xf32>,
          tpu.vector_store %arg12[%swap3A_459, %swap3A_460], %mul3A_458 {strides = array<i32>} : memref<80x128xf32, #tpu.memory_space<vmem>>, vector<16xf32>,
          %get3A_462 = arith.index_cast %add3A_440 : i32 to index
          %get3A_463 = arith.constant 16 : index
          %get3A_464 = tpu.vector_load %arg10[%get3A_462, %get3A_463] {strides = array<i32>} : memref<80x128xf32, #tpu.memory_space<vmem>>, vector<16xf32>,
          %get3A_465 = arith.index_cast %add3A_440 : i32 to index
          %get3A_466 = arith.constant 16 : index
          %get3A_467 = tpu.vector_load %arg11[%get3A_465, %get3A_466] {strides = array<i32>} : memref<80x128xf32, #tpu.memory_space<vmem>>, vector<16xf32>,
          %add3A_468 = arith.addf %get3A_464, %get3A_467 : vector<16xf32>
          %mul3A_469 = vector.broadcast %reduce_sum3A_449 : f32 to vector<16xf32>
          %mul3A_470 = arith.mulf %add3A_468, %mul3A_469 : vector<16xf32>
          %swap3A_471 = arith.index_cast %add3A_440 : i32 to index
          %swap3A_472 = arith.constant 16 : index
          %swap3A_473 = tpu.vector_load %arg12[%swap3A_471, %swap3A_472] {strides = array<i32>} : memref<80x128xf32, #tpu.memory_space<vmem>>, vector<16xf32>,
          tpu.vector_store %arg12[%swap3A_471, %swap3A_472], %mul3A_470 {strides = array<i32>} : memref<80x128xf32, #tpu.memory_space<vmem>>, vector<16xf32>,
          %get3A_474 = arith.index_cast %add3A_440 : i32 to index
          %get3A_475 = arith.constant 32 : index
          %get3A_476 = tpu.vector_load %arg10[%get3A_474, %get3A_475] {strides = array<i32>} : memref<80x128xf32, #tpu.memory_space<vmem>>, vector<16xf32>,
          %get3A_477 = arith.index_cast %add3A_440 : i32 to index
          %get3A_478 = arith.constant 32 : index
          %get3A_479 = tpu.vector_load %arg11[%get3A_477, %get3A_478] {strides = array<i32>} : memref<80x128xf32, #tpu.memory_space<vmem>>, vector<16xf32>,
          %add3A_480 = arith.addf %get3A_476, %get3A_479 : vector<16xf32>
          %mul3A_481 = vector.broadcast %reduce_sum3A_449 : f32 to vector<16xf32>
          %mul3A_482 = arith.mulf %add3A_480, %mul3A_481 : vector<16xf32>
          %swap3A_483 = arith.index_cast %add3A_440 : i32 to index
          %swap3A_484 = arith.constant 32 : index
          %swap3A_485 = tpu.vector_load %arg12[%swap3A_483, %swap3A_484] {strides = array<i32>} : memref<80x128xf32, #tpu.memory_space<vmem>>, vector<16xf32>,
          tpu.vector_store %arg12[%swap3A_483, %swap3A_484], %mul3A_482 {strides = array<i32>} : memref<80x128xf32, #tpu.memory_space<vmem>>, vector<16xf32>,
          %get3A_486 = arith.index_cast %add3A_440 : i32 to index
          %get3A_487 = arith.constant 48 : index
          %get3A_488 = tpu.vector_load %arg10[%get3A_486, %get3A_487] {strides = array<i32>} : memref<80x128xf32, #tpu.memory_space<vmem>>, vector<16xf32>,
          %get3A_489 = arith.index_cast %add3A_440 : i32 to index
          %get3A_490 = arith.constant 48 : index
          %get3A_491 = tpu.vector_load %arg11[%get3A_489, %get3A_490] {strides = array<i32>} : memref<80x128xf32, #tpu.memory_space<vmem>>, vector<16xf32>,
          %add3A_492 = arith.addf %get3A_488, %get3A_491 : vector<16xf32>
          %mul3A_493 = vector.broadcast %reduce_sum3A_449 : f32 to vector<16xf32>
          %mul3A_494 = arith.mulf %add3A_492, %mul3A_493 : vector<16xf32>
          %swap3A_495 = arith.index_cast %add3A_440 : i32 to index
          %swap3A_496 = arith.constant 48 : index
          %swap3A_497 = tpu.vector_load %arg12[%swap3A_495, %swap3A_496] {strides = array<i32>} : memref<80x128xf32, #tpu.memory_space<vmem>>, vector<16xf32>,
          tpu.vector_store %arg12[%swap3A_495, %swap3A_496], %mul3A_494 {strides = array<i32>} : memref<80x128xf32, #tpu.memory_space<vmem>>, vector<16xf32>,
          %get3A_498 = arith.index_cast %add3A_440 : i32 to index
          %get3A_499 = arith.constant 64 : index
          %get3A_500 = tpu.vector_load %arg10[%get3A_498, %get3A_499] {strides = array<i32>} : memref<80x128xf32, #tpu.memory_space<vmem>>, vector<16xf32>,
          %get3A_501 = arith.index_cast %add3A_440 : i32 to index
          %get3A_502 = arith.constant 64 : index
          %get3A_503 = tpu.vector_load %arg11[%get3A_501, %get3A_502] {strides = array<i32>} : memref<80x128xf32, #tpu.memory_space<vmem>>, vector<16xf32>,
          %add3A_504 = arith.addf %get3A_500, %get3A_503 : vector<16xf32>
          %mul3A_505 = vector.broadcast %reduce_sum3A_449 : f32 to vector<16xf32>
          %mul3A_506 = arith.mulf %add3A_504, %mul3A_505 : vector<16xf32>
          %swap3A_507 = arith.index_cast %add3A_440 : i32 to index
          %swap3A_508 = arith.constant 64 : index
          %swap3A_509 = tpu.vector_load %arg12[%swap3A_507, %swap3A_508] {strides = array<i32>} : memref<80x128xf32, #tpu.memory_space<vmem>>, vector<16xf32>,
          tpu.vector_store %arg12[%swap3A_507, %swap3A_508], %mul3A_506 {strides = array<i32>} : memref<80x128xf32, #tpu.memory_space<vmem>>, vector<16xf32>,
          %get3A_510 = arith.index_cast %add3A_440 : i32 to index
          %get3A_511 = arith.constant 80 : index
          %get3A_512 = tpu.vector_load %arg10[%get3A_510, %get3A_511] {strides = array<i32>} : memref<80x128xf32, #tpu.memory_space<vmem>>, vector<16xf32>,
          %get3A_513 = arith.index_cast %add3A_440 : i32 to index
          %get3A_514 = arith.constant 80 : index
          %get3A_515 = tpu.vector_load %arg11[%get3A_513, %get3A_514] {strides = array<i32>} : memref<80x128xf32, #tpu.memory_space<vmem>>, vector<16xf32>,
          %add3A_516 = arith.addf %get3A_512, %get3A_515 : vector<16xf32>
          %mul3A_517 = vector.broadcast %reduce_sum3A_449 : f32 to vector<16xf32>
          %mul3A_518 = arith.mulf %add3A_516, %mul3A_517 : vector<16xf32>
          %swap3A_519 = arith.index_cast %add3A_440 : i32 to index
          %swap3A_520 = arith.constant 80 : index
          %swap3A_521 = tpu.vector_load %arg12[%swap3A_519, %swap3A_520] {strides = array<i32>} : memref<80x128xf32, #tpu.memory_space<vmem>>, vector<16xf32>,
          tpu.vector_store %arg12[%swap3A_519, %swap3A_520], %mul3A_518 {strides = array<i32>} : memref<80x128xf32, #tpu.memory_space<vmem>>, vector<16xf32>,
          %get3A_522 = arith.index_cast %add3A_440 : i32 to index
          %get3A_523 = arith.constant 96 : index
          %get3A_524 = tpu.vector_load %arg10[%get3A_522, %get3A_523] {strides = array<i32>} : memref<80x128xf32, #tpu.memory_space<vmem>>, vector<16xf32>,
          %get3A_525 = arith.index_cast %add3A_440 : i32 to index
          %get3A_526 = arith.constant 96 : index
          %get3A_527 = tpu.vector_load %arg11[%get3A_525, %get3A_526] {strides = array<i32>} : memref<80x128xf32, #tpu.memory_space<vmem>>, vector<16xf32>,
          %add3A_528 = arith.addf %get3A_524, %get3A_527 : vector<16xf32>
          %mul3A_529 = vector.broadcast %reduce_sum3A_449 : f32 to vector<16xf32>
          %mul3A_530 = arith.mulf %add3A_528, %mul3A_529 : vector<16xf32>
          %swap3A_531 = arith.index_cast %add3A_440 : i32 to index
          %swap3A_532 = arith.constant 96 : index
          %swap3A_533 = tpu.vector_load %arg12[%swap3A_531, %swap3A_532] {strides = array<i32>} : memref<80x128xf32, #tpu.memory_space<vmem>>, vector<16xf32>,
          tpu.vector_store %arg12[%swap3A_531, %swap3A_532], %mul3A_530 {strides = array<i32>} : memref<80x128xf32, #tpu.memory_space<vmem>>, vector<16xf32>,
          %get3A_534 = arith.index_cast %add3A_440 : i32 to index
          %get3A_535 = arith.constant 112 : index
          %get3A_536 = tpu.vector_load %arg10[%get3A_534, %get3A_535] {strides = array<i32>} : memref<80x128xf32, #tpu.memory_space<vmem>>, vector<16xf32>,
          %get3A_537 = arith.index_cast %add3A_440 : i32 to index
          %get3A_538 = arith.constant 112 : index
          %get3A_539 = tpu.vector_load %arg11[%get3A_537, %get3A_538] {strides = array<i32>} : memref<80x128xf32, #tpu.memory_space<vmem>>, vector<16xf32>,
          %add3A_540 = arith.addf %get3A_536, %get3A_539 : vector<16xf32>
          %mul3A_541 = vector.broadcast %reduce_sum3A_449 : f32 to vector<16xf32>
          %mul3A_542 = arith.mulf %add3A_540, %mul3A_541 : vector<16xf32>
          %swap3A_543 = arith.index_cast %add3A_440 : i32 to index
          %swap3A_544 = arith.constant 112 : index
          %swap3A_545 = tpu.vector_load %arg12[%swap3A_543, %swap3A_544] {strides = array<i32>} : memref<80x128xf32, #tpu.memory_space<vmem>>, vector<16xf32>,
          tpu.vector_store %arg12[%swap3A_543, %swap3A_544], %mul3A_542 {strides = array<i32>} : memref<80x128xf32, #tpu.memory_space<vmem>>, vector<16xf32>,
        }
        %scan3A_108 = arith.constant 16 : i32
      }
      %scan3A_89 = arith.constant 5 : i32
      "tpu.region"() ({
        %run_scoped3A = tpu.sem_alloc : memref<!tpu.dma_semaphore, #tpu.memory_space<semaphore_mem>>
        %dma_start3A_90 = arith.constant 0 : i32
        %dma_start3A_91 = tpu.memref_slice %arg6[%mul3A_65, %dma_start3A_90] : memref<10000x128xf32, #tpu.memory_space<hbm>> -> memref<80x128xf32, #tpu.memory_space<hbm>>
        %dma_start3A_92 = arith.constant 0 : i32
        %dma_start3A_93 = tpu.memref_slice %arg6[%mul3A_65, %dma_start3A_92] : memref<10000x128xf32, #tpu.memory_space<hbm>> -> memref<80x128xf32, #tpu.memory_space<hbm>>
        tpu.enqueue_dma source(%arg12 : memref<80x128xf32, #tpu.memory_space<vmem>>) target(%dma_start3A_93 : memref<80x128xf32, #tpu.memory_space<hbm>>) target_semaphore(%run_scoped3A : memref<!tpu.dma_semaphore, #tpu.memory_space<semaphore_mem>>)
        %dma_wait3A_94 = arith.constant 0 : i32
        %dma_wait3A_95 = tpu.memref_slice %arg6[%mul3A_65, %dma_wait3A_94] : memref<10000x128xf32, #tpu.memory_space<hbm>> -> memref<80x128xf32, #tpu.memory_space<hbm>>
        %dma_wait3A_96 = arith.constant 0 : i32
        %dma_wait3A_97 = tpu.memref_slice %arg6[%mul3A_65, %dma_wait3A_96] : memref<10000x128xf32, #tpu.memory_space<hbm>> -> memref<80x128xf32, #tpu.memory_space<hbm>>
        tpu.wait_dma2 semaphore(%run_scoped3A : memref<!tpu.dma_semaphore, #tpu.memory_space<semaphore_mem>>) src(%arg12 : memref<80x128xf32, #tpu.memory_space<vmem>>) dst(%dma_wait3A_97 : memref<80x128xf32, #tpu.memory_space<hbm>>)
        tpu.yield
      }) : () -> ()
    }
    %while3A_41 = arith.constant 1 : i32
    scf.for %while3A_60 = %while3A_39 to %while3A_35 step %while3A_41  : i32 {
      %mul3A_61 = arith.constant 32 : i32
      %mul3A_62 = arith.muli %while3A_60, %mul3A_61 : i32
      %add3A_63 = arith.addi %add3A, %mul3A_62 : i32
      %mul3A_64 = arith.constant 80 : i32
      %mul3A_65 = arith.muli %add3A_63, %mul3A_64 : i32
      %dma_start3A_66 = arith.constant 0 : i32
      %dma_start3A_67 = tpu.memref_slice %arg2[%mul3A_65, %dma_start3A_66] : memref<20480x128xf32, #tpu.memory_space<hbm>> -> memref<80x128xf32, #tpu.memory_space<hbm>>
      %dma_start3A_68 = arith.constant 0 : i32
      %dma_start3A_69 = tpu.memref_slice %arg2[%mul3A_65, %dma_start3A_68] : memref<20480x128xf32, #tpu.memory_space<hbm>> -> memref<80x128xf32, #tpu.memory_space<hbm>>
      tpu.enqueue_dma source(%dma_start3A_69 : memref<80x128xf32, #tpu.memory_space<hbm>>) target(%arg10 : memref<80x128xf32, #tpu.memory_space<vmem>>) target_semaphore(%arg16 : memref<!tpu.dma_semaphore, #tpu.memory_space<semaphore_mem>>)
      %add3A_70 = arith.constant 10240 : i32
      %add3A_71 = arith.addi %add3A_70, %mul3A_65 : i32
      %dma_start3A_72 = arith.constant 0 : i32
      %dma_start3A_73 = tpu.memref_slice %arg2[%add3A_71, %dma_start3A_72] : memref<20480x128xf32, #tpu.memory_space<hbm>> -> memref<80x128xf32, #tpu.memory_space<hbm>>
      %dma_start3A_74 = arith.constant 0 : i32
      %dma_start3A_75 = tpu.memref_slice %arg2[%add3A_71, %dma_start3A_74] : memref<20480x128xf32, #tpu.memory_space<hbm>> -> memref<80x128xf32, #tpu.memory_space<hbm>>
      tpu.enqueue_dma source(%dma_start3A_75 : memref<80x128xf32, #tpu.memory_space<hbm>>) target(%arg11 : memref<80x128xf32, #tpu.memory_space<vmem>>) target_semaphore(%arg17 : memref<!tpu.dma_semaphore, #tpu.memory_space<semaphore_mem>>)
      %dma_wait3A_76 = arith.constant 0 : i32
      %dma_wait3A_77 = tpu.memref_slice %arg2[%mul3A_65, %dma_wait3A_76] : memref<20480x128xf32, #tpu.memory_space<hbm>> -> memref<80x128xf32, #tpu.memory_space<hbm>>
      %dma_wait3A_78 = arith.constant 0 : i32
      %dma_wait3A_79 = tpu.memref_slice %arg2[%mul3A_65, %dma_wait3A_78] : memref<20480x128xf32, #tpu.memory_space<hbm>> -> memref<80x128xf32, #tpu.memory_space<hbm>>
      tpu.wait_dma2 semaphore(%arg16 : memref<!tpu.dma_semaphore, #tpu.memory_space<semaphore_mem>>) src(%dma_wait3A_79 : memref<80x128xf32, #tpu.memory_space<hbm>>) dst(%arg10 : memref<80x128xf32, #tpu.memory_space<vmem>>)
      %dma_wait3A_80 = arith.constant 0 : i32
      %dma_wait3A_81 = tpu.memref_slice %arg2[%add3A_71, %dma_wait3A_80] : memref<20480x128xf32, #tpu.memory_space<hbm>> -> memref<80x128xf32, #tpu.memory_space<hbm>>
      %dma_wait3A_82 = arith.constant 0 : i32
      %dma_wait3A_83 = tpu.memref_slice %arg2[%add3A_71, %dma_wait3A_82] : memref<20480x128xf32, #tpu.memory_space<hbm>> -> memref<80x128xf32, #tpu.memory_space<hbm>>
      tpu.wait_dma2 semaphore(%arg17 : memref<!tpu.dma_semaphore, #tpu.memory_space<semaphore_mem>>) src(%dma_wait3A_83 : memref<80x128xf32, #tpu.memory_space<hbm>>) dst(%arg11 : memref<80x128xf32, #tpu.memory_space<vmem>>)
      %scan3A_84 = arith.constant 0 : i32
      %scan3A_85 = arith.constant 0 : i32
      %scan3A_86 = arith.constant 5 : i32
      %scan3A_87 = arith.addi %scan3A_85, %scan3A_86 : i32
      %scan3A_88 = arith.constant 1 : i32
      scf.for %scan3A_90 = %scan3A_85 to %scan3A_87 step %scan3A_88  : i32 {
        %mul3A_91 = arith.constant 16 : i32
        %mul3A_92 = arith.muli %scan3A_90, %mul3A_91 : i32
        %add3A_93 = arith.addi %mul3A_65, %mul3A_92 : i32
        %get3A_94 = arith.index_cast %add3A_93 : i32 to index
        %get3A_95 = tpu.vector_load %arg9[%get3A_94] {strides = array<i32>} : memref<10240xf32, #tpu.memory_space<vmem>>, vector<16xf32>,
        %gt3A = arith.constant 0.000000e+00 : f32
        %gt3A_96 = vector.broadcast %gt3A : f32 to vector<16xf32>
        %gt3A_97 = arith.cmpf ogt, %get3A_95, %gt3A_96 : vector<16xf32>
        %div3A_98 = arith.constant 1.000000e+00 : f32
        %div3A_99 = vector.broadcast %div3A_98 : f32 to vector<16xf32>
        %div3A_100 = arith.divf %div3A_99, %get3A_95 : vector<16xf32>
        %jit3A_101 = arith.constant 0.000000e+00 : f32
        %broadcast_in_dim3A = vector.broadcast %jit3A_101 : f32 to vector<16xf32>
        %select_n3A_102 = arith.select %gt3A_97, %div3A_100, %broadcast_in_dim3A : vector<16xi1>, vector<16xf32>
        %scan3A_103 = arith.constant 0 : i32
        %scan3A_104 = arith.constant 0 : i32
        %scan3A_105 = arith.constant 16 : i32
        %scan3A_106 = arith.addi %scan3A_104, %scan3A_105 : i32
        %scan3A_107 = arith.constant 4 : i32
        scf.for %scan3A_109 = %scan3A_104 to %scan3A_106 step %scan3A_107  : i32 {
          %mul3A_110 = arith.constant 16 : i32
          %mul3A_111 = arith.muli %scan3A_90, %mul3A_110 : i32
          %add3A_112 = arith.addi %mul3A_111, %scan3A_109 : i32
          %eq3A = vector.broadcast %scan3A_109 : i32 to vector<16xi32>
          %eq3A_113 = arith.cmpi eq, %iota3A, %eq3A : vector<16xi32>
          %jit3A_114 = arith.constant 0.000000e+00 : f32
          %broadcast_in_dim3A_115 = vector.broadcast %jit3A_114 : f32 to vector<16xf32>
          %select_n3A_116 = arith.select %eq3A_113, %select_n3A_102, %broadcast_in_dim3A_115 : vector<16xi1>, vector<16xf32>
          %reduce_sum3A = arith.constant true
          %reduce_sum3A_117 = vector.broadcast %reduce_sum3A : i1 to vector<16xi1>
          %reduce_sum3A_118 = tpu.scan <sum>, %select_n3A_116 masked %reduce_sum3A_117 : vector<16xf32>, vector<16xi1> -> vector<16xf32>
          %reduce_sum3A_119 = vector.extract %reduce_sum3A_118[15] : f32 from vector<16xf32>
          %get3A_120 = arith.index_cast %add3A_112 : i32 to index
          %get3A_121 = arith.constant 0 : index
          %get3A_122 = tpu.vector_load %arg10[%get3A_120, %get3A_121] {strides = array<i32>} : memref<80x128xf32, #tpu.memory_space<vmem>>, vector<16xf32>,
          %get3A_123 = arith.index_cast %add3A_112 : i32 to index
          %get3A_124 = arith.constant 0 : index
          %get3A_125 = tpu.vector_load %arg11[%get3A_123, %get3A_124] {strides = array<i32>} : memref<80x128xf32, #tpu.memory_space<vmem>>, vector<16xf32>,
          %add3A_126 = arith.addf %get3A_122, %get3A_125 : vector<16xf32>
          %mul3A_127 = vector.broadcast %reduce_sum3A_119 : f32 to vector<16xf32>
          %mul3A_128 = arith.mulf %add3A_126, %mul3A_127 : vector<16xf32>
          %swap3A_129 = arith.index_cast %add3A_112 : i32 to index
          %swap3A_130 = arith.constant 0 : index
          %swap3A_131 = tpu.vector_load %arg12[%swap3A_129, %swap3A_130] {strides = array<i32>} : memref<80x128xf32, #tpu.memory_space<vmem>>, vector<16xf32>,
          tpu.vector_store %arg12[%swap3A_129, %swap3A_130], %mul3A_128 {strides = array<i32>} : memref<80x128xf32, #tpu.memory_space<vmem>>, vector<16xf32>,
          %get3A_132 = arith.index_cast %add3A_112 : i32 to index
          %get3A_133 = arith.constant 16 : index
          %get3A_134 = tpu.vector_load %arg10[%get3A_132, %get3A_133] {strides = array<i32>} : memref<80x128xf32, #tpu.memory_space<vmem>>, vector<16xf32>,
          %get3A_135 = arith.index_cast %add3A_112 : i32 to index
          %get3A_136 = arith.constant 16 : index
          %get3A_137 = tpu.vector_load %arg11[%get3A_135, %get3A_136] {strides = array<i32>} : memref<80x128xf32, #tpu.memory_space<vmem>>, vector<16xf32>,
          %add3A_138 = arith.addf %get3A_134, %get3A_137 : vector<16xf32>
          %mul3A_139 = vector.broadcast %reduce_sum3A_119 : f32 to vector<16xf32>
          %mul3A_140 = arith.mulf %add3A_138, %mul3A_139 : vector<16xf32>
          %swap3A_141 = arith.index_cast %add3A_112 : i32 to index
          %swap3A_142 = arith.constant 16 : index
          %swap3A_143 = tpu.vector_load %arg12[%swap3A_141, %swap3A_142] {strides = array<i32>} : memref<80x128xf32, #tpu.memory_space<vmem>>, vector<16xf32>,
          tpu.vector_store %arg12[%swap3A_141, %swap3A_142], %mul3A_140 {strides = array<i32>} : memref<80x128xf32, #tpu.memory_space<vmem>>, vector<16xf32>,
          %get3A_144 = arith.index_cast %add3A_112 : i32 to index
          %get3A_145 = arith.constant 32 : index
          %get3A_146 = tpu.vector_load %arg10[%get3A_144, %get3A_145] {strides = array<i32>} : memref<80x128xf32, #tpu.memory_space<vmem>>, vector<16xf32>,
          %get3A_147 = arith.index_cast %add3A_112 : i32 to index
          %get3A_148 = arith.constant 32 : index
          %get3A_149 = tpu.vector_load %arg11[%get3A_147, %get3A_148] {strides = array<i32>} : memref<80x128xf32, #tpu.memory_space<vmem>>, vector<16xf32>,
          %add3A_150 = arith.addf %get3A_146, %get3A_149 : vector<16xf32>
          %mul3A_151 = vector.broadcast %reduce_sum3A_119 : f32 to vector<16xf32>
          %mul3A_152 = arith.mulf %add3A_150, %mul3A_151 : vector<16xf32>
          %swap3A_153 = arith.index_cast %add3A_112 : i32 to index
          %swap3A_154 = arith.constant 32 : index
          %swap3A_155 = tpu.vector_load %arg12[%swap3A_153, %swap3A_154] {strides = array<i32>} : memref<80x128xf32, #tpu.memory_space<vmem>>, vector<16xf32>,
          tpu.vector_store %arg12[%swap3A_153, %swap3A_154], %mul3A_152 {strides = array<i32>} : memref<80x128xf32, #tpu.memory_space<vmem>>, vector<16xf32>,
          %get3A_156 = arith.index_cast %add3A_112 : i32 to index
          %get3A_157 = arith.constant 48 : index
          %get3A_158 = tpu.vector_load %arg10[%get3A_156, %get3A_157] {strides = array<i32>} : memref<80x128xf32, #tpu.memory_space<vmem>>, vector<16xf32>,
          %get3A_159 = arith.index_cast %add3A_112 : i32 to index
          %get3A_160 = arith.constant 48 : index
          %get3A_161 = tpu.vector_load %arg11[%get3A_159, %get3A_160] {strides = array<i32>} : memref<80x128xf32, #tpu.memory_space<vmem>>, vector<16xf32>,
          %add3A_162 = arith.addf %get3A_158, %get3A_161 : vector<16xf32>
          %mul3A_163 = vector.broadcast %reduce_sum3A_119 : f32 to vector<16xf32>
          %mul3A_164 = arith.mulf %add3A_162, %mul3A_163 : vector<16xf32>
          %swap3A_165 = arith.index_cast %add3A_112 : i32 to index
          %swap3A_166 = arith.constant 48 : index
          %swap3A_167 = tpu.vector_load %arg12[%swap3A_165, %swap3A_166] {strides = array<i32>} : memref<80x128xf32, #tpu.memory_space<vmem>>, vector<16xf32>,
          tpu.vector_store %arg12[%swap3A_165, %swap3A_166], %mul3A_164 {strides = array<i32>} : memref<80x128xf32, #tpu.memory_space<vmem>>, vector<16xf32>,
          %get3A_168 = arith.index_cast %add3A_112 : i32 to index
          %get3A_169 = arith.constant 64 : index
          %get3A_170 = tpu.vector_load %arg10[%get3A_168, %get3A_169] {strides = array<i32>} : memref<80x128xf32, #tpu.memory_space<vmem>>, vector<16xf32>,
          %get3A_171 = arith.index_cast %add3A_112 : i32 to index
          %get3A_172 = arith.constant 64 : index
          %get3A_173 = tpu.vector_load %arg11[%get3A_171, %get3A_172] {strides = array<i32>} : memref<80x128xf32, #tpu.memory_space<vmem>>, vector<16xf32>,
          %add3A_174 = arith.addf %get3A_170, %get3A_173 : vector<16xf32>
          %mul3A_175 = vector.broadcast %reduce_sum3A_119 : f32 to vector<16xf32>
          %mul3A_176 = arith.mulf %add3A_174, %mul3A_175 : vector<16xf32>
          %swap3A_177 = arith.index_cast %add3A_112 : i32 to index
          %swap3A_178 = arith.constant 64 : index
          %swap3A_179 = tpu.vector_load %arg12[%swap3A_177, %swap3A_178] {strides = array<i32>} : memref<80x128xf32, #tpu.memory_space<vmem>>, vector<16xf32>,
          tpu.vector_store %arg12[%swap3A_177, %swap3A_178], %mul3A_176 {strides = array<i32>} : memref<80x128xf32, #tpu.memory_space<vmem>>, vector<16xf32>,
          %get3A_180 = arith.index_cast %add3A_112 : i32 to index
          %get3A_181 = arith.constant 80 : index
          %get3A_182 = tpu.vector_load %arg10[%get3A_180, %get3A_181] {strides = array<i32>} : memref<80x128xf32, #tpu.memory_space<vmem>>, vector<16xf32>,
          %get3A_183 = arith.index_cast %add3A_112 : i32 to index
          %get3A_184 = arith.constant 80 : index
          %get3A_185 = tpu.vector_load %arg11[%get3A_183, %get3A_184] {strides = array<i32>} : memref<80x128xf32, #tpu.memory_space<vmem>>, vector<16xf32>,
          %add3A_186 = arith.addf %get3A_182, %get3A_185 : vector<16xf32>
          %mul3A_187 = vector.broadcast %reduce_sum3A_119 : f32 to vector<16xf32>
          %mul3A_188 = arith.mulf %add3A_186, %mul3A_187 : vector<16xf32>
          %swap3A_189 = arith.index_cast %add3A_112 : i32 to index
          %swap3A_190 = arith.constant 80 : index
          %swap3A_191 = tpu.vector_load %arg12[%swap3A_189, %swap3A_190] {strides = array<i32>} : memref<80x128xf32, #tpu.memory_space<vmem>>, vector<16xf32>,
          tpu.vector_store %arg12[%swap3A_189, %swap3A_190], %mul3A_188 {strides = array<i32>} : memref<80x128xf32, #tpu.memory_space<vmem>>, vector<16xf32>,
          %get3A_192 = arith.index_cast %add3A_112 : i32 to index
          %get3A_193 = arith.constant 96 : index
          %get3A_194 = tpu.vector_load %arg10[%get3A_192, %get3A_193] {strides = array<i32>} : memref<80x128xf32, #tpu.memory_space<vmem>>, vector<16xf32>,
          %get3A_195 = arith.index_cast %add3A_112 : i32 to index
          %get3A_196 = arith.constant 96 : index
          %get3A_197 = tpu.vector_load %arg11[%get3A_195, %get3A_196] {strides = array<i32>} : memref<80x128xf32, #tpu.memory_space<vmem>>, vector<16xf32>,
          %add3A_198 = arith.addf %get3A_194, %get3A_197 : vector<16xf32>
          %mul3A_199 = vector.broadcast %reduce_sum3A_119 : f32 to vector<16xf32>
          %mul3A_200 = arith.mulf %add3A_198, %mul3A_199 : vector<16xf32>
          %swap3A_201 = arith.index_cast %add3A_112 : i32 to index
          %swap3A_202 = arith.constant 96 : index
          %swap3A_203 = tpu.vector_load %arg12[%swap3A_201, %swap3A_202] {strides = array<i32>} : memref<80x128xf32, #tpu.memory_space<vmem>>, vector<16xf32>,
          tpu.vector_store %arg12[%swap3A_201, %swap3A_202], %mul3A_200 {strides = array<i32>} : memref<80x128xf32, #tpu.memory_space<vmem>>, vector<16xf32>,
          %get3A_204 = arith.index_cast %add3A_112 : i32 to index
          %get3A_205 = arith.constant 112 : index
          %get3A_206 = tpu.vector_load %arg10[%get3A_204, %get3A_205] {strides = array<i32>} : memref<80x128xf32, #tpu.memory_space<vmem>>, vector<16xf32>,
          %get3A_207 = arith.index_cast %add3A_112 : i32 to index
          %get3A_208 = arith.constant 112 : index
          %get3A_209 = tpu.vector_load %arg11[%get3A_207, %get3A_208] {strides = array<i32>} : memref<80x128xf32, #tpu.memory_space<vmem>>, vector<16xf32>,
          %add3A_210 = arith.addf %get3A_206, %get3A_209 : vector<16xf32>
          %mul3A_211 = vector.broadcast %reduce_sum3A_119 : f32 to vector<16xf32>
          %mul3A_212 = arith.mulf %add3A_210, %mul3A_211 : vector<16xf32>
          %swap3A_213 = arith.index_cast %add3A_112 : i32 to index
          %swap3A_214 = arith.constant 112 : index
          %swap3A_215 = tpu.vector_load %arg12[%swap3A_213, %swap3A_214] {strides = array<i32>} : memref<80x128xf32, #tpu.memory_space<vmem>>, vector<16xf32>,
          tpu.vector_store %arg12[%swap3A_213, %swap3A_214], %mul3A_212 {strides = array<i32>} : memref<80x128xf32, #tpu.memory_space<vmem>>, vector<16xf32>,
          %scan3A_216 = arith.constant 1 : i32
          %scan3A_217 = arith.addi %scan3A_109, %scan3A_216 : i32
          %mul3A_218 = arith.constant 16 : i32
          %mul3A_219 = arith.muli %scan3A_90, %mul3A_218 : i32
          %add3A_220 = arith.addi %mul3A_219, %scan3A_217 : i32
          %eq3A_221 = vector.broadcast %scan3A_217 : i32 to vector<16xi32>
          %eq3A_222 = arith.cmpi eq, %iota3A, %eq3A_221 : vector<16xi32>
          %jit3A_223 = arith.constant 0.000000e+00 : f32
          %broadcast_in_dim3A_224 = vector.broadcast %jit3A_223 : f32 to vector<16xf32>
          %select_n3A_225 = arith.select %eq3A_222, %select_n3A_102, %broadcast_in_dim3A_224 : vector<16xi1>, vector<16xf32>
          %reduce_sum3A_226 = arith.constant true
          %reduce_sum3A_227 = vector.broadcast %reduce_sum3A_226 : i1 to vector<16xi1>
          %reduce_sum3A_228 = tpu.scan <sum>, %select_n3A_225 masked %reduce_sum3A_227 : vector<16xf32>, vector<16xi1> -> vector<16xf32>
          %reduce_sum3A_229 = vector.extract %reduce_sum3A_228[15] : f32 from vector<16xf32>
          %get3A_230 = arith.index_cast %add3A_220 : i32 to index
          %get3A_231 = arith.constant 0 : index
          %get3A_232 = tpu.vector_load %arg10[%get3A_230, %get3A_231] {strides = array<i32>} : memref<80x128xf32, #tpu.memory_space<vmem>>, vector<16xf32>,
          %get3A_233 = arith.index_cast %add3A_220 : i32 to index
          %get3A_234 = arith.constant 0 : index
          %get3A_235 = tpu.vector_load %arg11[%get3A_233, %get3A_234] {strides = array<i32>} : memref<80x128xf32, #tpu.memory_space<vmem>>, vector<16xf32>,
          %add3A_236 = arith.addf %get3A_232, %get3A_235 : vector<16xf32>
          %mul3A_237 = vector.broadcast %reduce_sum3A_229 : f32 to vector<16xf32>
          %mul3A_238 = arith.mulf %add3A_236, %mul3A_237 : vector<16xf32>
          %swap3A_239 = arith.index_cast %add3A_220 : i32 to index
          %swap3A_240 = arith.constant 0 : index
          %swap3A_241 = tpu.vector_load %arg12[%swap3A_239, %swap3A_240] {strides = array<i32>} : memref<80x128xf32, #tpu.memory_space<vmem>>, vector<16xf32>,
          tpu.vector_store %arg12[%swap3A_239, %swap3A_240], %mul3A_238 {strides = array<i32>} : memref<80x128xf32, #tpu.memory_space<vmem>>, vector<16xf32>,
          %get3A_242 = arith.index_cast %add3A_220 : i32 to index
          %get3A_243 = arith.constant 16 : index
          %get3A_244 = tpu.vector_load %arg10[%get3A_242, %get3A_243] {strides = array<i32>} : memref<80x128xf32, #tpu.memory_space<vmem>>, vector<16xf32>,
          %get3A_245 = arith.index_cast %add3A_220 : i32 to index
          %get3A_246 = arith.constant 16 : index
          %get3A_247 = tpu.vector_load %arg11[%get3A_245, %get3A_246] {strides = array<i32>} : memref<80x128xf32, #tpu.memory_space<vmem>>, vector<16xf32>,
          %add3A_248 = arith.addf %get3A_244, %get3A_247 : vector<16xf32>
          %mul3A_249 = vector.broadcast %reduce_sum3A_229 : f32 to vector<16xf32>
          %mul3A_250 = arith.mulf %add3A_248, %mul3A_249 : vector<16xf32>
          %swap3A_251 = arith.index_cast %add3A_220 : i32 to index
          %swap3A_252 = arith.constant 16 : index
          %swap3A_253 = tpu.vector_load %arg12[%swap3A_251, %swap3A_252] {strides = array<i32>} : memref<80x128xf32, #tpu.memory_space<vmem>>, vector<16xf32>,
          tpu.vector_store %arg12[%swap3A_251, %swap3A_252], %mul3A_250 {strides = array<i32>} : memref<80x128xf32, #tpu.memory_space<vmem>>, vector<16xf32>,
          %get3A_254 = arith.index_cast %add3A_220 : i32 to index
          %get3A_255 = arith.constant 32 : index
          %get3A_256 = tpu.vector_load %arg10[%get3A_254, %get3A_255] {strides = array<i32>} : memref<80x128xf32, #tpu.memory_space<vmem>>, vector<16xf32>,
          %get3A_257 = arith.index_cast %add3A_220 : i32 to index
          %get3A_258 = arith.constant 32 : index
          %get3A_259 = tpu.vector_load %arg11[%get3A_257, %get3A_258] {strides = array<i32>} : memref<80x128xf32, #tpu.memory_space<vmem>>, vector<16xf32>,
          %add3A_260 = arith.addf %get3A_256, %get3A_259 : vector<16xf32>
          %mul3A_261 = vector.broadcast %reduce_sum3A_229 : f32 to vector<16xf32>
          %mul3A_262 = arith.mulf %add3A_260, %mul3A_261 : vector<16xf32>
          %swap3A_263 = arith.index_cast %add3A_220 : i32 to index
          %swap3A_264 = arith.constant 32 : index
          %swap3A_265 = tpu.vector_load %arg12[%swap3A_263, %swap3A_264] {strides = array<i32>} : memref<80x128xf32, #tpu.memory_space<vmem>>, vector<16xf32>,
          tpu.vector_store %arg12[%swap3A_263, %swap3A_264], %mul3A_262 {strides = array<i32>} : memref<80x128xf32, #tpu.memory_space<vmem>>, vector<16xf32>,
          %get3A_266 = arith.index_cast %add3A_220 : i32 to index
          %get3A_267 = arith.constant 48 : index
          %get3A_268 = tpu.vector_load %arg10[%get3A_266, %get3A_267] {strides = array<i32>} : memref<80x128xf32, #tpu.memory_space<vmem>>, vector<16xf32>,
          %get3A_269 = arith.index_cast %add3A_220 : i32 to index
          %get3A_270 = arith.constant 48 : index
          %get3A_271 = tpu.vector_load %arg11[%get3A_269, %get3A_270] {strides = array<i32>} : memref<80x128xf32, #tpu.memory_space<vmem>>, vector<16xf32>,
          %add3A_272 = arith.addf %get3A_268, %get3A_271 : vector<16xf32>
          %mul3A_273 = vector.broadcast %reduce_sum3A_229 : f32 to vector<16xf32>
          %mul3A_274 = arith.mulf %add3A_272, %mul3A_273 : vector<16xf32>
          %swap3A_275 = arith.index_cast %add3A_220 : i32 to index
          %swap3A_276 = arith.constant 48 : index
          %swap3A_277 = tpu.vector_load %arg12[%swap3A_275, %swap3A_276] {strides = array<i32>} : memref<80x128xf32, #tpu.memory_space<vmem>>, vector<16xf32>,
          tpu.vector_store %arg12[%swap3A_275, %swap3A_276], %mul3A_274 {strides = array<i32>} : memref<80x128xf32, #tpu.memory_space<vmem>>, vector<16xf32>,
          %get3A_278 = arith.index_cast %add3A_220 : i32 to index
          %get3A_279 = arith.constant 64 : index
          %get3A_280 = tpu.vector_load %arg10[%get3A_278, %get3A_279] {strides = array<i32>} : memref<80x128xf32, #tpu.memory_space<vmem>>, vector<16xf32>,
          %get3A_281 = arith.index_cast %add3A_220 : i32 to index
          %get3A_282 = arith.constant 64 : index
          %get3A_283 = tpu.vector_load %arg11[%get3A_281, %get3A_282] {strides = array<i32>} : memref<80x128xf32, #tpu.memory_space<vmem>>, vector<16xf32>,
          %add3A_284 = arith.addf %get3A_280, %get3A_283 : vector<16xf32>
          %mul3A_285 = vector.broadcast %reduce_sum3A_229 : f32 to vector<16xf32>
          %mul3A_286 = arith.mulf %add3A_284, %mul3A_285 : vector<16xf32>
          %swap3A_287 = arith.index_cast %add3A_220 : i32 to index
          %swap3A_288 = arith.constant 64 : index
          %swap3A_289 = tpu.vector_load %arg12[%swap3A_287, %swap3A_288] {strides = array<i32>} : memref<80x128xf32, #tpu.memory_space<vmem>>, vector<16xf32>,
          tpu.vector_store %arg12[%swap3A_287, %swap3A_288], %mul3A_286 {strides = array<i32>} : memref<80x128xf32, #tpu.memory_space<vmem>>, vector<16xf32>,
          %get3A_290 = arith.index_cast %add3A_220 : i32 to index
          %get3A_291 = arith.constant 80 : index
          %get3A_292 = tpu.vector_load %arg10[%get3A_290, %get3A_291] {strides = array<i32>} : memref<80x128xf32, #tpu.memory_space<vmem>>, vector<16xf32>,
          %get3A_293 = arith.index_cast %add3A_220 : i32 to index
          %get3A_294 = arith.constant 80 : index
          %get3A_295 = tpu.vector_load %arg11[%get3A_293, %get3A_294] {strides = array<i32>} : memref<80x128xf32, #tpu.memory_space<vmem>>, vector<16xf32>,
          %add3A_296 = arith.addf %get3A_292, %get3A_295 : vector<16xf32>
          %mul3A_297 = vector.broadcast %reduce_sum3A_229 : f32 to vector<16xf32>
          %mul3A_298 = arith.mulf %add3A_296, %mul3A_297 : vector<16xf32>
          %swap3A_299 = arith.index_cast %add3A_220 : i32 to index
          %swap3A_300 = arith.constant 80 : index
          %swap3A_301 = tpu.vector_load %arg12[%swap3A_299, %swap3A_300] {strides = array<i32>} : memref<80x128xf32, #tpu.memory_space<vmem>>, vector<16xf32>,
          tpu.vector_store %arg12[%swap3A_299, %swap3A_300], %mul3A_298 {strides = array<i32>} : memref<80x128xf32, #tpu.memory_space<vmem>>, vector<16xf32>,
          %get3A_302 = arith.index_cast %add3A_220 : i32 to index
          %get3A_303 = arith.constant 96 : index
          %get3A_304 = tpu.vector_load %arg10[%get3A_302, %get3A_303] {strides = array<i32>} : memref<80x128xf32, #tpu.memory_space<vmem>>, vector<16xf32>,
          %get3A_305 = arith.index_cast %add3A_220 : i32 to index
          %get3A_306 = arith.constant 96 : index
          %get3A_307 = tpu.vector_load %arg11[%get3A_305, %get3A_306] {strides = array<i32>} : memref<80x128xf32, #tpu.memory_space<vmem>>, vector<16xf32>,
          %add3A_308 = arith.addf %get3A_304, %get3A_307 : vector<16xf32>
          %mul3A_309 = vector.broadcast %reduce_sum3A_229 : f32 to vector<16xf32>
          %mul3A_310 = arith.mulf %add3A_308, %mul3A_309 : vector<16xf32>
          %swap3A_311 = arith.index_cast %add3A_220 : i32 to index
          %swap3A_312 = arith.constant 96 : index
          %swap3A_313 = tpu.vector_load %arg12[%swap3A_311, %swap3A_312] {strides = array<i32>} : memref<80x128xf32, #tpu.memory_space<vmem>>, vector<16xf32>,
          tpu.vector_store %arg12[%swap3A_311, %swap3A_312], %mul3A_310 {strides = array<i32>} : memref<80x128xf32, #tpu.memory_space<vmem>>, vector<16xf32>,
          %get3A_314 = arith.index_cast %add3A_220 : i32 to index
          %get3A_315 = arith.constant 112 : index
          %get3A_316 = tpu.vector_load %arg10[%get3A_314, %get3A_315] {strides = array<i32>} : memref<80x128xf32, #tpu.memory_space<vmem>>, vector<16xf32>,
          %get3A_317 = arith.index_cast %add3A_220 : i32 to index
          %get3A_318 = arith.constant 112 : index
          %get3A_319 = tpu.vector_load %arg11[%get3A_317, %get3A_318] {strides = array<i32>} : memref<80x128xf32, #tpu.memory_space<vmem>>, vector<16xf32>,
          %add3A_320 = arith.addf %get3A_316, %get3A_319 : vector<16xf32>
          %mul3A_321 = vector.broadcast %reduce_sum3A_229 : f32 to vector<16xf32>
          %mul3A_322 = arith.mulf %add3A_320, %mul3A_321 : vector<16xf32>
          %swap3A_323 = arith.index_cast %add3A_220 : i32 to index
          %swap3A_324 = arith.constant 112 : index
          %swap3A_325 = tpu.vector_load %arg12[%swap3A_323, %swap3A_324] {strides = array<i32>} : memref<80x128xf32, #tpu.memory_space<vmem>>, vector<16xf32>,
          tpu.vector_store %arg12[%swap3A_323, %swap3A_324], %mul3A_322 {strides = array<i32>} : memref<80x128xf32, #tpu.memory_space<vmem>>, vector<16xf32>,
          %scan3A_326 = arith.constant 2 : i32
          %scan3A_327 = arith.addi %scan3A_109, %scan3A_326 : i32
          %mul3A_328 = arith.constant 16 : i32
          %mul3A_329 = arith.muli %scan3A_90, %mul3A_328 : i32
          %add3A_330 = arith.addi %mul3A_329, %scan3A_327 : i32
          %eq3A_331 = vector.broadcast %scan3A_327 : i32 to vector<16xi32>
          %eq3A_332 = arith.cmpi eq, %iota3A, %eq3A_331 : vector<16xi32>
          %jit3A_333 = arith.constant 0.000000e+00 : f32
          %broadcast_in_dim3A_334 = vector.broadcast %jit3A_333 : f32 to vector<16xf32>
          %select_n3A_335 = arith.select %eq3A_332, %select_n3A_102, %broadcast_in_dim3A_334 : vector<16xi1>, vector<16xf32>
          %reduce_sum3A_336 = arith.constant true
          %reduce_sum3A_337 = vector.broadcast %reduce_sum3A_336 : i1 to vector<16xi1>
          %reduce_sum3A_338 = tpu.scan <sum>, %select_n3A_335 masked %reduce_sum3A_337 : vector<16xf32>, vector<16xi1> -> vector<16xf32>
          %reduce_sum3A_339 = vector.extract %reduce_sum3A_338[15] : f32 from vector<16xf32>
          %get3A_340 = arith.index_cast %add3A_330 : i32 to index
          %get3A_341 = arith.constant 0 : index
          %get3A_342 = tpu.vector_load %arg10[%get3A_340, %get3A_341] {strides = array<i32>} : memref<80x128xf32, #tpu.memory_space<vmem>>, vector<16xf32>,
          %get3A_343 = arith.index_cast %add3A_330 : i32 to index
          %get3A_344 = arith.constant 0 : index
          %get3A_345 = tpu.vector_load %arg11[%get3A_343, %get3A_344] {strides = array<i32>} : memref<80x128xf32, #tpu.memory_space<vmem>>, vector<16xf32>,
          %add3A_346 = arith.addf %get3A_342, %get3A_345 : vector<16xf32>
          %mul3A_347 = vector.broadcast %reduce_sum3A_339 : f32 to vector<16xf32>
          %mul3A_348 = arith.mulf %add3A_346, %mul3A_347 : vector<16xf32>
          %swap3A_349 = arith.index_cast %add3A_330 : i32 to index
          %swap3A_350 = arith.constant 0 : index
          %swap3A_351 = tpu.vector_load %arg12[%swap3A_349, %swap3A_350] {strides = array<i32>} : memref<80x128xf32, #tpu.memory_space<vmem>>, vector<16xf32>,
          tpu.vector_store %arg12[%swap3A_349, %swap3A_350], %mul3A_348 {strides = array<i32>} : memref<80x128xf32, #tpu.memory_space<vmem>>, vector<16xf32>,
          %get3A_352 = arith.index_cast %add3A_330 : i32 to index
          %get3A_353 = arith.constant 16 : index
          %get3A_354 = tpu.vector_load %arg10[%get3A_352, %get3A_353] {strides = array<i32>} : memref<80x128xf32, #tpu.memory_space<vmem>>, vector<16xf32>,
          %get3A_355 = arith.index_cast %add3A_330 : i32 to index
          %get3A_356 = arith.constant 16 : index
          %get3A_357 = tpu.vector_load %arg11[%get3A_355, %get3A_356] {strides = array<i32>} : memref<80x128xf32, #tpu.memory_space<vmem>>, vector<16xf32>,
          %add3A_358 = arith.addf %get3A_354, %get3A_357 : vector<16xf32>
          %mul3A_359 = vector.broadcast %reduce_sum3A_339 : f32 to vector<16xf32>
          %mul3A_360 = arith.mulf %add3A_358, %mul3A_359 : vector<16xf32>
          %swap3A_361 = arith.index_cast %add3A_330 : i32 to index
          %swap3A_362 = arith.constant 16 : index
          %swap3A_363 = tpu.vector_load %arg12[%swap3A_361, %swap3A_362] {strides = array<i32>} : memref<80x128xf32, #tpu.memory_space<vmem>>, vector<16xf32>,
          tpu.vector_store %arg12[%swap3A_361, %swap3A_362], %mul3A_360 {strides = array<i32>} : memref<80x128xf32, #tpu.memory_space<vmem>>, vector<16xf32>,
          %get3A_364 = arith.index_cast %add3A_330 : i32 to index
          %get3A_365 = arith.constant 32 : index
          %get3A_366 = tpu.vector_load %arg10[%get3A_364, %get3A_365] {strides = array<i32>} : memref<80x128xf32, #tpu.memory_space<vmem>>, vector<16xf32>,
          %get3A_367 = arith.index_cast %add3A_330 : i32 to index
          %get3A_368 = arith.constant 32 : index
          %get3A_369 = tpu.vector_load %arg11[%get3A_367, %get3A_368] {strides = array<i32>} : memref<80x128xf32, #tpu.memory_space<vmem>>, vector<16xf32>,
          %add3A_370 = arith.addf %get3A_366, %get3A_369 : vector<16xf32>
          %mul3A_371 = vector.broadcast %reduce_sum3A_339 : f32 to vector<16xf32>
          %mul3A_372 = arith.mulf %add3A_370, %mul3A_371 : vector<16xf32>
          %swap3A_373 = arith.index_cast %add3A_330 : i32 to index
          %swap3A_374 = arith.constant 32 : index
          %swap3A_375 = tpu.vector_load %arg12[%swap3A_373, %swap3A_374] {strides = array<i32>} : memref<80x128xf32, #tpu.memory_space<vmem>>, vector<16xf32>,
          tpu.vector_store %arg12[%swap3A_373, %swap3A_374], %mul3A_372 {strides = array<i32>} : memref<80x128xf32, #tpu.memory_space<vmem>>, vector<16xf32>,
          %get3A_376 = arith.index_cast %add3A_330 : i32 to index
          %get3A_377 = arith.constant 48 : index
          %get3A_378 = tpu.vector_load %arg10[%get3A_376, %get3A_377] {strides = array<i32>} : memref<80x128xf32, #tpu.memory_space<vmem>>, vector<16xf32>,
          %get3A_379 = arith.index_cast %add3A_330 : i32 to index
          %get3A_380 = arith.constant 48 : index
          %get3A_381 = tpu.vector_load %arg11[%get3A_379, %get3A_380] {strides = array<i32>} : memref<80x128xf32, #tpu.memory_space<vmem>>, vector<16xf32>,
          %add3A_382 = arith.addf %get3A_378, %get3A_381 : vector<16xf32>
          %mul3A_383 = vector.broadcast %reduce_sum3A_339 : f32 to vector<16xf32>
          %mul3A_384 = arith.mulf %add3A_382, %mul3A_383 : vector<16xf32>
          %swap3A_385 = arith.index_cast %add3A_330 : i32 to index
          %swap3A_386 = arith.constant 48 : index
          %swap3A_387 = tpu.vector_load %arg12[%swap3A_385, %swap3A_386] {strides = array<i32>} : memref<80x128xf32, #tpu.memory_space<vmem>>, vector<16xf32>,
          tpu.vector_store %arg12[%swap3A_385, %swap3A_386], %mul3A_384 {strides = array<i32>} : memref<80x128xf32, #tpu.memory_space<vmem>>, vector<16xf32>,
          %get3A_388 = arith.index_cast %add3A_330 : i32 to index
          %get3A_389 = arith.constant 64 : index
          %get3A_390 = tpu.vector_load %arg10[%get3A_388, %get3A_389] {strides = array<i32>} : memref<80x128xf32, #tpu.memory_space<vmem>>, vector<16xf32>,
          %get3A_391 = arith.index_cast %add3A_330 : i32 to index
          %get3A_392 = arith.constant 64 : index
          %get3A_393 = tpu.vector_load %arg11[%get3A_391, %get3A_392] {strides = array<i32>} : memref<80x128xf32, #tpu.memory_space<vmem>>, vector<16xf32>,
          %add3A_394 = arith.addf %get3A_390, %get3A_393 : vector<16xf32>
          %mul3A_395 = vector.broadcast %reduce_sum3A_339 : f32 to vector<16xf32>
          %mul3A_396 = arith.mulf %add3A_394, %mul3A_395 : vector<16xf32>
          %swap3A_397 = arith.index_cast %add3A_330 : i32 to index
          %swap3A_398 = arith.constant 64 : index
          %swap3A_399 = tpu.vector_load %arg12[%swap3A_397, %swap3A_398] {strides = array<i32>} : memref<80x128xf32, #tpu.memory_space<vmem>>, vector<16xf32>,
          tpu.vector_store %arg12[%swap3A_397, %swap3A_398], %mul3A_396 {strides = array<i32>} : memref<80x128xf32, #tpu.memory_space<vmem>>, vector<16xf32>,
          %get3A_400 = arith.index_cast %add3A_330 : i32 to index
          %get3A_401 = arith.constant 80 : index
          %get3A_402 = tpu.vector_load %arg10[%get3A_400, %get3A_401] {strides = array<i32>} : memref<80x128xf32, #tpu.memory_space<vmem>>, vector<16xf32>,
          %get3A_403 = arith.index_cast %add3A_330 : i32 to index
          %get3A_404 = arith.constant 80 : index
          %get3A_405 = tpu.vector_load %arg11[%get3A_403, %get3A_404] {strides = array<i32>} : memref<80x128xf32, #tpu.memory_space<vmem>>, vector<16xf32>,
          %add3A_406 = arith.addf %get3A_402, %get3A_405 : vector<16xf32>
          %mul3A_407 = vector.broadcast %reduce_sum3A_339 : f32 to vector<16xf32>
          %mul3A_408 = arith.mulf %add3A_406, %mul3A_407 : vector<16xf32>
          %swap3A_409 = arith.index_cast %add3A_330 : i32 to index
          %swap3A_410 = arith.constant 80 : index
          %swap3A_411 = tpu.vector_load %arg12[%swap3A_409, %swap3A_410] {strides = array<i32>} : memref<80x128xf32, #tpu.memory_space<vmem>>, vector<16xf32>,
          tpu.vector_store %arg12[%swap3A_409, %swap3A_410], %mul3A_408 {strides = array<i32>} : memref<80x128xf32, #tpu.memory_space<vmem>>, vector<16xf32>,
          %get3A_412 = arith.index_cast %add3A_330 : i32 to index
          %get3A_413 = arith.constant 96 : index
          %get3A_414 = tpu.vector_load %arg10[%get3A_412, %get3A_413] {strides = array<i32>} : memref<80x128xf32, #tpu.memory_space<vmem>>, vector<16xf32>,
          %get3A_415 = arith.index_cast %add3A_330 : i32 to index
          %get3A_416 = arith.constant 96 : index
          %get3A_417 = tpu.vector_load %arg11[%get3A_415, %get3A_416] {strides = array<i32>} : memref<80x128xf32, #tpu.memory_space<vmem>>, vector<16xf32>,
          %add3A_418 = arith.addf %get3A_414, %get3A_417 : vector<16xf32>
          %mul3A_419 = vector.broadcast %reduce_sum3A_339 : f32 to vector<16xf32>
          %mul3A_420 = arith.mulf %add3A_418, %mul3A_419 : vector<16xf32>
          %swap3A_421 = arith.index_cast %add3A_330 : i32 to index
          %swap3A_422 = arith.constant 96 : index
          %swap3A_423 = tpu.vector_load %arg12[%swap3A_421, %swap3A_422] {strides = array<i32>} : memref<80x128xf32, #tpu.memory_space<vmem>>, vector<16xf32>,
          tpu.vector_store %arg12[%swap3A_421, %swap3A_422], %mul3A_420 {strides = array<i32>} : memref<80x128xf32, #tpu.memory_space<vmem>>, vector<16xf32>,
          %get3A_424 = arith.index_cast %add3A_330 : i32 to index
          %get3A_425 = arith.constant 112 : index
          %get3A_426 = tpu.vector_load %arg10[%get3A_424, %get3A_425] {strides = array<i32>} : memref<80x128xf32, #tpu.memory_space<vmem>>, vector<16xf32>,
          %get3A_427 = arith.index_cast %add3A_330 : i32 to index
          %get3A_428 = arith.constant 112 : index
          %get3A_429 = tpu.vector_load %arg11[%get3A_427, %get3A_428] {strides = array<i32>} : memref<80x128xf32, #tpu.memory_space<vmem>>, vector<16xf32>,
          %add3A_430 = arith.addf %get3A_426, %get3A_429 : vector<16xf32>
          %mul3A_431 = vector.broadcast %reduce_sum3A_339 : f32 to vector<16xf32>
          %mul3A_432 = arith.mulf %add3A_430, %mul3A_431 : vector<16xf32>
          %swap3A_433 = arith.index_cast %add3A_330 : i32 to index
          %swap3A_434 = arith.constant 112 : index
          %swap3A_435 = tpu.vector_load %arg12[%swap3A_433, %swap3A_434] {strides = array<i32>} : memref<80x128xf32, #tpu.memory_space<vmem>>, vector<16xf32>,
          tpu.vector_store %arg12[%swap3A_433, %swap3A_434], %mul3A_432 {strides = array<i32>} : memref<80x128xf32, #tpu.memory_space<vmem>>, vector<16xf32>,
          %scan3A_436 = arith.constant 3 : i32
          %scan3A_437 = arith.addi %scan3A_109, %scan3A_436 : i32
          %mul3A_438 = arith.constant 16 : i32
          %mul3A_439 = arith.muli %scan3A_90, %mul3A_438 : i32
          %add3A_440 = arith.addi %mul3A_439, %scan3A_437 : i32
          %eq3A_441 = vector.broadcast %scan3A_437 : i32 to vector<16xi32>
          %eq3A_442 = arith.cmpi eq, %iota3A, %eq3A_441 : vector<16xi32>
          %jit3A_443 = arith.constant 0.000000e+00 : f32
          %broadcast_in_dim3A_444 = vector.broadcast %jit3A_443 : f32 to vector<16xf32>
          %select_n3A_445 = arith.select %eq3A_442, %select_n3A_102, %broadcast_in_dim3A_444 : vector<16xi1>, vector<16xf32>
          %reduce_sum3A_446 = arith.constant true
          %reduce_sum3A_447 = vector.broadcast %reduce_sum3A_446 : i1 to vector<16xi1>
          %reduce_sum3A_448 = tpu.scan <sum>, %select_n3A_445 masked %reduce_sum3A_447 : vector<16xf32>, vector<16xi1> -> vector<16xf32>
          %reduce_sum3A_449 = vector.extract %reduce_sum3A_448[15] : f32 from vector<16xf32>
          %get3A_450 = arith.index_cast %add3A_440 : i32 to index
          %get3A_451 = arith.constant 0 : index
          %get3A_452 = tpu.vector_load %arg10[%get3A_450, %get3A_451] {strides = array<i32>} : memref<80x128xf32, #tpu.memory_space<vmem>>, vector<16xf32>,
          %get3A_453 = arith.index_cast %add3A_440 : i32 to index
          %get3A_454 = arith.constant 0 : index
          %get3A_455 = tpu.vector_load %arg11[%get3A_453, %get3A_454] {strides = array<i32>} : memref<80x128xf32, #tpu.memory_space<vmem>>, vector<16xf32>,
          %add3A_456 = arith.addf %get3A_452, %get3A_455 : vector<16xf32>
          %mul3A_457 = vector.broadcast %reduce_sum3A_449 : f32 to vector<16xf32>
          %mul3A_458 = arith.mulf %add3A_456, %mul3A_457 : vector<16xf32>
          %swap3A_459 = arith.index_cast %add3A_440 : i32 to index
          %swap3A_460 = arith.constant 0 : index
          %swap3A_461 = tpu.vector_load %arg12[%swap3A_459, %swap3A_460] {strides = array<i32>} : memref<80x128xf32, #tpu.memory_space<vmem>>, vector<16xf32>,
          tpu.vector_store %arg12[%swap3A_459, %swap3A_460], %mul3A_458 {strides = array<i32>} : memref<80x128xf32, #tpu.memory_space<vmem>>, vector<16xf32>,
          %get3A_462 = arith.index_cast %add3A_440 : i32 to index
          %get3A_463 = arith.constant 16 : index
          %get3A_464 = tpu.vector_load %arg10[%get3A_462, %get3A_463] {strides = array<i32>} : memref<80x128xf32, #tpu.memory_space<vmem>>, vector<16xf32>,
          %get3A_465 = arith.index_cast %add3A_440 : i32 to index
          %get3A_466 = arith.constant 16 : index
          %get3A_467 = tpu.vector_load %arg11[%get3A_465, %get3A_466] {strides = array<i32>} : memref<80x128xf32, #tpu.memory_space<vmem>>, vector<16xf32>,
          %add3A_468 = arith.addf %get3A_464, %get3A_467 : vector<16xf32>
          %mul3A_469 = vector.broadcast %reduce_sum3A_449 : f32 to vector<16xf32>
          %mul3A_470 = arith.mulf %add3A_468, %mul3A_469 : vector<16xf32>
          %swap3A_471 = arith.index_cast %add3A_440 : i32 to index
          %swap3A_472 = arith.constant 16 : index
          %swap3A_473 = tpu.vector_load %arg12[%swap3A_471, %swap3A_472] {strides = array<i32>} : memref<80x128xf32, #tpu.memory_space<vmem>>, vector<16xf32>,
          tpu.vector_store %arg12[%swap3A_471, %swap3A_472], %mul3A_470 {strides = array<i32>} : memref<80x128xf32, #tpu.memory_space<vmem>>, vector<16xf32>,
          %get3A_474 = arith.index_cast %add3A_440 : i32 to index
          %get3A_475 = arith.constant 32 : index
          %get3A_476 = tpu.vector_load %arg10[%get3A_474, %get3A_475] {strides = array<i32>} : memref<80x128xf32, #tpu.memory_space<vmem>>, vector<16xf32>,
          %get3A_477 = arith.index_cast %add3A_440 : i32 to index
          %get3A_478 = arith.constant 32 : index
          %get3A_479 = tpu.vector_load %arg11[%get3A_477, %get3A_478] {strides = array<i32>} : memref<80x128xf32, #tpu.memory_space<vmem>>, vector<16xf32>,
          %add3A_480 = arith.addf %get3A_476, %get3A_479 : vector<16xf32>
          %mul3A_481 = vector.broadcast %reduce_sum3A_449 : f32 to vector<16xf32>
          %mul3A_482 = arith.mulf %add3A_480, %mul3A_481 : vector<16xf32>
          %swap3A_483 = arith.index_cast %add3A_440 : i32 to index
          %swap3A_484 = arith.constant 32 : index
          %swap3A_485 = tpu.vector_load %arg12[%swap3A_483, %swap3A_484] {strides = array<i32>} : memref<80x128xf32, #tpu.memory_space<vmem>>, vector<16xf32>,
          tpu.vector_store %arg12[%swap3A_483, %swap3A_484], %mul3A_482 {strides = array<i32>} : memref<80x128xf32, #tpu.memory_space<vmem>>, vector<16xf32>,
          %get3A_486 = arith.index_cast %add3A_440 : i32 to index
          %get3A_487 = arith.constant 48 : index
          %get3A_488 = tpu.vector_load %arg10[%get3A_486, %get3A_487] {strides = array<i32>} : memref<80x128xf32, #tpu.memory_space<vmem>>, vector<16xf32>,
          %get3A_489 = arith.index_cast %add3A_440 : i32 to index
          %get3A_490 = arith.constant 48 : index
          %get3A_491 = tpu.vector_load %arg11[%get3A_489, %get3A_490] {strides = array<i32>} : memref<80x128xf32, #tpu.memory_space<vmem>>, vector<16xf32>,
          %add3A_492 = arith.addf %get3A_488, %get3A_491 : vector<16xf32>
          %mul3A_493 = vector.broadcast %reduce_sum3A_449 : f32 to vector<16xf32>
          %mul3A_494 = arith.mulf %add3A_492, %mul3A_493 : vector<16xf32>
          %swap3A_495 = arith.index_cast %add3A_440 : i32 to index
          %swap3A_496 = arith.constant 48 : index
          %swap3A_497 = tpu.vector_load %arg12[%swap3A_495, %swap3A_496] {strides = array<i32>} : memref<80x128xf32, #tpu.memory_space<vmem>>, vector<16xf32>,
          tpu.vector_store %arg12[%swap3A_495, %swap3A_496], %mul3A_494 {strides = array<i32>} : memref<80x128xf32, #tpu.memory_space<vmem>>, vector<16xf32>,
          %get3A_498 = arith.index_cast %add3A_440 : i32 to index
          %get3A_499 = arith.constant 64 : index
          %get3A_500 = tpu.vector_load %arg10[%get3A_498, %get3A_499] {strides = array<i32>} : memref<80x128xf32, #tpu.memory_space<vmem>>, vector<16xf32>,
          %get3A_501 = arith.index_cast %add3A_440 : i32 to index
          %get3A_502 = arith.constant 64 : index
          %get3A_503 = tpu.vector_load %arg11[%get3A_501, %get3A_502] {strides = array<i32>} : memref<80x128xf32, #tpu.memory_space<vmem>>, vector<16xf32>,
          %add3A_504 = arith.addf %get3A_500, %get3A_503 : vector<16xf32>
          %mul3A_505 = vector.broadcast %reduce_sum3A_449 : f32 to vector<16xf32>
          %mul3A_506 = arith.mulf %add3A_504, %mul3A_505 : vector<16xf32>
          %swap3A_507 = arith.index_cast %add3A_440 : i32 to index
          %swap3A_508 = arith.constant 64 : index
          %swap3A_509 = tpu.vector_load %arg12[%swap3A_507, %swap3A_508] {strides = array<i32>} : memref<80x128xf32, #tpu.memory_space<vmem>>, vector<16xf32>,
          tpu.vector_store %arg12[%swap3A_507, %swap3A_508], %mul3A_506 {strides = array<i32>} : memref<80x128xf32, #tpu.memory_space<vmem>>, vector<16xf32>,
          %get3A_510 = arith.index_cast %add3A_440 : i32 to index
          %get3A_511 = arith.constant 80 : index
          %get3A_512 = tpu.vector_load %arg10[%get3A_510, %get3A_511] {strides = array<i32>} : memref<80x128xf32, #tpu.memory_space<vmem>>, vector<16xf32>,
          %get3A_513 = arith.index_cast %add3A_440 : i32 to index
          %get3A_514 = arith.constant 80 : index
          %get3A_515 = tpu.vector_load %arg11[%get3A_513, %get3A_514] {strides = array<i32>} : memref<80x128xf32, #tpu.memory_space<vmem>>, vector<16xf32>,
          %add3A_516 = arith.addf %get3A_512, %get3A_515 : vector<16xf32>
          %mul3A_517 = vector.broadcast %reduce_sum3A_449 : f32 to vector<16xf32>
          %mul3A_518 = arith.mulf %add3A_516, %mul3A_517 : vector<16xf32>
          %swap3A_519 = arith.index_cast %add3A_440 : i32 to index
          %swap3A_520 = arith.constant 80 : index
          %swap3A_521 = tpu.vector_load %arg12[%swap3A_519, %swap3A_520] {strides = array<i32>} : memref<80x128xf32, #tpu.memory_space<vmem>>, vector<16xf32>,
          tpu.vector_store %arg12[%swap3A_519, %swap3A_520], %mul3A_518 {strides = array<i32>} : memref<80x128xf32, #tpu.memory_space<vmem>>, vector<16xf32>,
          %get3A_522 = arith.index_cast %add3A_440 : i32 to index
          %get3A_523 = arith.constant 96 : index
          %get3A_524 = tpu.vector_load %arg10[%get3A_522, %get3A_523] {strides = array<i32>} : memref<80x128xf32, #tpu.memory_space<vmem>>, vector<16xf32>,
          %get3A_525 = arith.index_cast %add3A_440 : i32 to index
          %get3A_526 = arith.constant 96 : index
          %get3A_527 = tpu.vector_load %arg11[%get3A_525, %get3A_526] {strides = array<i32>} : memref<80x128xf32, #tpu.memory_space<vmem>>, vector<16xf32>,
          %add3A_528 = arith.addf %get3A_524, %get3A_527 : vector<16xf32>
          %mul3A_529 = vector.broadcast %reduce_sum3A_449 : f32 to vector<16xf32>
          %mul3A_530 = arith.mulf %add3A_528, %mul3A_529 : vector<16xf32>
          %swap3A_531 = arith.index_cast %add3A_440 : i32 to index
          %swap3A_532 = arith.constant 96 : index
          %swap3A_533 = tpu.vector_load %arg12[%swap3A_531, %swap3A_532] {strides = array<i32>} : memref<80x128xf32, #tpu.memory_space<vmem>>, vector<16xf32>,
          tpu.vector_store %arg12[%swap3A_531, %swap3A_532], %mul3A_530 {strides = array<i32>} : memref<80x128xf32, #tpu.memory_space<vmem>>, vector<16xf32>,
          %get3A_534 = arith.index_cast %add3A_440 : i32 to index
          %get3A_535 = arith.constant 112 : index
          %get3A_536 = tpu.vector_load %arg10[%get3A_534, %get3A_535] {strides = array<i32>} : memref<80x128xf32, #tpu.memory_space<vmem>>, vector<16xf32>,
          %get3A_537 = arith.index_cast %add3A_440 : i32 to index
          %get3A_538 = arith.constant 112 : index
          %get3A_539 = tpu.vector_load %arg11[%get3A_537, %get3A_538] {strides = array<i32>} : memref<80x128xf32, #tpu.memory_space<vmem>>, vector<16xf32>,
          %add3A_540 = arith.addf %get3A_536, %get3A_539 : vector<16xf32>
          %mul3A_541 = vector.broadcast %reduce_sum3A_449 : f32 to vector<16xf32>
          %mul3A_542 = arith.mulf %add3A_540, %mul3A_541 : vector<16xf32>
          %swap3A_543 = arith.index_cast %add3A_440 : i32 to index
          %swap3A_544 = arith.constant 112 : index
          %swap3A_545 = tpu.vector_load %arg12[%swap3A_543, %swap3A_544] {strides = array<i32>} : memref<80x128xf32, #tpu.memory_space<vmem>>, vector<16xf32>,
          tpu.vector_store %arg12[%swap3A_543, %swap3A_544], %mul3A_542 {strides = array<i32>} : memref<80x128xf32, #tpu.memory_space<vmem>>, vector<16xf32>,
        }
        %scan3A_108 = arith.constant 16 : i32
      }
      %scan3A_89 = arith.constant 5 : i32
      "tpu.region"() ({
        %run_scoped3A = tpu.sem_alloc : memref<!tpu.dma_semaphore, #tpu.memory_space<semaphore_mem>>
        %dma_start3A_90 = arith.constant 0 : i32
        %dma_start3A_91 = tpu.memref_slice %arg6[%mul3A_65, %dma_start3A_90] : memref<10000x128xf32, #tpu.memory_space<hbm>> -> memref<80x128xf32, #tpu.memory_space<hbm>>
        %dma_start3A_92 = arith.constant 0 : i32
        %dma_start3A_93 = tpu.memref_slice %arg6[%mul3A_65, %dma_start3A_92] : memref<10000x128xf32, #tpu.memory_space<hbm>> -> memref<80x128xf32, #tpu.memory_space<hbm>>
        tpu.enqueue_dma source(%arg12 : memref<80x128xf32, #tpu.memory_space<vmem>>) target(%dma_start3A_93 : memref<80x128xf32, #tpu.memory_space<hbm>>) target_semaphore(%run_scoped3A : memref<!tpu.dma_semaphore, #tpu.memory_space<semaphore_mem>>)
        %dma_wait3A_94 = arith.constant 0 : i32
        %dma_wait3A_95 = tpu.memref_slice %arg6[%mul3A_65, %dma_wait3A_94] : memref<10000x128xf32, #tpu.memory_space<hbm>> -> memref<80x128xf32, #tpu.memory_space<hbm>>
        %dma_wait3A_96 = arith.constant 0 : i32
        %dma_wait3A_97 = tpu.memref_slice %arg6[%mul3A_65, %dma_wait3A_96] : memref<10000x128xf32, #tpu.memory_space<hbm>> -> memref<80x128xf32, #tpu.memory_space<hbm>>
        tpu.wait_dma2 semaphore(%run_scoped3A : memref<!tpu.dma_semaphore, #tpu.memory_space<semaphore_mem>>) src(%arg12 : memref<80x128xf32, #tpu.memory_space<vmem>>) dst(%dma_wait3A_97 : memref<80x128xf32, #tpu.memory_space<hbm>>)
        tpu.yield
      }) : () -> ()
    }
    %dma_wait3A = tpu.memref_slice %arg4[%mul3A_2] : memref<320000xf32, #tpu.memory_space<hbm>> -> memref<10000xf32, #tpu.memory_space<hbm>>
    %dma_wait3A_42 = tpu.memref_slice %arg4[%mul3A_2] : memref<320000xf32, #tpu.memory_space<hbm>> -> memref<10000xf32, #tpu.memory_space<hbm>>
    tpu.wait_dma2 semaphore(%arg18 : memref<!tpu.dma_semaphore, #tpu.memory_space<semaphore_mem>>) src(%dma_wait3A_42 : memref<10000xf32, #tpu.memory_space<hbm>>) dst(%arg13 : memref<10000xf32, #tpu.memory_space<vmem>>)
    %dma_wait3A_43 = tpu.memref_slice %arg5[%mul3A_2] : memref<320000xi32, #tpu.memory_space<hbm>> -> memref<10000xi32, #tpu.memory_space<hbm>>
    %dma_wait3A_44 = tpu.memref_slice %arg5[%mul3A_2] : memref<320000xi32, #tpu.memory_space<hbm>> -> memref<10000xi32, #tpu.memory_space<hbm>>
    tpu.wait_dma2 semaphore(%arg19 : memref<!tpu.dma_semaphore, #tpu.memory_space<semaphore_mem>>) src(%dma_wait3A_44 : memref<10000xi32, #tpu.memory_space<hbm>>) dst(%arg14 : memref<10000xi32, #tpu.memory_space<vmem>>)
    %scan3A_45 = arith.constant 0 : i32
    %scan3A_46 = arith.constant 0 : i32
    %scan3A_47 = arith.constant 624 : i32
    %scan3A_48 = arith.addi %scan3A_46, %scan3A_47 : i32
    %scan3A_49 = arith.constant 4 : i32
    scf.for %scan3A_60 = %scan3A_46 to %scan3A_48 step %scan3A_49  : i32 {
      %mul3A_61 = arith.constant 16 : i32
      %mul3A_62 = arith.muli %scan3A_60, %mul3A_61 : i32
      %get3A_63 = arith.index_cast %mul3A_62 : i32 to index
      %get3A_64 = tpu.vector_load %arg14[%get3A_63] {strides = array<i32>} : memref<10000xi32, #tpu.memory_space<vmem>>, vector<16xi32>,
      %gather3A_65 = tpu.vector_load_idx %arg9[%get3A_64] : memref<10240xf32, #tpu.memory_space<vmem>>[vector<16xi32>], vector<16xf32>,
      %get3A_66 = arith.index_cast %mul3A_62 : i32 to index
      %get3A_67 = tpu.vector_load %arg13[%get3A_66] {strides = array<i32>} : memref<10000xf32, #tpu.memory_space<vmem>>, vector<16xf32>,
      %div3A_68 = arith.divf %get3A_67, %gather3A_65 : vector<16xf32>
      %swap3A_69 = arith.index_cast %mul3A_62 : i32 to index
      %swap3A_70 = tpu.vector_load %arg15[%swap3A_69] {strides = array<i32>} : memref<10000xf32, #tpu.memory_space<vmem>>, vector<16xf32>,
      tpu.vector_store %arg15[%swap3A_69], %div3A_68 {strides = array<i32>} : memref<10000xf32, #tpu.memory_space<vmem>>, vector<16xf32>,
      %scan3A_71 = arith.constant 1 : i32
      %scan3A_72 = arith.addi %scan3A_60, %scan3A_71 : i32
      %mul3A_73 = arith.constant 16 : i32
      %mul3A_74 = arith.muli %scan3A_72, %mul3A_73 : i32
      %get3A_75 = arith.index_cast %mul3A_74 : i32 to index
      %get3A_76 = tpu.vector_load %arg14[%get3A_75] {strides = array<i32>} : memref<10000xi32, #tpu.memory_space<vmem>>, vector<16xi32>,
      %gather3A_77 = tpu.vector_load_idx %arg9[%get3A_76] : memref<10240xf32, #tpu.memory_space<vmem>>[vector<16xi32>], vector<16xf32>,
      %get3A_78 = arith.index_cast %mul3A_74 : i32 to index
      %get3A_79 = tpu.vector_load %arg13[%get3A_78] {strides = array<i32>} : memref<10000xf32, #tpu.memory_space<vmem>>, vector<16xf32>,
      %div3A_80 = arith.divf %get3A_79, %gather3A_77 : vector<16xf32>
      %swap3A_81 = arith.index_cast %mul3A_74 : i32 to index
      %swap3A_82 = tpu.vector_load %arg15[%swap3A_81] {strides = array<i32>} : memref<10000xf32, #tpu.memory_space<vmem>>, vector<16xf32>,
      tpu.vector_store %arg15[%swap3A_81], %div3A_80 {strides = array<i32>} : memref<10000xf32, #tpu.memory_space<vmem>>, vector<16xf32>,
      %scan3A_83 = arith.constant 2 : i32
      %scan3A_84 = arith.addi %scan3A_60, %scan3A_83 : i32
      %mul3A_85 = arith.constant 16 : i32
      %mul3A_86 = arith.muli %scan3A_84, %mul3A_85 : i32
      %get3A_87 = arith.index_cast %mul3A_86 : i32 to index
      %get3A_88 = tpu.vector_load %arg14[%get3A_87] {strides = array<i32>} : memref<10000xi32, #tpu.memory_space<vmem>>, vector<16xi32>,
      %gather3A_89 = tpu.vector_load_idx %arg9[%get3A_88] : memref<10240xf32, #tpu.memory_space<vmem>>[vector<16xi32>], vector<16xf32>,
      %get3A_90 = arith.index_cast %mul3A_86 : i32 to index
      %get3A_91 = tpu.vector_load %arg13[%get3A_90] {strides = array<i32>} : memref<10000xf32, #tpu.memory_space<vmem>>, vector<16xf32>,
      %div3A_92 = arith.divf %get3A_91, %gather3A_89 : vector<16xf32>
      %swap3A_93 = arith.index_cast %mul3A_86 : i32 to index
      %swap3A_94 = tpu.vector_load %arg15[%swap3A_93] {strides = array<i32>} : memref<10000xf32, #tpu.memory_space<vmem>>, vector<16xf32>,
      tpu.vector_store %arg15[%swap3A_93], %div3A_92 {strides = array<i32>} : memref<10000xf32, #tpu.memory_space<vmem>>, vector<16xf32>,
      %scan3A_95 = arith.constant 3 : i32
      %scan3A_96 = arith.addi %scan3A_60, %scan3A_95 : i32
      %mul3A_97 = arith.constant 16 : i32
      %mul3A_98 = arith.muli %scan3A_96, %mul3A_97 : i32
      %get3A_99 = arith.index_cast %mul3A_98 : i32 to index
      %get3A_100 = tpu.vector_load %arg14[%get3A_99] {strides = array<i32>} : memref<10000xi32, #tpu.memory_space<vmem>>, vector<16xi32>,
      %gather3A_101 = tpu.vector_load_idx %arg9[%get3A_100] : memref<10240xf32, #tpu.memory_space<vmem>>[vector<16xi32>], vector<16xf32>,
      %get3A_102 = arith.index_cast %mul3A_98 : i32 to index
      %get3A_103 = tpu.vector_load %arg13[%get3A_102] {strides = array<i32>} : memref<10000xf32, #tpu.memory_space<vmem>>, vector<16xf32>,
      %div3A_104 = arith.divf %get3A_103, %gather3A_101 : vector<16xf32>
      %swap3A_105 = arith.index_cast %mul3A_98 : i32 to index
      %swap3A_106 = tpu.vector_load %arg15[%swap3A_105] {strides = array<i32>} : memref<10000xf32, #tpu.memory_space<vmem>>, vector<16xf32>,
      tpu.vector_store %arg15[%swap3A_105], %div3A_104 {strides = array<i32>} : memref<10000xf32, #tpu.memory_space<vmem>>, vector<16xf32>,
    }
    %scan3A_50 = arith.constant 624 : i32
    %scan3A_51 = arith.addi %scan3A_46, %scan3A_50 : i32
    %mul3A_52 = arith.constant 16 : i32
    %mul3A_53 = arith.muli %scan3A_51, %mul3A_52 : i32
    %get3A = arith.index_cast %mul3A_53 : i32 to index
    %get3A_54 = tpu.vector_load %arg14[%get3A] {strides = array<i32>} : memref<10000xi32, #tpu.memory_space<vmem>>, vector<16xi32>,
    %gather3A = tpu.vector_load_idx %arg9[%get3A_54] : memref<10240xf32, #tpu.memory_space<vmem>>[vector<16xi32>], vector<16xf32>,
    %get3A_55 = arith.index_cast %mul3A_53 : i32 to index
    %get3A_56 = tpu.vector_load %arg13[%get3A_55] {strides = array<i32>} : memref<10000xf32, #tpu.memory_space<vmem>>, vector<16xf32>,
    %div3A_57 = arith.divf %get3A_56, %gather3A : vector<16xf32>
    %swap3A = arith.index_cast %mul3A_53 : i32 to index
    %swap3A_58 = tpu.vector_load %arg15[%swap3A] {strides = array<i32>} : memref<10000xf32, #tpu.memory_space<vmem>>, vector<16xf32>,
    tpu.vector_store %arg15[%swap3A], %div3A_57 {strides = array<i32>} : memref<10000xf32, #tpu.memory_space<vmem>>, vector<16xf32>,
    %scan3A_59 = arith.constant 625 : i32
    "tpu.region"() ({
      %run_scoped3A = tpu.sem_alloc : memref<!tpu.dma_semaphore, #tpu.memory_space<semaphore_mem>>
      %dma_start3A_60 = tpu.memref_slice %arg7[%mul3A_2] : memref<320000xf32, #tpu.memory_space<hbm>> -> memref<10000xf32, #tpu.memory_space<hbm>>
      %dma_start3A_61 = tpu.memref_slice %arg7[%mul3A_2] : memref<320000xf32, #tpu.memory_space<hbm>> -> memref<10000xf32, #tpu.memory_space<hbm>>
      tpu.enqueue_dma source(%arg15 : memref<10000xf32, #tpu.memory_space<vmem>>) target(%dma_start3A_61 : memref<10000xf32, #tpu.memory_space<hbm>>) target_semaphore(%run_scoped3A : memref<!tpu.dma_semaphore, #tpu.memory_space<semaphore_mem>>)
      %dma_wait3A_62 = tpu.memref_slice %arg7[%mul3A_2] : memref<320000xf32, #tpu.memory_space<hbm>> -> memref<10000xf32, #tpu.memory_space<hbm>>
      %dma_wait3A_63 = tpu.memref_slice %arg7[%mul3A_2] : memref<320000xf32, #tpu.memory_space<hbm>> -> memref<10000xf32, #tpu.memory_space<hbm>>
      tpu.wait_dma2 semaphore(%run_scoped3A : memref<!tpu.dma_semaphore, #tpu.memory_space<semaphore_mem>>) src(%arg15 : memref<10000xf32, #tpu.memory_space<vmem>>) dst(%dma_wait3A_63 : memref<10000xf32, #tpu.memory_space<hbm>>)
      tpu.yield
    }) : () -> ()
    return
  }
}

#map = affine_map<(d0, d1) -> (0, 0)>
#map1 = affine_map<(d0, d1) -> (0)>
module attributes {stable_mosaic.version = 14 : i64} {
  func.func @_edge_body(%arg0: i32, %arg1: i32, %arg2: memref<10000x128xf32, #tpu.memory_space<hbm>>, %arg3: memref<10000x128xf32, #tpu.memory_space<hbm>>, %arg4: memref<10000x128xf32, #tpu.memory_space<hbm>>, %arg5: memref<320000xi32, #tpu.memory_space<hbm>>, %arg6: memref<320000xi32, #tpu.memory_space<hbm>>, %arg7: memref<640x128xf32, #tpu.memory_space<hbm>>, %arg8: memref<640xf32, #tpu.memory_space<hbm>>, %arg9: memref<320000xf32, #tpu.memory_space<hbm>>, %arg10: memref<20480x128xf32, #tpu.memory_space<hbm>>, %arg11: memref<20480xf32, #tpu.memory_space<hbm>>, %arg12: memref<80xi32, #tpu.memory_space<vmem>>, %arg13: memref<80xi32, #tpu.memory_space<vmem>>, %arg14: memref<80xi32, #tpu.memory_space<vmem>>, %arg15: memref<80xi32, #tpu.memory_space<vmem>>, %arg16: memref<80xi32, #tpu.memory_space<vmem>>, %arg17: memref<80xi32, #tpu.memory_space<vmem>>, %arg18: memref<80x128xf32, #tpu.memory_space<vmem>>, %arg19: memref<80x128xf32, #tpu.memory_space<vmem>>, %arg20: memref<80x128xf32, #tpu.memory_space<vmem>>, %arg21: memref<80xf32, #tpu.memory_space<vmem>>, %arg22: memref<80xf32, #tpu.memory_space<vmem>>, %arg23: memref<10240x128xf32, #tpu.memory_space<vmem_shared>>, %arg24: memref<10240xf32, #tpu.memory_space<vmem_shared>>, %arg25: memref<!tpu.dma_semaphore, #tpu.memory_space<semaphore_mem>>, %arg26: memref<!tpu.dma_semaphore, #tpu.memory_space<semaphore_mem>>, %arg27: memref<!tpu.dma_semaphore, #tpu.memory_space<semaphore_mem>>, %arg28: memref<!tpu.dma_semaphore, #tpu.memory_space<semaphore_mem>>, %arg29: memref<!tpu.dma_semaphore, #tpu.memory_space<semaphore_mem>>, %arg30: memref<!tpu.dma_semaphore, #tpu.memory_space<semaphore_mem>>, %arg31: memref<!tpu.dma_semaphore, #tpu.memory_space<semaphore_mem>>) attributes {dimension_semantics = [#tpu.dimension_semantics<core_parallel>, #tpu.dimension_semantics<subcore_parallel>], iteration_bounds = array<i64: 2, 16>, scalar_prefetch = 0 : i64, scratch_operands = 20 : i64, tpu.core_type = #tpu.core_type<sc_vector_subcore>, window_params = [{transform_indices = #map}, {transform_indices = #map}, {transform_indices = #map}, {transform_indices = #map1}, {transform_indices = #map1}, {transform_indices = #map}, {transform_indices = #map1}, {transform_indices = #map1}, {transform_indices = #map}, {transform_indices = #map1}]} {
    %mul3A = arith.constant 2 : i32
    %mul3A_0 = arith.muli %arg1, %mul3A : i32
    %add3A = arith.addi %mul3A_0, %arg0 : i32
    %mul3A_1 = arith.constant 10000 : i32
    %mul3A_2 = arith.muli %add3A, %mul3A_1 : i32
    %mul3A_3 = arith.constant 640 : i32
    %mul3A_4 = arith.muli %arg1, %mul3A_3 : i32
    "tpu.region"() ({
      %run_scoped3A = tpu.sem_alloc : memref<!tpu.dma_semaphore, #tpu.memory_space<semaphore_mem>>
      %dma_start3A_121 = arith.constant 0 : i32
      %dma_start3A_122 = tpu.memref_slice %arg23[%mul3A_4, %dma_start3A_121] : memref<10240x128xf32, #tpu.memory_space<vmem_shared>> -> memref<640x128xf32, #tpu.memory_space<vmem_shared>>
      tpu.enqueue_dma source(%arg7 : memref<640x128xf32, #tpu.memory_space<hbm>>) target(%dma_start3A_122 : memref<640x128xf32, #tpu.memory_space<vmem_shared>>) target_semaphore(%run_scoped3A : memref<!tpu.dma_semaphore, #tpu.memory_space<semaphore_mem>>)
      %dma_wait3A_123 = arith.constant 0 : i32
      %dma_wait3A_124 = tpu.memref_slice %arg23[%mul3A_4, %dma_wait3A_123] : memref<10240x128xf32, #tpu.memory_space<vmem_shared>> -> memref<640x128xf32, #tpu.memory_space<vmem_shared>>
      tpu.wait_dma2 semaphore(%run_scoped3A : memref<!tpu.dma_semaphore, #tpu.memory_space<semaphore_mem>>) src(%arg7 : memref<640x128xf32, #tpu.memory_space<hbm>>) dst(%dma_wait3A_124 : memref<640x128xf32, #tpu.memory_space<vmem_shared>>)
      tpu.yield
    }) : () -> ()
    %mul3A_5 = arith.constant 640 : i32
    %mul3A_6 = arith.muli %arg1, %mul3A_5 : i32
    "tpu.region"() ({
      %run_scoped3A = tpu.sem_alloc : memref<!tpu.dma_semaphore, #tpu.memory_space<semaphore_mem>>
      %dma_start3A_121 = tpu.memref_slice %arg24[%mul3A_6] : memref<10240xf32, #tpu.memory_space<vmem_shared>> -> memref<640xf32, #tpu.memory_space<vmem_shared>>
      tpu.enqueue_dma source(%arg8 : memref<640xf32, #tpu.memory_space<hbm>>) target(%dma_start3A_121 : memref<640xf32, #tpu.memory_space<vmem_shared>>) target_semaphore(%run_scoped3A : memref<!tpu.dma_semaphore, #tpu.memory_space<semaphore_mem>>)
      %dma_wait3A_122 = tpu.memref_slice %arg24[%mul3A_6] : memref<10240xf32, #tpu.memory_space<vmem_shared>> -> memref<640xf32, #tpu.memory_space<vmem_shared>>
      tpu.wait_dma2 semaphore(%run_scoped3A : memref<!tpu.dma_semaphore, #tpu.memory_space<semaphore_mem>>) src(%arg8 : memref<640xf32, #tpu.memory_space<hbm>>) dst(%dma_wait3A_122 : memref<640xf32, #tpu.memory_space<vmem_shared>>)
      tpu.yield
    }) : () -> ()
    %barrier3A = arith.constant 0 : index
    tpu.barrier barrier_id(%barrier3A)
    %iota3A = tpu.iota {dimensions = array<i32: 0>} : vector<16xi32>
    "tpu.region"() ({
      %run_scoped3A = tpu.sem_alloc : memref<!tpu.dma_semaphore, #tpu.memory_space<semaphore_mem>>
      %dma_start3A_121 = tpu.memref_slice %arg5[%mul3A_2] : memref<320000xi32, #tpu.memory_space<hbm>> -> memref<80xi32, #tpu.memory_space<hbm>>
      %dma_start3A_122 = tpu.memref_slice %arg5[%mul3A_2] : memref<320000xi32, #tpu.memory_space<hbm>> -> memref<80xi32, #tpu.memory_space<hbm>>
      tpu.enqueue_dma source(%dma_start3A_122 : memref<80xi32, #tpu.memory_space<hbm>>) target(%arg12 : memref<80xi32, #tpu.memory_space<vmem>>) target_semaphore(%run_scoped3A : memref<!tpu.dma_semaphore, #tpu.memory_space<semaphore_mem>>)
      %dma_wait3A_123 = tpu.memref_slice %arg5[%mul3A_2] : memref<320000xi32, #tpu.memory_space<hbm>> -> memref<80xi32, #tpu.memory_space<hbm>>
      %dma_wait3A_124 = tpu.memref_slice %arg5[%mul3A_2] : memref<320000xi32, #tpu.memory_space<hbm>> -> memref<80xi32, #tpu.memory_space<hbm>>
      tpu.wait_dma2 semaphore(%run_scoped3A : memref<!tpu.dma_semaphore, #tpu.memory_space<semaphore_mem>>) src(%dma_wait3A_124 : memref<80xi32, #tpu.memory_space<hbm>>) dst(%arg12 : memref<80xi32, #tpu.memory_space<vmem>>)
      tpu.yield
    }) : () -> ()
    "tpu.region"() ({
      %run_scoped3A = tpu.sem_alloc : memref<!tpu.dma_semaphore, #tpu.memory_space<semaphore_mem>>
      %dma_start3A_121 = tpu.memref_slice %arg6[%mul3A_2] : memref<320000xi32, #tpu.memory_space<hbm>> -> memref<80xi32, #tpu.memory_space<hbm>>
      %dma_start3A_122 = tpu.memref_slice %arg6[%mul3A_2] : memref<320000xi32, #tpu.memory_space<hbm>> -> memref<80xi32, #tpu.memory_space<hbm>>
      tpu.enqueue_dma source(%dma_start3A_122 : memref<80xi32, #tpu.memory_space<hbm>>) target(%arg13 : memref<80xi32, #tpu.memory_space<vmem>>) target_semaphore(%run_scoped3A : memref<!tpu.dma_semaphore, #tpu.memory_space<semaphore_mem>>)
      %dma_wait3A_123 = tpu.memref_slice %arg6[%mul3A_2] : memref<320000xi32, #tpu.memory_space<hbm>> -> memref<80xi32, #tpu.memory_space<hbm>>
      %dma_wait3A_124 = tpu.memref_slice %arg6[%mul3A_2] : memref<320000xi32, #tpu.memory_space<hbm>> -> memref<80xi32, #tpu.memory_space<hbm>>
      tpu.wait_dma2 semaphore(%run_scoped3A : memref<!tpu.dma_semaphore, #tpu.memory_space<semaphore_mem>>) src(%dma_wait3A_124 : memref<80xi32, #tpu.memory_space<hbm>>) dst(%arg13 : memref<80xi32, #tpu.memory_space<vmem>>)
      tpu.yield
    }) : () -> ()
    %dma_start3A = arith.constant 0 : i32
    %dma_start3A_7 = arith.constant 0 : i32
    %dma_start3A_8 = tpu.memref_slice %arg2[%dma_start3A, %dma_start3A_7] : memref<10000x128xf32, #tpu.memory_space<hbm>> -> memref<10000x128xf32, #tpu.memory_space<hbm>>
    tpu.enqueue_indirect_dma source(%dma_start3A_8 : memref<10000x128xf32, #tpu.memory_space<hbm>>) target(%arg18 : memref<80x128xf32, #tpu.memory_space<vmem>>) offsets(%arg12 : memref<80xi32, #tpu.memory_space<vmem>>) semaphore(%arg26 : memref<!tpu.dma_semaphore, #tpu.memory_space<semaphore_mem>>)
    %dma_start3A_9 = arith.constant 0 : i32
    %dma_start3A_10 = arith.constant 0 : i32
    %dma_start3A_11 = tpu.memref_slice %arg3[%dma_start3A_9, %dma_start3A_10] : memref<10000x128xf32, #tpu.memory_space<hbm>> -> memref<10000x128xf32, #tpu.memory_space<hbm>>
    tpu.enqueue_indirect_dma source(%dma_start3A_11 : memref<10000x128xf32, #tpu.memory_space<hbm>>) target(%arg19 : memref<80x128xf32, #tpu.memory_space<vmem>>) offsets(%arg13 : memref<80xi32, #tpu.memory_space<vmem>>) semaphore(%arg27 : memref<!tpu.dma_semaphore, #tpu.memory_space<semaphore_mem>>)
    %dma_wait3A = arith.constant 0 : i32
    %dma_wait3A_12 = arith.constant 0 : i32
    %dma_wait3A_13 = tpu.memref_slice %arg2[%dma_wait3A, %dma_wait3A_12] : memref<10000x128xf32, #tpu.memory_space<hbm>> -> memref<10000x128xf32, #tpu.memory_space<hbm>>
    tpu.wait_indirect_dma semaphore(%arg26 : memref<!tpu.dma_semaphore, #tpu.memory_space<semaphore_mem>>) src(%dma_wait3A_13 : memref<10000x128xf32, #tpu.memory_space<hbm>>) dst(%arg18 : memref<80x128xf32, #tpu.memory_space<vmem>>)
    %dma_wait3A_14 = arith.constant 0 : i32
    %dma_wait3A_15 = arith.constant 0 : i32
    %dma_wait3A_16 = tpu.memref_slice %arg3[%dma_wait3A_14, %dma_wait3A_15] : memref<10000x128xf32, #tpu.memory_space<hbm>> -> memref<10000x128xf32, #tpu.memory_space<hbm>>
    tpu.wait_indirect_dma semaphore(%arg27 : memref<!tpu.dma_semaphore, #tpu.memory_space<semaphore_mem>>) src(%dma_wait3A_16 : memref<10000x128xf32, #tpu.memory_space<hbm>>) dst(%arg19 : memref<80x128xf32, #tpu.memory_space<vmem>>)
    %add3A_17 = arith.constant 0 : i32
    %add3A_18 = arith.constant 1 : i32
    %add3A_19 = arith.addi %add3A_17, %add3A_18 : i32
    %mul3A_20 = arith.constant 80 : i32
    %mul3A_21 = arith.muli %add3A_19, %mul3A_20 : i32
    %add3A_22 = arith.addi %mul3A_21, %mul3A_2 : i32
    %min3A = arith.constant 319920 : i32
    %min3A_23 = arith.minsi %add3A_22, %min3A : i32
    %dma_start3A_24 = tpu.memref_slice %arg5[%min3A_23] : memref<320000xi32, #tpu.memory_space<hbm>> -> memref<80xi32, #tpu.memory_space<hbm>>
    %dma_start3A_25 = tpu.memref_slice %arg5[%min3A_23] : memref<320000xi32, #tpu.memory_space<hbm>> -> memref<80xi32, #tpu.memory_space<hbm>>
    tpu.enqueue_dma source(%dma_start3A_25 : memref<80xi32, #tpu.memory_space<hbm>>) target(%arg14 : memref<80xi32, #tpu.memory_space<vmem>>) target_semaphore(%arg25 : memref<!tpu.dma_semaphore, #tpu.memory_space<semaphore_mem>>)
    %dma_start3A_26 = tpu.memref_slice %arg6[%min3A_23] : memref<320000xi32, #tpu.memory_space<hbm>> -> memref<80xi32, #tpu.memory_space<hbm>>
    %dma_start3A_27 = tpu.memref_slice %arg6[%min3A_23] : memref<320000xi32, #tpu.memory_space<hbm>> -> memref<80xi32, #tpu.memory_space<hbm>>
    tpu.enqueue_dma source(%dma_start3A_27 : memref<80xi32, #tpu.memory_space<hbm>>) target(%arg15 : memref<80xi32, #tpu.memory_space<vmem>>) target_semaphore(%arg25 : memref<!tpu.dma_semaphore, #tpu.memory_space<semaphore_mem>>)
    %dma_start3A_28 = arith.constant 0 : i32
    %dma_start3A_29 = arith.constant 0 : i32
    %dma_start3A_30 = tpu.memref_slice %arg4[%dma_start3A_28, %dma_start3A_29] : memref<10000x128xf32, #tpu.memory_space<hbm>> -> memref<10000x128xf32, #tpu.memory_space<hbm>>
    tpu.enqueue_indirect_dma source(%dma_start3A_30 : memref<10000x128xf32, #tpu.memory_space<hbm>>) target(%arg20 : memref<80x128xf32, #tpu.memory_space<vmem>>) offsets(%arg12 : memref<80xi32, #tpu.memory_space<vmem>>) semaphore(%arg28 : memref<!tpu.dma_semaphore, #tpu.memory_space<semaphore_mem>>)
    %scan3A = arith.constant 0 : i32
    %scan3A_31 = arith.constant 0 : i32
    %scan3A_32 = arith.constant 5 : i32
    %scan3A_33 = arith.addi %scan3A_31, %scan3A_32 : i32
    %scan3A_34 = arith.constant 1 : i32
    scf.for %scan3A_121 = %scan3A_31 to %scan3A_33 step %scan3A_34  : i32 {
      %broadcast_in_dim3A = arith.constant 0.000000e+00 : f32
      %broadcast_in_dim3A_122 = vector.broadcast %broadcast_in_dim3A : f32 to vector<16xf32>
      %scan3A_123 = arith.constant 0 : i32
      %scan3A_124 = arith.constant 16 : i32
      %scan3A_125 = arith.addi %scan3A_123, %scan3A_124 : i32
      %scan3A_126 = arith.constant 4 : i32
      %scan3A_127 = scf.for %scan3A_136 = %scan3A_123 to %scan3A_125 step %scan3A_126 iter_args(%scan3A_137 = %broadcast_in_dim3A_122) -> (vector<16xf32>)  : i32 {
        %mul3A_138 = arith.constant 16 : i32
        %mul3A_139 = arith.muli %scan3A_121, %mul3A_138 : i32
        %add3A_140 = arith.addi %mul3A_139, %scan3A_136 : i32
        %get3A_141 = arith.index_cast %add3A_140 : i32 to index
        %get3A_142 = arith.constant 0 : index
        %get3A_143 = tpu.vector_load %arg18[%get3A_141, %get3A_142] {strides = array<i32>} : memref<80x128xf32, #tpu.memory_space<vmem>>, vector<16xf32>,
        %get3A_144 = arith.index_cast %add3A_140 : i32 to index
        %get3A_145 = arith.constant 0 : index
        %get3A_146 = tpu.vector_load %arg19[%get3A_144, %get3A_145] {strides = array<i32>} : memref<80x128xf32, #tpu.memory_space<vmem>>, vector<16xf32>,
        %mul3A_147 = arith.mulf %get3A_143, %get3A_146 : vector<16xf32>
        %get3A_148 = arith.index_cast %add3A_140 : i32 to index
        %get3A_149 = arith.constant 16 : index
        %get3A_150 = tpu.vector_load %arg18[%get3A_148, %get3A_149] {strides = array<i32>} : memref<80x128xf32, #tpu.memory_space<vmem>>, vector<16xf32>,
        %get3A_151 = arith.index_cast %add3A_140 : i32 to index
        %get3A_152 = arith.constant 16 : index
        %get3A_153 = tpu.vector_load %arg19[%get3A_151, %get3A_152] {strides = array<i32>} : memref<80x128xf32, #tpu.memory_space<vmem>>, vector<16xf32>,
        %mul3A_154 = arith.mulf %get3A_150, %get3A_153 : vector<16xf32>
        %add3A_155 = arith.addf %mul3A_147, %mul3A_154 : vector<16xf32>
        %get3A_156 = arith.index_cast %add3A_140 : i32 to index
        %get3A_157 = arith.constant 32 : index
        %get3A_158 = tpu.vector_load %arg18[%get3A_156, %get3A_157] {strides = array<i32>} : memref<80x128xf32, #tpu.memory_space<vmem>>, vector<16xf32>,
        %get3A_159 = arith.index_cast %add3A_140 : i32 to index
        %get3A_160 = arith.constant 32 : index
        %get3A_161 = tpu.vector_load %arg19[%get3A_159, %get3A_160] {strides = array<i32>} : memref<80x128xf32, #tpu.memory_space<vmem>>, vector<16xf32>,
        %mul3A_162 = arith.mulf %get3A_158, %get3A_161 : vector<16xf32>
        %add3A_163 = arith.addf %add3A_155, %mul3A_162 : vector<16xf32>
        %get3A_164 = arith.index_cast %add3A_140 : i32 to index
        %get3A_165 = arith.constant 48 : index
        %get3A_166 = tpu.vector_load %arg18[%get3A_164, %get3A_165] {strides = array<i32>} : memref<80x128xf32, #tpu.memory_space<vmem>>, vector<16xf32>,
        %get3A_167 = arith.index_cast %add3A_140 : i32 to index
        %get3A_168 = arith.constant 48 : index
        %get3A_169 = tpu.vector_load %arg19[%get3A_167, %get3A_168] {strides = array<i32>} : memref<80x128xf32, #tpu.memory_space<vmem>>, vector<16xf32>,
        %mul3A_170 = arith.mulf %get3A_166, %get3A_169 : vector<16xf32>
        %add3A_171 = arith.addf %add3A_163, %mul3A_170 : vector<16xf32>
        %get3A_172 = arith.index_cast %add3A_140 : i32 to index
        %get3A_173 = arith.constant 64 : index
        %get3A_174 = tpu.vector_load %arg18[%get3A_172, %get3A_173] {strides = array<i32>} : memref<80x128xf32, #tpu.memory_space<vmem>>, vector<16xf32>,
        %get3A_175 = arith.index_cast %add3A_140 : i32 to index
        %get3A_176 = arith.constant 64 : index
        %get3A_177 = tpu.vector_load %arg19[%get3A_175, %get3A_176] {strides = array<i32>} : memref<80x128xf32, #tpu.memory_space<vmem>>, vector<16xf32>,
        %mul3A_178 = arith.mulf %get3A_174, %get3A_177 : vector<16xf32>
        %add3A_179 = arith.addf %add3A_171, %mul3A_178 : vector<16xf32>
        %get3A_180 = arith.index_cast %add3A_140 : i32 to index
        %get3A_181 = arith.constant 80 : index
        %get3A_182 = tpu.vector_load %arg18[%get3A_180, %get3A_181] {strides = array<i32>} : memref<80x128xf32, #tpu.memory_space<vmem>>, vector<16xf32>,
        %get3A_183 = arith.index_cast %add3A_140 : i32 to index
        %get3A_184 = arith.constant 80 : index
        %get3A_185 = tpu.vector_load %arg19[%get3A_183, %get3A_184] {strides = array<i32>} : memref<80x128xf32, #tpu.memory_space<vmem>>, vector<16xf32>,
        %mul3A_186 = arith.mulf %get3A_182, %get3A_185 : vector<16xf32>
        %add3A_187 = arith.addf %add3A_179, %mul3A_186 : vector<16xf32>
        %get3A_188 = arith.index_cast %add3A_140 : i32 to index
        %get3A_189 = arith.constant 96 : index
        %get3A_190 = tpu.vector_load %arg18[%get3A_188, %get3A_189] {strides = array<i32>} : memref<80x128xf32, #tpu.memory_space<vmem>>, vector<16xf32>,
        %get3A_191 = arith.index_cast %add3A_140 : i32 to index
        %get3A_192 = arith.constant 96 : index
        %get3A_193 = tpu.vector_load %arg19[%get3A_191, %get3A_192] {strides = array<i32>} : memref<80x128xf32, #tpu.memory_space<vmem>>, vector<16xf32>,
        %mul3A_194 = arith.mulf %get3A_190, %get3A_193 : vector<16xf32>
        %add3A_195 = arith.addf %add3A_187, %mul3A_194 : vector<16xf32>
        %get3A_196 = arith.index_cast %add3A_140 : i32 to index
        %get3A_197 = arith.constant 112 : index
        %get3A_198 = tpu.vector_load %arg18[%get3A_196, %get3A_197] {strides = array<i32>} : memref<80x128xf32, #tpu.memory_space<vmem>>, vector<16xf32>,
        %get3A_199 = arith.index_cast %add3A_140 : i32 to index
        %get3A_200 = arith.constant 112 : index
        %get3A_201 = tpu.vector_load %arg19[%get3A_199, %get3A_200] {strides = array<i32>} : memref<80x128xf32, #tpu.memory_space<vmem>>, vector<16xf32>,
        %mul3A_202 = arith.mulf %get3A_198, %get3A_201 : vector<16xf32>
        %add3A_203 = arith.addf %add3A_195, %mul3A_202 : vector<16xf32>
        %reduce_sum3A = arith.constant true
        %reduce_sum3A_204 = vector.broadcast %reduce_sum3A : i1 to vector<16xi1>
        %reduce_sum3A_205 = tpu.scan <sum>, %add3A_203 masked %reduce_sum3A_204 : vector<16xf32>, vector<16xi1> -> vector<16xf32>
        %reduce_sum3A_206 = vector.extract %reduce_sum3A_205[15] : f32 from vector<16xf32>
        %eq3A = vector.broadcast %scan3A_136 : i32 to vector<16xi32>
        %eq3A_207 = arith.cmpi eq, %iota3A, %eq3A : vector<16xi32>
        %broadcast_in_dim3A_208 = vector.broadcast %reduce_sum3A_206 : f32 to vector<16xf32>
        %select_n3A = arith.select %eq3A_207, %broadcast_in_dim3A_208, %scan3A_137 : vector<16xi1>, vector<16xf32>
        %scan3A_209 = arith.constant 1 : i32
        %scan3A_210 = arith.addi %scan3A_136, %scan3A_209 : i32
        %mul3A_211 = arith.constant 16 : i32
        %mul3A_212 = arith.muli %scan3A_121, %mul3A_211 : i32
        %add3A_213 = arith.addi %mul3A_212, %scan3A_210 : i32
        %get3A_214 = arith.index_cast %add3A_213 : i32 to index
        %get3A_215 = arith.constant 0 : index
        %get3A_216 = tpu.vector_load %arg18[%get3A_214, %get3A_215] {strides = array<i32>} : memref<80x128xf32, #tpu.memory_space<vmem>>, vector<16xf32>,
        %get3A_217 = arith.index_cast %add3A_213 : i32 to index
        %get3A_218 = arith.constant 0 : index
        %get3A_219 = tpu.vector_load %arg19[%get3A_217, %get3A_218] {strides = array<i32>} : memref<80x128xf32, #tpu.memory_space<vmem>>, vector<16xf32>,
        %mul3A_220 = arith.mulf %get3A_216, %get3A_219 : vector<16xf32>
        %get3A_221 = arith.index_cast %add3A_213 : i32 to index
        %get3A_222 = arith.constant 16 : index
        %get3A_223 = tpu.vector_load %arg18[%get3A_221, %get3A_222] {strides = array<i32>} : memref<80x128xf32, #tpu.memory_space<vmem>>, vector<16xf32>,
        %get3A_224 = arith.index_cast %add3A_213 : i32 to index
        %get3A_225 = arith.constant 16 : index
        %get3A_226 = tpu.vector_load %arg19[%get3A_224, %get3A_225] {strides = array<i32>} : memref<80x128xf32, #tpu.memory_space<vmem>>, vector<16xf32>,
        %mul3A_227 = arith.mulf %get3A_223, %get3A_226 : vector<16xf32>
        %add3A_228 = arith.addf %mul3A_220, %mul3A_227 : vector<16xf32>
        %get3A_229 = arith.index_cast %add3A_213 : i32 to index
        %get3A_230 = arith.constant 32 : index
        %get3A_231 = tpu.vector_load %arg18[%get3A_229, %get3A_230] {strides = array<i32>} : memref<80x128xf32, #tpu.memory_space<vmem>>, vector<16xf32>,
        %get3A_232 = arith.index_cast %add3A_213 : i32 to index
        %get3A_233 = arith.constant 32 : index
        %get3A_234 = tpu.vector_load %arg19[%get3A_232, %get3A_233] {strides = array<i32>} : memref<80x128xf32, #tpu.memory_space<vmem>>, vector<16xf32>,
        %mul3A_235 = arith.mulf %get3A_231, %get3A_234 : vector<16xf32>
        %add3A_236 = arith.addf %add3A_228, %mul3A_235 : vector<16xf32>
        %get3A_237 = arith.index_cast %add3A_213 : i32 to index
        %get3A_238 = arith.constant 48 : index
        %get3A_239 = tpu.vector_load %arg18[%get3A_237, %get3A_238] {strides = array<i32>} : memref<80x128xf32, #tpu.memory_space<vmem>>, vector<16xf32>,
        %get3A_240 = arith.index_cast %add3A_213 : i32 to index
        %get3A_241 = arith.constant 48 : index
        %get3A_242 = tpu.vector_load %arg19[%get3A_240, %get3A_241] {strides = array<i32>} : memref<80x128xf32, #tpu.memory_space<vmem>>, vector<16xf32>,
        %mul3A_243 = arith.mulf %get3A_239, %get3A_242 : vector<16xf32>
        %add3A_244 = arith.addf %add3A_236, %mul3A_243 : vector<16xf32>
        %get3A_245 = arith.index_cast %add3A_213 : i32 to index
        %get3A_246 = arith.constant 64 : index
        %get3A_247 = tpu.vector_load %arg18[%get3A_245, %get3A_246] {strides = array<i32>} : memref<80x128xf32, #tpu.memory_space<vmem>>, vector<16xf32>,
        %get3A_248 = arith.index_cast %add3A_213 : i32 to index
        %get3A_249 = arith.constant 64 : index
        %get3A_250 = tpu.vector_load %arg19[%get3A_248, %get3A_249] {strides = array<i32>} : memref<80x128xf32, #tpu.memory_space<vmem>>, vector<16xf32>,
        %mul3A_251 = arith.mulf %get3A_247, %get3A_250 : vector<16xf32>
        %add3A_252 = arith.addf %add3A_244, %mul3A_251 : vector<16xf32>
        %get3A_253 = arith.index_cast %add3A_213 : i32 to index
        %get3A_254 = arith.constant 80 : index
        %get3A_255 = tpu.vector_load %arg18[%get3A_253, %get3A_254] {strides = array<i32>} : memref<80x128xf32, #tpu.memory_space<vmem>>, vector<16xf32>,
        %get3A_256 = arith.index_cast %add3A_213 : i32 to index
        %get3A_257 = arith.constant 80 : index
        %get3A_258 = tpu.vector_load %arg19[%get3A_256, %get3A_257] {strides = array<i32>} : memref<80x128xf32, #tpu.memory_space<vmem>>, vector<16xf32>,
        %mul3A_259 = arith.mulf %get3A_255, %get3A_258 : vector<16xf32>
        %add3A_260 = arith.addf %add3A_252, %mul3A_259 : vector<16xf32>
        %get3A_261 = arith.index_cast %add3A_213 : i32 to index
        %get3A_262 = arith.constant 96 : index
        %get3A_263 = tpu.vector_load %arg18[%get3A_261, %get3A_262] {strides = array<i32>} : memref<80x128xf32, #tpu.memory_space<vmem>>, vector<16xf32>,
        %get3A_264 = arith.index_cast %add3A_213 : i32 to index
        %get3A_265 = arith.constant 96 : index
        %get3A_266 = tpu.vector_load %arg19[%get3A_264, %get3A_265] {strides = array<i32>} : memref<80x128xf32, #tpu.memory_space<vmem>>, vector<16xf32>,
        %mul3A_267 = arith.mulf %get3A_263, %get3A_266 : vector<16xf32>
        %add3A_268 = arith.addf %add3A_260, %mul3A_267 : vector<16xf32>
        %get3A_269 = arith.index_cast %add3A_213 : i32 to index
        %get3A_270 = arith.constant 112 : index
        %get3A_271 = tpu.vector_load %arg18[%get3A_269, %get3A_270] {strides = array<i32>} : memref<80x128xf32, #tpu.memory_space<vmem>>, vector<16xf32>,
        %get3A_272 = arith.index_cast %add3A_213 : i32 to index
        %get3A_273 = arith.constant 112 : index
        %get3A_274 = tpu.vector_load %arg19[%get3A_272, %get3A_273] {strides = array<i32>} : memref<80x128xf32, #tpu.memory_space<vmem>>, vector<16xf32>,
        %mul3A_275 = arith.mulf %get3A_271, %get3A_274 : vector<16xf32>
        %add3A_276 = arith.addf %add3A_268, %mul3A_275 : vector<16xf32>
        %reduce_sum3A_277 = arith.constant true
        %reduce_sum3A_278 = vector.broadcast %reduce_sum3A_277 : i1 to vector<16xi1>
        %reduce_sum3A_279 = tpu.scan <sum>, %add3A_276 masked %reduce_sum3A_278 : vector<16xf32>, vector<16xi1> -> vector<16xf32>
        %reduce_sum3A_280 = vector.extract %reduce_sum3A_279[15] : f32 from vector<16xf32>
        %eq3A_281 = vector.broadcast %scan3A_210 : i32 to vector<16xi32>
        %eq3A_282 = arith.cmpi eq, %iota3A, %eq3A_281 : vector<16xi32>
        %broadcast_in_dim3A_283 = vector.broadcast %reduce_sum3A_280 : f32 to vector<16xf32>
        %select_n3A_284 = arith.select %eq3A_282, %broadcast_in_dim3A_283, %select_n3A : vector<16xi1>, vector<16xf32>
        %scan3A_285 = arith.constant 2 : i32
        %scan3A_286 = arith.addi %scan3A_136, %scan3A_285 : i32
        %mul3A_287 = arith.constant 16 : i32
        %mul3A_288 = arith.muli %scan3A_121, %mul3A_287 : i32
        %add3A_289 = arith.addi %mul3A_288, %scan3A_286 : i32
        %get3A_290 = arith.index_cast %add3A_289 : i32 to index
        %get3A_291 = arith.constant 0 : index
        %get3A_292 = tpu.vector_load %arg18[%get3A_290, %get3A_291] {strides = array<i32>} : memref<80x128xf32, #tpu.memory_space<vmem>>, vector<16xf32>,
        %get3A_293 = arith.index_cast %add3A_289 : i32 to index
        %get3A_294 = arith.constant 0 : index
        %get3A_295 = tpu.vector_load %arg19[%get3A_293, %get3A_294] {strides = array<i32>} : memref<80x128xf32, #tpu.memory_space<vmem>>, vector<16xf32>,
        %mul3A_296 = arith.mulf %get3A_292, %get3A_295 : vector<16xf32>
        %get3A_297 = arith.index_cast %add3A_289 : i32 to index
        %get3A_298 = arith.constant 16 : index
        %get3A_299 = tpu.vector_load %arg18[%get3A_297, %get3A_298] {strides = array<i32>} : memref<80x128xf32, #tpu.memory_space<vmem>>, vector<16xf32>,
        %get3A_300 = arith.index_cast %add3A_289 : i32 to index
        %get3A_301 = arith.constant 16 : index
        %get3A_302 = tpu.vector_load %arg19[%get3A_300, %get3A_301] {strides = array<i32>} : memref<80x128xf32, #tpu.memory_space<vmem>>, vector<16xf32>,
        %mul3A_303 = arith.mulf %get3A_299, %get3A_302 : vector<16xf32>
        %add3A_304 = arith.addf %mul3A_296, %mul3A_303 : vector<16xf32>
        %get3A_305 = arith.index_cast %add3A_289 : i32 to index
        %get3A_306 = arith.constant 32 : index
        %get3A_307 = tpu.vector_load %arg18[%get3A_305, %get3A_306] {strides = array<i32>} : memref<80x128xf32, #tpu.memory_space<vmem>>, vector<16xf32>,
        %get3A_308 = arith.index_cast %add3A_289 : i32 to index
        %get3A_309 = arith.constant 32 : index
        %get3A_310 = tpu.vector_load %arg19[%get3A_308, %get3A_309] {strides = array<i32>} : memref<80x128xf32, #tpu.memory_space<vmem>>, vector<16xf32>,
        %mul3A_311 = arith.mulf %get3A_307, %get3A_310 : vector<16xf32>
        %add3A_312 = arith.addf %add3A_304, %mul3A_311 : vector<16xf32>
        %get3A_313 = arith.index_cast %add3A_289 : i32 to index
        %get3A_314 = arith.constant 48 : index
        %get3A_315 = tpu.vector_load %arg18[%get3A_313, %get3A_314] {strides = array<i32>} : memref<80x128xf32, #tpu.memory_space<vmem>>, vector<16xf32>,
        %get3A_316 = arith.index_cast %add3A_289 : i32 to index
        %get3A_317 = arith.constant 48 : index
        %get3A_318 = tpu.vector_load %arg19[%get3A_316, %get3A_317] {strides = array<i32>} : memref<80x128xf32, #tpu.memory_space<vmem>>, vector<16xf32>,
        %mul3A_319 = arith.mulf %get3A_315, %get3A_318 : vector<16xf32>
        %add3A_320 = arith.addf %add3A_312, %mul3A_319 : vector<16xf32>
        %get3A_321 = arith.index_cast %add3A_289 : i32 to index
        %get3A_322 = arith.constant 64 : index
        %get3A_323 = tpu.vector_load %arg18[%get3A_321, %get3A_322] {strides = array<i32>} : memref<80x128xf32, #tpu.memory_space<vmem>>, vector<16xf32>,
        %get3A_324 = arith.index_cast %add3A_289 : i32 to index
        %get3A_325 = arith.constant 64 : index
        %get3A_326 = tpu.vector_load %arg19[%get3A_324, %get3A_325] {strides = array<i32>} : memref<80x128xf32, #tpu.memory_space<vmem>>, vector<16xf32>,
        %mul3A_327 = arith.mulf %get3A_323, %get3A_326 : vector<16xf32>
        %add3A_328 = arith.addf %add3A_320, %mul3A_327 : vector<16xf32>
        %get3A_329 = arith.index_cast %add3A_289 : i32 to index
        %get3A_330 = arith.constant 80 : index
        %get3A_331 = tpu.vector_load %arg18[%get3A_329, %get3A_330] {strides = array<i32>} : memref<80x128xf32, #tpu.memory_space<vmem>>, vector<16xf32>,
        %get3A_332 = arith.index_cast %add3A_289 : i32 to index
        %get3A_333 = arith.constant 80 : index
        %get3A_334 = tpu.vector_load %arg19[%get3A_332, %get3A_333] {strides = array<i32>} : memref<80x128xf32, #tpu.memory_space<vmem>>, vector<16xf32>,
        %mul3A_335 = arith.mulf %get3A_331, %get3A_334 : vector<16xf32>
        %add3A_336 = arith.addf %add3A_328, %mul3A_335 : vector<16xf32>
        %get3A_337 = arith.index_cast %add3A_289 : i32 to index
        %get3A_338 = arith.constant 96 : index
        %get3A_339 = tpu.vector_load %arg18[%get3A_337, %get3A_338] {strides = array<i32>} : memref<80x128xf32, #tpu.memory_space<vmem>>, vector<16xf32>,
        %get3A_340 = arith.index_cast %add3A_289 : i32 to index
        %get3A_341 = arith.constant 96 : index
        %get3A_342 = tpu.vector_load %arg19[%get3A_340, %get3A_341] {strides = array<i32>} : memref<80x128xf32, #tpu.memory_space<vmem>>, vector<16xf32>,
        %mul3A_343 = arith.mulf %get3A_339, %get3A_342 : vector<16xf32>
        %add3A_344 = arith.addf %add3A_336, %mul3A_343 : vector<16xf32>
        %get3A_345 = arith.index_cast %add3A_289 : i32 to index
        %get3A_346 = arith.constant 112 : index
        %get3A_347 = tpu.vector_load %arg18[%get3A_345, %get3A_346] {strides = array<i32>} : memref<80x128xf32, #tpu.memory_space<vmem>>, vector<16xf32>,
        %get3A_348 = arith.index_cast %add3A_289 : i32 to index
        %get3A_349 = arith.constant 112 : index
        %get3A_350 = tpu.vector_load %arg19[%get3A_348, %get3A_349] {strides = array<i32>} : memref<80x128xf32, #tpu.memory_space<vmem>>, vector<16xf32>,
        %mul3A_351 = arith.mulf %get3A_347, %get3A_350 : vector<16xf32>
        %add3A_352 = arith.addf %add3A_344, %mul3A_351 : vector<16xf32>
        %reduce_sum3A_353 = arith.constant true
        %reduce_sum3A_354 = vector.broadcast %reduce_sum3A_353 : i1 to vector<16xi1>
        %reduce_sum3A_355 = tpu.scan <sum>, %add3A_352 masked %reduce_sum3A_354 : vector<16xf32>, vector<16xi1> -> vector<16xf32>
        %reduce_sum3A_356 = vector.extract %reduce_sum3A_355[15] : f32 from vector<16xf32>
        %eq3A_357 = vector.broadcast %scan3A_286 : i32 to vector<16xi32>
        %eq3A_358 = arith.cmpi eq, %iota3A, %eq3A_357 : vector<16xi32>
        %broadcast_in_dim3A_359 = vector.broadcast %reduce_sum3A_356 : f32 to vector<16xf32>
        %select_n3A_360 = arith.select %eq3A_358, %broadcast_in_dim3A_359, %select_n3A_284 : vector<16xi1>, vector<16xf32>
        %scan3A_361 = arith.constant 3 : i32
        %scan3A_362 = arith.addi %scan3A_136, %scan3A_361 : i32
        %mul3A_363 = arith.constant 16 : i32
        %mul3A_364 = arith.muli %scan3A_121, %mul3A_363 : i32
        %add3A_365 = arith.addi %mul3A_364, %scan3A_362 : i32
        %get3A_366 = arith.index_cast %add3A_365 : i32 to index
        %get3A_367 = arith.constant 0 : index
        %get3A_368 = tpu.vector_load %arg18[%get3A_366, %get3A_367] {strides = array<i32>} : memref<80x128xf32, #tpu.memory_space<vmem>>, vector<16xf32>,
        %get3A_369 = arith.index_cast %add3A_365 : i32 to index
        %get3A_370 = arith.constant 0 : index
        %get3A_371 = tpu.vector_load %arg19[%get3A_369, %get3A_370] {strides = array<i32>} : memref<80x128xf32, #tpu.memory_space<vmem>>, vector<16xf32>,
        %mul3A_372 = arith.mulf %get3A_368, %get3A_371 : vector<16xf32>
        %get3A_373 = arith.index_cast %add3A_365 : i32 to index
        %get3A_374 = arith.constant 16 : index
        %get3A_375 = tpu.vector_load %arg18[%get3A_373, %get3A_374] {strides = array<i32>} : memref<80x128xf32, #tpu.memory_space<vmem>>, vector<16xf32>,
        %get3A_376 = arith.index_cast %add3A_365 : i32 to index
        %get3A_377 = arith.constant 16 : index
        %get3A_378 = tpu.vector_load %arg19[%get3A_376, %get3A_377] {strides = array<i32>} : memref<80x128xf32, #tpu.memory_space<vmem>>, vector<16xf32>,
        %mul3A_379 = arith.mulf %get3A_375, %get3A_378 : vector<16xf32>
        %add3A_380 = arith.addf %mul3A_372, %mul3A_379 : vector<16xf32>
        %get3A_381 = arith.index_cast %add3A_365 : i32 to index
        %get3A_382 = arith.constant 32 : index
        %get3A_383 = tpu.vector_load %arg18[%get3A_381, %get3A_382] {strides = array<i32>} : memref<80x128xf32, #tpu.memory_space<vmem>>, vector<16xf32>,
        %get3A_384 = arith.index_cast %add3A_365 : i32 to index
        %get3A_385 = arith.constant 32 : index
        %get3A_386 = tpu.vector_load %arg19[%get3A_384, %get3A_385] {strides = array<i32>} : memref<80x128xf32, #tpu.memory_space<vmem>>, vector<16xf32>,
        %mul3A_387 = arith.mulf %get3A_383, %get3A_386 : vector<16xf32>
        %add3A_388 = arith.addf %add3A_380, %mul3A_387 : vector<16xf32>
        %get3A_389 = arith.index_cast %add3A_365 : i32 to index
        %get3A_390 = arith.constant 48 : index
        %get3A_391 = tpu.vector_load %arg18[%get3A_389, %get3A_390] {strides = array<i32>} : memref<80x128xf32, #tpu.memory_space<vmem>>, vector<16xf32>,
        %get3A_392 = arith.index_cast %add3A_365 : i32 to index
        %get3A_393 = arith.constant 48 : index
        %get3A_394 = tpu.vector_load %arg19[%get3A_392, %get3A_393] {strides = array<i32>} : memref<80x128xf32, #tpu.memory_space<vmem>>, vector<16xf32>,
        %mul3A_395 = arith.mulf %get3A_391, %get3A_394 : vector<16xf32>
        %add3A_396 = arith.addf %add3A_388, %mul3A_395 : vector<16xf32>
        %get3A_397 = arith.index_cast %add3A_365 : i32 to index
        %get3A_398 = arith.constant 64 : index
        %get3A_399 = tpu.vector_load %arg18[%get3A_397, %get3A_398] {strides = array<i32>} : memref<80x128xf32, #tpu.memory_space<vmem>>, vector<16xf32>,
        %get3A_400 = arith.index_cast %add3A_365 : i32 to index
        %get3A_401 = arith.constant 64 : index
        %get3A_402 = tpu.vector_load %arg19[%get3A_400, %get3A_401] {strides = array<i32>} : memref<80x128xf32, #tpu.memory_space<vmem>>, vector<16xf32>,
        %mul3A_403 = arith.mulf %get3A_399, %get3A_402 : vector<16xf32>
        %add3A_404 = arith.addf %add3A_396, %mul3A_403 : vector<16xf32>
        %get3A_405 = arith.index_cast %add3A_365 : i32 to index
        %get3A_406 = arith.constant 80 : index
        %get3A_407 = tpu.vector_load %arg18[%get3A_405, %get3A_406] {strides = array<i32>} : memref<80x128xf32, #tpu.memory_space<vmem>>, vector<16xf32>,
        %get3A_408 = arith.index_cast %add3A_365 : i32 to index
        %get3A_409 = arith.constant 80 : index
        %get3A_410 = tpu.vector_load %arg19[%get3A_408, %get3A_409] {strides = array<i32>} : memref<80x128xf32, #tpu.memory_space<vmem>>, vector<16xf32>,
        %mul3A_411 = arith.mulf %get3A_407, %get3A_410 : vector<16xf32>
        %add3A_412 = arith.addf %add3A_404, %mul3A_411 : vector<16xf32>
        %get3A_413 = arith.index_cast %add3A_365 : i32 to index
        %get3A_414 = arith.constant 96 : index
        %get3A_415 = tpu.vector_load %arg18[%get3A_413, %get3A_414] {strides = array<i32>} : memref<80x128xf32, #tpu.memory_space<vmem>>, vector<16xf32>,
        %get3A_416 = arith.index_cast %add3A_365 : i32 to index
        %get3A_417 = arith.constant 96 : index
        %get3A_418 = tpu.vector_load %arg19[%get3A_416, %get3A_417] {strides = array<i32>} : memref<80x128xf32, #tpu.memory_space<vmem>>, vector<16xf32>,
        %mul3A_419 = arith.mulf %get3A_415, %get3A_418 : vector<16xf32>
        %add3A_420 = arith.addf %add3A_412, %mul3A_419 : vector<16xf32>
        %get3A_421 = arith.index_cast %add3A_365 : i32 to index
        %get3A_422 = arith.constant 112 : index
        %get3A_423 = tpu.vector_load %arg18[%get3A_421, %get3A_422] {strides = array<i32>} : memref<80x128xf32, #tpu.memory_space<vmem>>, vector<16xf32>,
        %get3A_424 = arith.index_cast %add3A_365 : i32 to index
        %get3A_425 = arith.constant 112 : index
        %get3A_426 = tpu.vector_load %arg19[%get3A_424, %get3A_425] {strides = array<i32>} : memref<80x128xf32, #tpu.memory_space<vmem>>, vector<16xf32>,
        %mul3A_427 = arith.mulf %get3A_423, %get3A_426 : vector<16xf32>
        %add3A_428 = arith.addf %add3A_420, %mul3A_427 : vector<16xf32>
        %reduce_sum3A_429 = arith.constant true
        %reduce_sum3A_430 = vector.broadcast %reduce_sum3A_429 : i1 to vector<16xi1>
        %reduce_sum3A_431 = tpu.scan <sum>, %add3A_428 masked %reduce_sum3A_430 : vector<16xf32>, vector<16xi1> -> vector<16xf32>
        %reduce_sum3A_432 = vector.extract %reduce_sum3A_431[15] : f32 from vector<16xf32>
        %eq3A_433 = vector.broadcast %scan3A_362 : i32 to vector<16xi32>
        %eq3A_434 = arith.cmpi eq, %iota3A, %eq3A_433 : vector<16xi32>
        %broadcast_in_dim3A_435 = vector.broadcast %reduce_sum3A_432 : f32 to vector<16xf32>
        %select_n3A_436 = arith.select %eq3A_434, %broadcast_in_dim3A_435, %select_n3A_360 : vector<16xi1>, vector<16xf32>
        scf.yield %select_n3A_436 : vector<16xf32>
      }
      %scan3A_128 = arith.constant 16 : i32
      %mul3A_129 = arith.constant 0.0883883461 : f32
      %mul3A_130 = vector.broadcast %mul3A_129 : f32 to vector<16xf32>
      %mul3A_131 = arith.mulf %scan3A_127, %mul3A_130 : vector<16xf32>
      %exp3A = math.exp %mul3A_131 : vector<16xf32>
      %mul3A_132 = arith.constant 16 : i32
      %mul3A_133 = arith.muli %scan3A_121, %mul3A_132 : i32
      %swap3A_134 = arith.index_cast %mul3A_133 : i32 to index
      %swap3A_135 = tpu.vector_load %arg21[%swap3A_134] {strides = array<i32>} : memref<80xf32, #tpu.memory_space<vmem>>, vector<16xf32>,
      tpu.vector_store %arg21[%swap3A_134], %exp3A {strides = array<i32>} : memref<80xf32, #tpu.memory_space<vmem>>, vector<16xf32>,
    }
    %scan3A_35 = arith.constant 5 : i32
    %dma_wait3A_36 = tpu.memref_slice %arg5[%min3A_23] : memref<320000xi32, #tpu.memory_space<hbm>> -> memref<80xi32, #tpu.memory_space<hbm>>
    %dma_wait3A_37 = tpu.memref_slice %arg5[%min3A_23] : memref<320000xi32, #tpu.memory_space<hbm>> -> memref<80xi32, #tpu.memory_space<hbm>>
    tpu.wait_dma2 semaphore(%arg25 : memref<!tpu.dma_semaphore, #tpu.memory_space<semaphore_mem>>) src(%dma_wait3A_37 : memref<80xi32, #tpu.memory_space<hbm>>) dst(%arg14 : memref<80xi32, #tpu.memory_space<vmem>>)
    %dma_wait3A_38 = tpu.memref_slice %arg6[%min3A_23] : memref<320000xi32, #tpu.memory_space<hbm>> -> memref<80xi32, #tpu.memory_space<hbm>>
    %dma_wait3A_39 = tpu.memref_slice %arg6[%min3A_23] : memref<320000xi32, #tpu.memory_space<hbm>> -> memref<80xi32, #tpu.memory_space<hbm>>
    tpu.wait_dma2 semaphore(%arg25 : memref<!tpu.dma_semaphore, #tpu.memory_space<semaphore_mem>>) src(%dma_wait3A_39 : memref<80xi32, #tpu.memory_space<hbm>>) dst(%arg15 : memref<80xi32, #tpu.memory_space<vmem>>)
    %dma_start3A_40 = arith.constant 0 : i32
    %dma_start3A_41 = arith.constant 0 : i32
    %dma_start3A_42 = tpu.memref_slice %arg2[%dma_start3A_40, %dma_start3A_41] : memref<10000x128xf32, #tpu.memory_space<hbm>> -> memref<10000x128xf32, #tpu.memory_space<hbm>>
    tpu.enqueue_indirect_dma source(%dma_start3A_42 : memref<10000x128xf32, #tpu.memory_space<hbm>>) target(%arg18 : memref<80x128xf32, #tpu.memory_space<vmem>>) offsets(%arg14 : memref<80xi32, #tpu.memory_space<vmem>>) semaphore(%arg26 : memref<!tpu.dma_semaphore, #tpu.memory_space<semaphore_mem>>)
    %dma_start3A_43 = arith.constant 0 : i32
    %dma_start3A_44 = arith.constant 0 : i32
    %dma_start3A_45 = tpu.memref_slice %arg3[%dma_start3A_43, %dma_start3A_44] : memref<10000x128xf32, #tpu.memory_space<hbm>> -> memref<10000x128xf32, #tpu.memory_space<hbm>>
    tpu.enqueue_indirect_dma source(%dma_start3A_45 : memref<10000x128xf32, #tpu.memory_space<hbm>>) target(%arg19 : memref<80x128xf32, #tpu.memory_space<vmem>>) offsets(%arg15 : memref<80xi32, #tpu.memory_space<vmem>>) semaphore(%arg27 : memref<!tpu.dma_semaphore, #tpu.memory_space<semaphore_mem>>)
    %dma_wait3A_46 = arith.constant 0 : i32
    %dma_wait3A_47 = arith.constant 0 : i32
    %dma_wait3A_48 = tpu.memref_slice %arg4[%dma_wait3A_46, %dma_wait3A_47] : memref<10000x128xf32, #tpu.memory_space<hbm>> -> memref<10000x128xf32, #tpu.memory_space<hbm>>
    tpu.wait_indirect_dma semaphore(%arg28 : memref<!tpu.dma_semaphore, #tpu.memory_space<semaphore_mem>>) src(%dma_wait3A_48 : memref<10000x128xf32, #tpu.memory_space<hbm>>) dst(%arg20 : memref<80x128xf32, #tpu.memory_space<vmem>>)
    %scan3A_49 = arith.constant 0 : i32
    %scan3A_50 = arith.constant 0 : i32
    %scan3A_51 = arith.constant 5 : i32
    %scan3A_52 = arith.addi %scan3A_50, %scan3A_51 : i32
    %scan3A_53 = arith.constant 1 : i32
    scf.for %scan3A_121 = %scan3A_50 to %scan3A_52 step %scan3A_53  : i32 {
      %mul3A_122 = arith.constant 16 : i32
      %mul3A_123 = arith.muli %scan3A_121, %mul3A_122 : i32
      %get3A_124 = arith.index_cast %mul3A_123 : i32 to index
      %get3A_125 = tpu.vector_load %arg21[%get3A_124] {strides = array<i32>} : memref<80xf32, #tpu.memory_space<vmem>>, vector<16xf32>,
      %scan3A_126 = arith.constant 0 : i32
      %scan3A_127 = arith.constant 0 : i32
      %scan3A_128 = arith.constant 16 : i32
      %scan3A_129 = arith.addi %scan3A_127, %scan3A_128 : i32
      %scan3A_130 = arith.constant 4 : i32
      scf.for %scan3A_132 = %scan3A_127 to %scan3A_129 step %scan3A_130  : i32 {
        %mul3A_133 = arith.constant 16 : i32
        %mul3A_134 = arith.muli %scan3A_121, %mul3A_133 : i32
        %add3A_135 = arith.addi %mul3A_134, %scan3A_132 : i32
        %eq3A = vector.broadcast %scan3A_132 : i32 to vector<16xi32>
        %eq3A_136 = arith.cmpi eq, %iota3A, %eq3A : vector<16xi32>
        %jit3A = arith.constant 0.000000e+00 : f32
        %broadcast_in_dim3A = vector.broadcast %jit3A : f32 to vector<16xf32>
        %select_n3A = arith.select %eq3A_136, %get3A_125, %broadcast_in_dim3A : vector<16xi1>, vector<16xf32>
        %reduce_sum3A = arith.constant true
        %reduce_sum3A_137 = vector.broadcast %reduce_sum3A : i1 to vector<16xi1>
        %reduce_sum3A_138 = tpu.scan <sum>, %select_n3A masked %reduce_sum3A_137 : vector<16xf32>, vector<16xi1> -> vector<16xf32>
        %reduce_sum3A_139 = vector.extract %reduce_sum3A_138[15] : f32 from vector<16xf32>
        %get3A_140 = arith.index_cast %add3A_135 : i32 to index
        %get3A_141 = arith.constant 0 : index
        %get3A_142 = tpu.vector_load %arg20[%get3A_140, %get3A_141] {strides = array<i32>} : memref<80x128xf32, #tpu.memory_space<vmem>>, vector<16xf32>,
        %mul3A_143 = vector.broadcast %reduce_sum3A_139 : f32 to vector<16xf32>
        %mul3A_144 = arith.mulf %get3A_142, %mul3A_143 : vector<16xf32>
        %swap3A_145 = arith.index_cast %add3A_135 : i32 to index
        %swap3A_146 = arith.constant 0 : index
        %swap3A_147 = tpu.vector_load %arg20[%swap3A_145, %swap3A_146] {strides = array<i32>} : memref<80x128xf32, #tpu.memory_space<vmem>>, vector<16xf32>,
        tpu.vector_store %arg20[%swap3A_145, %swap3A_146], %mul3A_144 {strides = array<i32>} : memref<80x128xf32, #tpu.memory_space<vmem>>, vector<16xf32>,
        %get3A_148 = arith.index_cast %add3A_135 : i32 to index
        %get3A_149 = arith.constant 16 : index
        %get3A_150 = tpu.vector_load %arg20[%get3A_148, %get3A_149] {strides = array<i32>} : memref<80x128xf32, #tpu.memory_space<vmem>>, vector<16xf32>,
        %mul3A_151 = vector.broadcast %reduce_sum3A_139 : f32 to vector<16xf32>
        %mul3A_152 = arith.mulf %get3A_150, %mul3A_151 : vector<16xf32>
        %swap3A_153 = arith.index_cast %add3A_135 : i32 to index
        %swap3A_154 = arith.constant 16 : index
        %swap3A_155 = tpu.vector_load %arg20[%swap3A_153, %swap3A_154] {strides = array<i32>} : memref<80x128xf32, #tpu.memory_space<vmem>>, vector<16xf32>,
        tpu.vector_store %arg20[%swap3A_153, %swap3A_154], %mul3A_152 {strides = array<i32>} : memref<80x128xf32, #tpu.memory_space<vmem>>, vector<16xf32>,
        %get3A_156 = arith.index_cast %add3A_135 : i32 to index
        %get3A_157 = arith.constant 32 : index
        %get3A_158 = tpu.vector_load %arg20[%get3A_156, %get3A_157] {strides = array<i32>} : memref<80x128xf32, #tpu.memory_space<vmem>>, vector<16xf32>,
        %mul3A_159 = vector.broadcast %reduce_sum3A_139 : f32 to vector<16xf32>
        %mul3A_160 = arith.mulf %get3A_158, %mul3A_159 : vector<16xf32>
        %swap3A_161 = arith.index_cast %add3A_135 : i32 to index
        %swap3A_162 = arith.constant 32 : index
        %swap3A_163 = tpu.vector_load %arg20[%swap3A_161, %swap3A_162] {strides = array<i32>} : memref<80x128xf32, #tpu.memory_space<vmem>>, vector<16xf32>,
        tpu.vector_store %arg20[%swap3A_161, %swap3A_162], %mul3A_160 {strides = array<i32>} : memref<80x128xf32, #tpu.memory_space<vmem>>, vector<16xf32>,
        %get3A_164 = arith.index_cast %add3A_135 : i32 to index
        %get3A_165 = arith.constant 48 : index
        %get3A_166 = tpu.vector_load %arg20[%get3A_164, %get3A_165] {strides = array<i32>} : memref<80x128xf32, #tpu.memory_space<vmem>>, vector<16xf32>,
        %mul3A_167 = vector.broadcast %reduce_sum3A_139 : f32 to vector<16xf32>
        %mul3A_168 = arith.mulf %get3A_166, %mul3A_167 : vector<16xf32>
        %swap3A_169 = arith.index_cast %add3A_135 : i32 to index
        %swap3A_170 = arith.constant 48 : index
        %swap3A_171 = tpu.vector_load %arg20[%swap3A_169, %swap3A_170] {strides = array<i32>} : memref<80x128xf32, #tpu.memory_space<vmem>>, vector<16xf32>,
        tpu.vector_store %arg20[%swap3A_169, %swap3A_170], %mul3A_168 {strides = array<i32>} : memref<80x128xf32, #tpu.memory_space<vmem>>, vector<16xf32>,
        %get3A_172 = arith.index_cast %add3A_135 : i32 to index
        %get3A_173 = arith.constant 64 : index
        %get3A_174 = tpu.vector_load %arg20[%get3A_172, %get3A_173] {strides = array<i32>} : memref<80x128xf32, #tpu.memory_space<vmem>>, vector<16xf32>,
        %mul3A_175 = vector.broadcast %reduce_sum3A_139 : f32 to vector<16xf32>
        %mul3A_176 = arith.mulf %get3A_174, %mul3A_175 : vector<16xf32>
        %swap3A_177 = arith.index_cast %add3A_135 : i32 to index
        %swap3A_178 = arith.constant 64 : index
        %swap3A_179 = tpu.vector_load %arg20[%swap3A_177, %swap3A_178] {strides = array<i32>} : memref<80x128xf32, #tpu.memory_space<vmem>>, vector<16xf32>,
        tpu.vector_store %arg20[%swap3A_177, %swap3A_178], %mul3A_176 {strides = array<i32>} : memref<80x128xf32, #tpu.memory_space<vmem>>, vector<16xf32>,
        %get3A_180 = arith.index_cast %add3A_135 : i32 to index
        %get3A_181 = arith.constant 80 : index
        %get3A_182 = tpu.vector_load %arg20[%get3A_180, %get3A_181] {strides = array<i32>} : memref<80x128xf32, #tpu.memory_space<vmem>>, vector<16xf32>,
        %mul3A_183 = vector.broadcast %reduce_sum3A_139 : f32 to vector<16xf32>
        %mul3A_184 = arith.mulf %get3A_182, %mul3A_183 : vector<16xf32>
        %swap3A_185 = arith.index_cast %add3A_135 : i32 to index
        %swap3A_186 = arith.constant 80 : index
        %swap3A_187 = tpu.vector_load %arg20[%swap3A_185, %swap3A_186] {strides = array<i32>} : memref<80x128xf32, #tpu.memory_space<vmem>>, vector<16xf32>,
        tpu.vector_store %arg20[%swap3A_185, %swap3A_186], %mul3A_184 {strides = array<i32>} : memref<80x128xf32, #tpu.memory_space<vmem>>, vector<16xf32>,
        %get3A_188 = arith.index_cast %add3A_135 : i32 to index
        %get3A_189 = arith.constant 96 : index
        %get3A_190 = tpu.vector_load %arg20[%get3A_188, %get3A_189] {strides = array<i32>} : memref<80x128xf32, #tpu.memory_space<vmem>>, vector<16xf32>,
        %mul3A_191 = vector.broadcast %reduce_sum3A_139 : f32 to vector<16xf32>
        %mul3A_192 = arith.mulf %get3A_190, %mul3A_191 : vector<16xf32>
        %swap3A_193 = arith.index_cast %add3A_135 : i32 to index
        %swap3A_194 = arith.constant 96 : index
        %swap3A_195 = tpu.vector_load %arg20[%swap3A_193, %swap3A_194] {strides = array<i32>} : memref<80x128xf32, #tpu.memory_space<vmem>>, vector<16xf32>,
        tpu.vector_store %arg20[%swap3A_193, %swap3A_194], %mul3A_192 {strides = array<i32>} : memref<80x128xf32, #tpu.memory_space<vmem>>, vector<16xf32>,
        %get3A_196 = arith.index_cast %add3A_135 : i32 to index
        %get3A_197 = arith.constant 112 : index
        %get3A_198 = tpu.vector_load %arg20[%get3A_196, %get3A_197] {strides = array<i32>} : memref<80x128xf32, #tpu.memory_space<vmem>>, vector<16xf32>,
        %mul3A_199 = vector.broadcast %reduce_sum3A_139 : f32 to vector<16xf32>
        %mul3A_200 = arith.mulf %get3A_198, %mul3A_199 : vector<16xf32>
        %swap3A_201 = arith.index_cast %add3A_135 : i32 to index
        %swap3A_202 = arith.constant 112 : index
        %swap3A_203 = tpu.vector_load %arg20[%swap3A_201, %swap3A_202] {strides = array<i32>} : memref<80x128xf32, #tpu.memory_space<vmem>>, vector<16xf32>,
        tpu.vector_store %arg20[%swap3A_201, %swap3A_202], %mul3A_200 {strides = array<i32>} : memref<80x128xf32, #tpu.memory_space<vmem>>, vector<16xf32>,
        %scan3A_204 = arith.constant 1 : i32
        %scan3A_205 = arith.addi %scan3A_132, %scan3A_204 : i32
        %mul3A_206 = arith.constant 16 : i32
        %mul3A_207 = arith.muli %scan3A_121, %mul3A_206 : i32
        %add3A_208 = arith.addi %mul3A_207, %scan3A_205 : i32
        %eq3A_209 = vector.broadcast %scan3A_205 : i32 to vector<16xi32>
        %eq3A_210 = arith.cmpi eq, %iota3A, %eq3A_209 : vector<16xi32>
        %jit3A_211 = arith.constant 0.000000e+00 : f32
        %broadcast_in_dim3A_212 = vector.broadcast %jit3A_211 : f32 to vector<16xf32>
        %select_n3A_213 = arith.select %eq3A_210, %get3A_125, %broadcast_in_dim3A_212 : vector<16xi1>, vector<16xf32>
        %reduce_sum3A_214 = arith.constant true
        %reduce_sum3A_215 = vector.broadcast %reduce_sum3A_214 : i1 to vector<16xi1>
        %reduce_sum3A_216 = tpu.scan <sum>, %select_n3A_213 masked %reduce_sum3A_215 : vector<16xf32>, vector<16xi1> -> vector<16xf32>
        %reduce_sum3A_217 = vector.extract %reduce_sum3A_216[15] : f32 from vector<16xf32>
        %get3A_218 = arith.index_cast %add3A_208 : i32 to index
        %get3A_219 = arith.constant 0 : index
        %get3A_220 = tpu.vector_load %arg20[%get3A_218, %get3A_219] {strides = array<i32>} : memref<80x128xf32, #tpu.memory_space<vmem>>, vector<16xf32>,
        %mul3A_221 = vector.broadcast %reduce_sum3A_217 : f32 to vector<16xf32>
        %mul3A_222 = arith.mulf %get3A_220, %mul3A_221 : vector<16xf32>
        %swap3A_223 = arith.index_cast %add3A_208 : i32 to index
        %swap3A_224 = arith.constant 0 : index
        %swap3A_225 = tpu.vector_load %arg20[%swap3A_223, %swap3A_224] {strides = array<i32>} : memref<80x128xf32, #tpu.memory_space<vmem>>, vector<16xf32>,
        tpu.vector_store %arg20[%swap3A_223, %swap3A_224], %mul3A_222 {strides = array<i32>} : memref<80x128xf32, #tpu.memory_space<vmem>>, vector<16xf32>,
        %get3A_226 = arith.index_cast %add3A_208 : i32 to index
        %get3A_227 = arith.constant 16 : index
        %get3A_228 = tpu.vector_load %arg20[%get3A_226, %get3A_227] {strides = array<i32>} : memref<80x128xf32, #tpu.memory_space<vmem>>, vector<16xf32>,
        %mul3A_229 = vector.broadcast %reduce_sum3A_217 : f32 to vector<16xf32>
        %mul3A_230 = arith.mulf %get3A_228, %mul3A_229 : vector<16xf32>
        %swap3A_231 = arith.index_cast %add3A_208 : i32 to index
        %swap3A_232 = arith.constant 16 : index
        %swap3A_233 = tpu.vector_load %arg20[%swap3A_231, %swap3A_232] {strides = array<i32>} : memref<80x128xf32, #tpu.memory_space<vmem>>, vector<16xf32>,
        tpu.vector_store %arg20[%swap3A_231, %swap3A_232], %mul3A_230 {strides = array<i32>} : memref<80x128xf32, #tpu.memory_space<vmem>>, vector<16xf32>,
        %get3A_234 = arith.index_cast %add3A_208 : i32 to index
        %get3A_235 = arith.constant 32 : index
        %get3A_236 = tpu.vector_load %arg20[%get3A_234, %get3A_235] {strides = array<i32>} : memref<80x128xf32, #tpu.memory_space<vmem>>, vector<16xf32>,
        %mul3A_237 = vector.broadcast %reduce_sum3A_217 : f32 to vector<16xf32>
        %mul3A_238 = arith.mulf %get3A_236, %mul3A_237 : vector<16xf32>
        %swap3A_239 = arith.index_cast %add3A_208 : i32 to index
        %swap3A_240 = arith.constant 32 : index
        %swap3A_241 = tpu.vector_load %arg20[%swap3A_239, %swap3A_240] {strides = array<i32>} : memref<80x128xf32, #tpu.memory_space<vmem>>, vector<16xf32>,
        tpu.vector_store %arg20[%swap3A_239, %swap3A_240], %mul3A_238 {strides = array<i32>} : memref<80x128xf32, #tpu.memory_space<vmem>>, vector<16xf32>,
        %get3A_242 = arith.index_cast %add3A_208 : i32 to index
        %get3A_243 = arith.constant 48 : index
        %get3A_244 = tpu.vector_load %arg20[%get3A_242, %get3A_243] {strides = array<i32>} : memref<80x128xf32, #tpu.memory_space<vmem>>, vector<16xf32>,
        %mul3A_245 = vector.broadcast %reduce_sum3A_217 : f32 to vector<16xf32>
        %mul3A_246 = arith.mulf %get3A_244, %mul3A_245 : vector<16xf32>
        %swap3A_247 = arith.index_cast %add3A_208 : i32 to index
        %swap3A_248 = arith.constant 48 : index
        %swap3A_249 = tpu.vector_load %arg20[%swap3A_247, %swap3A_248] {strides = array<i32>} : memref<80x128xf32, #tpu.memory_space<vmem>>, vector<16xf32>,
        tpu.vector_store %arg20[%swap3A_247, %swap3A_248], %mul3A_246 {strides = array<i32>} : memref<80x128xf32, #tpu.memory_space<vmem>>, vector<16xf32>,
        %get3A_250 = arith.index_cast %add3A_208 : i32 to index
        %get3A_251 = arith.constant 64 : index
        %get3A_252 = tpu.vector_load %arg20[%get3A_250, %get3A_251] {strides = array<i32>} : memref<80x128xf32, #tpu.memory_space<vmem>>, vector<16xf32>,
        %mul3A_253 = vector.broadcast %reduce_sum3A_217 : f32 to vector<16xf32>
        %mul3A_254 = arith.mulf %get3A_252, %mul3A_253 : vector<16xf32>
        %swap3A_255 = arith.index_cast %add3A_208 : i32 to index
        %swap3A_256 = arith.constant 64 : index
        %swap3A_257 = tpu.vector_load %arg20[%swap3A_255, %swap3A_256] {strides = array<i32>} : memref<80x128xf32, #tpu.memory_space<vmem>>, vector<16xf32>,
        tpu.vector_store %arg20[%swap3A_255, %swap3A_256], %mul3A_254 {strides = array<i32>} : memref<80x128xf32, #tpu.memory_space<vmem>>, vector<16xf32>,
        %get3A_258 = arith.index_cast %add3A_208 : i32 to index
        %get3A_259 = arith.constant 80 : index
        %get3A_260 = tpu.vector_load %arg20[%get3A_258, %get3A_259] {strides = array<i32>} : memref<80x128xf32, #tpu.memory_space<vmem>>, vector<16xf32>,
        %mul3A_261 = vector.broadcast %reduce_sum3A_217 : f32 to vector<16xf32>
        %mul3A_262 = arith.mulf %get3A_260, %mul3A_261 : vector<16xf32>
        %swap3A_263 = arith.index_cast %add3A_208 : i32 to index
        %swap3A_264 = arith.constant 80 : index
        %swap3A_265 = tpu.vector_load %arg20[%swap3A_263, %swap3A_264] {strides = array<i32>} : memref<80x128xf32, #tpu.memory_space<vmem>>, vector<16xf32>,
        tpu.vector_store %arg20[%swap3A_263, %swap3A_264], %mul3A_262 {strides = array<i32>} : memref<80x128xf32, #tpu.memory_space<vmem>>, vector<16xf32>,
        %get3A_266 = arith.index_cast %add3A_208 : i32 to index
        %get3A_267 = arith.constant 96 : index
        %get3A_268 = tpu.vector_load %arg20[%get3A_266, %get3A_267] {strides = array<i32>} : memref<80x128xf32, #tpu.memory_space<vmem>>, vector<16xf32>,
        %mul3A_269 = vector.broadcast %reduce_sum3A_217 : f32 to vector<16xf32>
        %mul3A_270 = arith.mulf %get3A_268, %mul3A_269 : vector<16xf32>
        %swap3A_271 = arith.index_cast %add3A_208 : i32 to index
        %swap3A_272 = arith.constant 96 : index
        %swap3A_273 = tpu.vector_load %arg20[%swap3A_271, %swap3A_272] {strides = array<i32>} : memref<80x128xf32, #tpu.memory_space<vmem>>, vector<16xf32>,
        tpu.vector_store %arg20[%swap3A_271, %swap3A_272], %mul3A_270 {strides = array<i32>} : memref<80x128xf32, #tpu.memory_space<vmem>>, vector<16xf32>,
        %get3A_274 = arith.index_cast %add3A_208 : i32 to index
        %get3A_275 = arith.constant 112 : index
        %get3A_276 = tpu.vector_load %arg20[%get3A_274, %get3A_275] {strides = array<i32>} : memref<80x128xf32, #tpu.memory_space<vmem>>, vector<16xf32>,
        %mul3A_277 = vector.broadcast %reduce_sum3A_217 : f32 to vector<16xf32>
        %mul3A_278 = arith.mulf %get3A_276, %mul3A_277 : vector<16xf32>
        %swap3A_279 = arith.index_cast %add3A_208 : i32 to index
        %swap3A_280 = arith.constant 112 : index
        %swap3A_281 = tpu.vector_load %arg20[%swap3A_279, %swap3A_280] {strides = array<i32>} : memref<80x128xf32, #tpu.memory_space<vmem>>, vector<16xf32>,
        tpu.vector_store %arg20[%swap3A_279, %swap3A_280], %mul3A_278 {strides = array<i32>} : memref<80x128xf32, #tpu.memory_space<vmem>>, vector<16xf32>,
        %scan3A_282 = arith.constant 2 : i32
        %scan3A_283 = arith.addi %scan3A_132, %scan3A_282 : i32
        %mul3A_284 = arith.constant 16 : i32
        %mul3A_285 = arith.muli %scan3A_121, %mul3A_284 : i32
        %add3A_286 = arith.addi %mul3A_285, %scan3A_283 : i32
        %eq3A_287 = vector.broadcast %scan3A_283 : i32 to vector<16xi32>
        %eq3A_288 = arith.cmpi eq, %iota3A, %eq3A_287 : vector<16xi32>
        %jit3A_289 = arith.constant 0.000000e+00 : f32
        %broadcast_in_dim3A_290 = vector.broadcast %jit3A_289 : f32 to vector<16xf32>
        %select_n3A_291 = arith.select %eq3A_288, %get3A_125, %broadcast_in_dim3A_290 : vector<16xi1>, vector<16xf32>
        %reduce_sum3A_292 = arith.constant true
        %reduce_sum3A_293 = vector.broadcast %reduce_sum3A_292 : i1 to vector<16xi1>
        %reduce_sum3A_294 = tpu.scan <sum>, %select_n3A_291 masked %reduce_sum3A_293 : vector<16xf32>, vector<16xi1> -> vector<16xf32>
        %reduce_sum3A_295 = vector.extract %reduce_sum3A_294[15] : f32 from vector<16xf32>
        %get3A_296 = arith.index_cast %add3A_286 : i32 to index
        %get3A_297 = arith.constant 0 : index
        %get3A_298 = tpu.vector_load %arg20[%get3A_296, %get3A_297] {strides = array<i32>} : memref<80x128xf32, #tpu.memory_space<vmem>>, vector<16xf32>,
        %mul3A_299 = vector.broadcast %reduce_sum3A_295 : f32 to vector<16xf32>
        %mul3A_300 = arith.mulf %get3A_298, %mul3A_299 : vector<16xf32>
        %swap3A_301 = arith.index_cast %add3A_286 : i32 to index
        %swap3A_302 = arith.constant 0 : index
        %swap3A_303 = tpu.vector_load %arg20[%swap3A_301, %swap3A_302] {strides = array<i32>} : memref<80x128xf32, #tpu.memory_space<vmem>>, vector<16xf32>,
        tpu.vector_store %arg20[%swap3A_301, %swap3A_302], %mul3A_300 {strides = array<i32>} : memref<80x128xf32, #tpu.memory_space<vmem>>, vector<16xf32>,
        %get3A_304 = arith.index_cast %add3A_286 : i32 to index
        %get3A_305 = arith.constant 16 : index
        %get3A_306 = tpu.vector_load %arg20[%get3A_304, %get3A_305] {strides = array<i32>} : memref<80x128xf32, #tpu.memory_space<vmem>>, vector<16xf32>,
        %mul3A_307 = vector.broadcast %reduce_sum3A_295 : f32 to vector<16xf32>
        %mul3A_308 = arith.mulf %get3A_306, %mul3A_307 : vector<16xf32>
        %swap3A_309 = arith.index_cast %add3A_286 : i32 to index
        %swap3A_310 = arith.constant 16 : index
        %swap3A_311 = tpu.vector_load %arg20[%swap3A_309, %swap3A_310] {strides = array<i32>} : memref<80x128xf32, #tpu.memory_space<vmem>>, vector<16xf32>,
        tpu.vector_store %arg20[%swap3A_309, %swap3A_310], %mul3A_308 {strides = array<i32>} : memref<80x128xf32, #tpu.memory_space<vmem>>, vector<16xf32>,
        %get3A_312 = arith.index_cast %add3A_286 : i32 to index
        %get3A_313 = arith.constant 32 : index
        %get3A_314 = tpu.vector_load %arg20[%get3A_312, %get3A_313] {strides = array<i32>} : memref<80x128xf32, #tpu.memory_space<vmem>>, vector<16xf32>,
        %mul3A_315 = vector.broadcast %reduce_sum3A_295 : f32 to vector<16xf32>
        %mul3A_316 = arith.mulf %get3A_314, %mul3A_315 : vector<16xf32>
        %swap3A_317 = arith.index_cast %add3A_286 : i32 to index
        %swap3A_318 = arith.constant 32 : index
        %swap3A_319 = tpu.vector_load %arg20[%swap3A_317, %swap3A_318] {strides = array<i32>} : memref<80x128xf32, #tpu.memory_space<vmem>>, vector<16xf32>,
        tpu.vector_store %arg20[%swap3A_317, %swap3A_318], %mul3A_316 {strides = array<i32>} : memref<80x128xf32, #tpu.memory_space<vmem>>, vector<16xf32>,
        %get3A_320 = arith.index_cast %add3A_286 : i32 to index
        %get3A_321 = arith.constant 48 : index
        %get3A_322 = tpu.vector_load %arg20[%get3A_320, %get3A_321] {strides = array<i32>} : memref<80x128xf32, #tpu.memory_space<vmem>>, vector<16xf32>,
        %mul3A_323 = vector.broadcast %reduce_sum3A_295 : f32 to vector<16xf32>
        %mul3A_324 = arith.mulf %get3A_322, %mul3A_323 : vector<16xf32>
        %swap3A_325 = arith.index_cast %add3A_286 : i32 to index
        %swap3A_326 = arith.constant 48 : index
        %swap3A_327 = tpu.vector_load %arg20[%swap3A_325, %swap3A_326] {strides = array<i32>} : memref<80x128xf32, #tpu.memory_space<vmem>>, vector<16xf32>,
        tpu.vector_store %arg20[%swap3A_325, %swap3A_326], %mul3A_324 {strides = array<i32>} : memref<80x128xf32, #tpu.memory_space<vmem>>, vector<16xf32>,
        %get3A_328 = arith.index_cast %add3A_286 : i32 to index
        %get3A_329 = arith.constant 64 : index
        %get3A_330 = tpu.vector_load %arg20[%get3A_328, %get3A_329] {strides = array<i32>} : memref<80x128xf32, #tpu.memory_space<vmem>>, vector<16xf32>,
        %mul3A_331 = vector.broadcast %reduce_sum3A_295 : f32 to vector<16xf32>
        %mul3A_332 = arith.mulf %get3A_330, %mul3A_331 : vector<16xf32>
        %swap3A_333 = arith.index_cast %add3A_286 : i32 to index
        %swap3A_334 = arith.constant 64 : index
        %swap3A_335 = tpu.vector_load %arg20[%swap3A_333, %swap3A_334] {strides = array<i32>} : memref<80x128xf32, #tpu.memory_space<vmem>>, vector<16xf32>,
        tpu.vector_store %arg20[%swap3A_333, %swap3A_334], %mul3A_332 {strides = array<i32>} : memref<80x128xf32, #tpu.memory_space<vmem>>, vector<16xf32>,
        %get3A_336 = arith.index_cast %add3A_286 : i32 to index
        %get3A_337 = arith.constant 80 : index
        %get3A_338 = tpu.vector_load %arg20[%get3A_336, %get3A_337] {strides = array<i32>} : memref<80x128xf32, #tpu.memory_space<vmem>>, vector<16xf32>,
        %mul3A_339 = vector.broadcast %reduce_sum3A_295 : f32 to vector<16xf32>
        %mul3A_340 = arith.mulf %get3A_338, %mul3A_339 : vector<16xf32>
        %swap3A_341 = arith.index_cast %add3A_286 : i32 to index
        %swap3A_342 = arith.constant 80 : index
        %swap3A_343 = tpu.vector_load %arg20[%swap3A_341, %swap3A_342] {strides = array<i32>} : memref<80x128xf32, #tpu.memory_space<vmem>>, vector<16xf32>,
        tpu.vector_store %arg20[%swap3A_341, %swap3A_342], %mul3A_340 {strides = array<i32>} : memref<80x128xf32, #tpu.memory_space<vmem>>, vector<16xf32>,
        %get3A_344 = arith.index_cast %add3A_286 : i32 to index
        %get3A_345 = arith.constant 96 : index
        %get3A_346 = tpu.vector_load %arg20[%get3A_344, %get3A_345] {strides = array<i32>} : memref<80x128xf32, #tpu.memory_space<vmem>>, vector<16xf32>,
        %mul3A_347 = vector.broadcast %reduce_sum3A_295 : f32 to vector<16xf32>
        %mul3A_348 = arith.mulf %get3A_346, %mul3A_347 : vector<16xf32>
        %swap3A_349 = arith.index_cast %add3A_286 : i32 to index
        %swap3A_350 = arith.constant 96 : index
        %swap3A_351 = tpu.vector_load %arg20[%swap3A_349, %swap3A_350] {strides = array<i32>} : memref<80x128xf32, #tpu.memory_space<vmem>>, vector<16xf32>,
        tpu.vector_store %arg20[%swap3A_349, %swap3A_350], %mul3A_348 {strides = array<i32>} : memref<80x128xf32, #tpu.memory_space<vmem>>, vector<16xf32>,
        %get3A_352 = arith.index_cast %add3A_286 : i32 to index
        %get3A_353 = arith.constant 112 : index
        %get3A_354 = tpu.vector_load %arg20[%get3A_352, %get3A_353] {strides = array<i32>} : memref<80x128xf32, #tpu.memory_space<vmem>>, vector<16xf32>,
        %mul3A_355 = vector.broadcast %reduce_sum3A_295 : f32 to vector<16xf32>
        %mul3A_356 = arith.mulf %get3A_354, %mul3A_355 : vector<16xf32>
        %swap3A_357 = arith.index_cast %add3A_286 : i32 to index
        %swap3A_358 = arith.constant 112 : index
        %swap3A_359 = tpu.vector_load %arg20[%swap3A_357, %swap3A_358] {strides = array<i32>} : memref<80x128xf32, #tpu.memory_space<vmem>>, vector<16xf32>,
        tpu.vector_store %arg20[%swap3A_357, %swap3A_358], %mul3A_356 {strides = array<i32>} : memref<80x128xf32, #tpu.memory_space<vmem>>, vector<16xf32>,
        %scan3A_360 = arith.constant 3 : i32
        %scan3A_361 = arith.addi %scan3A_132, %scan3A_360 : i32
        %mul3A_362 = arith.constant 16 : i32
        %mul3A_363 = arith.muli %scan3A_121, %mul3A_362 : i32
        %add3A_364 = arith.addi %mul3A_363, %scan3A_361 : i32
        %eq3A_365 = vector.broadcast %scan3A_361 : i32 to vector<16xi32>
        %eq3A_366 = arith.cmpi eq, %iota3A, %eq3A_365 : vector<16xi32>
        %jit3A_367 = arith.constant 0.000000e+00 : f32
        %broadcast_in_dim3A_368 = vector.broadcast %jit3A_367 : f32 to vector<16xf32>
        %select_n3A_369 = arith.select %eq3A_366, %get3A_125, %broadcast_in_dim3A_368 : vector<16xi1>, vector<16xf32>
        %reduce_sum3A_370 = arith.constant true
        %reduce_sum3A_371 = vector.broadcast %reduce_sum3A_370 : i1 to vector<16xi1>
        %reduce_sum3A_372 = tpu.scan <sum>, %select_n3A_369 masked %reduce_sum3A_371 : vector<16xf32>, vector<16xi1> -> vector<16xf32>
        %reduce_sum3A_373 = vector.extract %reduce_sum3A_372[15] : f32 from vector<16xf32>
        %get3A_374 = arith.index_cast %add3A_364 : i32 to index
        %get3A_375 = arith.constant 0 : index
        %get3A_376 = tpu.vector_load %arg20[%get3A_374, %get3A_375] {strides = array<i32>} : memref<80x128xf32, #tpu.memory_space<vmem>>, vector<16xf32>,
        %mul3A_377 = vector.broadcast %reduce_sum3A_373 : f32 to vector<16xf32>
        %mul3A_378 = arith.mulf %get3A_376, %mul3A_377 : vector<16xf32>
        %swap3A_379 = arith.index_cast %add3A_364 : i32 to index
        %swap3A_380 = arith.constant 0 : index
        %swap3A_381 = tpu.vector_load %arg20[%swap3A_379, %swap3A_380] {strides = array<i32>} : memref<80x128xf32, #tpu.memory_space<vmem>>, vector<16xf32>,
        tpu.vector_store %arg20[%swap3A_379, %swap3A_380], %mul3A_378 {strides = array<i32>} : memref<80x128xf32, #tpu.memory_space<vmem>>, vector<16xf32>,
        %get3A_382 = arith.index_cast %add3A_364 : i32 to index
        %get3A_383 = arith.constant 16 : index
        %get3A_384 = tpu.vector_load %arg20[%get3A_382, %get3A_383] {strides = array<i32>} : memref<80x128xf32, #tpu.memory_space<vmem>>, vector<16xf32>,
        %mul3A_385 = vector.broadcast %reduce_sum3A_373 : f32 to vector<16xf32>
        %mul3A_386 = arith.mulf %get3A_384, %mul3A_385 : vector<16xf32>
        %swap3A_387 = arith.index_cast %add3A_364 : i32 to index
        %swap3A_388 = arith.constant 16 : index
        %swap3A_389 = tpu.vector_load %arg20[%swap3A_387, %swap3A_388] {strides = array<i32>} : memref<80x128xf32, #tpu.memory_space<vmem>>, vector<16xf32>,
        tpu.vector_store %arg20[%swap3A_387, %swap3A_388], %mul3A_386 {strides = array<i32>} : memref<80x128xf32, #tpu.memory_space<vmem>>, vector<16xf32>,
        %get3A_390 = arith.index_cast %add3A_364 : i32 to index
        %get3A_391 = arith.constant 32 : index
        %get3A_392 = tpu.vector_load %arg20[%get3A_390, %get3A_391] {strides = array<i32>} : memref<80x128xf32, #tpu.memory_space<vmem>>, vector<16xf32>,
        %mul3A_393 = vector.broadcast %reduce_sum3A_373 : f32 to vector<16xf32>
        %mul3A_394 = arith.mulf %get3A_392, %mul3A_393 : vector<16xf32>
        %swap3A_395 = arith.index_cast %add3A_364 : i32 to index
        %swap3A_396 = arith.constant 32 : index
        %swap3A_397 = tpu.vector_load %arg20[%swap3A_395, %swap3A_396] {strides = array<i32>} : memref<80x128xf32, #tpu.memory_space<vmem>>, vector<16xf32>,
        tpu.vector_store %arg20[%swap3A_395, %swap3A_396], %mul3A_394 {strides = array<i32>} : memref<80x128xf32, #tpu.memory_space<vmem>>, vector<16xf32>,
        %get3A_398 = arith.index_cast %add3A_364 : i32 to index
        %get3A_399 = arith.constant 48 : index
        %get3A_400 = tpu.vector_load %arg20[%get3A_398, %get3A_399] {strides = array<i32>} : memref<80x128xf32, #tpu.memory_space<vmem>>, vector<16xf32>,
        %mul3A_401 = vector.broadcast %reduce_sum3A_373 : f32 to vector<16xf32>
        %mul3A_402 = arith.mulf %get3A_400, %mul3A_401 : vector<16xf32>
        %swap3A_403 = arith.index_cast %add3A_364 : i32 to index
        %swap3A_404 = arith.constant 48 : index
        %swap3A_405 = tpu.vector_load %arg20[%swap3A_403, %swap3A_404] {strides = array<i32>} : memref<80x128xf32, #tpu.memory_space<vmem>>, vector<16xf32>,
        tpu.vector_store %arg20[%swap3A_403, %swap3A_404], %mul3A_402 {strides = array<i32>} : memref<80x128xf32, #tpu.memory_space<vmem>>, vector<16xf32>,
        %get3A_406 = arith.index_cast %add3A_364 : i32 to index
        %get3A_407 = arith.constant 64 : index
        %get3A_408 = tpu.vector_load %arg20[%get3A_406, %get3A_407] {strides = array<i32>} : memref<80x128xf32, #tpu.memory_space<vmem>>, vector<16xf32>,
        %mul3A_409 = vector.broadcast %reduce_sum3A_373 : f32 to vector<16xf32>
        %mul3A_410 = arith.mulf %get3A_408, %mul3A_409 : vector<16xf32>
        %swap3A_411 = arith.index_cast %add3A_364 : i32 to index
        %swap3A_412 = arith.constant 64 : index
        %swap3A_413 = tpu.vector_load %arg20[%swap3A_411, %swap3A_412] {strides = array<i32>} : memref<80x128xf32, #tpu.memory_space<vmem>>, vector<16xf32>,
        tpu.vector_store %arg20[%swap3A_411, %swap3A_412], %mul3A_410 {strides = array<i32>} : memref<80x128xf32, #tpu.memory_space<vmem>>, vector<16xf32>,
        %get3A_414 = arith.index_cast %add3A_364 : i32 to index
        %get3A_415 = arith.constant 80 : index
        %get3A_416 = tpu.vector_load %arg20[%get3A_414, %get3A_415] {strides = array<i32>} : memref<80x128xf32, #tpu.memory_space<vmem>>, vector<16xf32>,
        %mul3A_417 = vector.broadcast %reduce_sum3A_373 : f32 to vector<16xf32>
        %mul3A_418 = arith.mulf %get3A_416, %mul3A_417 : vector<16xf32>
        %swap3A_419 = arith.index_cast %add3A_364 : i32 to index
        %swap3A_420 = arith.constant 80 : index
        %swap3A_421 = tpu.vector_load %arg20[%swap3A_419, %swap3A_420] {strides = array<i32>} : memref<80x128xf32, #tpu.memory_space<vmem>>, vector<16xf32>,
        tpu.vector_store %arg20[%swap3A_419, %swap3A_420], %mul3A_418 {strides = array<i32>} : memref<80x128xf32, #tpu.memory_space<vmem>>, vector<16xf32>,
        %get3A_422 = arith.index_cast %add3A_364 : i32 to index
        %get3A_423 = arith.constant 96 : index
        %get3A_424 = tpu.vector_load %arg20[%get3A_422, %get3A_423] {strides = array<i32>} : memref<80x128xf32, #tpu.memory_space<vmem>>, vector<16xf32>,
        %mul3A_425 = vector.broadcast %reduce_sum3A_373 : f32 to vector<16xf32>
        %mul3A_426 = arith.mulf %get3A_424, %mul3A_425 : vector<16xf32>
        %swap3A_427 = arith.index_cast %add3A_364 : i32 to index
        %swap3A_428 = arith.constant 96 : index
        %swap3A_429 = tpu.vector_load %arg20[%swap3A_427, %swap3A_428] {strides = array<i32>} : memref<80x128xf32, #tpu.memory_space<vmem>>, vector<16xf32>,
        tpu.vector_store %arg20[%swap3A_427, %swap3A_428], %mul3A_426 {strides = array<i32>} : memref<80x128xf32, #tpu.memory_space<vmem>>, vector<16xf32>,
        %get3A_430 = arith.index_cast %add3A_364 : i32 to index
        %get3A_431 = arith.constant 112 : index
        %get3A_432 = tpu.vector_load %arg20[%get3A_430, %get3A_431] {strides = array<i32>} : memref<80x128xf32, #tpu.memory_space<vmem>>, vector<16xf32>,
        %mul3A_433 = vector.broadcast %reduce_sum3A_373 : f32 to vector<16xf32>
        %mul3A_434 = arith.mulf %get3A_432, %mul3A_433 : vector<16xf32>
        %swap3A_435 = arith.index_cast %add3A_364 : i32 to index
        %swap3A_436 = arith.constant 112 : index
        %swap3A_437 = tpu.vector_load %arg20[%swap3A_435, %swap3A_436] {strides = array<i32>} : memref<80x128xf32, #tpu.memory_space<vmem>>, vector<16xf32>,
        tpu.vector_store %arg20[%swap3A_435, %swap3A_436], %mul3A_434 {strides = array<i32>} : memref<80x128xf32, #tpu.memory_space<vmem>>, vector<16xf32>,
      }
      %scan3A_131 = arith.constant 16 : i32
    }
    %scan3A_54 = arith.constant 5 : i32
    %get3A = arith.constant 0 : index
    %get3A_55 = tpu.vector_load %arg13[%get3A] {strides = array<i32>} : memref<80xi32, #tpu.memory_space<vmem>>, vector<16xi32>,
    %swap3A = arith.constant 0 : index
    %swap3A_56 = tpu.vector_load %arg16[%swap3A] {strides = array<i32>} : memref<80xi32, #tpu.memory_space<vmem>>, vector<16xi32>,
    tpu.vector_store %arg16[%swap3A], %get3A_55 {strides = array<i32>} : memref<80xi32, #tpu.memory_space<vmem>>, vector<16xi32>,
    %get3A_57 = arith.constant 16 : index
    %get3A_58 = tpu.vector_load %arg13[%get3A_57] {strides = array<i32>} : memref<80xi32, #tpu.memory_space<vmem>>, vector<16xi32>,
    %swap3A_59 = arith.constant 16 : index
    %swap3A_60 = tpu.vector_load %arg16[%swap3A_59] {strides = array<i32>} : memref<80xi32, #tpu.memory_space<vmem>>, vector<16xi32>,
    tpu.vector_store %arg16[%swap3A_59], %get3A_58 {strides = array<i32>} : memref<80xi32, #tpu.memory_space<vmem>>, vector<16xi32>,
    %get3A_61 = arith.constant 32 : index
    %get3A_62 = tpu.vector_load %arg13[%get3A_61] {strides = array<i32>} : memref<80xi32, #tpu.memory_space<vmem>>, vector<16xi32>,
    %swap3A_63 = arith.constant 32 : index
    %swap3A_64 = tpu.vector_load %arg16[%swap3A_63] {strides = array<i32>} : memref<80xi32, #tpu.memory_space<vmem>>, vector<16xi32>,
    tpu.vector_store %arg16[%swap3A_63], %get3A_62 {strides = array<i32>} : memref<80xi32, #tpu.memory_space<vmem>>, vector<16xi32>,
    %get3A_65 = arith.constant 48 : index
    %get3A_66 = tpu.vector_load %arg13[%get3A_65] {strides = array<i32>} : memref<80xi32, #tpu.memory_space<vmem>>, vector<16xi32>,
    %swap3A_67 = arith.constant 48 : index
    %swap3A_68 = tpu.vector_load %arg16[%swap3A_67] {strides = array<i32>} : memref<80xi32, #tpu.memory_space<vmem>>, vector<16xi32>,
    tpu.vector_store %arg16[%swap3A_67], %get3A_66 {strides = array<i32>} : memref<80xi32, #tpu.memory_space<vmem>>, vector<16xi32>,
    %get3A_69 = arith.constant 64 : index
    %get3A_70 = tpu.vector_load %arg13[%get3A_69] {strides = array<i32>} : memref<80xi32, #tpu.memory_space<vmem>>, vector<16xi32>,
    %swap3A_71 = arith.constant 64 : index
    %swap3A_72 = tpu.vector_load %arg16[%swap3A_71] {strides = array<i32>} : memref<80xi32, #tpu.memory_space<vmem>>, vector<16xi32>,
    tpu.vector_store %arg16[%swap3A_71], %get3A_70 {strides = array<i32>} : memref<80xi32, #tpu.memory_space<vmem>>, vector<16xi32>,
    %dma_start3A_73 = arith.constant 0 : i32
    %dma_start3A_74 = arith.constant 0 : i32
    %dma_start3A_75 = tpu.memref_slice %arg23[%dma_start3A_73, %dma_start3A_74] : memref<10240x128xf32, #tpu.memory_space<vmem_shared>> -> memref<10240x128xf32, #tpu.memory_space<vmem_shared>>
    tpu.enqueue_indirect_dma source(%arg20 : memref<80x128xf32, #tpu.memory_space<vmem>>) target(%dma_start3A_75 : memref<10240x128xf32, #tpu.memory_space<vmem_shared>>) offsets(%arg16 : memref<80xi32, #tpu.memory_space<vmem>>) semaphore(%arg29 : memref<!tpu.dma_semaphore, #tpu.memory_space<semaphore_mem>>) {add = true}
    %dma_start3A_76 = arith.constant 0 : i32
    %dma_start3A_77 = tpu.memref_slice %arg24[%dma_start3A_76] : memref<10240xf32, #tpu.memory_space<vmem_shared>> -> memref<10240xf32, #tpu.memory_space<vmem_shared>>
    tpu.enqueue_indirect_dma source(%arg21 : memref<80xf32, #tpu.memory_space<vmem>>) target(%dma_start3A_77 : memref<10240xf32, #tpu.memory_space<vmem_shared>>) offsets(%arg16 : memref<80xi32, #tpu.memory_space<vmem>>) semaphore(%arg30 : memref<!tpu.dma_semaphore, #tpu.memory_space<semaphore_mem>>) {add = true}
    %mul3A_78 = arith.constant 0 : i32
    %mul3A_79 = arith.constant 80 : i32
    %mul3A_80 = arith.muli %mul3A_78, %mul3A_79 : i32
    %add3A_81 = arith.addi %mul3A_80, %mul3A_2 : i32
    %dma_start3A_82 = tpu.memref_slice %arg9[%add3A_81] : memref<320000xf32, #tpu.memory_space<hbm>> -> memref<80xf32, #tpu.memory_space<hbm>>
    %dma_start3A_83 = tpu.memref_slice %arg9[%add3A_81] : memref<320000xf32, #tpu.memory_space<hbm>> -> memref<80xf32, #tpu.memory_space<hbm>>
    tpu.enqueue_dma source(%arg21 : memref<80xf32, #tpu.memory_space<vmem>>) target(%dma_start3A_83 : memref<80xf32, #tpu.memory_space<hbm>>) target_semaphore(%arg31 : memref<!tpu.dma_semaphore, #tpu.memory_space<semaphore_mem>>)
    %scan3A_84 = arith.constant 0 : i32
    %scan3A_85 = arith.constant 0 : i32
    %scan3A_86 = arith.constant 62 : i32
    %scan3A_87 = arith.addi %scan3A_85, %scan3A_86 : i32
    %scan3A_88 = arith.constant 1 : i32
    scf.for %scan3A_121 = %scan3A_85 to %scan3A_87 step %scan3A_88  : i32 {
      %mul3A_122 = arith.constant 2 : i32
      %mul3A_123 = arith.muli %mul3A_122, %scan3A_121 : i32
      %add3A_124 = arith.constant 1 : i32
      %add3A_125 = arith.addi %add3A_124, %mul3A_123 : i32
      %dma_wait3A_126 = arith.constant 0 : i32
      %dma_wait3A_127 = arith.constant 0 : i32
      %dma_wait3A_128 = tpu.memref_slice %arg2[%dma_wait3A_126, %dma_wait3A_127] : memref<10000x128xf32, #tpu.memory_space<hbm>> -> memref<10000x128xf32, #tpu.memory_space<hbm>>
      tpu.wait_indirect_dma semaphore(%arg26 : memref<!tpu.dma_semaphore, #tpu.memory_space<semaphore_mem>>) src(%dma_wait3A_128 : memref<10000x128xf32, #tpu.memory_space<hbm>>) dst(%arg18 : memref<80x128xf32, #tpu.memory_space<vmem>>)
      %dma_wait3A_129 = arith.constant 0 : i32
      %dma_wait3A_130 = arith.constant 0 : i32
      %dma_wait3A_131 = tpu.memref_slice %arg3[%dma_wait3A_129, %dma_wait3A_130] : memref<10000x128xf32, #tpu.memory_space<hbm>> -> memref<10000x128xf32, #tpu.memory_space<hbm>>
      tpu.wait_indirect_dma semaphore(%arg27 : memref<!tpu.dma_semaphore, #tpu.memory_space<semaphore_mem>>) src(%dma_wait3A_131 : memref<10000x128xf32, #tpu.memory_space<hbm>>) dst(%arg19 : memref<80x128xf32, #tpu.memory_space<vmem>>)
      %add3A_132 = arith.constant 1 : i32
      %add3A_133 = arith.addi %add3A_125, %add3A_132 : i32
      %mul3A_134 = arith.constant 80 : i32
      %mul3A_135 = arith.muli %add3A_133, %mul3A_134 : i32
      %add3A_136 = arith.addi %mul3A_135, %mul3A_2 : i32
      %min3A_137 = arith.constant 319920 : i32
      %min3A_138 = arith.minsi %add3A_136, %min3A_137 : i32
      %dma_start3A_139 = tpu.memref_slice %arg5[%min3A_138] : memref<320000xi32, #tpu.memory_space<hbm>> -> memref<80xi32, #tpu.memory_space<hbm>>
      %dma_start3A_140 = tpu.memref_slice %arg5[%min3A_138] : memref<320000xi32, #tpu.memory_space<hbm>> -> memref<80xi32, #tpu.memory_space<hbm>>
      tpu.enqueue_dma source(%dma_start3A_140 : memref<80xi32, #tpu.memory_space<hbm>>) target(%arg12 : memref<80xi32, #tpu.memory_space<vmem>>) target_semaphore(%arg25 : memref<!tpu.dma_semaphore, #tpu.memory_space<semaphore_mem>>)
      %dma_start3A_141 = tpu.memref_slice %arg6[%min3A_138] : memref<320000xi32, #tpu.memory_space<hbm>> -> memref<80xi32, #tpu.memory_space<hbm>>
      %dma_start3A_142 = tpu.memref_slice %arg6[%min3A_138] : memref<320000xi32, #tpu.memory_space<hbm>> -> memref<80xi32, #tpu.memory_space<hbm>>
      tpu.enqueue_dma source(%dma_start3A_142 : memref<80xi32, #tpu.memory_space<hbm>>) target(%arg13 : memref<80xi32, #tpu.memory_space<vmem>>) target_semaphore(%arg25 : memref<!tpu.dma_semaphore, #tpu.memory_space<semaphore_mem>>)
      %dma_wait3A_143 = arith.constant 0 : i32
      %dma_wait3A_144 = arith.constant 0 : i32
      %dma_wait3A_145 = tpu.memref_slice %arg23[%dma_wait3A_143, %dma_wait3A_144] : memref<10240x128xf32, #tpu.memory_space<vmem_shared>> -> memref<10240x128xf32, #tpu.memory_space<vmem_shared>>
      tpu.wait_indirect_dma semaphore(%arg29 : memref<!tpu.dma_semaphore, #tpu.memory_space<semaphore_mem>>) src(%arg20 : memref<80x128xf32, #tpu.memory_space<vmem>>) dst(%dma_wait3A_145 : memref<10240x128xf32, #tpu.memory_space<vmem_shared>>)
      %dma_wait3A_146 = arith.constant 0 : i32
      %dma_wait3A_147 = tpu.memref_slice %arg24[%dma_wait3A_146] : memref<10240xf32, #tpu.memory_space<vmem_shared>> -> memref<10240xf32, #tpu.memory_space<vmem_shared>>
      tpu.wait_indirect_dma semaphore(%arg30 : memref<!tpu.dma_semaphore, #tpu.memory_space<semaphore_mem>>) src(%arg21 : memref<80xf32, #tpu.memory_space<vmem>>) dst(%dma_wait3A_147 : memref<10240xf32, #tpu.memory_space<vmem_shared>>)
      %mul3A_148 = arith.constant 80 : i32
      %mul3A_149 = arith.muli %add3A_125, %mul3A_148 : i32
      %add3A_150 = arith.addi %mul3A_149, %mul3A_2 : i32
      %sub3A_151 = arith.constant 80 : i32
      %sub3A_152 = arith.subi %add3A_150, %sub3A_151 : i32
      %dma_wait3A_153 = tpu.memref_slice %arg9[%sub3A_152] : memref<320000xf32, #tpu.memory_space<hbm>> -> memref<80xf32, #tpu.memory_space<hbm>>
      %dma_wait3A_154 = tpu.memref_slice %arg9[%sub3A_152] : memref<320000xf32, #tpu.memory_space<hbm>> -> memref<80xf32, #tpu.memory_space<hbm>>
      tpu.wait_dma2 semaphore(%arg31 : memref<!tpu.dma_semaphore, #tpu.memory_space<semaphore_mem>>) src(%arg21 : memref<80xf32, #tpu.memory_space<vmem>>) dst(%dma_wait3A_154 : memref<80xf32, #tpu.memory_space<hbm>>)
      %dma_start3A_155 = arith.constant 0 : i32
      %dma_start3A_156 = arith.constant 0 : i32
      %dma_start3A_157 = tpu.memref_slice %arg4[%dma_start3A_155, %dma_start3A_156] : memref<10000x128xf32, #tpu.memory_space<hbm>> -> memref<10000x128xf32, #tpu.memory_space<hbm>>
      tpu.enqueue_indirect_dma source(%dma_start3A_157 : memref<10000x128xf32, #tpu.memory_space<hbm>>) target(%arg20 : memref<80x128xf32, #tpu.memory_space<vmem>>) offsets(%arg14 : memref<80xi32, #tpu.memory_space<vmem>>) semaphore(%arg28 : memref<!tpu.dma_semaphore, #tpu.memory_space<semaphore_mem>>)
      %scan3A_158 = arith.constant 0 : i32
      %scan3A_159 = arith.constant 0 : i32
      %scan3A_160 = arith.constant 5 : i32
      %scan3A_161 = arith.addi %scan3A_159, %scan3A_160 : i32
      %scan3A_162 = arith.constant 1 : i32
      scf.for %scan3A_302 = %scan3A_159 to %scan3A_161 step %scan3A_162  : i32 {
        %broadcast_in_dim3A = arith.constant 0.000000e+00 : f32
        %broadcast_in_dim3A_303 = vector.broadcast %broadcast_in_dim3A : f32 to vector<16xf32>
        %scan3A_304 = arith.constant 0 : i32
        %scan3A_305 = arith.constant 16 : i32
        %scan3A_306 = arith.addi %scan3A_304, %scan3A_305 : i32
        %scan3A_307 = arith.constant 4 : i32
        %scan3A_308 = scf.for %scan3A_317 = %scan3A_304 to %scan3A_306 step %scan3A_307 iter_args(%scan3A_318 = %broadcast_in_dim3A_303) -> (vector<16xf32>)  : i32 {
          %mul3A_319 = arith.constant 16 : i32
          %mul3A_320 = arith.muli %scan3A_302, %mul3A_319 : i32
          %add3A_321 = arith.addi %mul3A_320, %scan3A_317 : i32
          %get3A_322 = arith.index_cast %add3A_321 : i32 to index
          %get3A_323 = arith.constant 0 : index
          %get3A_324 = tpu.vector_load %arg18[%get3A_322, %get3A_323] {strides = array<i32>} : memref<80x128xf32, #tpu.memory_space<vmem>>, vector<16xf32>,
          %get3A_325 = arith.index_cast %add3A_321 : i32 to index
          %get3A_326 = arith.constant 0 : index
          %get3A_327 = tpu.vector_load %arg19[%get3A_325, %get3A_326] {strides = array<i32>} : memref<80x128xf32, #tpu.memory_space<vmem>>, vector<16xf32>,
          %mul3A_328 = arith.mulf %get3A_324, %get3A_327 : vector<16xf32>
          %get3A_329 = arith.index_cast %add3A_321 : i32 to index
          %get3A_330 = arith.constant 16 : index
          %get3A_331 = tpu.vector_load %arg18[%get3A_329, %get3A_330] {strides = array<i32>} : memref<80x128xf32, #tpu.memory_space<vmem>>, vector<16xf32>,
          %get3A_332 = arith.index_cast %add3A_321 : i32 to index
          %get3A_333 = arith.constant 16 : index
          %get3A_334 = tpu.vector_load %arg19[%get3A_332, %get3A_333] {strides = array<i32>} : memref<80x128xf32, #tpu.memory_space<vmem>>, vector<16xf32>,
          %mul3A_335 = arith.mulf %get3A_331, %get3A_334 : vector<16xf32>
          %add3A_336 = arith.addf %mul3A_328, %mul3A_335 : vector<16xf32>
          %get3A_337 = arith.index_cast %add3A_321 : i32 to index
          %get3A_338 = arith.constant 32 : index
          %get3A_339 = tpu.vector_load %arg18[%get3A_337, %get3A_338] {strides = array<i32>} : memref<80x128xf32, #tpu.memory_space<vmem>>, vector<16xf32>,
          %get3A_340 = arith.index_cast %add3A_321 : i32 to index
          %get3A_341 = arith.constant 32 : index
          %get3A_342 = tpu.vector_load %arg19[%get3A_340, %get3A_341] {strides = array<i32>} : memref<80x128xf32, #tpu.memory_space<vmem>>, vector<16xf32>,
          %mul3A_343 = arith.mulf %get3A_339, %get3A_342 : vector<16xf32>
          %add3A_344 = arith.addf %add3A_336, %mul3A_343 : vector<16xf32>
          %get3A_345 = arith.index_cast %add3A_321 : i32 to index
          %get3A_346 = arith.constant 48 : index
          %get3A_347 = tpu.vector_load %arg18[%get3A_345, %get3A_346] {strides = array<i32>} : memref<80x128xf32, #tpu.memory_space<vmem>>, vector<16xf32>,
          %get3A_348 = arith.index_cast %add3A_321 : i32 to index
          %get3A_349 = arith.constant 48 : index
          %get3A_350 = tpu.vector_load %arg19[%get3A_348, %get3A_349] {strides = array<i32>} : memref<80x128xf32, #tpu.memory_space<vmem>>, vector<16xf32>,
          %mul3A_351 = arith.mulf %get3A_347, %get3A_350 : vector<16xf32>
          %add3A_352 = arith.addf %add3A_344, %mul3A_351 : vector<16xf32>
          %get3A_353 = arith.index_cast %add3A_321 : i32 to index
          %get3A_354 = arith.constant 64 : index
          %get3A_355 = tpu.vector_load %arg18[%get3A_353, %get3A_354] {strides = array<i32>} : memref<80x128xf32, #tpu.memory_space<vmem>>, vector<16xf32>,
          %get3A_356 = arith.index_cast %add3A_321 : i32 to index
          %get3A_357 = arith.constant 64 : index
          %get3A_358 = tpu.vector_load %arg19[%get3A_356, %get3A_357] {strides = array<i32>} : memref<80x128xf32, #tpu.memory_space<vmem>>, vector<16xf32>,
          %mul3A_359 = arith.mulf %get3A_355, %get3A_358 : vector<16xf32>
          %add3A_360 = arith.addf %add3A_352, %mul3A_359 : vector<16xf32>
          %get3A_361 = arith.index_cast %add3A_321 : i32 to index
          %get3A_362 = arith.constant 80 : index
          %get3A_363 = tpu.vector_load %arg18[%get3A_361, %get3A_362] {strides = array<i32>} : memref<80x128xf32, #tpu.memory_space<vmem>>, vector<16xf32>,
          %get3A_364 = arith.index_cast %add3A_321 : i32 to index
          %get3A_365 = arith.constant 80 : index
          %get3A_366 = tpu.vector_load %arg19[%get3A_364, %get3A_365] {strides = array<i32>} : memref<80x128xf32, #tpu.memory_space<vmem>>, vector<16xf32>,
          %mul3A_367 = arith.mulf %get3A_363, %get3A_366 : vector<16xf32>
          %add3A_368 = arith.addf %add3A_360, %mul3A_367 : vector<16xf32>
          %get3A_369 = arith.index_cast %add3A_321 : i32 to index
          %get3A_370 = arith.constant 96 : index
          %get3A_371 = tpu.vector_load %arg18[%get3A_369, %get3A_370] {strides = array<i32>} : memref<80x128xf32, #tpu.memory_space<vmem>>, vector<16xf32>,
          %get3A_372 = arith.index_cast %add3A_321 : i32 to index
          %get3A_373 = arith.constant 96 : index
          %get3A_374 = tpu.vector_load %arg19[%get3A_372, %get3A_373] {strides = array<i32>} : memref<80x128xf32, #tpu.memory_space<vmem>>, vector<16xf32>,
          %mul3A_375 = arith.mulf %get3A_371, %get3A_374 : vector<16xf32>
          %add3A_376 = arith.addf %add3A_368, %mul3A_375 : vector<16xf32>
          %get3A_377 = arith.index_cast %add3A_321 : i32 to index
          %get3A_378 = arith.constant 112 : index
          %get3A_379 = tpu.vector_load %arg18[%get3A_377, %get3A_378] {strides = array<i32>} : memref<80x128xf32, #tpu.memory_space<vmem>>, vector<16xf32>,
          %get3A_380 = arith.index_cast %add3A_321 : i32 to index
          %get3A_381 = arith.constant 112 : index
          %get3A_382 = tpu.vector_load %arg19[%get3A_380, %get3A_381] {strides = array<i32>} : memref<80x128xf32, #tpu.memory_space<vmem>>, vector<16xf32>,
          %mul3A_383 = arith.mulf %get3A_379, %get3A_382 : vector<16xf32>
          %add3A_384 = arith.addf %add3A_376, %mul3A_383 : vector<16xf32>
          %reduce_sum3A = arith.constant true
          %reduce_sum3A_385 = vector.broadcast %reduce_sum3A : i1 to vector<16xi1>
          %reduce_sum3A_386 = tpu.scan <sum>, %add3A_384 masked %reduce_sum3A_385 : vector<16xf32>, vector<16xi1> -> vector<16xf32>
          %reduce_sum3A_387 = vector.extract %reduce_sum3A_386[15] : f32 from vector<16xf32>
          %eq3A = vector.broadcast %scan3A_317 : i32 to vector<16xi32>
          %eq3A_388 = arith.cmpi eq, %iota3A, %eq3A : vector<16xi32>
          %broadcast_in_dim3A_389 = vector.broadcast %reduce_sum3A_387 : f32 to vector<16xf32>
          %select_n3A = arith.select %eq3A_388, %broadcast_in_dim3A_389, %scan3A_318 : vector<16xi1>, vector<16xf32>
          %scan3A_390 = arith.constant 1 : i32
          %scan3A_391 = arith.addi %scan3A_317, %scan3A_390 : i32
          %mul3A_392 = arith.constant 16 : i32
          %mul3A_393 = arith.muli %scan3A_302, %mul3A_392 : i32
          %add3A_394 = arith.addi %mul3A_393, %scan3A_391 : i32
          %get3A_395 = arith.index_cast %add3A_394 : i32 to index
          %get3A_396 = arith.constant 0 : index
          %get3A_397 = tpu.vector_load %arg18[%get3A_395, %get3A_396] {strides = array<i32>} : memref<80x128xf32, #tpu.memory_space<vmem>>, vector<16xf32>,
          %get3A_398 = arith.index_cast %add3A_394 : i32 to index
          %get3A_399 = arith.constant 0 : index
          %get3A_400 = tpu.vector_load %arg19[%get3A_398, %get3A_399] {strides = array<i32>} : memref<80x128xf32, #tpu.memory_space<vmem>>, vector<16xf32>,
          %mul3A_401 = arith.mulf %get3A_397, %get3A_400 : vector<16xf32>
          %get3A_402 = arith.index_cast %add3A_394 : i32 to index
          %get3A_403 = arith.constant 16 : index
          %get3A_404 = tpu.vector_load %arg18[%get3A_402, %get3A_403] {strides = array<i32>} : memref<80x128xf32, #tpu.memory_space<vmem>>, vector<16xf32>,
          %get3A_405 = arith.index_cast %add3A_394 : i32 to index
          %get3A_406 = arith.constant 16 : index
          %get3A_407 = tpu.vector_load %arg19[%get3A_405, %get3A_406] {strides = array<i32>} : memref<80x128xf32, #tpu.memory_space<vmem>>, vector<16xf32>,
          %mul3A_408 = arith.mulf %get3A_404, %get3A_407 : vector<16xf32>
          %add3A_409 = arith.addf %mul3A_401, %mul3A_408 : vector<16xf32>
          %get3A_410 = arith.index_cast %add3A_394 : i32 to index
          %get3A_411 = arith.constant 32 : index
          %get3A_412 = tpu.vector_load %arg18[%get3A_410, %get3A_411] {strides = array<i32>} : memref<80x128xf32, #tpu.memory_space<vmem>>, vector<16xf32>,
          %get3A_413 = arith.index_cast %add3A_394 : i32 to index
          %get3A_414 = arith.constant 32 : index
          %get3A_415 = tpu.vector_load %arg19[%get3A_413, %get3A_414] {strides = array<i32>} : memref<80x128xf32, #tpu.memory_space<vmem>>, vector<16xf32>,
          %mul3A_416 = arith.mulf %get3A_412, %get3A_415 : vector<16xf32>
          %add3A_417 = arith.addf %add3A_409, %mul3A_416 : vector<16xf32>
          %get3A_418 = arith.index_cast %add3A_394 : i32 to index
          %get3A_419 = arith.constant 48 : index
          %get3A_420 = tpu.vector_load %arg18[%get3A_418, %get3A_419] {strides = array<i32>} : memref<80x128xf32, #tpu.memory_space<vmem>>, vector<16xf32>,
          %get3A_421 = arith.index_cast %add3A_394 : i32 to index
          %get3A_422 = arith.constant 48 : index
          %get3A_423 = tpu.vector_load %arg19[%get3A_421, %get3A_422] {strides = array<i32>} : memref<80x128xf32, #tpu.memory_space<vmem>>, vector<16xf32>,
          %mul3A_424 = arith.mulf %get3A_420, %get3A_423 : vector<16xf32>
          %add3A_425 = arith.addf %add3A_417, %mul3A_424 : vector<16xf32>
          %get3A_426 = arith.index_cast %add3A_394 : i32 to index
          %get3A_427 = arith.constant 64 : index
          %get3A_428 = tpu.vector_load %arg18[%get3A_426, %get3A_427] {strides = array<i32>} : memref<80x128xf32, #tpu.memory_space<vmem>>, vector<16xf32>,
          %get3A_429 = arith.index_cast %add3A_394 : i32 to index
          %get3A_430 = arith.constant 64 : index
          %get3A_431 = tpu.vector_load %arg19[%get3A_429, %get3A_430] {strides = array<i32>} : memref<80x128xf32, #tpu.memory_space<vmem>>, vector<16xf32>,
          %mul3A_432 = arith.mulf %get3A_428, %get3A_431 : vector<16xf32>
          %add3A_433 = arith.addf %add3A_425, %mul3A_432 : vector<16xf32>
          %get3A_434 = arith.index_cast %add3A_394 : i32 to index
          %get3A_435 = arith.constant 80 : index
          %get3A_436 = tpu.vector_load %arg18[%get3A_434, %get3A_435] {strides = array<i32>} : memref<80x128xf32, #tpu.memory_space<vmem>>, vector<16xf32>,
          %get3A_437 = arith.index_cast %add3A_394 : i32 to index
          %get3A_438 = arith.constant 80 : index
          %get3A_439 = tpu.vector_load %arg19[%get3A_437, %get3A_438] {strides = array<i32>} : memref<80x128xf32, #tpu.memory_space<vmem>>, vector<16xf32>,
          %mul3A_440 = arith.mulf %get3A_436, %get3A_439 : vector<16xf32>
          %add3A_441 = arith.addf %add3A_433, %mul3A_440 : vector<16xf32>
          %get3A_442 = arith.index_cast %add3A_394 : i32 to index
          %get3A_443 = arith.constant 96 : index
          %get3A_444 = tpu.vector_load %arg18[%get3A_442, %get3A_443] {strides = array<i32>} : memref<80x128xf32, #tpu.memory_space<vmem>>, vector<16xf32>,
          %get3A_445 = arith.index_cast %add3A_394 : i32 to index
          %get3A_446 = arith.constant 96 : index
          %get3A_447 = tpu.vector_load %arg19[%get3A_445, %get3A_446] {strides = array<i32>} : memref<80x128xf32, #tpu.memory_space<vmem>>, vector<16xf32>,
          %mul3A_448 = arith.mulf %get3A_444, %get3A_447 : vector<16xf32>
          %add3A_449 = arith.addf %add3A_441, %mul3A_448 : vector<16xf32>
          %get3A_450 = arith.index_cast %add3A_394 : i32 to index
          %get3A_451 = arith.constant 112 : index
          %get3A_452 = tpu.vector_load %arg18[%get3A_450, %get3A_451] {strides = array<i32>} : memref<80x128xf32, #tpu.memory_space<vmem>>, vector<16xf32>,
          %get3A_453 = arith.index_cast %add3A_394 : i32 to index
          %get3A_454 = arith.constant 112 : index
          %get3A_455 = tpu.vector_load %arg19[%get3A_453, %get3A_454] {strides = array<i32>} : memref<80x128xf32, #tpu.memory_space<vmem>>, vector<16xf32>,
          %mul3A_456 = arith.mulf %get3A_452, %get3A_455 : vector<16xf32>
          %add3A_457 = arith.addf %add3A_449, %mul3A_456 : vector<16xf32>
          %reduce_sum3A_458 = arith.constant true
          %reduce_sum3A_459 = vector.broadcast %reduce_sum3A_458 : i1 to vector<16xi1>
          %reduce_sum3A_460 = tpu.scan <sum>, %add3A_457 masked %reduce_sum3A_459 : vector<16xf32>, vector<16xi1> -> vector<16xf32>
          %reduce_sum3A_461 = vector.extract %reduce_sum3A_460[15] : f32 from vector<16xf32>
          %eq3A_462 = vector.broadcast %scan3A_391 : i32 to vector<16xi32>
          %eq3A_463 = arith.cmpi eq, %iota3A, %eq3A_462 : vector<16xi32>
          %broadcast_in_dim3A_464 = vector.broadcast %reduce_sum3A_461 : f32 to vector<16xf32>
          %select_n3A_465 = arith.select %eq3A_463, %broadcast_in_dim3A_464, %select_n3A : vector<16xi1>, vector<16xf32>
          %scan3A_466 = arith.constant 2 : i32
          %scan3A_467 = arith.addi %scan3A_317, %scan3A_466 : i32
          %mul3A_468 = arith.constant 16 : i32
          %mul3A_469 = arith.muli %scan3A_302, %mul3A_468 : i32
          %add3A_470 = arith.addi %mul3A_469, %scan3A_467 : i32
          %get3A_471 = arith.index_cast %add3A_470 : i32 to index
          %get3A_472 = arith.constant 0 : index
          %get3A_473 = tpu.vector_load %arg18[%get3A_471, %get3A_472] {strides = array<i32>} : memref<80x128xf32, #tpu.memory_space<vmem>>, vector<16xf32>,
          %get3A_474 = arith.index_cast %add3A_470 : i32 to index
          %get3A_475 = arith.constant 0 : index
          %get3A_476 = tpu.vector_load %arg19[%get3A_474, %get3A_475] {strides = array<i32>} : memref<80x128xf32, #tpu.memory_space<vmem>>, vector<16xf32>,
          %mul3A_477 = arith.mulf %get3A_473, %get3A_476 : vector<16xf32>
          %get3A_478 = arith.index_cast %add3A_470 : i32 to index
          %get3A_479 = arith.constant 16 : index
          %get3A_480 = tpu.vector_load %arg18[%get3A_478, %get3A_479] {strides = array<i32>} : memref<80x128xf32, #tpu.memory_space<vmem>>, vector<16xf32>,
          %get3A_481 = arith.index_cast %add3A_470 : i32 to index
          %get3A_482 = arith.constant 16 : index
          %get3A_483 = tpu.vector_load %arg19[%get3A_481, %get3A_482] {strides = array<i32>} : memref<80x128xf32, #tpu.memory_space<vmem>>, vector<16xf32>,
          %mul3A_484 = arith.mulf %get3A_480, %get3A_483 : vector<16xf32>
          %add3A_485 = arith.addf %mul3A_477, %mul3A_484 : vector<16xf32>
          %get3A_486 = arith.index_cast %add3A_470 : i32 to index
          %get3A_487 = arith.constant 32 : index
          %get3A_488 = tpu.vector_load %arg18[%get3A_486, %get3A_487] {strides = array<i32>} : memref<80x128xf32, #tpu.memory_space<vmem>>, vector<16xf32>,
          %get3A_489 = arith.index_cast %add3A_470 : i32 to index
          %get3A_490 = arith.constant 32 : index
          %get3A_491 = tpu.vector_load %arg19[%get3A_489, %get3A_490] {strides = array<i32>} : memref<80x128xf32, #tpu.memory_space<vmem>>, vector<16xf32>,
          %mul3A_492 = arith.mulf %get3A_488, %get3A_491 : vector<16xf32>
          %add3A_493 = arith.addf %add3A_485, %mul3A_492 : vector<16xf32>
          %get3A_494 = arith.index_cast %add3A_470 : i32 to index
          %get3A_495 = arith.constant 48 : index
          %get3A_496 = tpu.vector_load %arg18[%get3A_494, %get3A_495] {strides = array<i32>} : memref<80x128xf32, #tpu.memory_space<vmem>>, vector<16xf32>,
          %get3A_497 = arith.index_cast %add3A_470 : i32 to index
          %get3A_498 = arith.constant 48 : index
          %get3A_499 = tpu.vector_load %arg19[%get3A_497, %get3A_498] {strides = array<i32>} : memref<80x128xf32, #tpu.memory_space<vmem>>, vector<16xf32>,
          %mul3A_500 = arith.mulf %get3A_496, %get3A_499 : vector<16xf32>
          %add3A_501 = arith.addf %add3A_493, %mul3A_500 : vector<16xf32>
          %get3A_502 = arith.index_cast %add3A_470 : i32 to index
          %get3A_503 = arith.constant 64 : index
          %get3A_504 = tpu.vector_load %arg18[%get3A_502, %get3A_503] {strides = array<i32>} : memref<80x128xf32, #tpu.memory_space<vmem>>, vector<16xf32>,
          %get3A_505 = arith.index_cast %add3A_470 : i32 to index
          %get3A_506 = arith.constant 64 : index
          %get3A_507 = tpu.vector_load %arg19[%get3A_505, %get3A_506] {strides = array<i32>} : memref<80x128xf32, #tpu.memory_space<vmem>>, vector<16xf32>,
          %mul3A_508 = arith.mulf %get3A_504, %get3A_507 : vector<16xf32>
          %add3A_509 = arith.addf %add3A_501, %mul3A_508 : vector<16xf32>
          %get3A_510 = arith.index_cast %add3A_470 : i32 to index
          %get3A_511 = arith.constant 80 : index
          %get3A_512 = tpu.vector_load %arg18[%get3A_510, %get3A_511] {strides = array<i32>} : memref<80x128xf32, #tpu.memory_space<vmem>>, vector<16xf32>,
          %get3A_513 = arith.index_cast %add3A_470 : i32 to index
          %get3A_514 = arith.constant 80 : index
          %get3A_515 = tpu.vector_load %arg19[%get3A_513, %get3A_514] {strides = array<i32>} : memref<80x128xf32, #tpu.memory_space<vmem>>, vector<16xf32>,
          %mul3A_516 = arith.mulf %get3A_512, %get3A_515 : vector<16xf32>
          %add3A_517 = arith.addf %add3A_509, %mul3A_516 : vector<16xf32>
          %get3A_518 = arith.index_cast %add3A_470 : i32 to index
          %get3A_519 = arith.constant 96 : index
          %get3A_520 = tpu.vector_load %arg18[%get3A_518, %get3A_519] {strides = array<i32>} : memref<80x128xf32, #tpu.memory_space<vmem>>, vector<16xf32>,
          %get3A_521 = arith.index_cast %add3A_470 : i32 to index
          %get3A_522 = arith.constant 96 : index
          %get3A_523 = tpu.vector_load %arg19[%get3A_521, %get3A_522] {strides = array<i32>} : memref<80x128xf32, #tpu.memory_space<vmem>>, vector<16xf32>,
          %mul3A_524 = arith.mulf %get3A_520, %get3A_523 : vector<16xf32>
          %add3A_525 = arith.addf %add3A_517, %mul3A_524 : vector<16xf32>
          %get3A_526 = arith.index_cast %add3A_470 : i32 to index
          %get3A_527 = arith.constant 112 : index
          %get3A_528 = tpu.vector_load %arg18[%get3A_526, %get3A_527] {strides = array<i32>} : memref<80x128xf32, #tpu.memory_space<vmem>>, vector<16xf32>,
          %get3A_529 = arith.index_cast %add3A_470 : i32 to index
          %get3A_530 = arith.constant 112 : index
          %get3A_531 = tpu.vector_load %arg19[%get3A_529, %get3A_530] {strides = array<i32>} : memref<80x128xf32, #tpu.memory_space<vmem>>, vector<16xf32>,
          %mul3A_532 = arith.mulf %get3A_528, %get3A_531 : vector<16xf32>
          %add3A_533 = arith.addf %add3A_525, %mul3A_532 : vector<16xf32>
          %reduce_sum3A_534 = arith.constant true
          %reduce_sum3A_535 = vector.broadcast %reduce_sum3A_534 : i1 to vector<16xi1>
          %reduce_sum3A_536 = tpu.scan <sum>, %add3A_533 masked %reduce_sum3A_535 : vector<16xf32>, vector<16xi1> -> vector<16xf32>
          %reduce_sum3A_537 = vector.extract %reduce_sum3A_536[15] : f32 from vector<16xf32>
          %eq3A_538 = vector.broadcast %scan3A_467 : i32 to vector<16xi32>
          %eq3A_539 = arith.cmpi eq, %iota3A, %eq3A_538 : vector<16xi32>
          %broadcast_in_dim3A_540 = vector.broadcast %reduce_sum3A_537 : f32 to vector<16xf32>
          %select_n3A_541 = arith.select %eq3A_539, %broadcast_in_dim3A_540, %select_n3A_465 : vector<16xi1>, vector<16xf32>
          %scan3A_542 = arith.constant 3 : i32
          %scan3A_543 = arith.addi %scan3A_317, %scan3A_542 : i32
          %mul3A_544 = arith.constant 16 : i32
          %mul3A_545 = arith.muli %scan3A_302, %mul3A_544 : i32
          %add3A_546 = arith.addi %mul3A_545, %scan3A_543 : i32
          %get3A_547 = arith.index_cast %add3A_546 : i32 to index
          %get3A_548 = arith.constant 0 : index
          %get3A_549 = tpu.vector_load %arg18[%get3A_547, %get3A_548] {strides = array<i32>} : memref<80x128xf32, #tpu.memory_space<vmem>>, vector<16xf32>,
          %get3A_550 = arith.index_cast %add3A_546 : i32 to index
          %get3A_551 = arith.constant 0 : index
          %get3A_552 = tpu.vector_load %arg19[%get3A_550, %get3A_551] {strides = array<i32>} : memref<80x128xf32, #tpu.memory_space<vmem>>, vector<16xf32>,
          %mul3A_553 = arith.mulf %get3A_549, %get3A_552 : vector<16xf32>
          %get3A_554 = arith.index_cast %add3A_546 : i32 to index
          %get3A_555 = arith.constant 16 : index
          %get3A_556 = tpu.vector_load %arg18[%get3A_554, %get3A_555] {strides = array<i32>} : memref<80x128xf32, #tpu.memory_space<vmem>>, vector<16xf32>,
          %get3A_557 = arith.index_cast %add3A_546 : i32 to index
          %get3A_558 = arith.constant 16 : index
          %get3A_559 = tpu.vector_load %arg19[%get3A_557, %get3A_558] {strides = array<i32>} : memref<80x128xf32, #tpu.memory_space<vmem>>, vector<16xf32>,
          %mul3A_560 = arith.mulf %get3A_556, %get3A_559 : vector<16xf32>
          %add3A_561 = arith.addf %mul3A_553, %mul3A_560 : vector<16xf32>
          %get3A_562 = arith.index_cast %add3A_546 : i32 to index
          %get3A_563 = arith.constant 32 : index
          %get3A_564 = tpu.vector_load %arg18[%get3A_562, %get3A_563] {strides = array<i32>} : memref<80x128xf32, #tpu.memory_space<vmem>>, vector<16xf32>,
          %get3A_565 = arith.index_cast %add3A_546 : i32 to index
          %get3A_566 = arith.constant 32 : index
          %get3A_567 = tpu.vector_load %arg19[%get3A_565, %get3A_566] {strides = array<i32>} : memref<80x128xf32, #tpu.memory_space<vmem>>, vector<16xf32>,
          %mul3A_568 = arith.mulf %get3A_564, %get3A_567 : vector<16xf32>
          %add3A_569 = arith.addf %add3A_561, %mul3A_568 : vector<16xf32>
          %get3A_570 = arith.index_cast %add3A_546 : i32 to index
          %get3A_571 = arith.constant 48 : index
          %get3A_572 = tpu.vector_load %arg18[%get3A_570, %get3A_571] {strides = array<i32>} : memref<80x128xf32, #tpu.memory_space<vmem>>, vector<16xf32>,
          %get3A_573 = arith.index_cast %add3A_546 : i32 to index
          %get3A_574 = arith.constant 48 : index
          %get3A_575 = tpu.vector_load %arg19[%get3A_573, %get3A_574] {strides = array<i32>} : memref<80x128xf32, #tpu.memory_space<vmem>>, vector<16xf32>,
          %mul3A_576 = arith.mulf %get3A_572, %get3A_575 : vector<16xf32>
          %add3A_577 = arith.addf %add3A_569, %mul3A_576 : vector<16xf32>
          %get3A_578 = arith.index_cast %add3A_546 : i32 to index
          %get3A_579 = arith.constant 64 : index
          %get3A_580 = tpu.vector_load %arg18[%get3A_578, %get3A_579] {strides = array<i32>} : memref<80x128xf32, #tpu.memory_space<vmem>>, vector<16xf32>,
          %get3A_581 = arith.index_cast %add3A_546 : i32 to index
          %get3A_582 = arith.constant 64 : index
          %get3A_583 = tpu.vector_load %arg19[%get3A_581, %get3A_582] {strides = array<i32>} : memref<80x128xf32, #tpu.memory_space<vmem>>, vector<16xf32>,
          %mul3A_584 = arith.mulf %get3A_580, %get3A_583 : vector<16xf32>
          %add3A_585 = arith.addf %add3A_577, %mul3A_584 : vector<16xf32>
          %get3A_586 = arith.index_cast %add3A_546 : i32 to index
          %get3A_587 = arith.constant 80 : index
          %get3A_588 = tpu.vector_load %arg18[%get3A_586, %get3A_587] {strides = array<i32>} : memref<80x128xf32, #tpu.memory_space<vmem>>, vector<16xf32>,
          %get3A_589 = arith.index_cast %add3A_546 : i32 to index
          %get3A_590 = arith.constant 80 : index
          %get3A_591 = tpu.vector_load %arg19[%get3A_589, %get3A_590] {strides = array<i32>} : memref<80x128xf32, #tpu.memory_space<vmem>>, vector<16xf32>,
          %mul3A_592 = arith.mulf %get3A_588, %get3A_591 : vector<16xf32>
          %add3A_593 = arith.addf %add3A_585, %mul3A_592 : vector<16xf32>
          %get3A_594 = arith.index_cast %add3A_546 : i32 to index
          %get3A_595 = arith.constant 96 : index
          %get3A_596 = tpu.vector_load %arg18[%get3A_594, %get3A_595] {strides = array<i32>} : memref<80x128xf32, #tpu.memory_space<vmem>>, vector<16xf32>,
          %get3A_597 = arith.index_cast %add3A_546 : i32 to index
          %get3A_598 = arith.constant 96 : index
          %get3A_599 = tpu.vector_load %arg19[%get3A_597, %get3A_598] {strides = array<i32>} : memref<80x128xf32, #tpu.memory_space<vmem>>, vector<16xf32>,
          %mul3A_600 = arith.mulf %get3A_596, %get3A_599 : vector<16xf32>
          %add3A_601 = arith.addf %add3A_593, %mul3A_600 : vector<16xf32>
          %get3A_602 = arith.index_cast %add3A_546 : i32 to index
          %get3A_603 = arith.constant 112 : index
          %get3A_604 = tpu.vector_load %arg18[%get3A_602, %get3A_603] {strides = array<i32>} : memref<80x128xf32, #tpu.memory_space<vmem>>, vector<16xf32>,
          %get3A_605 = arith.index_cast %add3A_546 : i32 to index
          %get3A_606 = arith.constant 112 : index
          %get3A_607 = tpu.vector_load %arg19[%get3A_605, %get3A_606] {strides = array<i32>} : memref<80x128xf32, #tpu.memory_space<vmem>>, vector<16xf32>,
          %mul3A_608 = arith.mulf %get3A_604, %get3A_607 : vector<16xf32>
          %add3A_609 = arith.addf %add3A_601, %mul3A_608 : vector<16xf32>
          %reduce_sum3A_610 = arith.constant true
          %reduce_sum3A_611 = vector.broadcast %reduce_sum3A_610 : i1 to vector<16xi1>
          %reduce_sum3A_612 = tpu.scan <sum>, %add3A_609 masked %reduce_sum3A_611 : vector<16xf32>, vector<16xi1> -> vector<16xf32>
          %reduce_sum3A_613 = vector.extract %reduce_sum3A_612[15] : f32 from vector<16xf32>
          %eq3A_614 = vector.broadcast %scan3A_543 : i32 to vector<16xi32>
          %eq3A_615 = arith.cmpi eq, %iota3A, %eq3A_614 : vector<16xi32>
          %broadcast_in_dim3A_616 = vector.broadcast %reduce_sum3A_613 : f32 to vector<16xf32>
          %select_n3A_617 = arith.select %eq3A_615, %broadcast_in_dim3A_616, %select_n3A_541 : vector<16xi1>, vector<16xf32>
          scf.yield %select_n3A_617 : vector<16xf32>
        }
        %scan3A_309 = arith.constant 16 : i32
        %mul3A_310 = arith.constant 0.0883883461 : f32
        %mul3A_311 = vector.broadcast %mul3A_310 : f32 to vector<16xf32>
        %mul3A_312 = arith.mulf %scan3A_308, %mul3A_311 : vector<16xf32>
        %exp3A = math.exp %mul3A_312 : vector<16xf32>
        %mul3A_313 = arith.constant 16 : i32
        %mul3A_314 = arith.muli %scan3A_302, %mul3A_313 : i32
        %swap3A_315 = arith.index_cast %mul3A_314 : i32 to index
        %swap3A_316 = tpu.vector_load %arg22[%swap3A_315] {strides = array<i32>} : memref<80xf32, #tpu.memory_space<vmem>>, vector<16xf32>,
        tpu.vector_store %arg22[%swap3A_315], %exp3A {strides = array<i32>} : memref<80xf32, #tpu.memory_space<vmem>>, vector<16xf32>,
      }
      %scan3A_163 = arith.constant 5 : i32
      %dma_wait3A_164 = tpu.memref_slice %arg5[%min3A_138] : memref<320000xi32, #tpu.memory_space<hbm>> -> memref<80xi32, #tpu.memory_space<hbm>>
      %dma_wait3A_165 = tpu.memref_slice %arg5[%min3A_138] : memref<320000xi32, #tpu.memory_space<hbm>> -> memref<80xi32, #tpu.memory_space<hbm>>
      tpu.wait_dma2 semaphore(%arg25 : memref<!tpu.dma_semaphore, #tpu.memory_space<semaphore_mem>>) src(%dma_wait3A_165 : memref<80xi32, #tpu.memory_space<hbm>>) dst(%arg12 : memref<80xi32, #tpu.memory_space<vmem>>)
      %dma_wait3A_166 = tpu.memref_slice %arg6[%min3A_138] : memref<320000xi32, #tpu.memory_space<hbm>> -> memref<80xi32, #tpu.memory_space<hbm>>
      %dma_wait3A_167 = tpu.memref_slice %arg6[%min3A_138] : memref<320000xi32, #tpu.memory_space<hbm>> -> memref<80xi32, #tpu.memory_space<hbm>>
      tpu.wait_dma2 semaphore(%arg25 : memref<!tpu.dma_semaphore, #tpu.memory_space<semaphore_mem>>) src(%dma_wait3A_167 : memref<80xi32, #tpu.memory_space<hbm>>) dst(%arg13 : memref<80xi32, #tpu.memory_space<vmem>>)
      %dma_start3A_168 = arith.constant 0 : i32
      %dma_start3A_169 = arith.constant 0 : i32
      %dma_start3A_170 = tpu.memref_slice %arg2[%dma_start3A_168, %dma_start3A_169] : memref<10000x128xf32, #tpu.memory_space<hbm>> -> memref<10000x128xf32, #tpu.memory_space<hbm>>
      tpu.enqueue_indirect_dma source(%dma_start3A_170 : memref<10000x128xf32, #tpu.memory_space<hbm>>) target(%arg18 : memref<80x128xf32, #tpu.memory_space<vmem>>) offsets(%arg12 : memref<80xi32, #tpu.memory_space<vmem>>) semaphore(%arg26 : memref<!tpu.dma_semaphore, #tpu.memory_space<semaphore_mem>>)
      %dma_start3A_171 = arith.constant 0 : i32
      %dma_start3A_172 = arith.constant 0 : i32
      %dma_start3A_173 = tpu.memref_slice %arg3[%dma_start3A_171, %dma_start3A_172] : memref<10000x128xf32, #tpu.memory_space<hbm>> -> memref<10000x128xf32, #tpu.memory_space<hbm>>
      tpu.enqueue_indirect_dma source(%dma_start3A_173 : memref<10000x128xf32, #tpu.memory_space<hbm>>) target(%arg19 : memref<80x128xf32, #tpu.memory_space<vmem>>) offsets(%arg13 : memref<80xi32, #tpu.memory_space<vmem>>) semaphore(%arg27 : memref<!tpu.dma_semaphore, #tpu.memory_space<semaphore_mem>>)
      %dma_wait3A_174 = arith.constant 0 : i32
      %dma_wait3A_175 = arith.constant 0 : i32
      %dma_wait3A_176 = tpu.memref_slice %arg4[%dma_wait3A_174, %dma_wait3A_175] : memref<10000x128xf32, #tpu.memory_space<hbm>> -> memref<10000x128xf32, #tpu.memory_space<hbm>>
      tpu.wait_indirect_dma semaphore(%arg28 : memref<!tpu.dma_semaphore, #tpu.memory_space<semaphore_mem>>) src(%dma_wait3A_176 : memref<10000x128xf32, #tpu.memory_space<hbm>>) dst(%arg20 : memref<80x128xf32, #tpu.memory_space<vmem>>)
      %scan3A_177 = arith.constant 0 : i32
      %scan3A_178 = arith.constant 0 : i32
      %scan3A_179 = arith.constant 5 : i32
      %scan3A_180 = arith.addi %scan3A_178, %scan3A_179 : i32
      %scan3A_181 = arith.constant 1 : i32
      scf.for %scan3A_302 = %scan3A_178 to %scan3A_180 step %scan3A_181  : i32 {
        %mul3A_303 = arith.constant 16 : i32
        %mul3A_304 = arith.muli %scan3A_302, %mul3A_303 : i32
        %get3A_305 = arith.index_cast %mul3A_304 : i32 to index
        %get3A_306 = tpu.vector_load %arg22[%get3A_305] {strides = array<i32>} : memref<80xf32, #tpu.memory_space<vmem>>, vector<16xf32>,
        %scan3A_307 = arith.constant 0 : i32
        %scan3A_308 = arith.constant 0 : i32
        %scan3A_309 = arith.constant 16 : i32
        %scan3A_310 = arith.addi %scan3A_308, %scan3A_309 : i32
        %scan3A_311 = arith.constant 4 : i32
        scf.for %scan3A_313 = %scan3A_308 to %scan3A_310 step %scan3A_311  : i32 {
          %mul3A_314 = arith.constant 16 : i32
          %mul3A_315 = arith.muli %scan3A_302, %mul3A_314 : i32
          %add3A_316 = arith.addi %mul3A_315, %scan3A_313 : i32
          %eq3A = vector.broadcast %scan3A_313 : i32 to vector<16xi32>
          %eq3A_317 = arith.cmpi eq, %iota3A, %eq3A : vector<16xi32>
          %jit3A = arith.constant 0.000000e+00 : f32
          %broadcast_in_dim3A = vector.broadcast %jit3A : f32 to vector<16xf32>
          %select_n3A = arith.select %eq3A_317, %get3A_306, %broadcast_in_dim3A : vector<16xi1>, vector<16xf32>
          %reduce_sum3A = arith.constant true
          %reduce_sum3A_318 = vector.broadcast %reduce_sum3A : i1 to vector<16xi1>
          %reduce_sum3A_319 = tpu.scan <sum>, %select_n3A masked %reduce_sum3A_318 : vector<16xf32>, vector<16xi1> -> vector<16xf32>
          %reduce_sum3A_320 = vector.extract %reduce_sum3A_319[15] : f32 from vector<16xf32>
          %get3A_321 = arith.index_cast %add3A_316 : i32 to index
          %get3A_322 = arith.constant 0 : index
          %get3A_323 = tpu.vector_load %arg20[%get3A_321, %get3A_322] {strides = array<i32>} : memref<80x128xf32, #tpu.memory_space<vmem>>, vector<16xf32>,
          %mul3A_324 = vector.broadcast %reduce_sum3A_320 : f32 to vector<16xf32>
          %mul3A_325 = arith.mulf %get3A_323, %mul3A_324 : vector<16xf32>
          %swap3A_326 = arith.index_cast %add3A_316 : i32 to index
          %swap3A_327 = arith.constant 0 : index
          %swap3A_328 = tpu.vector_load %arg20[%swap3A_326, %swap3A_327] {strides = array<i32>} : memref<80x128xf32, #tpu.memory_space<vmem>>, vector<16xf32>,
          tpu.vector_store %arg20[%swap3A_326, %swap3A_327], %mul3A_325 {strides = array<i32>} : memref<80x128xf32, #tpu.memory_space<vmem>>, vector<16xf32>,
          %get3A_329 = arith.index_cast %add3A_316 : i32 to index
          %get3A_330 = arith.constant 16 : index
          %get3A_331 = tpu.vector_load %arg20[%get3A_329, %get3A_330] {strides = array<i32>} : memref<80x128xf32, #tpu.memory_space<vmem>>, vector<16xf32>,
          %mul3A_332 = vector.broadcast %reduce_sum3A_320 : f32 to vector<16xf32>
          %mul3A_333 = arith.mulf %get3A_331, %mul3A_332 : vector<16xf32>
          %swap3A_334 = arith.index_cast %add3A_316 : i32 to index
          %swap3A_335 = arith.constant 16 : index
          %swap3A_336 = tpu.vector_load %arg20[%swap3A_334, %swap3A_335] {strides = array<i32>} : memref<80x128xf32, #tpu.memory_space<vmem>>, vector<16xf32>,
          tpu.vector_store %arg20[%swap3A_334, %swap3A_335], %mul3A_333 {strides = array<i32>} : memref<80x128xf32, #tpu.memory_space<vmem>>, vector<16xf32>,
          %get3A_337 = arith.index_cast %add3A_316 : i32 to index
          %get3A_338 = arith.constant 32 : index
          %get3A_339 = tpu.vector_load %arg20[%get3A_337, %get3A_338] {strides = array<i32>} : memref<80x128xf32, #tpu.memory_space<vmem>>, vector<16xf32>,
          %mul3A_340 = vector.broadcast %reduce_sum3A_320 : f32 to vector<16xf32>
          %mul3A_341 = arith.mulf %get3A_339, %mul3A_340 : vector<16xf32>
          %swap3A_342 = arith.index_cast %add3A_316 : i32 to index
          %swap3A_343 = arith.constant 32 : index
          %swap3A_344 = tpu.vector_load %arg20[%swap3A_342, %swap3A_343] {strides = array<i32>} : memref<80x128xf32, #tpu.memory_space<vmem>>, vector<16xf32>,
          tpu.vector_store %arg20[%swap3A_342, %swap3A_343], %mul3A_341 {strides = array<i32>} : memref<80x128xf32, #tpu.memory_space<vmem>>, vector<16xf32>,
          %get3A_345 = arith.index_cast %add3A_316 : i32 to index
          %get3A_346 = arith.constant 48 : index
          %get3A_347 = tpu.vector_load %arg20[%get3A_345, %get3A_346] {strides = array<i32>} : memref<80x128xf32, #tpu.memory_space<vmem>>, vector<16xf32>,
          %mul3A_348 = vector.broadcast %reduce_sum3A_320 : f32 to vector<16xf32>
          %mul3A_349 = arith.mulf %get3A_347, %mul3A_348 : vector<16xf32>
          %swap3A_350 = arith.index_cast %add3A_316 : i32 to index
          %swap3A_351 = arith.constant 48 : index
          %swap3A_352 = tpu.vector_load %arg20[%swap3A_350, %swap3A_351] {strides = array<i32>} : memref<80x128xf32, #tpu.memory_space<vmem>>, vector<16xf32>,
          tpu.vector_store %arg20[%swap3A_350, %swap3A_351], %mul3A_349 {strides = array<i32>} : memref<80x128xf32, #tpu.memory_space<vmem>>, vector<16xf32>,
          %get3A_353 = arith.index_cast %add3A_316 : i32 to index
          %get3A_354 = arith.constant 64 : index
          %get3A_355 = tpu.vector_load %arg20[%get3A_353, %get3A_354] {strides = array<i32>} : memref<80x128xf32, #tpu.memory_space<vmem>>, vector<16xf32>,
          %mul3A_356 = vector.broadcast %reduce_sum3A_320 : f32 to vector<16xf32>
          %mul3A_357 = arith.mulf %get3A_355, %mul3A_356 : vector<16xf32>
          %swap3A_358 = arith.index_cast %add3A_316 : i32 to index
          %swap3A_359 = arith.constant 64 : index
          %swap3A_360 = tpu.vector_load %arg20[%swap3A_358, %swap3A_359] {strides = array<i32>} : memref<80x128xf32, #tpu.memory_space<vmem>>, vector<16xf32>,
          tpu.vector_store %arg20[%swap3A_358, %swap3A_359], %mul3A_357 {strides = array<i32>} : memref<80x128xf32, #tpu.memory_space<vmem>>, vector<16xf32>,
          %get3A_361 = arith.index_cast %add3A_316 : i32 to index
          %get3A_362 = arith.constant 80 : index
          %get3A_363 = tpu.vector_load %arg20[%get3A_361, %get3A_362] {strides = array<i32>} : memref<80x128xf32, #tpu.memory_space<vmem>>, vector<16xf32>,
          %mul3A_364 = vector.broadcast %reduce_sum3A_320 : f32 to vector<16xf32>
          %mul3A_365 = arith.mulf %get3A_363, %mul3A_364 : vector<16xf32>
          %swap3A_366 = arith.index_cast %add3A_316 : i32 to index
          %swap3A_367 = arith.constant 80 : index
          %swap3A_368 = tpu.vector_load %arg20[%swap3A_366, %swap3A_367] {strides = array<i32>} : memref<80x128xf32, #tpu.memory_space<vmem>>, vector<16xf32>,
          tpu.vector_store %arg20[%swap3A_366, %swap3A_367], %mul3A_365 {strides = array<i32>} : memref<80x128xf32, #tpu.memory_space<vmem>>, vector<16xf32>,
          %get3A_369 = arith.index_cast %add3A_316 : i32 to index
          %get3A_370 = arith.constant 96 : index
          %get3A_371 = tpu.vector_load %arg20[%get3A_369, %get3A_370] {strides = array<i32>} : memref<80x128xf32, #tpu.memory_space<vmem>>, vector<16xf32>,
          %mul3A_372 = vector.broadcast %reduce_sum3A_320 : f32 to vector<16xf32>
          %mul3A_373 = arith.mulf %get3A_371, %mul3A_372 : vector<16xf32>
          %swap3A_374 = arith.index_cast %add3A_316 : i32 to index
          %swap3A_375 = arith.constant 96 : index
          %swap3A_376 = tpu.vector_load %arg20[%swap3A_374, %swap3A_375] {strides = array<i32>} : memref<80x128xf32, #tpu.memory_space<vmem>>, vector<16xf32>,
          tpu.vector_store %arg20[%swap3A_374, %swap3A_375], %mul3A_373 {strides = array<i32>} : memref<80x128xf32, #tpu.memory_space<vmem>>, vector<16xf32>,
          %get3A_377 = arith.index_cast %add3A_316 : i32 to index
          %get3A_378 = arith.constant 112 : index
          %get3A_379 = tpu.vector_load %arg20[%get3A_377, %get3A_378] {strides = array<i32>} : memref<80x128xf32, #tpu.memory_space<vmem>>, vector<16xf32>,
          %mul3A_380 = vector.broadcast %reduce_sum3A_320 : f32 to vector<16xf32>
          %mul3A_381 = arith.mulf %get3A_379, %mul3A_380 : vector<16xf32>
          %swap3A_382 = arith.index_cast %add3A_316 : i32 to index
          %swap3A_383 = arith.constant 112 : index
          %swap3A_384 = tpu.vector_load %arg20[%swap3A_382, %swap3A_383] {strides = array<i32>} : memref<80x128xf32, #tpu.memory_space<vmem>>, vector<16xf32>,
          tpu.vector_store %arg20[%swap3A_382, %swap3A_383], %mul3A_381 {strides = array<i32>} : memref<80x128xf32, #tpu.memory_space<vmem>>, vector<16xf32>,
          %scan3A_385 = arith.constant 1 : i32
          %scan3A_386 = arith.addi %scan3A_313, %scan3A_385 : i32
          %mul3A_387 = arith.constant 16 : i32
          %mul3A_388 = arith.muli %scan3A_302, %mul3A_387 : i32
          %add3A_389 = arith.addi %mul3A_388, %scan3A_386 : i32
          %eq3A_390 = vector.broadcast %scan3A_386 : i32 to vector<16xi32>
          %eq3A_391 = arith.cmpi eq, %iota3A, %eq3A_390 : vector<16xi32>
          %jit3A_392 = arith.constant 0.000000e+00 : f32
          %broadcast_in_dim3A_393 = vector.broadcast %jit3A_392 : f32 to vector<16xf32>
          %select_n3A_394 = arith.select %eq3A_391, %get3A_306, %broadcast_in_dim3A_393 : vector<16xi1>, vector<16xf32>
          %reduce_sum3A_395 = arith.constant true
          %reduce_sum3A_396 = vector.broadcast %reduce_sum3A_395 : i1 to vector<16xi1>
          %reduce_sum3A_397 = tpu.scan <sum>, %select_n3A_394 masked %reduce_sum3A_396 : vector<16xf32>, vector<16xi1> -> vector<16xf32>
          %reduce_sum3A_398 = vector.extract %reduce_sum3A_397[15] : f32 from vector<16xf32>
          %get3A_399 = arith.index_cast %add3A_389 : i32 to index
          %get3A_400 = arith.constant 0 : index
          %get3A_401 = tpu.vector_load %arg20[%get3A_399, %get3A_400] {strides = array<i32>} : memref<80x128xf32, #tpu.memory_space<vmem>>, vector<16xf32>,
          %mul3A_402 = vector.broadcast %reduce_sum3A_398 : f32 to vector<16xf32>
          %mul3A_403 = arith.mulf %get3A_401, %mul3A_402 : vector<16xf32>
          %swap3A_404 = arith.index_cast %add3A_389 : i32 to index
          %swap3A_405 = arith.constant 0 : index
          %swap3A_406 = tpu.vector_load %arg20[%swap3A_404, %swap3A_405] {strides = array<i32>} : memref<80x128xf32, #tpu.memory_space<vmem>>, vector<16xf32>,
          tpu.vector_store %arg20[%swap3A_404, %swap3A_405], %mul3A_403 {strides = array<i32>} : memref<80x128xf32, #tpu.memory_space<vmem>>, vector<16xf32>,
          %get3A_407 = arith.index_cast %add3A_389 : i32 to index
          %get3A_408 = arith.constant 16 : index
          %get3A_409 = tpu.vector_load %arg20[%get3A_407, %get3A_408] {strides = array<i32>} : memref<80x128xf32, #tpu.memory_space<vmem>>, vector<16xf32>,
          %mul3A_410 = vector.broadcast %reduce_sum3A_398 : f32 to vector<16xf32>
          %mul3A_411 = arith.mulf %get3A_409, %mul3A_410 : vector<16xf32>
          %swap3A_412 = arith.index_cast %add3A_389 : i32 to index
          %swap3A_413 = arith.constant 16 : index
          %swap3A_414 = tpu.vector_load %arg20[%swap3A_412, %swap3A_413] {strides = array<i32>} : memref<80x128xf32, #tpu.memory_space<vmem>>, vector<16xf32>,
          tpu.vector_store %arg20[%swap3A_412, %swap3A_413], %mul3A_411 {strides = array<i32>} : memref<80x128xf32, #tpu.memory_space<vmem>>, vector<16xf32>,
          %get3A_415 = arith.index_cast %add3A_389 : i32 to index
          %get3A_416 = arith.constant 32 : index
          %get3A_417 = tpu.vector_load %arg20[%get3A_415, %get3A_416] {strides = array<i32>} : memref<80x128xf32, #tpu.memory_space<vmem>>, vector<16xf32>,
          %mul3A_418 = vector.broadcast %reduce_sum3A_398 : f32 to vector<16xf32>
          %mul3A_419 = arith.mulf %get3A_417, %mul3A_418 : vector<16xf32>
          %swap3A_420 = arith.index_cast %add3A_389 : i32 to index
          %swap3A_421 = arith.constant 32 : index
          %swap3A_422 = tpu.vector_load %arg20[%swap3A_420, %swap3A_421] {strides = array<i32>} : memref<80x128xf32, #tpu.memory_space<vmem>>, vector<16xf32>,
          tpu.vector_store %arg20[%swap3A_420, %swap3A_421], %mul3A_419 {strides = array<i32>} : memref<80x128xf32, #tpu.memory_space<vmem>>, vector<16xf32>,
          %get3A_423 = arith.index_cast %add3A_389 : i32 to index
          %get3A_424 = arith.constant 48 : index
          %get3A_425 = tpu.vector_load %arg20[%get3A_423, %get3A_424] {strides = array<i32>} : memref<80x128xf32, #tpu.memory_space<vmem>>, vector<16xf32>,
          %mul3A_426 = vector.broadcast %reduce_sum3A_398 : f32 to vector<16xf32>
          %mul3A_427 = arith.mulf %get3A_425, %mul3A_426 : vector<16xf32>
          %swap3A_428 = arith.index_cast %add3A_389 : i32 to index
          %swap3A_429 = arith.constant 48 : index
          %swap3A_430 = tpu.vector_load %arg20[%swap3A_428, %swap3A_429] {strides = array<i32>} : memref<80x128xf32, #tpu.memory_space<vmem>>, vector<16xf32>,
          tpu.vector_store %arg20[%swap3A_428, %swap3A_429], %mul3A_427 {strides = array<i32>} : memref<80x128xf32, #tpu.memory_space<vmem>>, vector<16xf32>,
          %get3A_431 = arith.index_cast %add3A_389 : i32 to index
          %get3A_432 = arith.constant 64 : index
          %get3A_433 = tpu.vector_load %arg20[%get3A_431, %get3A_432] {strides = array<i32>} : memref<80x128xf32, #tpu.memory_space<vmem>>, vector<16xf32>,
          %mul3A_434 = vector.broadcast %reduce_sum3A_398 : f32 to vector<16xf32>
          %mul3A_435 = arith.mulf %get3A_433, %mul3A_434 : vector<16xf32>
          %swap3A_436 = arith.index_cast %add3A_389 : i32 to index
          %swap3A_437 = arith.constant 64 : index
          %swap3A_438 = tpu.vector_load %arg20[%swap3A_436, %swap3A_437] {strides = array<i32>} : memref<80x128xf32, #tpu.memory_space<vmem>>, vector<16xf32>,
          tpu.vector_store %arg20[%swap3A_436, %swap3A_437], %mul3A_435 {strides = array<i32>} : memref<80x128xf32, #tpu.memory_space<vmem>>, vector<16xf32>,
          %get3A_439 = arith.index_cast %add3A_389 : i32 to index
          %get3A_440 = arith.constant 80 : index
          %get3A_441 = tpu.vector_load %arg20[%get3A_439, %get3A_440] {strides = array<i32>} : memref<80x128xf32, #tpu.memory_space<vmem>>, vector<16xf32>,
          %mul3A_442 = vector.broadcast %reduce_sum3A_398 : f32 to vector<16xf32>
          %mul3A_443 = arith.mulf %get3A_441, %mul3A_442 : vector<16xf32>
          %swap3A_444 = arith.index_cast %add3A_389 : i32 to index
          %swap3A_445 = arith.constant 80 : index
          %swap3A_446 = tpu.vector_load %arg20[%swap3A_444, %swap3A_445] {strides = array<i32>} : memref<80x128xf32, #tpu.memory_space<vmem>>, vector<16xf32>,
          tpu.vector_store %arg20[%swap3A_444, %swap3A_445], %mul3A_443 {strides = array<i32>} : memref<80x128xf32, #tpu.memory_space<vmem>>, vector<16xf32>,
          %get3A_447 = arith.index_cast %add3A_389 : i32 to index
          %get3A_448 = arith.constant 96 : index
          %get3A_449 = tpu.vector_load %arg20[%get3A_447, %get3A_448] {strides = array<i32>} : memref<80x128xf32, #tpu.memory_space<vmem>>, vector<16xf32>,
          %mul3A_450 = vector.broadcast %reduce_sum3A_398 : f32 to vector<16xf32>
          %mul3A_451 = arith.mulf %get3A_449, %mul3A_450 : vector<16xf32>
          %swap3A_452 = arith.index_cast %add3A_389 : i32 to index
          %swap3A_453 = arith.constant 96 : index
          %swap3A_454 = tpu.vector_load %arg20[%swap3A_452, %swap3A_453] {strides = array<i32>} : memref<80x128xf32, #tpu.memory_space<vmem>>, vector<16xf32>,
          tpu.vector_store %arg20[%swap3A_452, %swap3A_453], %mul3A_451 {strides = array<i32>} : memref<80x128xf32, #tpu.memory_space<vmem>>, vector<16xf32>,
          %get3A_455 = arith.index_cast %add3A_389 : i32 to index
          %get3A_456 = arith.constant 112 : index
          %get3A_457 = tpu.vector_load %arg20[%get3A_455, %get3A_456] {strides = array<i32>} : memref<80x128xf32, #tpu.memory_space<vmem>>, vector<16xf32>,
          %mul3A_458 = vector.broadcast %reduce_sum3A_398 : f32 to vector<16xf32>
          %mul3A_459 = arith.mulf %get3A_457, %mul3A_458 : vector<16xf32>
          %swap3A_460 = arith.index_cast %add3A_389 : i32 to index
          %swap3A_461 = arith.constant 112 : index
          %swap3A_462 = tpu.vector_load %arg20[%swap3A_460, %swap3A_461] {strides = array<i32>} : memref<80x128xf32, #tpu.memory_space<vmem>>, vector<16xf32>,
          tpu.vector_store %arg20[%swap3A_460, %swap3A_461], %mul3A_459 {strides = array<i32>} : memref<80x128xf32, #tpu.memory_space<vmem>>, vector<16xf32>,
          %scan3A_463 = arith.constant 2 : i32
          %scan3A_464 = arith.addi %scan3A_313, %scan3A_463 : i32
          %mul3A_465 = arith.constant 16 : i32
          %mul3A_466 = arith.muli %scan3A_302, %mul3A_465 : i32
          %add3A_467 = arith.addi %mul3A_466, %scan3A_464 : i32
          %eq3A_468 = vector.broadcast %scan3A_464 : i32 to vector<16xi32>
          %eq3A_469 = arith.cmpi eq, %iota3A, %eq3A_468 : vector<16xi32>
          %jit3A_470 = arith.constant 0.000000e+00 : f32
          %broadcast_in_dim3A_471 = vector.broadcast %jit3A_470 : f32 to vector<16xf32>
          %select_n3A_472 = arith.select %eq3A_469, %get3A_306, %broadcast_in_dim3A_471 : vector<16xi1>, vector<16xf32>
          %reduce_sum3A_473 = arith.constant true
          %reduce_sum3A_474 = vector.broadcast %reduce_sum3A_473 : i1 to vector<16xi1>
          %reduce_sum3A_475 = tpu.scan <sum>, %select_n3A_472 masked %reduce_sum3A_474 : vector<16xf32>, vector<16xi1> -> vector<16xf32>
          %reduce_sum3A_476 = vector.extract %reduce_sum3A_475[15] : f32 from vector<16xf32>
          %get3A_477 = arith.index_cast %add3A_467 : i32 to index
          %get3A_478 = arith.constant 0 : index
          %get3A_479 = tpu.vector_load %arg20[%get3A_477, %get3A_478] {strides = array<i32>} : memref<80x128xf32, #tpu.memory_space<vmem>>, vector<16xf32>,
          %mul3A_480 = vector.broadcast %reduce_sum3A_476 : f32 to vector<16xf32>
          %mul3A_481 = arith.mulf %get3A_479, %mul3A_480 : vector<16xf32>
          %swap3A_482 = arith.index_cast %add3A_467 : i32 to index
          %swap3A_483 = arith.constant 0 : index
          %swap3A_484 = tpu.vector_load %arg20[%swap3A_482, %swap3A_483] {strides = array<i32>} : memref<80x128xf32, #tpu.memory_space<vmem>>, vector<16xf32>,
          tpu.vector_store %arg20[%swap3A_482, %swap3A_483], %mul3A_481 {strides = array<i32>} : memref<80x128xf32, #tpu.memory_space<vmem>>, vector<16xf32>,
          %get3A_485 = arith.index_cast %add3A_467 : i32 to index
          %get3A_486 = arith.constant 16 : index
          %get3A_487 = tpu.vector_load %arg20[%get3A_485, %get3A_486] {strides = array<i32>} : memref<80x128xf32, #tpu.memory_space<vmem>>, vector<16xf32>,
          %mul3A_488 = vector.broadcast %reduce_sum3A_476 : f32 to vector<16xf32>
          %mul3A_489 = arith.mulf %get3A_487, %mul3A_488 : vector<16xf32>
          %swap3A_490 = arith.index_cast %add3A_467 : i32 to index
          %swap3A_491 = arith.constant 16 : index
          %swap3A_492 = tpu.vector_load %arg20[%swap3A_490, %swap3A_491] {strides = array<i32>} : memref<80x128xf32, #tpu.memory_space<vmem>>, vector<16xf32>,
          tpu.vector_store %arg20[%swap3A_490, %swap3A_491], %mul3A_489 {strides = array<i32>} : memref<80x128xf32, #tpu.memory_space<vmem>>, vector<16xf32>,
          %get3A_493 = arith.index_cast %add3A_467 : i32 to index
          %get3A_494 = arith.constant 32 : index
          %get3A_495 = tpu.vector_load %arg20[%get3A_493, %get3A_494] {strides = array<i32>} : memref<80x128xf32, #tpu.memory_space<vmem>>, vector<16xf32>,
          %mul3A_496 = vector.broadcast %reduce_sum3A_476 : f32 to vector<16xf32>
          %mul3A_497 = arith.mulf %get3A_495, %mul3A_496 : vector<16xf32>
          %swap3A_498 = arith.index_cast %add3A_467 : i32 to index
          %swap3A_499 = arith.constant 32 : index
          %swap3A_500 = tpu.vector_load %arg20[%swap3A_498, %swap3A_499] {strides = array<i32>} : memref<80x128xf32, #tpu.memory_space<vmem>>, vector<16xf32>,
          tpu.vector_store %arg20[%swap3A_498, %swap3A_499], %mul3A_497 {strides = array<i32>} : memref<80x128xf32, #tpu.memory_space<vmem>>, vector<16xf32>,
          %get3A_501 = arith.index_cast %add3A_467 : i32 to index
          %get3A_502 = arith.constant 48 : index
          %get3A_503 = tpu.vector_load %arg20[%get3A_501, %get3A_502] {strides = array<i32>} : memref<80x128xf32, #tpu.memory_space<vmem>>, vector<16xf32>,
          %mul3A_504 = vector.broadcast %reduce_sum3A_476 : f32 to vector<16xf32>
          %mul3A_505 = arith.mulf %get3A_503, %mul3A_504 : vector<16xf32>
          %swap3A_506 = arith.index_cast %add3A_467 : i32 to index
          %swap3A_507 = arith.constant 48 : index
          %swap3A_508 = tpu.vector_load %arg20[%swap3A_506, %swap3A_507] {strides = array<i32>} : memref<80x128xf32, #tpu.memory_space<vmem>>, vector<16xf32>,
          tpu.vector_store %arg20[%swap3A_506, %swap3A_507], %mul3A_505 {strides = array<i32>} : memref<80x128xf32, #tpu.memory_space<vmem>>, vector<16xf32>,
          %get3A_509 = arith.index_cast %add3A_467 : i32 to index
          %get3A_510 = arith.constant 64 : index
          %get3A_511 = tpu.vector_load %arg20[%get3A_509, %get3A_510] {strides = array<i32>} : memref<80x128xf32, #tpu.memory_space<vmem>>, vector<16xf32>,
          %mul3A_512 = vector.broadcast %reduce_sum3A_476 : f32 to vector<16xf32>
          %mul3A_513 = arith.mulf %get3A_511, %mul3A_512 : vector<16xf32>
          %swap3A_514 = arith.index_cast %add3A_467 : i32 to index
          %swap3A_515 = arith.constant 64 : index
          %swap3A_516 = tpu.vector_load %arg20[%swap3A_514, %swap3A_515] {strides = array<i32>} : memref<80x128xf32, #tpu.memory_space<vmem>>, vector<16xf32>,
          tpu.vector_store %arg20[%swap3A_514, %swap3A_515], %mul3A_513 {strides = array<i32>} : memref<80x128xf32, #tpu.memory_space<vmem>>, vector<16xf32>,
          %get3A_517 = arith.index_cast %add3A_467 : i32 to index
          %get3A_518 = arith.constant 80 : index
          %get3A_519 = tpu.vector_load %arg20[%get3A_517, %get3A_518] {strides = array<i32>} : memref<80x128xf32, #tpu.memory_space<vmem>>, vector<16xf32>,
          %mul3A_520 = vector.broadcast %reduce_sum3A_476 : f32 to vector<16xf32>
          %mul3A_521 = arith.mulf %get3A_519, %mul3A_520 : vector<16xf32>
          %swap3A_522 = arith.index_cast %add3A_467 : i32 to index
          %swap3A_523 = arith.constant 80 : index
          %swap3A_524 = tpu.vector_load %arg20[%swap3A_522, %swap3A_523] {strides = array<i32>} : memref<80x128xf32, #tpu.memory_space<vmem>>, vector<16xf32>,
          tpu.vector_store %arg20[%swap3A_522, %swap3A_523], %mul3A_521 {strides = array<i32>} : memref<80x128xf32, #tpu.memory_space<vmem>>, vector<16xf32>,
          %get3A_525 = arith.index_cast %add3A_467 : i32 to index
          %get3A_526 = arith.constant 96 : index
          %get3A_527 = tpu.vector_load %arg20[%get3A_525, %get3A_526] {strides = array<i32>} : memref<80x128xf32, #tpu.memory_space<vmem>>, vector<16xf32>,
          %mul3A_528 = vector.broadcast %reduce_sum3A_476 : f32 to vector<16xf32>
          %mul3A_529 = arith.mulf %get3A_527, %mul3A_528 : vector<16xf32>
          %swap3A_530 = arith.index_cast %add3A_467 : i32 to index
          %swap3A_531 = arith.constant 96 : index
          %swap3A_532 = tpu.vector_load %arg20[%swap3A_530, %swap3A_531] {strides = array<i32>} : memref<80x128xf32, #tpu.memory_space<vmem>>, vector<16xf32>,
          tpu.vector_store %arg20[%swap3A_530, %swap3A_531], %mul3A_529 {strides = array<i32>} : memref<80x128xf32, #tpu.memory_space<vmem>>, vector<16xf32>,
          %get3A_533 = arith.index_cast %add3A_467 : i32 to index
          %get3A_534 = arith.constant 112 : index
          %get3A_535 = tpu.vector_load %arg20[%get3A_533, %get3A_534] {strides = array<i32>} : memref<80x128xf32, #tpu.memory_space<vmem>>, vector<16xf32>,
          %mul3A_536 = vector.broadcast %reduce_sum3A_476 : f32 to vector<16xf32>
          %mul3A_537 = arith.mulf %get3A_535, %mul3A_536 : vector<16xf32>
          %swap3A_538 = arith.index_cast %add3A_467 : i32 to index
          %swap3A_539 = arith.constant 112 : index
          %swap3A_540 = tpu.vector_load %arg20[%swap3A_538, %swap3A_539] {strides = array<i32>} : memref<80x128xf32, #tpu.memory_space<vmem>>, vector<16xf32>,
          tpu.vector_store %arg20[%swap3A_538, %swap3A_539], %mul3A_537 {strides = array<i32>} : memref<80x128xf32, #tpu.memory_space<vmem>>, vector<16xf32>,
          %scan3A_541 = arith.constant 3 : i32
          %scan3A_542 = arith.addi %scan3A_313, %scan3A_541 : i32
          %mul3A_543 = arith.constant 16 : i32
          %mul3A_544 = arith.muli %scan3A_302, %mul3A_543 : i32
          %add3A_545 = arith.addi %mul3A_544, %scan3A_542 : i32
          %eq3A_546 = vector.broadcast %scan3A_542 : i32 to vector<16xi32>
          %eq3A_547 = arith.cmpi eq, %iota3A, %eq3A_546 : vector<16xi32>
          %jit3A_548 = arith.constant 0.000000e+00 : f32
          %broadcast_in_dim3A_549 = vector.broadcast %jit3A_548 : f32 to vector<16xf32>
          %select_n3A_550 = arith.select %eq3A_547, %get3A_306, %broadcast_in_dim3A_549 : vector<16xi1>, vector<16xf32>
          %reduce_sum3A_551 = arith.constant true
          %reduce_sum3A_552 = vector.broadcast %reduce_sum3A_551 : i1 to vector<16xi1>
          %reduce_sum3A_553 = tpu.scan <sum>, %select_n3A_550 masked %reduce_sum3A_552 : vector<16xf32>, vector<16xi1> -> vector<16xf32>
          %reduce_sum3A_554 = vector.extract %reduce_sum3A_553[15] : f32 from vector<16xf32>
          %get3A_555 = arith.index_cast %add3A_545 : i32 to index
          %get3A_556 = arith.constant 0 : index
          %get3A_557 = tpu.vector_load %arg20[%get3A_555, %get3A_556] {strides = array<i32>} : memref<80x128xf32, #tpu.memory_space<vmem>>, vector<16xf32>,
          %mul3A_558 = vector.broadcast %reduce_sum3A_554 : f32 to vector<16xf32>
          %mul3A_559 = arith.mulf %get3A_557, %mul3A_558 : vector<16xf32>
          %swap3A_560 = arith.index_cast %add3A_545 : i32 to index
          %swap3A_561 = arith.constant 0 : index
          %swap3A_562 = tpu.vector_load %arg20[%swap3A_560, %swap3A_561] {strides = array<i32>} : memref<80x128xf32, #tpu.memory_space<vmem>>, vector<16xf32>,
          tpu.vector_store %arg20[%swap3A_560, %swap3A_561], %mul3A_559 {strides = array<i32>} : memref<80x128xf32, #tpu.memory_space<vmem>>, vector<16xf32>,
          %get3A_563 = arith.index_cast %add3A_545 : i32 to index
          %get3A_564 = arith.constant 16 : index
          %get3A_565 = tpu.vector_load %arg20[%get3A_563, %get3A_564] {strides = array<i32>} : memref<80x128xf32, #tpu.memory_space<vmem>>, vector<16xf32>,
          %mul3A_566 = vector.broadcast %reduce_sum3A_554 : f32 to vector<16xf32>
          %mul3A_567 = arith.mulf %get3A_565, %mul3A_566 : vector<16xf32>
          %swap3A_568 = arith.index_cast %add3A_545 : i32 to index
          %swap3A_569 = arith.constant 16 : index
          %swap3A_570 = tpu.vector_load %arg20[%swap3A_568, %swap3A_569] {strides = array<i32>} : memref<80x128xf32, #tpu.memory_space<vmem>>, vector<16xf32>,
          tpu.vector_store %arg20[%swap3A_568, %swap3A_569], %mul3A_567 {strides = array<i32>} : memref<80x128xf32, #tpu.memory_space<vmem>>, vector<16xf32>,
          %get3A_571 = arith.index_cast %add3A_545 : i32 to index
          %get3A_572 = arith.constant 32 : index
          %get3A_573 = tpu.vector_load %arg20[%get3A_571, %get3A_572] {strides = array<i32>} : memref<80x128xf32, #tpu.memory_space<vmem>>, vector<16xf32>,
          %mul3A_574 = vector.broadcast %reduce_sum3A_554 : f32 to vector<16xf32>
          %mul3A_575 = arith.mulf %get3A_573, %mul3A_574 : vector<16xf32>
          %swap3A_576 = arith.index_cast %add3A_545 : i32 to index
          %swap3A_577 = arith.constant 32 : index
          %swap3A_578 = tpu.vector_load %arg20[%swap3A_576, %swap3A_577] {strides = array<i32>} : memref<80x128xf32, #tpu.memory_space<vmem>>, vector<16xf32>,
          tpu.vector_store %arg20[%swap3A_576, %swap3A_577], %mul3A_575 {strides = array<i32>} : memref<80x128xf32, #tpu.memory_space<vmem>>, vector<16xf32>,
          %get3A_579 = arith.index_cast %add3A_545 : i32 to index
          %get3A_580 = arith.constant 48 : index
          %get3A_581 = tpu.vector_load %arg20[%get3A_579, %get3A_580] {strides = array<i32>} : memref<80x128xf32, #tpu.memory_space<vmem>>, vector<16xf32>,
          %mul3A_582 = vector.broadcast %reduce_sum3A_554 : f32 to vector<16xf32>
          %mul3A_583 = arith.mulf %get3A_581, %mul3A_582 : vector<16xf32>
          %swap3A_584 = arith.index_cast %add3A_545 : i32 to index
          %swap3A_585 = arith.constant 48 : index
          %swap3A_586 = tpu.vector_load %arg20[%swap3A_584, %swap3A_585] {strides = array<i32>} : memref<80x128xf32, #tpu.memory_space<vmem>>, vector<16xf32>,
          tpu.vector_store %arg20[%swap3A_584, %swap3A_585], %mul3A_583 {strides = array<i32>} : memref<80x128xf32, #tpu.memory_space<vmem>>, vector<16xf32>,
          %get3A_587 = arith.index_cast %add3A_545 : i32 to index
          %get3A_588 = arith.constant 64 : index
          %get3A_589 = tpu.vector_load %arg20[%get3A_587, %get3A_588] {strides = array<i32>} : memref<80x128xf32, #tpu.memory_space<vmem>>, vector<16xf32>,
          %mul3A_590 = vector.broadcast %reduce_sum3A_554 : f32 to vector<16xf32>
          %mul3A_591 = arith.mulf %get3A_589, %mul3A_590 : vector<16xf32>
          %swap3A_592 = arith.index_cast %add3A_545 : i32 to index
          %swap3A_593 = arith.constant 64 : index
          %swap3A_594 = tpu.vector_load %arg20[%swap3A_592, %swap3A_593] {strides = array<i32>} : memref<80x128xf32, #tpu.memory_space<vmem>>, vector<16xf32>,
          tpu.vector_store %arg20[%swap3A_592, %swap3A_593], %mul3A_591 {strides = array<i32>} : memref<80x128xf32, #tpu.memory_space<vmem>>, vector<16xf32>,
          %get3A_595 = arith.index_cast %add3A_545 : i32 to index
          %get3A_596 = arith.constant 80 : index
          %get3A_597 = tpu.vector_load %arg20[%get3A_595, %get3A_596] {strides = array<i32>} : memref<80x128xf32, #tpu.memory_space<vmem>>, vector<16xf32>,
          %mul3A_598 = vector.broadcast %reduce_sum3A_554 : f32 to vector<16xf32>
          %mul3A_599 = arith.mulf %get3A_597, %mul3A_598 : vector<16xf32>
          %swap3A_600 = arith.index_cast %add3A_545 : i32 to index
          %swap3A_601 = arith.constant 80 : index
          %swap3A_602 = tpu.vector_load %arg20[%swap3A_600, %swap3A_601] {strides = array<i32>} : memref<80x128xf32, #tpu.memory_space<vmem>>, vector<16xf32>,
          tpu.vector_store %arg20[%swap3A_600, %swap3A_601], %mul3A_599 {strides = array<i32>} : memref<80x128xf32, #tpu.memory_space<vmem>>, vector<16xf32>,
          %get3A_603 = arith.index_cast %add3A_545 : i32 to index
          %get3A_604 = arith.constant 96 : index
          %get3A_605 = tpu.vector_load %arg20[%get3A_603, %get3A_604] {strides = array<i32>} : memref<80x128xf32, #tpu.memory_space<vmem>>, vector<16xf32>,
          %mul3A_606 = vector.broadcast %reduce_sum3A_554 : f32 to vector<16xf32>
          %mul3A_607 = arith.mulf %get3A_605, %mul3A_606 : vector<16xf32>
          %swap3A_608 = arith.index_cast %add3A_545 : i32 to index
          %swap3A_609 = arith.constant 96 : index
          %swap3A_610 = tpu.vector_load %arg20[%swap3A_608, %swap3A_609] {strides = array<i32>} : memref<80x128xf32, #tpu.memory_space<vmem>>, vector<16xf32>,
          tpu.vector_store %arg20[%swap3A_608, %swap3A_609], %mul3A_607 {strides = array<i32>} : memref<80x128xf32, #tpu.memory_space<vmem>>, vector<16xf32>,
          %get3A_611 = arith.index_cast %add3A_545 : i32 to index
          %get3A_612 = arith.constant 112 : index
          %get3A_613 = tpu.vector_load %arg20[%get3A_611, %get3A_612] {strides = array<i32>} : memref<80x128xf32, #tpu.memory_space<vmem>>, vector<16xf32>,
          %mul3A_614 = vector.broadcast %reduce_sum3A_554 : f32 to vector<16xf32>
          %mul3A_615 = arith.mulf %get3A_613, %mul3A_614 : vector<16xf32>
          %swap3A_616 = arith.index_cast %add3A_545 : i32 to index
          %swap3A_617 = arith.constant 112 : index
          %swap3A_618 = tpu.vector_load %arg20[%swap3A_616, %swap3A_617] {strides = array<i32>} : memref<80x128xf32, #tpu.memory_space<vmem>>, vector<16xf32>,
          tpu.vector_store %arg20[%swap3A_616, %swap3A_617], %mul3A_615 {strides = array<i32>} : memref<80x128xf32, #tpu.memory_space<vmem>>, vector<16xf32>,
        }
        %scan3A_312 = arith.constant 16 : i32
      }
      %scan3A_182 = arith.constant 5 : i32
      %get3A_183 = arith.constant 0 : index
      %get3A_184 = tpu.vector_load %arg15[%get3A_183] {strides = array<i32>} : memref<80xi32, #tpu.memory_space<vmem>>, vector<16xi32>,
      %swap3A_185 = arith.constant 0 : index
      %swap3A_186 = tpu.vector_load %arg17[%swap3A_185] {strides = array<i32>} : memref<80xi32, #tpu.memory_space<vmem>>, vector<16xi32>,
      tpu.vector_store %arg17[%swap3A_185], %get3A_184 {strides = array<i32>} : memref<80xi32, #tpu.memory_space<vmem>>, vector<16xi32>,
      %get3A_187 = arith.constant 16 : index
      %get3A_188 = tpu.vector_load %arg15[%get3A_187] {strides = array<i32>} : memref<80xi32, #tpu.memory_space<vmem>>, vector<16xi32>,
      %swap3A_189 = arith.constant 16 : index
      %swap3A_190 = tpu.vector_load %arg17[%swap3A_189] {strides = array<i32>} : memref<80xi32, #tpu.memory_space<vmem>>, vector<16xi32>,
      tpu.vector_store %arg17[%swap3A_189], %get3A_188 {strides = array<i32>} : memref<80xi32, #tpu.memory_space<vmem>>, vector<16xi32>,
      %get3A_191 = arith.constant 32 : index
      %get3A_192 = tpu.vector_load %arg15[%get3A_191] {strides = array<i32>} : memref<80xi32, #tpu.memory_space<vmem>>, vector<16xi32>,
      %swap3A_193 = arith.constant 32 : index
      %swap3A_194 = tpu.vector_load %arg17[%swap3A_193] {strides = array<i32>} : memref<80xi32, #tpu.memory_space<vmem>>, vector<16xi32>,
      tpu.vector_store %arg17[%swap3A_193], %get3A_192 {strides = array<i32>} : memref<80xi32, #tpu.memory_space<vmem>>, vector<16xi32>,
      %get3A_195 = arith.constant 48 : index
      %get3A_196 = tpu.vector_load %arg15[%get3A_195] {strides = array<i32>} : memref<80xi32, #tpu.memory_space<vmem>>, vector<16xi32>,
      %swap3A_197 = arith.constant 48 : index
      %swap3A_198 = tpu.vector_load %arg17[%swap3A_197] {strides = array<i32>} : memref<80xi32, #tpu.memory_space<vmem>>, vector<16xi32>,
      tpu.vector_store %arg17[%swap3A_197], %get3A_196 {strides = array<i32>} : memref<80xi32, #tpu.memory_space<vmem>>, vector<16xi32>,
      %get3A_199 = arith.constant 64 : index
      %get3A_200 = tpu.vector_load %arg15[%get3A_199] {strides = array<i32>} : memref<80xi32, #tpu.memory_space<vmem>>, vector<16xi32>,
      %swap3A_201 = arith.constant 64 : index
      %swap3A_202 = tpu.vector_load %arg17[%swap3A_201] {strides = array<i32>} : memref<80xi32, #tpu.memory_space<vmem>>, vector<16xi32>,
      tpu.vector_store %arg17[%swap3A_201], %get3A_200 {strides = array<i32>} : memref<80xi32, #tpu.memory_space<vmem>>, vector<16xi32>,
      %dma_start3A_203 = arith.constant 0 : i32
      %dma_start3A_204 = arith.constant 0 : i32
      %dma_start3A_205 = tpu.memref_slice %arg23[%dma_start3A_203, %dma_start3A_204] : memref<10240x128xf32, #tpu.memory_space<vmem_shared>> -> memref<10240x128xf32, #tpu.memory_space<vmem_shared>>
      tpu.enqueue_indirect_dma source(%arg20 : memref<80x128xf32, #tpu.memory_space<vmem>>) target(%dma_start3A_205 : memref<10240x128xf32, #tpu.memory_space<vmem_shared>>) offsets(%arg17 : memref<80xi32, #tpu.memory_space<vmem>>) semaphore(%arg29 : memref<!tpu.dma_semaphore, #tpu.memory_space<semaphore_mem>>) {add = true}
      %dma_start3A_206 = arith.constant 0 : i32
      %dma_start3A_207 = tpu.memref_slice %arg24[%dma_start3A_206] : memref<10240xf32, #tpu.memory_space<vmem_shared>> -> memref<10240xf32, #tpu.memory_space<vmem_shared>>
      tpu.enqueue_indirect_dma source(%arg22 : memref<80xf32, #tpu.memory_space<vmem>>) target(%dma_start3A_207 : memref<10240xf32, #tpu.memory_space<vmem_shared>>) offsets(%arg17 : memref<80xi32, #tpu.memory_space<vmem>>) semaphore(%arg30 : memref<!tpu.dma_semaphore, #tpu.memory_space<semaphore_mem>>) {add = true}
      %mul3A_208 = arith.constant 80 : i32
      %mul3A_209 = arith.muli %add3A_125, %mul3A_208 : i32
      %add3A_210 = arith.addi %mul3A_209, %mul3A_2 : i32
      %dma_start3A_211 = tpu.memref_slice %arg9[%add3A_210] : memref<320000xf32, #tpu.memory_space<hbm>> -> memref<80xf32, #tpu.memory_space<hbm>>
      %dma_start3A_212 = tpu.memref_slice %arg9[%add3A_210] : memref<320000xf32, #tpu.memory_space<hbm>> -> memref<80xf32, #tpu.memory_space<hbm>>
      tpu.enqueue_dma source(%arg22 : memref<80xf32, #tpu.memory_space<vmem>>) target(%dma_start3A_212 : memref<80xf32, #tpu.memory_space<hbm>>) target_semaphore(%arg31 : memref<!tpu.dma_semaphore, #tpu.memory_space<semaphore_mem>>)
      %add3A_213 = arith.constant 1 : i32
      %add3A_214 = arith.addi %add3A_125, %add3A_213 : i32
      %dma_wait3A_215 = arith.constant 0 : i32
      %dma_wait3A_216 = arith.constant 0 : i32
      %dma_wait3A_217 = tpu.memref_slice %arg2[%dma_wait3A_215, %dma_wait3A_216] : memref<10000x128xf32, #tpu.memory_space<hbm>> -> memref<10000x128xf32, #tpu.memory_space<hbm>>
      tpu.wait_indirect_dma semaphore(%arg26 : memref<!tpu.dma_semaphore, #tpu.memory_space<semaphore_mem>>) src(%dma_wait3A_217 : memref<10000x128xf32, #tpu.memory_space<hbm>>) dst(%arg18 : memref<80x128xf32, #tpu.memory_space<vmem>>)
      %dma_wait3A_218 = arith.constant 0 : i32
      %dma_wait3A_219 = arith.constant 0 : i32
      %dma_wait3A_220 = tpu.memref_slice %arg3[%dma_wait3A_218, %dma_wait3A_219] : memref<10000x128xf32, #tpu.memory_space<hbm>> -> memref<10000x128xf32, #tpu.memory_space<hbm>>
      tpu.wait_indirect_dma semaphore(%arg27 : memref<!tpu.dma_semaphore, #tpu.memory_space<semaphore_mem>>) src(%dma_wait3A_220 : memref<10000x128xf32, #tpu.memory_space<hbm>>) dst(%arg19 : memref<80x128xf32, #tpu.memory_space<vmem>>)
      %add3A_221 = arith.constant 1 : i32
      %add3A_222 = arith.addi %add3A_214, %add3A_221 : i32
      %mul3A_223 = arith.constant 80 : i32
      %mul3A_224 = arith.muli %add3A_222, %mul3A_223 : i32
      %add3A_225 = arith.addi %mul3A_224, %mul3A_2 : i32
      %min3A_226 = arith.constant 319920 : i32
      %min3A_227 = arith.minsi %add3A_225, %min3A_226 : i32
      %dma_start3A_228 = tpu.memref_slice %arg5[%min3A_227] : memref<320000xi32, #tpu.memory_space<hbm>> -> memref<80xi32, #tpu.memory_space<hbm>>
      %dma_start3A_229 = tpu.memref_slice %arg5[%min3A_227] : memref<320000xi32, #tpu.memory_space<hbm>> -> memref<80xi32, #tpu.memory_space<hbm>>
      tpu.enqueue_dma source(%dma_start3A_229 : memref<80xi32, #tpu.memory_space<hbm>>) target(%arg14 : memref<80xi32, #tpu.memory_space<vmem>>) target_semaphore(%arg25 : memref<!tpu.dma_semaphore, #tpu.memory_space<semaphore_mem>>)
      %dma_start3A_230 = tpu.memref_slice %arg6[%min3A_227] : memref<320000xi32, #tpu.memory_space<hbm>> -> memref<80xi32, #tpu.memory_space<hbm>>
      %dma_start3A_231 = tpu.memref_slice %arg6[%min3A_227] : memref<320000xi32, #tpu.memory_space<hbm>> -> memref<80xi32, #tpu.memory_space<hbm>>
      tpu.enqueue_dma source(%dma_start3A_231 : memref<80xi32, #tpu.memory_space<hbm>>) target(%arg15 : memref<80xi32, #tpu.memory_space<vmem>>) target_semaphore(%arg25 : memref<!tpu.dma_semaphore, #tpu.memory_space<semaphore_mem>>)
      %dma_wait3A_232 = arith.constant 0 : i32
      %dma_wait3A_233 = arith.constant 0 : i32
      %dma_wait3A_234 = tpu.memref_slice %arg23[%dma_wait3A_232, %dma_wait3A_233] : memref<10240x128xf32, #tpu.memory_space<vmem_shared>> -> memref<10240x128xf32, #tpu.memory_space<vmem_shared>>
      tpu.wait_indirect_dma semaphore(%arg29 : memref<!tpu.dma_semaphore, #tpu.memory_space<semaphore_mem>>) src(%arg20 : memref<80x128xf32, #tpu.memory_space<vmem>>) dst(%dma_wait3A_234 : memref<10240x128xf32, #tpu.memory_space<vmem_shared>>)
      %dma_wait3A_235 = arith.constant 0 : i32
      %dma_wait3A_236 = tpu.memref_slice %arg24[%dma_wait3A_235] : memref<10240xf32, #tpu.memory_space<vmem_shared>> -> memref<10240xf32, #tpu.memory_space<vmem_shared>>
      tpu.wait_indirect_dma semaphore(%arg30 : memref<!tpu.dma_semaphore, #tpu.memory_space<semaphore_mem>>) src(%arg22 : memref<80xf32, #tpu.memory_space<vmem>>) dst(%dma_wait3A_236 : memref<10240xf32, #tpu.memory_space<vmem_shared>>)
      %mul3A_237 = arith.constant 80 : i32
      %mul3A_238 = arith.muli %add3A_214, %mul3A_237 : i32
      %add3A_239 = arith.addi %mul3A_238, %mul3A_2 : i32
      %sub3A_240 = arith.constant 80 : i32
      %sub3A_241 = arith.subi %add3A_239, %sub3A_240 : i32
      %dma_wait3A_242 = tpu.memref_slice %arg9[%sub3A_241] : memref<320000xf32, #tpu.memory_space<hbm>> -> memref<80xf32, #tpu.memory_space<hbm>>
      %dma_wait3A_243 = tpu.memref_slice %arg9[%sub3A_241] : memref<320000xf32, #tpu.memory_space<hbm>> -> memref<80xf32, #tpu.memory_space<hbm>>
      tpu.wait_dma2 semaphore(%arg31 : memref<!tpu.dma_semaphore, #tpu.memory_space<semaphore_mem>>) src(%arg22 : memref<80xf32, #tpu.memory_space<vmem>>) dst(%dma_wait3A_243 : memref<80xf32, #tpu.memory_space<hbm>>)
      %dma_start3A_244 = arith.constant 0 : i32
      %dma_start3A_245 = arith.constant 0 : i32
      %dma_start3A_246 = tpu.memref_slice %arg4[%dma_start3A_244, %dma_start3A_245] : memref<10000x128xf32, #tpu.memory_space<hbm>> -> memref<10000x128xf32, #tpu.memory_space<hbm>>
      tpu.enqueue_indirect_dma source(%dma_start3A_246 : memref<10000x128xf32, #tpu.memory_space<hbm>>) target(%arg20 : memref<80x128xf32, #tpu.memory_space<vmem>>) offsets(%arg12 : memref<80xi32, #tpu.memory_space<vmem>>) semaphore(%arg28 : memref<!tpu.dma_semaphore, #tpu.memory_space<semaphore_mem>>)
      %scan3A_247 = arith.constant 0 : i32
      %scan3A_248 = arith.constant 0 : i32
      %scan3A_249 = arith.constant 5 : i32
      %scan3A_250 = arith.addi %scan3A_248, %scan3A_249 : i32
      %scan3A_251 = arith.constant 1 : i32
      scf.for %scan3A_302 = %scan3A_248 to %scan3A_250 step %scan3A_251  : i32 {
        %broadcast_in_dim3A = arith.constant 0.000000e+00 : f32
        %broadcast_in_dim3A_303 = vector.broadcast %broadcast_in_dim3A : f32 to vector<16xf32>
        %scan3A_304 = arith.constant 0 : i32
        %scan3A_305 = arith.constant 16 : i32
        %scan3A_306 = arith.addi %scan3A_304, %scan3A_305 : i32
        %scan3A_307 = arith.constant 4 : i32
        %scan3A_308 = scf.for %scan3A_317 = %scan3A_304 to %scan3A_306 step %scan3A_307 iter_args(%scan3A_318 = %broadcast_in_dim3A_303) -> (vector<16xf32>)  : i32 {
          %mul3A_319 = arith.constant 16 : i32
          %mul3A_320 = arith.muli %scan3A_302, %mul3A_319 : i32
          %add3A_321 = arith.addi %mul3A_320, %scan3A_317 : i32
          %get3A_322 = arith.index_cast %add3A_321 : i32 to index
          %get3A_323 = arith.constant 0 : index
          %get3A_324 = tpu.vector_load %arg18[%get3A_322, %get3A_323] {strides = array<i32>} : memref<80x128xf32, #tpu.memory_space<vmem>>, vector<16xf32>,
          %get3A_325 = arith.index_cast %add3A_321 : i32 to index
          %get3A_326 = arith.constant 0 : index
          %get3A_327 = tpu.vector_load %arg19[%get3A_325, %get3A_326] {strides = array<i32>} : memref<80x128xf32, #tpu.memory_space<vmem>>, vector<16xf32>,
          %mul3A_328 = arith.mulf %get3A_324, %get3A_327 : vector<16xf32>
          %get3A_329 = arith.index_cast %add3A_321 : i32 to index
          %get3A_330 = arith.constant 16 : index
          %get3A_331 = tpu.vector_load %arg18[%get3A_329, %get3A_330] {strides = array<i32>} : memref<80x128xf32, #tpu.memory_space<vmem>>, vector<16xf32>,
          %get3A_332 = arith.index_cast %add3A_321 : i32 to index
          %get3A_333 = arith.constant 16 : index
          %get3A_334 = tpu.vector_load %arg19[%get3A_332, %get3A_333] {strides = array<i32>} : memref<80x128xf32, #tpu.memory_space<vmem>>, vector<16xf32>,
          %mul3A_335 = arith.mulf %get3A_331, %get3A_334 : vector<16xf32>
          %add3A_336 = arith.addf %mul3A_328, %mul3A_335 : vector<16xf32>
          %get3A_337 = arith.index_cast %add3A_321 : i32 to index
          %get3A_338 = arith.constant 32 : index
          %get3A_339 = tpu.vector_load %arg18[%get3A_337, %get3A_338] {strides = array<i32>} : memref<80x128xf32, #tpu.memory_space<vmem>>, vector<16xf32>,
          %get3A_340 = arith.index_cast %add3A_321 : i32 to index
          %get3A_341 = arith.constant 32 : index
          %get3A_342 = tpu.vector_load %arg19[%get3A_340, %get3A_341] {strides = array<i32>} : memref<80x128xf32, #tpu.memory_space<vmem>>, vector<16xf32>,
          %mul3A_343 = arith.mulf %get3A_339, %get3A_342 : vector<16xf32>
          %add3A_344 = arith.addf %add3A_336, %mul3A_343 : vector<16xf32>
          %get3A_345 = arith.index_cast %add3A_321 : i32 to index
          %get3A_346 = arith.constant 48 : index
          %get3A_347 = tpu.vector_load %arg18[%get3A_345, %get3A_346] {strides = array<i32>} : memref<80x128xf32, #tpu.memory_space<vmem>>, vector<16xf32>,
          %get3A_348 = arith.index_cast %add3A_321 : i32 to index
          %get3A_349 = arith.constant 48 : index
          %get3A_350 = tpu.vector_load %arg19[%get3A_348, %get3A_349] {strides = array<i32>} : memref<80x128xf32, #tpu.memory_space<vmem>>, vector<16xf32>,
          %mul3A_351 = arith.mulf %get3A_347, %get3A_350 : vector<16xf32>
          %add3A_352 = arith.addf %add3A_344, %mul3A_351 : vector<16xf32>
          %get3A_353 = arith.index_cast %add3A_321 : i32 to index
          %get3A_354 = arith.constant 64 : index
          %get3A_355 = tpu.vector_load %arg18[%get3A_353, %get3A_354] {strides = array<i32>} : memref<80x128xf32, #tpu.memory_space<vmem>>, vector<16xf32>,
          %get3A_356 = arith.index_cast %add3A_321 : i32 to index
          %get3A_357 = arith.constant 64 : index
          %get3A_358 = tpu.vector_load %arg19[%get3A_356, %get3A_357] {strides = array<i32>} : memref<80x128xf32, #tpu.memory_space<vmem>>, vector<16xf32>,
          %mul3A_359 = arith.mulf %get3A_355, %get3A_358 : vector<16xf32>
          %add3A_360 = arith.addf %add3A_352, %mul3A_359 : vector<16xf32>
          %get3A_361 = arith.index_cast %add3A_321 : i32 to index
          %get3A_362 = arith.constant 80 : index
          %get3A_363 = tpu.vector_load %arg18[%get3A_361, %get3A_362] {strides = array<i32>} : memref<80x128xf32, #tpu.memory_space<vmem>>, vector<16xf32>,
          %get3A_364 = arith.index_cast %add3A_321 : i32 to index
          %get3A_365 = arith.constant 80 : index
          %get3A_366 = tpu.vector_load %arg19[%get3A_364, %get3A_365] {strides = array<i32>} : memref<80x128xf32, #tpu.memory_space<vmem>>, vector<16xf32>,
          %mul3A_367 = arith.mulf %get3A_363, %get3A_366 : vector<16xf32>
          %add3A_368 = arith.addf %add3A_360, %mul3A_367 : vector<16xf32>
          %get3A_369 = arith.index_cast %add3A_321 : i32 to index
          %get3A_370 = arith.constant 96 : index
          %get3A_371 = tpu.vector_load %arg18[%get3A_369, %get3A_370] {strides = array<i32>} : memref<80x128xf32, #tpu.memory_space<vmem>>, vector<16xf32>,
          %get3A_372 = arith.index_cast %add3A_321 : i32 to index
          %get3A_373 = arith.constant 96 : index
          %get3A_374 = tpu.vector_load %arg19[%get3A_372, %get3A_373] {strides = array<i32>} : memref<80x128xf32, #tpu.memory_space<vmem>>, vector<16xf32>,
          %mul3A_375 = arith.mulf %get3A_371, %get3A_374 : vector<16xf32>
          %add3A_376 = arith.addf %add3A_368, %mul3A_375 : vector<16xf32>
          %get3A_377 = arith.index_cast %add3A_321 : i32 to index
          %get3A_378 = arith.constant 112 : index
          %get3A_379 = tpu.vector_load %arg18[%get3A_377, %get3A_378] {strides = array<i32>} : memref<80x128xf32, #tpu.memory_space<vmem>>, vector<16xf32>,
          %get3A_380 = arith.index_cast %add3A_321 : i32 to index
          %get3A_381 = arith.constant 112 : index
          %get3A_382 = tpu.vector_load %arg19[%get3A_380, %get3A_381] {strides = array<i32>} : memref<80x128xf32, #tpu.memory_space<vmem>>, vector<16xf32>,
          %mul3A_383 = arith.mulf %get3A_379, %get3A_382 : vector<16xf32>
          %add3A_384 = arith.addf %add3A_376, %mul3A_383 : vector<16xf32>
          %reduce_sum3A = arith.constant true
          %reduce_sum3A_385 = vector.broadcast %reduce_sum3A : i1 to vector<16xi1>
          %reduce_sum3A_386 = tpu.scan <sum>, %add3A_384 masked %reduce_sum3A_385 : vector<16xf32>, vector<16xi1> -> vector<16xf32>
          %reduce_sum3A_387 = vector.extract %reduce_sum3A_386[15] : f32 from vector<16xf32>
          %eq3A = vector.broadcast %scan3A_317 : i32 to vector<16xi32>
          %eq3A_388 = arith.cmpi eq, %iota3A, %eq3A : vector<16xi32>
          %broadcast_in_dim3A_389 = vector.broadcast %reduce_sum3A_387 : f32 to vector<16xf32>
          %select_n3A = arith.select %eq3A_388, %broadcast_in_dim3A_389, %scan3A_318 : vector<16xi1>, vector<16xf32>
          %scan3A_390 = arith.constant 1 : i32
          %scan3A_391 = arith.addi %scan3A_317, %scan3A_390 : i32
          %mul3A_392 = arith.constant 16 : i32
          %mul3A_393 = arith.muli %scan3A_302, %mul3A_392 : i32
          %add3A_394 = arith.addi %mul3A_393, %scan3A_391 : i32
          %get3A_395 = arith.index_cast %add3A_394 : i32 to index
          %get3A_396 = arith.constant 0 : index
          %get3A_397 = tpu.vector_load %arg18[%get3A_395, %get3A_396] {strides = array<i32>} : memref<80x128xf32, #tpu.memory_space<vmem>>, vector<16xf32>,
          %get3A_398 = arith.index_cast %add3A_394 : i32 to index
          %get3A_399 = arith.constant 0 : index
          %get3A_400 = tpu.vector_load %arg19[%get3A_398, %get3A_399] {strides = array<i32>} : memref<80x128xf32, #tpu.memory_space<vmem>>, vector<16xf32>,
          %mul3A_401 = arith.mulf %get3A_397, %get3A_400 : vector<16xf32>
          %get3A_402 = arith.index_cast %add3A_394 : i32 to index
          %get3A_403 = arith.constant 16 : index
          %get3A_404 = tpu.vector_load %arg18[%get3A_402, %get3A_403] {strides = array<i32>} : memref<80x128xf32, #tpu.memory_space<vmem>>, vector<16xf32>,
          %get3A_405 = arith.index_cast %add3A_394 : i32 to index
          %get3A_406 = arith.constant 16 : index
          %get3A_407 = tpu.vector_load %arg19[%get3A_405, %get3A_406] {strides = array<i32>} : memref<80x128xf32, #tpu.memory_space<vmem>>, vector<16xf32>,
          %mul3A_408 = arith.mulf %get3A_404, %get3A_407 : vector<16xf32>
          %add3A_409 = arith.addf %mul3A_401, %mul3A_408 : vector<16xf32>
          %get3A_410 = arith.index_cast %add3A_394 : i32 to index
          %get3A_411 = arith.constant 32 : index
          %get3A_412 = tpu.vector_load %arg18[%get3A_410, %get3A_411] {strides = array<i32>} : memref<80x128xf32, #tpu.memory_space<vmem>>, vector<16xf32>,
          %get3A_413 = arith.index_cast %add3A_394 : i32 to index
          %get3A_414 = arith.constant 32 : index
          %get3A_415 = tpu.vector_load %arg19[%get3A_413, %get3A_414] {strides = array<i32>} : memref<80x128xf32, #tpu.memory_space<vmem>>, vector<16xf32>,
          %mul3A_416 = arith.mulf %get3A_412, %get3A_415 : vector<16xf32>
          %add3A_417 = arith.addf %add3A_409, %mul3A_416 : vector<16xf32>
          %get3A_418 = arith.index_cast %add3A_394 : i32 to index
          %get3A_419 = arith.constant 48 : index
          %get3A_420 = tpu.vector_load %arg18[%get3A_418, %get3A_419] {strides = array<i32>} : memref<80x128xf32, #tpu.memory_space<vmem>>, vector<16xf32>,
          %get3A_421 = arith.index_cast %add3A_394 : i32 to index
          %get3A_422 = arith.constant 48 : index
          %get3A_423 = tpu.vector_load %arg19[%get3A_421, %get3A_422] {strides = array<i32>} : memref<80x128xf32, #tpu.memory_space<vmem>>, vector<16xf32>,
          %mul3A_424 = arith.mulf %get3A_420, %get3A_423 : vector<16xf32>
          %add3A_425 = arith.addf %add3A_417, %mul3A_424 : vector<16xf32>
          %get3A_426 = arith.index_cast %add3A_394 : i32 to index
          %get3A_427 = arith.constant 64 : index
          %get3A_428 = tpu.vector_load %arg18[%get3A_426, %get3A_427] {strides = array<i32>} : memref<80x128xf32, #tpu.memory_space<vmem>>, vector<16xf32>,
          %get3A_429 = arith.index_cast %add3A_394 : i32 to index
          %get3A_430 = arith.constant 64 : index
          %get3A_431 = tpu.vector_load %arg19[%get3A_429, %get3A_430] {strides = array<i32>} : memref<80x128xf32, #tpu.memory_space<vmem>>, vector<16xf32>,
          %mul3A_432 = arith.mulf %get3A_428, %get3A_431 : vector<16xf32>
          %add3A_433 = arith.addf %add3A_425, %mul3A_432 : vector<16xf32>
          %get3A_434 = arith.index_cast %add3A_394 : i32 to index
          %get3A_435 = arith.constant 80 : index
          %get3A_436 = tpu.vector_load %arg18[%get3A_434, %get3A_435] {strides = array<i32>} : memref<80x128xf32, #tpu.memory_space<vmem>>, vector<16xf32>,
          %get3A_437 = arith.index_cast %add3A_394 : i32 to index
          %get3A_438 = arith.constant 80 : index
          %get3A_439 = tpu.vector_load %arg19[%get3A_437, %get3A_438] {strides = array<i32>} : memref<80x128xf32, #tpu.memory_space<vmem>>, vector<16xf32>,
          %mul3A_440 = arith.mulf %get3A_436, %get3A_439 : vector<16xf32>
          %add3A_441 = arith.addf %add3A_433, %mul3A_440 : vector<16xf32>
          %get3A_442 = arith.index_cast %add3A_394 : i32 to index
          %get3A_443 = arith.constant 96 : index
          %get3A_444 = tpu.vector_load %arg18[%get3A_442, %get3A_443] {strides = array<i32>} : memref<80x128xf32, #tpu.memory_space<vmem>>, vector<16xf32>,
          %get3A_445 = arith.index_cast %add3A_394 : i32 to index
          %get3A_446 = arith.constant 96 : index
          %get3A_447 = tpu.vector_load %arg19[%get3A_445, %get3A_446] {strides = array<i32>} : memref<80x128xf32, #tpu.memory_space<vmem>>, vector<16xf32>,
          %mul3A_448 = arith.mulf %get3A_444, %get3A_447 : vector<16xf32>
          %add3A_449 = arith.addf %add3A_441, %mul3A_448 : vector<16xf32>
          %get3A_450 = arith.index_cast %add3A_394 : i32 to index
          %get3A_451 = arith.constant 112 : index
          %get3A_452 = tpu.vector_load %arg18[%get3A_450, %get3A_451] {strides = array<i32>} : memref<80x128xf32, #tpu.memory_space<vmem>>, vector<16xf32>,
          %get3A_453 = arith.index_cast %add3A_394 : i32 to index
          %get3A_454 = arith.constant 112 : index
          %get3A_455 = tpu.vector_load %arg19[%get3A_453, %get3A_454] {strides = array<i32>} : memref<80x128xf32, #tpu.memory_space<vmem>>, vector<16xf32>,
          %mul3A_456 = arith.mulf %get3A_452, %get3A_455 : vector<16xf32>
          %add3A_457 = arith.addf %add3A_449, %mul3A_456 : vector<16xf32>
          %reduce_sum3A_458 = arith.constant true
          %reduce_sum3A_459 = vector.broadcast %reduce_sum3A_458 : i1 to vector<16xi1>
          %reduce_sum3A_460 = tpu.scan <sum>, %add3A_457 masked %reduce_sum3A_459 : vector<16xf32>, vector<16xi1> -> vector<16xf32>
          %reduce_sum3A_461 = vector.extract %reduce_sum3A_460[15] : f32 from vector<16xf32>
          %eq3A_462 = vector.broadcast %scan3A_391 : i32 to vector<16xi32>
          %eq3A_463 = arith.cmpi eq, %iota3A, %eq3A_462 : vector<16xi32>
          %broadcast_in_dim3A_464 = vector.broadcast %reduce_sum3A_461 : f32 to vector<16xf32>
          %select_n3A_465 = arith.select %eq3A_463, %broadcast_in_dim3A_464, %select_n3A : vector<16xi1>, vector<16xf32>
          %scan3A_466 = arith.constant 2 : i32
          %scan3A_467 = arith.addi %scan3A_317, %scan3A_466 : i32
          %mul3A_468 = arith.constant 16 : i32
          %mul3A_469 = arith.muli %scan3A_302, %mul3A_468 : i32
          %add3A_470 = arith.addi %mul3A_469, %scan3A_467 : i32
          %get3A_471 = arith.index_cast %add3A_470 : i32 to index
          %get3A_472 = arith.constant 0 : index
          %get3A_473 = tpu.vector_load %arg18[%get3A_471, %get3A_472] {strides = array<i32>} : memref<80x128xf32, #tpu.memory_space<vmem>>, vector<16xf32>,
          %get3A_474 = arith.index_cast %add3A_470 : i32 to index
          %get3A_475 = arith.constant 0 : index
          %get3A_476 = tpu.vector_load %arg19[%get3A_474, %get3A_475] {strides = array<i32>} : memref<80x128xf32, #tpu.memory_space<vmem>>, vector<16xf32>,
          %mul3A_477 = arith.mulf %get3A_473, %get3A_476 : vector<16xf32>
          %get3A_478 = arith.index_cast %add3A_470 : i32 to index
          %get3A_479 = arith.constant 16 : index
          %get3A_480 = tpu.vector_load %arg18[%get3A_478, %get3A_479] {strides = array<i32>} : memref<80x128xf32, #tpu.memory_space<vmem>>, vector<16xf32>,
          %get3A_481 = arith.index_cast %add3A_470 : i32 to index
          %get3A_482 = arith.constant 16 : index
          %get3A_483 = tpu.vector_load %arg19[%get3A_481, %get3A_482] {strides = array<i32>} : memref<80x128xf32, #tpu.memory_space<vmem>>, vector<16xf32>,
          %mul3A_484 = arith.mulf %get3A_480, %get3A_483 : vector<16xf32>
          %add3A_485 = arith.addf %mul3A_477, %mul3A_484 : vector<16xf32>
          %get3A_486 = arith.index_cast %add3A_470 : i32 to index
          %get3A_487 = arith.constant 32 : index
          %get3A_488 = tpu.vector_load %arg18[%get3A_486, %get3A_487] {strides = array<i32>} : memref<80x128xf32, #tpu.memory_space<vmem>>, vector<16xf32>,
          %get3A_489 = arith.index_cast %add3A_470 : i32 to index
          %get3A_490 = arith.constant 32 : index
          %get3A_491 = tpu.vector_load %arg19[%get3A_489, %get3A_490] {strides = array<i32>} : memref<80x128xf32, #tpu.memory_space<vmem>>, vector<16xf32>,
          %mul3A_492 = arith.mulf %get3A_488, %get3A_491 : vector<16xf32>
          %add3A_493 = arith.addf %add3A_485, %mul3A_492 : vector<16xf32>
          %get3A_494 = arith.index_cast %add3A_470 : i32 to index
          %get3A_495 = arith.constant 48 : index
          %get3A_496 = tpu.vector_load %arg18[%get3A_494, %get3A_495] {strides = array<i32>} : memref<80x128xf32, #tpu.memory_space<vmem>>, vector<16xf32>,
          %get3A_497 = arith.index_cast %add3A_470 : i32 to index
          %get3A_498 = arith.constant 48 : index
          %get3A_499 = tpu.vector_load %arg19[%get3A_497, %get3A_498] {strides = array<i32>} : memref<80x128xf32, #tpu.memory_space<vmem>>, vector<16xf32>,
          %mul3A_500 = arith.mulf %get3A_496, %get3A_499 : vector<16xf32>
          %add3A_501 = arith.addf %add3A_493, %mul3A_500 : vector<16xf32>
          %get3A_502 = arith.index_cast %add3A_470 : i32 to index
          %get3A_503 = arith.constant 64 : index
          %get3A_504 = tpu.vector_load %arg18[%get3A_502, %get3A_503] {strides = array<i32>} : memref<80x128xf32, #tpu.memory_space<vmem>>, vector<16xf32>,
          %get3A_505 = arith.index_cast %add3A_470 : i32 to index
          %get3A_506 = arith.constant 64 : index
          %get3A_507 = tpu.vector_load %arg19[%get3A_505, %get3A_506] {strides = array<i32>} : memref<80x128xf32, #tpu.memory_space<vmem>>, vector<16xf32>,
          %mul3A_508 = arith.mulf %get3A_504, %get3A_507 : vector<16xf32>
          %add3A_509 = arith.addf %add3A_501, %mul3A_508 : vector<16xf32>
          %get3A_510 = arith.index_cast %add3A_470 : i32 to index
          %get3A_511 = arith.constant 80 : index
          %get3A_512 = tpu.vector_load %arg18[%get3A_510, %get3A_511] {strides = array<i32>} : memref<80x128xf32, #tpu.memory_space<vmem>>, vector<16xf32>,
          %get3A_513 = arith.index_cast %add3A_470 : i32 to index
          %get3A_514 = arith.constant 80 : index
          %get3A_515 = tpu.vector_load %arg19[%get3A_513, %get3A_514] {strides = array<i32>} : memref<80x128xf32, #tpu.memory_space<vmem>>, vector<16xf32>,
          %mul3A_516 = arith.mulf %get3A_512, %get3A_515 : vector<16xf32>
          %add3A_517 = arith.addf %add3A_509, %mul3A_516 : vector<16xf32>
          %get3A_518 = arith.index_cast %add3A_470 : i32 to index
          %get3A_519 = arith.constant 96 : index
          %get3A_520 = tpu.vector_load %arg18[%get3A_518, %get3A_519] {strides = array<i32>} : memref<80x128xf32, #tpu.memory_space<vmem>>, vector<16xf32>,
          %get3A_521 = arith.index_cast %add3A_470 : i32 to index
          %get3A_522 = arith.constant 96 : index
          %get3A_523 = tpu.vector_load %arg19[%get3A_521, %get3A_522] {strides = array<i32>} : memref<80x128xf32, #tpu.memory_space<vmem>>, vector<16xf32>,
          %mul3A_524 = arith.mulf %get3A_520, %get3A_523 : vector<16xf32>
          %add3A_525 = arith.addf %add3A_517, %mul3A_524 : vector<16xf32>
          %get3A_526 = arith.index_cast %add3A_470 : i32 to index
          %get3A_527 = arith.constant 112 : index
          %get3A_528 = tpu.vector_load %arg18[%get3A_526, %get3A_527] {strides = array<i32>} : memref<80x128xf32, #tpu.memory_space<vmem>>, vector<16xf32>,
          %get3A_529 = arith.index_cast %add3A_470 : i32 to index
          %get3A_530 = arith.constant 112 : index
          %get3A_531 = tpu.vector_load %arg19[%get3A_529, %get3A_530] {strides = array<i32>} : memref<80x128xf32, #tpu.memory_space<vmem>>, vector<16xf32>,
          %mul3A_532 = arith.mulf %get3A_528, %get3A_531 : vector<16xf32>
          %add3A_533 = arith.addf %add3A_525, %mul3A_532 : vector<16xf32>
          %reduce_sum3A_534 = arith.constant true
          %reduce_sum3A_535 = vector.broadcast %reduce_sum3A_534 : i1 to vector<16xi1>
          %reduce_sum3A_536 = tpu.scan <sum>, %add3A_533 masked %reduce_sum3A_535 : vector<16xf32>, vector<16xi1> -> vector<16xf32>
          %reduce_sum3A_537 = vector.extract %reduce_sum3A_536[15] : f32 from vector<16xf32>
          %eq3A_538 = vector.broadcast %scan3A_467 : i32 to vector<16xi32>
          %eq3A_539 = arith.cmpi eq, %iota3A, %eq3A_538 : vector<16xi32>
          %broadcast_in_dim3A_540 = vector.broadcast %reduce_sum3A_537 : f32 to vector<16xf32>
          %select_n3A_541 = arith.select %eq3A_539, %broadcast_in_dim3A_540, %select_n3A_465 : vector<16xi1>, vector<16xf32>
          %scan3A_542 = arith.constant 3 : i32
          %scan3A_543 = arith.addi %scan3A_317, %scan3A_542 : i32
          %mul3A_544 = arith.constant 16 : i32
          %mul3A_545 = arith.muli %scan3A_302, %mul3A_544 : i32
          %add3A_546 = arith.addi %mul3A_545, %scan3A_543 : i32
          %get3A_547 = arith.index_cast %add3A_546 : i32 to index
          %get3A_548 = arith.constant 0 : index
          %get3A_549 = tpu.vector_load %arg18[%get3A_547, %get3A_548] {strides = array<i32>} : memref<80x128xf32, #tpu.memory_space<vmem>>, vector<16xf32>,
          %get3A_550 = arith.index_cast %add3A_546 : i32 to index
          %get3A_551 = arith.constant 0 : index
          %get3A_552 = tpu.vector_load %arg19[%get3A_550, %get3A_551] {strides = array<i32>} : memref<80x128xf32, #tpu.memory_space<vmem>>, vector<16xf32>,
          %mul3A_553 = arith.mulf %get3A_549, %get3A_552 : vector<16xf32>
          %get3A_554 = arith.index_cast %add3A_546 : i32 to index
          %get3A_555 = arith.constant 16 : index
          %get3A_556 = tpu.vector_load %arg18[%get3A_554, %get3A_555] {strides = array<i32>} : memref<80x128xf32, #tpu.memory_space<vmem>>, vector<16xf32>,
          %get3A_557 = arith.index_cast %add3A_546 : i32 to index
          %get3A_558 = arith.constant 16 : index
          %get3A_559 = tpu.vector_load %arg19[%get3A_557, %get3A_558] {strides = array<i32>} : memref<80x128xf32, #tpu.memory_space<vmem>>, vector<16xf32>,
          %mul3A_560 = arith.mulf %get3A_556, %get3A_559 : vector<16xf32>
          %add3A_561 = arith.addf %mul3A_553, %mul3A_560 : vector<16xf32>
          %get3A_562 = arith.index_cast %add3A_546 : i32 to index
          %get3A_563 = arith.constant 32 : index
          %get3A_564 = tpu.vector_load %arg18[%get3A_562, %get3A_563] {strides = array<i32>} : memref<80x128xf32, #tpu.memory_space<vmem>>, vector<16xf32>,
          %get3A_565 = arith.index_cast %add3A_546 : i32 to index
          %get3A_566 = arith.constant 32 : index
          %get3A_567 = tpu.vector_load %arg19[%get3A_565, %get3A_566] {strides = array<i32>} : memref<80x128xf32, #tpu.memory_space<vmem>>, vector<16xf32>,
          %mul3A_568 = arith.mulf %get3A_564, %get3A_567 : vector<16xf32>
          %add3A_569 = arith.addf %add3A_561, %mul3A_568 : vector<16xf32>
          %get3A_570 = arith.index_cast %add3A_546 : i32 to index
          %get3A_571 = arith.constant 48 : index
          %get3A_572 = tpu.vector_load %arg18[%get3A_570, %get3A_571] {strides = array<i32>} : memref<80x128xf32, #tpu.memory_space<vmem>>, vector<16xf32>,
          %get3A_573 = arith.index_cast %add3A_546 : i32 to index
          %get3A_574 = arith.constant 48 : index
          %get3A_575 = tpu.vector_load %arg19[%get3A_573, %get3A_574] {strides = array<i32>} : memref<80x128xf32, #tpu.memory_space<vmem>>, vector<16xf32>,
          %mul3A_576 = arith.mulf %get3A_572, %get3A_575 : vector<16xf32>
          %add3A_577 = arith.addf %add3A_569, %mul3A_576 : vector<16xf32>
          %get3A_578 = arith.index_cast %add3A_546 : i32 to index
          %get3A_579 = arith.constant 64 : index
          %get3A_580 = tpu.vector_load %arg18[%get3A_578, %get3A_579] {strides = array<i32>} : memref<80x128xf32, #tpu.memory_space<vmem>>, vector<16xf32>,
          %get3A_581 = arith.index_cast %add3A_546 : i32 to index
          %get3A_582 = arith.constant 64 : index
          %get3A_583 = tpu.vector_load %arg19[%get3A_581, %get3A_582] {strides = array<i32>} : memref<80x128xf32, #tpu.memory_space<vmem>>, vector<16xf32>,
          %mul3A_584 = arith.mulf %get3A_580, %get3A_583 : vector<16xf32>
          %add3A_585 = arith.addf %add3A_577, %mul3A_584 : vector<16xf32>
          %get3A_586 = arith.index_cast %add3A_546 : i32 to index
          %get3A_587 = arith.constant 80 : index
          %get3A_588 = tpu.vector_load %arg18[%get3A_586, %get3A_587] {strides = array<i32>} : memref<80x128xf32, #tpu.memory_space<vmem>>, vector<16xf32>,
          %get3A_589 = arith.index_cast %add3A_546 : i32 to index
          %get3A_590 = arith.constant 80 : index
          %get3A_591 = tpu.vector_load %arg19[%get3A_589, %get3A_590] {strides = array<i32>} : memref<80x128xf32, #tpu.memory_space<vmem>>, vector<16xf32>,
          %mul3A_592 = arith.mulf %get3A_588, %get3A_591 : vector<16xf32>
          %add3A_593 = arith.addf %add3A_585, %mul3A_592 : vector<16xf32>
          %get3A_594 = arith.index_cast %add3A_546 : i32 to index
          %get3A_595 = arith.constant 96 : index
          %get3A_596 = tpu.vector_load %arg18[%get3A_594, %get3A_595] {strides = array<i32>} : memref<80x128xf32, #tpu.memory_space<vmem>>, vector<16xf32>,
          %get3A_597 = arith.index_cast %add3A_546 : i32 to index
          %get3A_598 = arith.constant 96 : index
          %get3A_599 = tpu.vector_load %arg19[%get3A_597, %get3A_598] {strides = array<i32>} : memref<80x128xf32, #tpu.memory_space<vmem>>, vector<16xf32>,
          %mul3A_600 = arith.mulf %get3A_596, %get3A_599 : vector<16xf32>
          %add3A_601 = arith.addf %add3A_593, %mul3A_600 : vector<16xf32>
          %get3A_602 = arith.index_cast %add3A_546 : i32 to index
          %get3A_603 = arith.constant 112 : index
          %get3A_604 = tpu.vector_load %arg18[%get3A_602, %get3A_603] {strides = array<i32>} : memref<80x128xf32, #tpu.memory_space<vmem>>, vector<16xf32>,
          %get3A_605 = arith.index_cast %add3A_546 : i32 to index
          %get3A_606 = arith.constant 112 : index
          %get3A_607 = tpu.vector_load %arg19[%get3A_605, %get3A_606] {strides = array<i32>} : memref<80x128xf32, #tpu.memory_space<vmem>>, vector<16xf32>,
          %mul3A_608 = arith.mulf %get3A_604, %get3A_607 : vector<16xf32>
          %add3A_609 = arith.addf %add3A_601, %mul3A_608 : vector<16xf32>
          %reduce_sum3A_610 = arith.constant true
          %reduce_sum3A_611 = vector.broadcast %reduce_sum3A_610 : i1 to vector<16xi1>
          %reduce_sum3A_612 = tpu.scan <sum>, %add3A_609 masked %reduce_sum3A_611 : vector<16xf32>, vector<16xi1> -> vector<16xf32>
          %reduce_sum3A_613 = vector.extract %reduce_sum3A_612[15] : f32 from vector<16xf32>
          %eq3A_614 = vector.broadcast %scan3A_543 : i32 to vector<16xi32>
          %eq3A_615 = arith.cmpi eq, %iota3A, %eq3A_614 : vector<16xi32>
          %broadcast_in_dim3A_616 = vector.broadcast %reduce_sum3A_613 : f32 to vector<16xf32>
          %select_n3A_617 = arith.select %eq3A_615, %broadcast_in_dim3A_616, %select_n3A_541 : vector<16xi1>, vector<16xf32>
          scf.yield %select_n3A_617 : vector<16xf32>
        }
        %scan3A_309 = arith.constant 16 : i32
        %mul3A_310 = arith.constant 0.0883883461 : f32
        %mul3A_311 = vector.broadcast %mul3A_310 : f32 to vector<16xf32>
        %mul3A_312 = arith.mulf %scan3A_308, %mul3A_311 : vector<16xf32>
        %exp3A = math.exp %mul3A_312 : vector<16xf32>
        %mul3A_313 = arith.constant 16 : i32
        %mul3A_314 = arith.muli %scan3A_302, %mul3A_313 : i32
        %swap3A_315 = arith.index_cast %mul3A_314 : i32 to index
        %swap3A_316 = tpu.vector_load %arg21[%swap3A_315] {strides = array<i32>} : memref<80xf32, #tpu.memory_space<vmem>>, vector<16xf32>,
        tpu.vector_store %arg21[%swap3A_315], %exp3A {strides = array<i32>} : memref<80xf32, #tpu.memory_space<vmem>>, vector<16xf32>,
      }
      %scan3A_252 = arith.constant 5 : i32
      %dma_wait3A_253 = tpu.memref_slice %arg5[%min3A_227] : memref<320000xi32, #tpu.memory_space<hbm>> -> memref<80xi32, #tpu.memory_space<hbm>>
      %dma_wait3A_254 = tpu.memref_slice %arg5[%min3A_227] : memref<320000xi32, #tpu.memory_space<hbm>> -> memref<80xi32, #tpu.memory_space<hbm>>
      tpu.wait_dma2 semaphore(%arg25 : memref<!tpu.dma_semaphore, #tpu.memory_space<semaphore_mem>>) src(%dma_wait3A_254 : memref<80xi32, #tpu.memory_space<hbm>>) dst(%arg14 : memref<80xi32, #tpu.memory_space<vmem>>)
      %dma_wait3A_255 = tpu.memref_slice %arg6[%min3A_227] : memref<320000xi32, #tpu.memory_space<hbm>> -> memref<80xi32, #tpu.memory_space<hbm>>
      %dma_wait3A_256 = tpu.memref_slice %arg6[%min3A_227] : memref<320000xi32, #tpu.memory_space<hbm>> -> memref<80xi32, #tpu.memory_space<hbm>>
      tpu.wait_dma2 semaphore(%arg25 : memref<!tpu.dma_semaphore, #tpu.memory_space<semaphore_mem>>) src(%dma_wait3A_256 : memref<80xi32, #tpu.memory_space<hbm>>) dst(%arg15 : memref<80xi32, #tpu.memory_space<vmem>>)
      %dma_start3A_257 = arith.constant 0 : i32
      %dma_start3A_258 = arith.constant 0 : i32
      %dma_start3A_259 = tpu.memref_slice %arg2[%dma_start3A_257, %dma_start3A_258] : memref<10000x128xf32, #tpu.memory_space<hbm>> -> memref<10000x128xf32, #tpu.memory_space<hbm>>
      tpu.enqueue_indirect_dma source(%dma_start3A_259 : memref<10000x128xf32, #tpu.memory_space<hbm>>) target(%arg18 : memref<80x128xf32, #tpu.memory_space<vmem>>) offsets(%arg14 : memref<80xi32, #tpu.memory_space<vmem>>) semaphore(%arg26 : memref<!tpu.dma_semaphore, #tpu.memory_space<semaphore_mem>>)
      %dma_start3A_260 = arith.constant 0 : i32
      %dma_start3A_261 = arith.constant 0 : i32
      %dma_start3A_262 = tpu.memref_slice %arg3[%dma_start3A_260, %dma_start3A_261] : memref<10000x128xf32, #tpu.memory_space<hbm>> -> memref<10000x128xf32, #tpu.memory_space<hbm>>
      tpu.enqueue_indirect_dma source(%dma_start3A_262 : memref<10000x128xf32, #tpu.memory_space<hbm>>) target(%arg19 : memref<80x128xf32, #tpu.memory_space<vmem>>) offsets(%arg15 : memref<80xi32, #tpu.memory_space<vmem>>) semaphore(%arg27 : memref<!tpu.dma_semaphore, #tpu.memory_space<semaphore_mem>>)
      %dma_wait3A_263 = arith.constant 0 : i32
      %dma_wait3A_264 = arith.constant 0 : i32
      %dma_wait3A_265 = tpu.memref_slice %arg4[%dma_wait3A_263, %dma_wait3A_264] : memref<10000x128xf32, #tpu.memory_space<hbm>> -> memref<10000x128xf32, #tpu.memory_space<hbm>>
      tpu.wait_indirect_dma semaphore(%arg28 : memref<!tpu.dma_semaphore, #tpu.memory_space<semaphore_mem>>) src(%dma_wait3A_265 : memref<10000x128xf32, #tpu.memory_space<hbm>>) dst(%arg20 : memref<80x128xf32, #tpu.memory_space<vmem>>)
      %scan3A_266 = arith.constant 0 : i32
      %scan3A_267 = arith.constant 0 : i32
      %scan3A_268 = arith.constant 5 : i32
      %scan3A_269 = arith.addi %scan3A_267, %scan3A_268 : i32
      %scan3A_270 = arith.constant 1 : i32
      scf.for %scan3A_302 = %scan3A_267 to %scan3A_269 step %scan3A_270  : i32 {
        %mul3A_303 = arith.constant 16 : i32
        %mul3A_304 = arith.muli %scan3A_302, %mul3A_303 : i32
        %get3A_305 = arith.index_cast %mul3A_304 : i32 to index
        %get3A_306 = tpu.vector_load %arg21[%get3A_305] {strides = array<i32>} : memref<80xf32, #tpu.memory_space<vmem>>, vector<16xf32>,
        %scan3A_307 = arith.constant 0 : i32
        %scan3A_308 = arith.constant 0 : i32
        %scan3A_309 = arith.constant 16 : i32
        %scan3A_310 = arith.addi %scan3A_308, %scan3A_309 : i32
        %scan3A_311 = arith.constant 4 : i32
        scf.for %scan3A_313 = %scan3A_308 to %scan3A_310 step %scan3A_311  : i32 {
          %mul3A_314 = arith.constant 16 : i32
          %mul3A_315 = arith.muli %scan3A_302, %mul3A_314 : i32
          %add3A_316 = arith.addi %mul3A_315, %scan3A_313 : i32
          %eq3A = vector.broadcast %scan3A_313 : i32 to vector<16xi32>
          %eq3A_317 = arith.cmpi eq, %iota3A, %eq3A : vector<16xi32>
          %jit3A = arith.constant 0.000000e+00 : f32
          %broadcast_in_dim3A = vector.broadcast %jit3A : f32 to vector<16xf32>
          %select_n3A = arith.select %eq3A_317, %get3A_306, %broadcast_in_dim3A : vector<16xi1>, vector<16xf32>
          %reduce_sum3A = arith.constant true
          %reduce_sum3A_318 = vector.broadcast %reduce_sum3A : i1 to vector<16xi1>
          %reduce_sum3A_319 = tpu.scan <sum>, %select_n3A masked %reduce_sum3A_318 : vector<16xf32>, vector<16xi1> -> vector<16xf32>
          %reduce_sum3A_320 = vector.extract %reduce_sum3A_319[15] : f32 from vector<16xf32>
          %get3A_321 = arith.index_cast %add3A_316 : i32 to index
          %get3A_322 = arith.constant 0 : index
          %get3A_323 = tpu.vector_load %arg20[%get3A_321, %get3A_322] {strides = array<i32>} : memref<80x128xf32, #tpu.memory_space<vmem>>, vector<16xf32>,
          %mul3A_324 = vector.broadcast %reduce_sum3A_320 : f32 to vector<16xf32>
          %mul3A_325 = arith.mulf %get3A_323, %mul3A_324 : vector<16xf32>
          %swap3A_326 = arith.index_cast %add3A_316 : i32 to index
          %swap3A_327 = arith.constant 0 : index
          %swap3A_328 = tpu.vector_load %arg20[%swap3A_326, %swap3A_327] {strides = array<i32>} : memref<80x128xf32, #tpu.memory_space<vmem>>, vector<16xf32>,
          tpu.vector_store %arg20[%swap3A_326, %swap3A_327], %mul3A_325 {strides = array<i32>} : memref<80x128xf32, #tpu.memory_space<vmem>>, vector<16xf32>,
          %get3A_329 = arith.index_cast %add3A_316 : i32 to index
          %get3A_330 = arith.constant 16 : index
          %get3A_331 = tpu.vector_load %arg20[%get3A_329, %get3A_330] {strides = array<i32>} : memref<80x128xf32, #tpu.memory_space<vmem>>, vector<16xf32>,
          %mul3A_332 = vector.broadcast %reduce_sum3A_320 : f32 to vector<16xf32>
          %mul3A_333 = arith.mulf %get3A_331, %mul3A_332 : vector<16xf32>
          %swap3A_334 = arith.index_cast %add3A_316 : i32 to index
          %swap3A_335 = arith.constant 16 : index
          %swap3A_336 = tpu.vector_load %arg20[%swap3A_334, %swap3A_335] {strides = array<i32>} : memref<80x128xf32, #tpu.memory_space<vmem>>, vector<16xf32>,
          tpu.vector_store %arg20[%swap3A_334, %swap3A_335], %mul3A_333 {strides = array<i32>} : memref<80x128xf32, #tpu.memory_space<vmem>>, vector<16xf32>,
          %get3A_337 = arith.index_cast %add3A_316 : i32 to index
          %get3A_338 = arith.constant 32 : index
          %get3A_339 = tpu.vector_load %arg20[%get3A_337, %get3A_338] {strides = array<i32>} : memref<80x128xf32, #tpu.memory_space<vmem>>, vector<16xf32>,
          %mul3A_340 = vector.broadcast %reduce_sum3A_320 : f32 to vector<16xf32>
          %mul3A_341 = arith.mulf %get3A_339, %mul3A_340 : vector<16xf32>
          %swap3A_342 = arith.index_cast %add3A_316 : i32 to index
          %swap3A_343 = arith.constant 32 : index
          %swap3A_344 = tpu.vector_load %arg20[%swap3A_342, %swap3A_343] {strides = array<i32>} : memref<80x128xf32, #tpu.memory_space<vmem>>, vector<16xf32>,
          tpu.vector_store %arg20[%swap3A_342, %swap3A_343], %mul3A_341 {strides = array<i32>} : memref<80x128xf32, #tpu.memory_space<vmem>>, vector<16xf32>,
          %get3A_345 = arith.index_cast %add3A_316 : i32 to index
          %get3A_346 = arith.constant 48 : index
          %get3A_347 = tpu.vector_load %arg20[%get3A_345, %get3A_346] {strides = array<i32>} : memref<80x128xf32, #tpu.memory_space<vmem>>, vector<16xf32>,
          %mul3A_348 = vector.broadcast %reduce_sum3A_320 : f32 to vector<16xf32>
          %mul3A_349 = arith.mulf %get3A_347, %mul3A_348 : vector<16xf32>
          %swap3A_350 = arith.index_cast %add3A_316 : i32 to index
          %swap3A_351 = arith.constant 48 : index
          %swap3A_352 = tpu.vector_load %arg20[%swap3A_350, %swap3A_351] {strides = array<i32>} : memref<80x128xf32, #tpu.memory_space<vmem>>, vector<16xf32>,
          tpu.vector_store %arg20[%swap3A_350, %swap3A_351], %mul3A_349 {strides = array<i32>} : memref<80x128xf32, #tpu.memory_space<vmem>>, vector<16xf32>,
          %get3A_353 = arith.index_cast %add3A_316 : i32 to index
          %get3A_354 = arith.constant 64 : index
          %get3A_355 = tpu.vector_load %arg20[%get3A_353, %get3A_354] {strides = array<i32>} : memref<80x128xf32, #tpu.memory_space<vmem>>, vector<16xf32>,
          %mul3A_356 = vector.broadcast %reduce_sum3A_320 : f32 to vector<16xf32>
          %mul3A_357 = arith.mulf %get3A_355, %mul3A_356 : vector<16xf32>
          %swap3A_358 = arith.index_cast %add3A_316 : i32 to index
          %swap3A_359 = arith.constant 64 : index
          %swap3A_360 = tpu.vector_load %arg20[%swap3A_358, %swap3A_359] {strides = array<i32>} : memref<80x128xf32, #tpu.memory_space<vmem>>, vector<16xf32>,
          tpu.vector_store %arg20[%swap3A_358, %swap3A_359], %mul3A_357 {strides = array<i32>} : memref<80x128xf32, #tpu.memory_space<vmem>>, vector<16xf32>,
          %get3A_361 = arith.index_cast %add3A_316 : i32 to index
          %get3A_362 = arith.constant 80 : index
          %get3A_363 = tpu.vector_load %arg20[%get3A_361, %get3A_362] {strides = array<i32>} : memref<80x128xf32, #tpu.memory_space<vmem>>, vector<16xf32>,
          %mul3A_364 = vector.broadcast %reduce_sum3A_320 : f32 to vector<16xf32>
          %mul3A_365 = arith.mulf %get3A_363, %mul3A_364 : vector<16xf32>
          %swap3A_366 = arith.index_cast %add3A_316 : i32 to index
          %swap3A_367 = arith.constant 80 : index
          %swap3A_368 = tpu.vector_load %arg20[%swap3A_366, %swap3A_367] {strides = array<i32>} : memref<80x128xf32, #tpu.memory_space<vmem>>, vector<16xf32>,
          tpu.vector_store %arg20[%swap3A_366, %swap3A_367], %mul3A_365 {strides = array<i32>} : memref<80x128xf32, #tpu.memory_space<vmem>>, vector<16xf32>,
          %get3A_369 = arith.index_cast %add3A_316 : i32 to index
          %get3A_370 = arith.constant 96 : index
          %get3A_371 = tpu.vector_load %arg20[%get3A_369, %get3A_370] {strides = array<i32>} : memref<80x128xf32, #tpu.memory_space<vmem>>, vector<16xf32>,
          %mul3A_372 = vector.broadcast %reduce_sum3A_320 : f32 to vector<16xf32>
          %mul3A_373 = arith.mulf %get3A_371, %mul3A_372 : vector<16xf32>
          %swap3A_374 = arith.index_cast %add3A_316 : i32 to index
          %swap3A_375 = arith.constant 96 : index
          %swap3A_376 = tpu.vector_load %arg20[%swap3A_374, %swap3A_375] {strides = array<i32>} : memref<80x128xf32, #tpu.memory_space<vmem>>, vector<16xf32>,
          tpu.vector_store %arg20[%swap3A_374, %swap3A_375], %mul3A_373 {strides = array<i32>} : memref<80x128xf32, #tpu.memory_space<vmem>>, vector<16xf32>,
          %get3A_377 = arith.index_cast %add3A_316 : i32 to index
          %get3A_378 = arith.constant 112 : index
          %get3A_379 = tpu.vector_load %arg20[%get3A_377, %get3A_378] {strides = array<i32>} : memref<80x128xf32, #tpu.memory_space<vmem>>, vector<16xf32>,
          %mul3A_380 = vector.broadcast %reduce_sum3A_320 : f32 to vector<16xf32>
          %mul3A_381 = arith.mulf %get3A_379, %mul3A_380 : vector<16xf32>
          %swap3A_382 = arith.index_cast %add3A_316 : i32 to index
          %swap3A_383 = arith.constant 112 : index
          %swap3A_384 = tpu.vector_load %arg20[%swap3A_382, %swap3A_383] {strides = array<i32>} : memref<80x128xf32, #tpu.memory_space<vmem>>, vector<16xf32>,
          tpu.vector_store %arg20[%swap3A_382, %swap3A_383], %mul3A_381 {strides = array<i32>} : memref<80x128xf32, #tpu.memory_space<vmem>>, vector<16xf32>,
          %scan3A_385 = arith.constant 1 : i32
          %scan3A_386 = arith.addi %scan3A_313, %scan3A_385 : i32
          %mul3A_387 = arith.constant 16 : i32
          %mul3A_388 = arith.muli %scan3A_302, %mul3A_387 : i32
          %add3A_389 = arith.addi %mul3A_388, %scan3A_386 : i32
          %eq3A_390 = vector.broadcast %scan3A_386 : i32 to vector<16xi32>
          %eq3A_391 = arith.cmpi eq, %iota3A, %eq3A_390 : vector<16xi32>
          %jit3A_392 = arith.constant 0.000000e+00 : f32
          %broadcast_in_dim3A_393 = vector.broadcast %jit3A_392 : f32 to vector<16xf32>
          %select_n3A_394 = arith.select %eq3A_391, %get3A_306, %broadcast_in_dim3A_393 : vector<16xi1>, vector<16xf32>
          %reduce_sum3A_395 = arith.constant true
          %reduce_sum3A_396 = vector.broadcast %reduce_sum3A_395 : i1 to vector<16xi1>
          %reduce_sum3A_397 = tpu.scan <sum>, %select_n3A_394 masked %reduce_sum3A_396 : vector<16xf32>, vector<16xi1> -> vector<16xf32>
          %reduce_sum3A_398 = vector.extract %reduce_sum3A_397[15] : f32 from vector<16xf32>
          %get3A_399 = arith.index_cast %add3A_389 : i32 to index
          %get3A_400 = arith.constant 0 : index
          %get3A_401 = tpu.vector_load %arg20[%get3A_399, %get3A_400] {strides = array<i32>} : memref<80x128xf32, #tpu.memory_space<vmem>>, vector<16xf32>,
          %mul3A_402 = vector.broadcast %reduce_sum3A_398 : f32 to vector<16xf32>
          %mul3A_403 = arith.mulf %get3A_401, %mul3A_402 : vector<16xf32>
          %swap3A_404 = arith.index_cast %add3A_389 : i32 to index
          %swap3A_405 = arith.constant 0 : index
          %swap3A_406 = tpu.vector_load %arg20[%swap3A_404, %swap3A_405] {strides = array<i32>} : memref<80x128xf32, #tpu.memory_space<vmem>>, vector<16xf32>,
          tpu.vector_store %arg20[%swap3A_404, %swap3A_405], %mul3A_403 {strides = array<i32>} : memref<80x128xf32, #tpu.memory_space<vmem>>, vector<16xf32>,
          %get3A_407 = arith.index_cast %add3A_389 : i32 to index
          %get3A_408 = arith.constant 16 : index
          %get3A_409 = tpu.vector_load %arg20[%get3A_407, %get3A_408] {strides = array<i32>} : memref<80x128xf32, #tpu.memory_space<vmem>>, vector<16xf32>,
          %mul3A_410 = vector.broadcast %reduce_sum3A_398 : f32 to vector<16xf32>
          %mul3A_411 = arith.mulf %get3A_409, %mul3A_410 : vector<16xf32>
          %swap3A_412 = arith.index_cast %add3A_389 : i32 to index
          %swap3A_413 = arith.constant 16 : index
          %swap3A_414 = tpu.vector_load %arg20[%swap3A_412, %swap3A_413] {strides = array<i32>} : memref<80x128xf32, #tpu.memory_space<vmem>>, vector<16xf32>,
          tpu.vector_store %arg20[%swap3A_412, %swap3A_413], %mul3A_411 {strides = array<i32>} : memref<80x128xf32, #tpu.memory_space<vmem>>, vector<16xf32>,
          %get3A_415 = arith.index_cast %add3A_389 : i32 to index
          %get3A_416 = arith.constant 32 : index
          %get3A_417 = tpu.vector_load %arg20[%get3A_415, %get3A_416] {strides = array<i32>} : memref<80x128xf32, #tpu.memory_space<vmem>>, vector<16xf32>,
          %mul3A_418 = vector.broadcast %reduce_sum3A_398 : f32 to vector<16xf32>
          %mul3A_419 = arith.mulf %get3A_417, %mul3A_418 : vector<16xf32>
          %swap3A_420 = arith.index_cast %add3A_389 : i32 to index
          %swap3A_421 = arith.constant 32 : index
          %swap3A_422 = tpu.vector_load %arg20[%swap3A_420, %swap3A_421] {strides = array<i32>} : memref<80x128xf32, #tpu.memory_space<vmem>>, vector<16xf32>,
          tpu.vector_store %arg20[%swap3A_420, %swap3A_421], %mul3A_419 {strides = array<i32>} : memref<80x128xf32, #tpu.memory_space<vmem>>, vector<16xf32>,
          %get3A_423 = arith.index_cast %add3A_389 : i32 to index
          %get3A_424 = arith.constant 48 : index
          %get3A_425 = tpu.vector_load %arg20[%get3A_423, %get3A_424] {strides = array<i32>} : memref<80x128xf32, #tpu.memory_space<vmem>>, vector<16xf32>,
          %mul3A_426 = vector.broadcast %reduce_sum3A_398 : f32 to vector<16xf32>
          %mul3A_427 = arith.mulf %get3A_425, %mul3A_426 : vector<16xf32>
          %swap3A_428 = arith.index_cast %add3A_389 : i32 to index
          %swap3A_429 = arith.constant 48 : index
          %swap3A_430 = tpu.vector_load %arg20[%swap3A_428, %swap3A_429] {strides = array<i32>} : memref<80x128xf32, #tpu.memory_space<vmem>>, vector<16xf32>,
          tpu.vector_store %arg20[%swap3A_428, %swap3A_429], %mul3A_427 {strides = array<i32>} : memref<80x128xf32, #tpu.memory_space<vmem>>, vector<16xf32>,
          %get3A_431 = arith.index_cast %add3A_389 : i32 to index
          %get3A_432 = arith.constant 64 : index
          %get3A_433 = tpu.vector_load %arg20[%get3A_431, %get3A_432] {strides = array<i32>} : memref<80x128xf32, #tpu.memory_space<vmem>>, vector<16xf32>,
          %mul3A_434 = vector.broadcast %reduce_sum3A_398 : f32 to vector<16xf32>
          %mul3A_435 = arith.mulf %get3A_433, %mul3A_434 : vector<16xf32>
          %swap3A_436 = arith.index_cast %add3A_389 : i32 to index
          %swap3A_437 = arith.constant 64 : index
          %swap3A_438 = tpu.vector_load %arg20[%swap3A_436, %swap3A_437] {strides = array<i32>} : memref<80x128xf32, #tpu.memory_space<vmem>>, vector<16xf32>,
          tpu.vector_store %arg20[%swap3A_436, %swap3A_437], %mul3A_435 {strides = array<i32>} : memref<80x128xf32, #tpu.memory_space<vmem>>, vector<16xf32>,
          %get3A_439 = arith.index_cast %add3A_389 : i32 to index
          %get3A_440 = arith.constant 80 : index
          %get3A_441 = tpu.vector_load %arg20[%get3A_439, %get3A_440] {strides = array<i32>} : memref<80x128xf32, #tpu.memory_space<vmem>>, vector<16xf32>,
          %mul3A_442 = vector.broadcast %reduce_sum3A_398 : f32 to vector<16xf32>
          %mul3A_443 = arith.mulf %get3A_441, %mul3A_442 : vector<16xf32>
          %swap3A_444 = arith.index_cast %add3A_389 : i32 to index
          %swap3A_445 = arith.constant 80 : index
          %swap3A_446 = tpu.vector_load %arg20[%swap3A_444, %swap3A_445] {strides = array<i32>} : memref<80x128xf32, #tpu.memory_space<vmem>>, vector<16xf32>,
          tpu.vector_store %arg20[%swap3A_444, %swap3A_445], %mul3A_443 {strides = array<i32>} : memref<80x128xf32, #tpu.memory_space<vmem>>, vector<16xf32>,
          %get3A_447 = arith.index_cast %add3A_389 : i32 to index
          %get3A_448 = arith.constant 96 : index
          %get3A_449 = tpu.vector_load %arg20[%get3A_447, %get3A_448] {strides = array<i32>} : memref<80x128xf32, #tpu.memory_space<vmem>>, vector<16xf32>,
          %mul3A_450 = vector.broadcast %reduce_sum3A_398 : f32 to vector<16xf32>
          %mul3A_451 = arith.mulf %get3A_449, %mul3A_450 : vector<16xf32>
          %swap3A_452 = arith.index_cast %add3A_389 : i32 to index
          %swap3A_453 = arith.constant 96 : index
          %swap3A_454 = tpu.vector_load %arg20[%swap3A_452, %swap3A_453] {strides = array<i32>} : memref<80x128xf32, #tpu.memory_space<vmem>>, vector<16xf32>,
          tpu.vector_store %arg20[%swap3A_452, %swap3A_453], %mul3A_451 {strides = array<i32>} : memref<80x128xf32, #tpu.memory_space<vmem>>, vector<16xf32>,
          %get3A_455 = arith.index_cast %add3A_389 : i32 to index
          %get3A_456 = arith.constant 112 : index
          %get3A_457 = tpu.vector_load %arg20[%get3A_455, %get3A_456] {strides = array<i32>} : memref<80x128xf32, #tpu.memory_space<vmem>>, vector<16xf32>,
          %mul3A_458 = vector.broadcast %reduce_sum3A_398 : f32 to vector<16xf32>
          %mul3A_459 = arith.mulf %get3A_457, %mul3A_458 : vector<16xf32>
          %swap3A_460 = arith.index_cast %add3A_389 : i32 to index
          %swap3A_461 = arith.constant 112 : index
          %swap3A_462 = tpu.vector_load %arg20[%swap3A_460, %swap3A_461] {strides = array<i32>} : memref<80x128xf32, #tpu.memory_space<vmem>>, vector<16xf32>,
          tpu.vector_store %arg20[%swap3A_460, %swap3A_461], %mul3A_459 {strides = array<i32>} : memref<80x128xf32, #tpu.memory_space<vmem>>, vector<16xf32>,
          %scan3A_463 = arith.constant 2 : i32
          %scan3A_464 = arith.addi %scan3A_313, %scan3A_463 : i32
          %mul3A_465 = arith.constant 16 : i32
          %mul3A_466 = arith.muli %scan3A_302, %mul3A_465 : i32
          %add3A_467 = arith.addi %mul3A_466, %scan3A_464 : i32
          %eq3A_468 = vector.broadcast %scan3A_464 : i32 to vector<16xi32>
          %eq3A_469 = arith.cmpi eq, %iota3A, %eq3A_468 : vector<16xi32>
          %jit3A_470 = arith.constant 0.000000e+00 : f32
          %broadcast_in_dim3A_471 = vector.broadcast %jit3A_470 : f32 to vector<16xf32>
          %select_n3A_472 = arith.select %eq3A_469, %get3A_306, %broadcast_in_dim3A_471 : vector<16xi1>, vector<16xf32>
          %reduce_sum3A_473 = arith.constant true
          %reduce_sum3A_474 = vector.broadcast %reduce_sum3A_473 : i1 to vector<16xi1>
          %reduce_sum3A_475 = tpu.scan <sum>, %select_n3A_472 masked %reduce_sum3A_474 : vector<16xf32>, vector<16xi1> -> vector<16xf32>
          %reduce_sum3A_476 = vector.extract %reduce_sum3A_475[15] : f32 from vector<16xf32>
          %get3A_477 = arith.index_cast %add3A_467 : i32 to index
          %get3A_478 = arith.constant 0 : index
          %get3A_479 = tpu.vector_load %arg20[%get3A_477, %get3A_478] {strides = array<i32>} : memref<80x128xf32, #tpu.memory_space<vmem>>, vector<16xf32>,
          %mul3A_480 = vector.broadcast %reduce_sum3A_476 : f32 to vector<16xf32>
          %mul3A_481 = arith.mulf %get3A_479, %mul3A_480 : vector<16xf32>
          %swap3A_482 = arith.index_cast %add3A_467 : i32 to index
          %swap3A_483 = arith.constant 0 : index
          %swap3A_484 = tpu.vector_load %arg20[%swap3A_482, %swap3A_483] {strides = array<i32>} : memref<80x128xf32, #tpu.memory_space<vmem>>, vector<16xf32>,
          tpu.vector_store %arg20[%swap3A_482, %swap3A_483], %mul3A_481 {strides = array<i32>} : memref<80x128xf32, #tpu.memory_space<vmem>>, vector<16xf32>,
          %get3A_485 = arith.index_cast %add3A_467 : i32 to index
          %get3A_486 = arith.constant 16 : index
          %get3A_487 = tpu.vector_load %arg20[%get3A_485, %get3A_486] {strides = array<i32>} : memref<80x128xf32, #tpu.memory_space<vmem>>, vector<16xf32>,
          %mul3A_488 = vector.broadcast %reduce_sum3A_476 : f32 to vector<16xf32>
          %mul3A_489 = arith.mulf %get3A_487, %mul3A_488 : vector<16xf32>
          %swap3A_490 = arith.index_cast %add3A_467 : i32 to index
          %swap3A_491 = arith.constant 16 : index
          %swap3A_492 = tpu.vector_load %arg20[%swap3A_490, %swap3A_491] {strides = array<i32>} : memref<80x128xf32, #tpu.memory_space<vmem>>, vector<16xf32>,
          tpu.vector_store %arg20[%swap3A_490, %swap3A_491], %mul3A_489 {strides = array<i32>} : memref<80x128xf32, #tpu.memory_space<vmem>>, vector<16xf32>,
          %get3A_493 = arith.index_cast %add3A_467 : i32 to index
          %get3A_494 = arith.constant 32 : index
          %get3A_495 = tpu.vector_load %arg20[%get3A_493, %get3A_494] {strides = array<i32>} : memref<80x128xf32, #tpu.memory_space<vmem>>, vector<16xf32>,
          %mul3A_496 = vector.broadcast %reduce_sum3A_476 : f32 to vector<16xf32>
          %mul3A_497 = arith.mulf %get3A_495, %mul3A_496 : vector<16xf32>
          %swap3A_498 = arith.index_cast %add3A_467 : i32 to index
          %swap3A_499 = arith.constant 32 : index
          %swap3A_500 = tpu.vector_load %arg20[%swap3A_498, %swap3A_499] {strides = array<i32>} : memref<80x128xf32, #tpu.memory_space<vmem>>, vector<16xf32>,
          tpu.vector_store %arg20[%swap3A_498, %swap3A_499], %mul3A_497 {strides = array<i32>} : memref<80x128xf32, #tpu.memory_space<vmem>>, vector<16xf32>,
          %get3A_501 = arith.index_cast %add3A_467 : i32 to index
          %get3A_502 = arith.constant 48 : index
          %get3A_503 = tpu.vector_load %arg20[%get3A_501, %get3A_502] {strides = array<i32>} : memref<80x128xf32, #tpu.memory_space<vmem>>, vector<16xf32>,
          %mul3A_504 = vector.broadcast %reduce_sum3A_476 : f32 to vector<16xf32>
          %mul3A_505 = arith.mulf %get3A_503, %mul3A_504 : vector<16xf32>
          %swap3A_506 = arith.index_cast %add3A_467 : i32 to index
          %swap3A_507 = arith.constant 48 : index
          %swap3A_508 = tpu.vector_load %arg20[%swap3A_506, %swap3A_507] {strides = array<i32>} : memref<80x128xf32, #tpu.memory_space<vmem>>, vector<16xf32>,
          tpu.vector_store %arg20[%swap3A_506, %swap3A_507], %mul3A_505 {strides = array<i32>} : memref<80x128xf32, #tpu.memory_space<vmem>>, vector<16xf32>,
          %get3A_509 = arith.index_cast %add3A_467 : i32 to index
          %get3A_510 = arith.constant 64 : index
          %get3A_511 = tpu.vector_load %arg20[%get3A_509, %get3A_510] {strides = array<i32>} : memref<80x128xf32, #tpu.memory_space<vmem>>, vector<16xf32>,
          %mul3A_512 = vector.broadcast %reduce_sum3A_476 : f32 to vector<16xf32>
          %mul3A_513 = arith.mulf %get3A_511, %mul3A_512 : vector<16xf32>
          %swap3A_514 = arith.index_cast %add3A_467 : i32 to index
          %swap3A_515 = arith.constant 64 : index
          %swap3A_516 = tpu.vector_load %arg20[%swap3A_514, %swap3A_515] {strides = array<i32>} : memref<80x128xf32, #tpu.memory_space<vmem>>, vector<16xf32>,
          tpu.vector_store %arg20[%swap3A_514, %swap3A_515], %mul3A_513 {strides = array<i32>} : memref<80x128xf32, #tpu.memory_space<vmem>>, vector<16xf32>,
          %get3A_517 = arith.index_cast %add3A_467 : i32 to index
          %get3A_518 = arith.constant 80 : index
          %get3A_519 = tpu.vector_load %arg20[%get3A_517, %get3A_518] {strides = array<i32>} : memref<80x128xf32, #tpu.memory_space<vmem>>, vector<16xf32>,
          %mul3A_520 = vector.broadcast %reduce_sum3A_476 : f32 to vector<16xf32>
          %mul3A_521 = arith.mulf %get3A_519, %mul3A_520 : vector<16xf32>
          %swap3A_522 = arith.index_cast %add3A_467 : i32 to index
          %swap3A_523 = arith.constant 80 : index
          %swap3A_524 = tpu.vector_load %arg20[%swap3A_522, %swap3A_523] {strides = array<i32>} : memref<80x128xf32, #tpu.memory_space<vmem>>, vector<16xf32>,
          tpu.vector_store %arg20[%swap3A_522, %swap3A_523], %mul3A_521 {strides = array<i32>} : memref<80x128xf32, #tpu.memory_space<vmem>>, vector<16xf32>,
          %get3A_525 = arith.index_cast %add3A_467 : i32 to index
          %get3A_526 = arith.constant 96 : index
          %get3A_527 = tpu.vector_load %arg20[%get3A_525, %get3A_526] {strides = array<i32>} : memref<80x128xf32, #tpu.memory_space<vmem>>, vector<16xf32>,
          %mul3A_528 = vector.broadcast %reduce_sum3A_476 : f32 to vector<16xf32>
          %mul3A_529 = arith.mulf %get3A_527, %mul3A_528 : vector<16xf32>
          %swap3A_530 = arith.index_cast %add3A_467 : i32 to index
          %swap3A_531 = arith.constant 96 : index
          %swap3A_532 = tpu.vector_load %arg20[%swap3A_530, %swap3A_531] {strides = array<i32>} : memref<80x128xf32, #tpu.memory_space<vmem>>, vector<16xf32>,
          tpu.vector_store %arg20[%swap3A_530, %swap3A_531], %mul3A_529 {strides = array<i32>} : memref<80x128xf32, #tpu.memory_space<vmem>>, vector<16xf32>,
          %get3A_533 = arith.index_cast %add3A_467 : i32 to index
          %get3A_534 = arith.constant 112 : index
          %get3A_535 = tpu.vector_load %arg20[%get3A_533, %get3A_534] {strides = array<i32>} : memref<80x128xf32, #tpu.memory_space<vmem>>, vector<16xf32>,
          %mul3A_536 = vector.broadcast %reduce_sum3A_476 : f32 to vector<16xf32>
          %mul3A_537 = arith.mulf %get3A_535, %mul3A_536 : vector<16xf32>
          %swap3A_538 = arith.index_cast %add3A_467 : i32 to index
          %swap3A_539 = arith.constant 112 : index
          %swap3A_540 = tpu.vector_load %arg20[%swap3A_538, %swap3A_539] {strides = array<i32>} : memref<80x128xf32, #tpu.memory_space<vmem>>, vector<16xf32>,
          tpu.vector_store %arg20[%swap3A_538, %swap3A_539], %mul3A_537 {strides = array<i32>} : memref<80x128xf32, #tpu.memory_space<vmem>>, vector<16xf32>,
          %scan3A_541 = arith.constant 3 : i32
          %scan3A_542 = arith.addi %scan3A_313, %scan3A_541 : i32
          %mul3A_543 = arith.constant 16 : i32
          %mul3A_544 = arith.muli %scan3A_302, %mul3A_543 : i32
          %add3A_545 = arith.addi %mul3A_544, %scan3A_542 : i32
          %eq3A_546 = vector.broadcast %scan3A_542 : i32 to vector<16xi32>
          %eq3A_547 = arith.cmpi eq, %iota3A, %eq3A_546 : vector<16xi32>
          %jit3A_548 = arith.constant 0.000000e+00 : f32
          %broadcast_in_dim3A_549 = vector.broadcast %jit3A_548 : f32 to vector<16xf32>
          %select_n3A_550 = arith.select %eq3A_547, %get3A_306, %broadcast_in_dim3A_549 : vector<16xi1>, vector<16xf32>
          %reduce_sum3A_551 = arith.constant true
          %reduce_sum3A_552 = vector.broadcast %reduce_sum3A_551 : i1 to vector<16xi1>
          %reduce_sum3A_553 = tpu.scan <sum>, %select_n3A_550 masked %reduce_sum3A_552 : vector<16xf32>, vector<16xi1> -> vector<16xf32>
          %reduce_sum3A_554 = vector.extract %reduce_sum3A_553[15] : f32 from vector<16xf32>
          %get3A_555 = arith.index_cast %add3A_545 : i32 to index
          %get3A_556 = arith.constant 0 : index
          %get3A_557 = tpu.vector_load %arg20[%get3A_555, %get3A_556] {strides = array<i32>} : memref<80x128xf32, #tpu.memory_space<vmem>>, vector<16xf32>,
          %mul3A_558 = vector.broadcast %reduce_sum3A_554 : f32 to vector<16xf32>
          %mul3A_559 = arith.mulf %get3A_557, %mul3A_558 : vector<16xf32>
          %swap3A_560 = arith.index_cast %add3A_545 : i32 to index
          %swap3A_561 = arith.constant 0 : index
          %swap3A_562 = tpu.vector_load %arg20[%swap3A_560, %swap3A_561] {strides = array<i32>} : memref<80x128xf32, #tpu.memory_space<vmem>>, vector<16xf32>,
          tpu.vector_store %arg20[%swap3A_560, %swap3A_561], %mul3A_559 {strides = array<i32>} : memref<80x128xf32, #tpu.memory_space<vmem>>, vector<16xf32>,
          %get3A_563 = arith.index_cast %add3A_545 : i32 to index
          %get3A_564 = arith.constant 16 : index
          %get3A_565 = tpu.vector_load %arg20[%get3A_563, %get3A_564] {strides = array<i32>} : memref<80x128xf32, #tpu.memory_space<vmem>>, vector<16xf32>,
          %mul3A_566 = vector.broadcast %reduce_sum3A_554 : f32 to vector<16xf32>
          %mul3A_567 = arith.mulf %get3A_565, %mul3A_566 : vector<16xf32>
          %swap3A_568 = arith.index_cast %add3A_545 : i32 to index
          %swap3A_569 = arith.constant 16 : index
          %swap3A_570 = tpu.vector_load %arg20[%swap3A_568, %swap3A_569] {strides = array<i32>} : memref<80x128xf32, #tpu.memory_space<vmem>>, vector<16xf32>,
          tpu.vector_store %arg20[%swap3A_568, %swap3A_569], %mul3A_567 {strides = array<i32>} : memref<80x128xf32, #tpu.memory_space<vmem>>, vector<16xf32>,
          %get3A_571 = arith.index_cast %add3A_545 : i32 to index
          %get3A_572 = arith.constant 32 : index
          %get3A_573 = tpu.vector_load %arg20[%get3A_571, %get3A_572] {strides = array<i32>} : memref<80x128xf32, #tpu.memory_space<vmem>>, vector<16xf32>,
          %mul3A_574 = vector.broadcast %reduce_sum3A_554 : f32 to vector<16xf32>
          %mul3A_575 = arith.mulf %get3A_573, %mul3A_574 : vector<16xf32>
          %swap3A_576 = arith.index_cast %add3A_545 : i32 to index
          %swap3A_577 = arith.constant 32 : index
          %swap3A_578 = tpu.vector_load %arg20[%swap3A_576, %swap3A_577] {strides = array<i32>} : memref<80x128xf32, #tpu.memory_space<vmem>>, vector<16xf32>,
          tpu.vector_store %arg20[%swap3A_576, %swap3A_577], %mul3A_575 {strides = array<i32>} : memref<80x128xf32, #tpu.memory_space<vmem>>, vector<16xf32>,
          %get3A_579 = arith.index_cast %add3A_545 : i32 to index
          %get3A_580 = arith.constant 48 : index
          %get3A_581 = tpu.vector_load %arg20[%get3A_579, %get3A_580] {strides = array<i32>} : memref<80x128xf32, #tpu.memory_space<vmem>>, vector<16xf32>,
          %mul3A_582 = vector.broadcast %reduce_sum3A_554 : f32 to vector<16xf32>
          %mul3A_583 = arith.mulf %get3A_581, %mul3A_582 : vector<16xf32>
          %swap3A_584 = arith.index_cast %add3A_545 : i32 to index
          %swap3A_585 = arith.constant 48 : index
          %swap3A_586 = tpu.vector_load %arg20[%swap3A_584, %swap3A_585] {strides = array<i32>} : memref<80x128xf32, #tpu.memory_space<vmem>>, vector<16xf32>,
          tpu.vector_store %arg20[%swap3A_584, %swap3A_585], %mul3A_583 {strides = array<i32>} : memref<80x128xf32, #tpu.memory_space<vmem>>, vector<16xf32>,
          %get3A_587 = arith.index_cast %add3A_545 : i32 to index
          %get3A_588 = arith.constant 64 : index
          %get3A_589 = tpu.vector_load %arg20[%get3A_587, %get3A_588] {strides = array<i32>} : memref<80x128xf32, #tpu.memory_space<vmem>>, vector<16xf32>,
          %mul3A_590 = vector.broadcast %reduce_sum3A_554 : f32 to vector<16xf32>
          %mul3A_591 = arith.mulf %get3A_589, %mul3A_590 : vector<16xf32>
          %swap3A_592 = arith.index_cast %add3A_545 : i32 to index
          %swap3A_593 = arith.constant 64 : index
          %swap3A_594 = tpu.vector_load %arg20[%swap3A_592, %swap3A_593] {strides = array<i32>} : memref<80x128xf32, #tpu.memory_space<vmem>>, vector<16xf32>,
          tpu.vector_store %arg20[%swap3A_592, %swap3A_593], %mul3A_591 {strides = array<i32>} : memref<80x128xf32, #tpu.memory_space<vmem>>, vector<16xf32>,
          %get3A_595 = arith.index_cast %add3A_545 : i32 to index
          %get3A_596 = arith.constant 80 : index
          %get3A_597 = tpu.vector_load %arg20[%get3A_595, %get3A_596] {strides = array<i32>} : memref<80x128xf32, #tpu.memory_space<vmem>>, vector<16xf32>,
          %mul3A_598 = vector.broadcast %reduce_sum3A_554 : f32 to vector<16xf32>
          %mul3A_599 = arith.mulf %get3A_597, %mul3A_598 : vector<16xf32>
          %swap3A_600 = arith.index_cast %add3A_545 : i32 to index
          %swap3A_601 = arith.constant 80 : index
          %swap3A_602 = tpu.vector_load %arg20[%swap3A_600, %swap3A_601] {strides = array<i32>} : memref<80x128xf32, #tpu.memory_space<vmem>>, vector<16xf32>,
          tpu.vector_store %arg20[%swap3A_600, %swap3A_601], %mul3A_599 {strides = array<i32>} : memref<80x128xf32, #tpu.memory_space<vmem>>, vector<16xf32>,
          %get3A_603 = arith.index_cast %add3A_545 : i32 to index
          %get3A_604 = arith.constant 96 : index
          %get3A_605 = tpu.vector_load %arg20[%get3A_603, %get3A_604] {strides = array<i32>} : memref<80x128xf32, #tpu.memory_space<vmem>>, vector<16xf32>,
          %mul3A_606 = vector.broadcast %reduce_sum3A_554 : f32 to vector<16xf32>
          %mul3A_607 = arith.mulf %get3A_605, %mul3A_606 : vector<16xf32>
          %swap3A_608 = arith.index_cast %add3A_545 : i32 to index
          %swap3A_609 = arith.constant 96 : index
          %swap3A_610 = tpu.vector_load %arg20[%swap3A_608, %swap3A_609] {strides = array<i32>} : memref<80x128xf32, #tpu.memory_space<vmem>>, vector<16xf32>,
          tpu.vector_store %arg20[%swap3A_608, %swap3A_609], %mul3A_607 {strides = array<i32>} : memref<80x128xf32, #tpu.memory_space<vmem>>, vector<16xf32>,
          %get3A_611 = arith.index_cast %add3A_545 : i32 to index
          %get3A_612 = arith.constant 112 : index
          %get3A_613 = tpu.vector_load %arg20[%get3A_611, %get3A_612] {strides = array<i32>} : memref<80x128xf32, #tpu.memory_space<vmem>>, vector<16xf32>,
          %mul3A_614 = vector.broadcast %reduce_sum3A_554 : f32 to vector<16xf32>
          %mul3A_615 = arith.mulf %get3A_613, %mul3A_614 : vector<16xf32>
          %swap3A_616 = arith.index_cast %add3A_545 : i32 to index
          %swap3A_617 = arith.constant 112 : index
          %swap3A_618 = tpu.vector_load %arg20[%swap3A_616, %swap3A_617] {strides = array<i32>} : memref<80x128xf32, #tpu.memory_space<vmem>>, vector<16xf32>,
          tpu.vector_store %arg20[%swap3A_616, %swap3A_617], %mul3A_615 {strides = array<i32>} : memref<80x128xf32, #tpu.memory_space<vmem>>, vector<16xf32>,
        }
        %scan3A_312 = arith.constant 16 : i32
      }
      %scan3A_271 = arith.constant 5 : i32
      %get3A_272 = arith.constant 0 : index
      %get3A_273 = tpu.vector_load %arg13[%get3A_272] {strides = array<i32>} : memref<80xi32, #tpu.memory_space<vmem>>, vector<16xi32>,
      %swap3A_274 = arith.constant 0 : index
      %swap3A_275 = tpu.vector_load %arg16[%swap3A_274] {strides = array<i32>} : memref<80xi32, #tpu.memory_space<vmem>>, vector<16xi32>,
      tpu.vector_store %arg16[%swap3A_274], %get3A_273 {strides = array<i32>} : memref<80xi32, #tpu.memory_space<vmem>>, vector<16xi32>,
      %get3A_276 = arith.constant 16 : index
      %get3A_277 = tpu.vector_load %arg13[%get3A_276] {strides = array<i32>} : memref<80xi32, #tpu.memory_space<vmem>>, vector<16xi32>,
      %swap3A_278 = arith.constant 16 : index
      %swap3A_279 = tpu.vector_load %arg16[%swap3A_278] {strides = array<i32>} : memref<80xi32, #tpu.memory_space<vmem>>, vector<16xi32>,
      tpu.vector_store %arg16[%swap3A_278], %get3A_277 {strides = array<i32>} : memref<80xi32, #tpu.memory_space<vmem>>, vector<16xi32>,
      %get3A_280 = arith.constant 32 : index
      %get3A_281 = tpu.vector_load %arg13[%get3A_280] {strides = array<i32>} : memref<80xi32, #tpu.memory_space<vmem>>, vector<16xi32>,
      %swap3A_282 = arith.constant 32 : index
      %swap3A_283 = tpu.vector_load %arg16[%swap3A_282] {strides = array<i32>} : memref<80xi32, #tpu.memory_space<vmem>>, vector<16xi32>,
      tpu.vector_store %arg16[%swap3A_282], %get3A_281 {strides = array<i32>} : memref<80xi32, #tpu.memory_space<vmem>>, vector<16xi32>,
      %get3A_284 = arith.constant 48 : index
      %get3A_285 = tpu.vector_load %arg13[%get3A_284] {strides = array<i32>} : memref<80xi32, #tpu.memory_space<vmem>>, vector<16xi32>,
      %swap3A_286 = arith.constant 48 : index
      %swap3A_287 = tpu.vector_load %arg16[%swap3A_286] {strides = array<i32>} : memref<80xi32, #tpu.memory_space<vmem>>, vector<16xi32>,
      tpu.vector_store %arg16[%swap3A_286], %get3A_285 {strides = array<i32>} : memref<80xi32, #tpu.memory_space<vmem>>, vector<16xi32>,
      %get3A_288 = arith.constant 64 : index
      %get3A_289 = tpu.vector_load %arg13[%get3A_288] {strides = array<i32>} : memref<80xi32, #tpu.memory_space<vmem>>, vector<16xi32>,
      %swap3A_290 = arith.constant 64 : index
      %swap3A_291 = tpu.vector_load %arg16[%swap3A_290] {strides = array<i32>} : memref<80xi32, #tpu.memory_space<vmem>>, vector<16xi32>,
      tpu.vector_store %arg16[%swap3A_290], %get3A_289 {strides = array<i32>} : memref<80xi32, #tpu.memory_space<vmem>>, vector<16xi32>,
      %dma_start3A_292 = arith.constant 0 : i32
      %dma_start3A_293 = arith.constant 0 : i32
      %dma_start3A_294 = tpu.memref_slice %arg23[%dma_start3A_292, %dma_start3A_293] : memref<10240x128xf32, #tpu.memory_space<vmem_shared>> -> memref<10240x128xf32, #tpu.memory_space<vmem_shared>>
      tpu.enqueue_indirect_dma source(%arg20 : memref<80x128xf32, #tpu.memory_space<vmem>>) target(%dma_start3A_294 : memref<10240x128xf32, #tpu.memory_space<vmem_shared>>) offsets(%arg16 : memref<80xi32, #tpu.memory_space<vmem>>) semaphore(%arg29 : memref<!tpu.dma_semaphore, #tpu.memory_space<semaphore_mem>>) {add = true}
      %dma_start3A_295 = arith.constant 0 : i32
      %dma_start3A_296 = tpu.memref_slice %arg24[%dma_start3A_295] : memref<10240xf32, #tpu.memory_space<vmem_shared>> -> memref<10240xf32, #tpu.memory_space<vmem_shared>>
      tpu.enqueue_indirect_dma source(%arg21 : memref<80xf32, #tpu.memory_space<vmem>>) target(%dma_start3A_296 : memref<10240xf32, #tpu.memory_space<vmem_shared>>) offsets(%arg16 : memref<80xi32, #tpu.memory_space<vmem>>) semaphore(%arg30 : memref<!tpu.dma_semaphore, #tpu.memory_space<semaphore_mem>>) {add = true}
      %mul3A_297 = arith.constant 80 : i32
      %mul3A_298 = arith.muli %add3A_214, %mul3A_297 : i32
      %add3A_299 = arith.addi %mul3A_298, %mul3A_2 : i32
      %dma_start3A_300 = tpu.memref_slice %arg9[%add3A_299] : memref<320000xf32, #tpu.memory_space<hbm>> -> memref<80xf32, #tpu.memory_space<hbm>>
      %dma_start3A_301 = tpu.memref_slice %arg9[%add3A_299] : memref<320000xf32, #tpu.memory_space<hbm>> -> memref<80xf32, #tpu.memory_space<hbm>>
      tpu.enqueue_dma source(%arg21 : memref<80xf32, #tpu.memory_space<vmem>>) target(%dma_start3A_301 : memref<80xf32, #tpu.memory_space<hbm>>) target_semaphore(%arg31 : memref<!tpu.dma_semaphore, #tpu.memory_space<semaphore_mem>>)
    }
    %scan3A_89 = arith.constant 62 : i32
    %dma_wait3A_90 = arith.constant 0 : i32
    %dma_wait3A_91 = arith.constant 0 : i32
    %dma_wait3A_92 = tpu.memref_slice %arg23[%dma_wait3A_90, %dma_wait3A_91] : memref<10240x128xf32, #tpu.memory_space<vmem_shared>> -> memref<10240x128xf32, #tpu.memory_space<vmem_shared>>
    tpu.wait_indirect_dma semaphore(%arg29 : memref<!tpu.dma_semaphore, #tpu.memory_space<semaphore_mem>>) src(%arg20 : memref<80x128xf32, #tpu.memory_space<vmem>>) dst(%dma_wait3A_92 : memref<10240x128xf32, #tpu.memory_space<vmem_shared>>)
    %dma_wait3A_93 = arith.constant 0 : i32
    %dma_wait3A_94 = tpu.memref_slice %arg24[%dma_wait3A_93] : memref<10240xf32, #tpu.memory_space<vmem_shared>> -> memref<10240xf32, #tpu.memory_space<vmem_shared>>
    tpu.wait_indirect_dma semaphore(%arg30 : memref<!tpu.dma_semaphore, #tpu.memory_space<semaphore_mem>>) src(%arg21 : memref<80xf32, #tpu.memory_space<vmem>>) dst(%dma_wait3A_94 : memref<10240xf32, #tpu.memory_space<vmem_shared>>)
    %add3A_95 = arith.constant 10000 : i32
    %add3A_96 = arith.addi %mul3A_2, %add3A_95 : i32
    %sub3A = arith.constant 80 : i32
    %sub3A_97 = arith.subi %add3A_96, %sub3A : i32
    %dma_wait3A_98 = tpu.memref_slice %arg9[%sub3A_97] : memref<320000xf32, #tpu.memory_space<hbm>> -> memref<80xf32, #tpu.memory_space<hbm>>
    %dma_wait3A_99 = tpu.memref_slice %arg9[%sub3A_97] : memref<320000xf32, #tpu.memory_space<hbm>> -> memref<80xf32, #tpu.memory_space<hbm>>
    tpu.wait_dma2 semaphore(%arg31 : memref<!tpu.dma_semaphore, #tpu.memory_space<semaphore_mem>>) src(%arg21 : memref<80xf32, #tpu.memory_space<vmem>>) dst(%dma_wait3A_99 : memref<80xf32, #tpu.memory_space<hbm>>)
    %dma_wait3A_100 = arith.constant 0 : i32
    %dma_wait3A_101 = arith.constant 0 : i32
    %dma_wait3A_102 = tpu.memref_slice %arg2[%dma_wait3A_100, %dma_wait3A_101] : memref<10000x128xf32, #tpu.memory_space<hbm>> -> memref<10000x128xf32, #tpu.memory_space<hbm>>
    tpu.wait_indirect_dma semaphore(%arg26 : memref<!tpu.dma_semaphore, #tpu.memory_space<semaphore_mem>>) src(%dma_wait3A_102 : memref<10000x128xf32, #tpu.memory_space<hbm>>) dst(%arg18 : memref<80x128xf32, #tpu.memory_space<vmem>>)
    %dma_wait3A_103 = arith.constant 0 : i32
    %dma_wait3A_104 = arith.constant 0 : i32
    %dma_wait3A_105 = tpu.memref_slice %arg3[%dma_wait3A_103, %dma_wait3A_104] : memref<10000x128xf32, #tpu.memory_space<hbm>> -> memref<10000x128xf32, #tpu.memory_space<hbm>>
    tpu.wait_indirect_dma semaphore(%arg27 : memref<!tpu.dma_semaphore, #tpu.memory_space<semaphore_mem>>) src(%dma_wait3A_105 : memref<10000x128xf32, #tpu.memory_space<hbm>>) dst(%arg19 : memref<80x128xf32, #tpu.memory_space<vmem>>)
    %barrier3A_106 = arith.constant 0 : index
    tpu.barrier barrier_id(%barrier3A_106)
    %mul3A_107 = arith.constant 640 : i32
    %mul3A_108 = arith.muli %arg1, %mul3A_107 : i32
    %mul3A_109 = arith.constant 10240 : i32
    %mul3A_110 = arith.muli %arg0, %mul3A_109 : i32
    %mul3A_111 = arith.constant 640 : i32
    %mul3A_112 = arith.muli %arg1, %mul3A_111 : i32
    %add3A_113 = arith.addi %mul3A_110, %mul3A_112 : i32
    "tpu.region"() ({
      %run_scoped3A = tpu.sem_alloc : memref<!tpu.dma_semaphore, #tpu.memory_space<semaphore_mem>>
      %dma_start3A_121 = arith.constant 0 : i32
      %dma_start3A_122 = tpu.memref_slice %arg10[%add3A_113, %dma_start3A_121] : memref<20480x128xf32, #tpu.memory_space<hbm>> -> memref<640x128xf32, #tpu.memory_space<hbm>>
      %dma_start3A_123 = arith.constant 0 : i32
      %dma_start3A_124 = tpu.memref_slice %arg23[%mul3A_108, %dma_start3A_123] : memref<10240x128xf32, #tpu.memory_space<vmem_shared>> -> memref<640x128xf32, #tpu.memory_space<vmem_shared>>
      tpu.enqueue_dma source(%dma_start3A_124 : memref<640x128xf32, #tpu.memory_space<vmem_shared>>) target(%dma_start3A_122 : memref<640x128xf32, #tpu.memory_space<hbm>>) target_semaphore(%run_scoped3A : memref<!tpu.dma_semaphore, #tpu.memory_space<semaphore_mem>>)
      %dma_wait3A_125 = arith.constant 0 : i32
      %dma_wait3A_126 = tpu.memref_slice %arg10[%add3A_113, %dma_wait3A_125] : memref<20480x128xf32, #tpu.memory_space<hbm>> -> memref<640x128xf32, #tpu.memory_space<hbm>>
      %dma_wait3A_127 = arith.constant 0 : i32
      %dma_wait3A_128 = tpu.memref_slice %arg23[%mul3A_108, %dma_wait3A_127] : memref<10240x128xf32, #tpu.memory_space<vmem_shared>> -> memref<640x128xf32, #tpu.memory_space<vmem_shared>>
      tpu.wait_dma2 semaphore(%run_scoped3A : memref<!tpu.dma_semaphore, #tpu.memory_space<semaphore_mem>>) src(%dma_wait3A_128 : memref<640x128xf32, #tpu.memory_space<vmem_shared>>) dst(%dma_wait3A_126 : memref<640x128xf32, #tpu.memory_space<hbm>>)
      tpu.yield
    }) : () -> ()
    %mul3A_114 = arith.constant 640 : i32
    %mul3A_115 = arith.muli %arg1, %mul3A_114 : i32
    %mul3A_116 = arith.constant 10240 : i32
    %mul3A_117 = arith.muli %arg0, %mul3A_116 : i32
    %mul3A_118 = arith.constant 640 : i32
    %mul3A_119 = arith.muli %arg1, %mul3A_118 : i32
    %add3A_120 = arith.addi %mul3A_117, %mul3A_119 : i32
    "tpu.region"() ({
      %run_scoped3A = tpu.sem_alloc : memref<!tpu.dma_semaphore, #tpu.memory_space<semaphore_mem>>
      %dma_start3A_121 = tpu.memref_slice %arg11[%add3A_120] : memref<20480xf32, #tpu.memory_space<hbm>> -> memref<640xf32, #tpu.memory_space<hbm>>
      %dma_start3A_122 = tpu.memref_slice %arg24[%mul3A_115] : memref<10240xf32, #tpu.memory_space<vmem_shared>> -> memref<640xf32, #tpu.memory_space<vmem_shared>>
      tpu.enqueue_dma source(%dma_start3A_122 : memref<640xf32, #tpu.memory_space<vmem_shared>>) target(%dma_start3A_121 : memref<640xf32, #tpu.memory_space<hbm>>) target_semaphore(%run_scoped3A : memref<!tpu.dma_semaphore, #tpu.memory_space<semaphore_mem>>)
      %dma_wait3A_123 = tpu.memref_slice %arg11[%add3A_120] : memref<20480xf32, #tpu.memory_space<hbm>> -> memref<640xf32, #tpu.memory_space<hbm>>
      %dma_wait3A_124 = tpu.memref_slice %arg24[%mul3A_115] : memref<10240xf32, #tpu.memory_space<vmem_shared>> -> memref<640xf32, #tpu.memory_space<vmem_shared>>
      tpu.wait_dma2 semaphore(%run_scoped3A : memref<!tpu.dma_semaphore, #tpu.memory_space<semaphore_mem>>) src(%dma_wait3A_124 : memref<640xf32, #tpu.memory_space<vmem_shared>>) dst(%dma_wait3A_123 : memref<640xf32, #tpu.memory_space<hbm>>)
      tpu.yield
    }) : () -> ()
    return
  }
}

module attributes {stable_mosaic.version = 14 : i64} {
  func.func @_proj_body(%arg0: i32, %arg1: memref<1000x128xf32, #tpu.memory_space<vmem>>, %arg2: memref<128x128xf32, #tpu.memory_space<vmem>>, %arg3: memref<1x128xf32, #tpu.memory_space<vmem>>, %arg4: memref<128x128xf32, #tpu.memory_space<vmem>>, %arg5: memref<1x128xf32, #tpu.memory_space<vmem>>, %arg6: memref<128x128xf32, #tpu.memory_space<vmem>>, %arg7: memref<1x128xf32, #tpu.memory_space<vmem>>, %arg8: memref<1000x128xf32, #tpu.memory_space<vmem>>, %arg9: memref<1000x128xf32, #tpu.memory_space<vmem>>, %arg10: memref<1000x128xf32, #tpu.memory_space<vmem>>) attributes {dimension_semantics = [#tpu.dimension_semantics<arbitrary>], iteration_bounds = array<i64: 10>, scalar_prefetch = 0 : i64, scratch_operands = 0 : i64, tpu.core_type = #tpu.core_type<tc>, window_params = [{transform_indices = @transform_0, window_bounds = array<i64: 1000, 128>}, {pipeline_mode = #tpu.pipeline_mode<synchronous>, transform_indices = @transform_1, window_bounds = array<i64: 128, 128>}, {pipeline_mode = #tpu.pipeline_mode<synchronous>, transform_indices = @transform_2, window_bounds = array<i64: 1, 128>}, {pipeline_mode = #tpu.pipeline_mode<synchronous>, transform_indices = @transform_3, window_bounds = array<i64: 128, 128>}, {pipeline_mode = #tpu.pipeline_mode<synchronous>, transform_indices = @transform_4, window_bounds = array<i64: 1, 128>}, {pipeline_mode = #tpu.pipeline_mode<synchronous>, transform_indices = @transform_5, window_bounds = array<i64: 128, 128>}, {pipeline_mode = #tpu.pipeline_mode<synchronous>, transform_indices = @transform_6, window_bounds = array<i64: 1, 128>}, {transform_indices = @transform_7, window_bounds = array<i64: 1000, 128>}, {transform_indices = @transform_8, window_bounds = array<i64: 1000, 128>}, {transform_indices = @transform_9, window_bounds = array<i64: 1000, 128>}]} {
    %get3A = arith.constant 0 : index
    %get3A_0 = arith.constant 0 : index
    %get3A_1 = vector.load %arg1[%get3A, %get3A_0] : memref<1000x128xf32, #tpu.memory_space<vmem>>, vector<1000x128xf32>
    %get3A_2 = arith.constant 0 : index
    %get3A_3 = arith.constant 0 : index
    %get3A_4 = vector.load %arg2[%get3A_2, %get3A_3] : memref<128x128xf32, #tpu.memory_space<vmem>>, vector<128x128xf32>
    %dot_general3A = arith.constant dense<0.000000e+00> : vector<1000x128xf32>
    %dot_general3A_5 = tpu.matmul %get3A_1, %get3A_4, %dot_general3A {dimension_numbers = #tpu.dot_dimension_numbers<[1], [0], [0], [1], [0, 0, 1, 1], [], []>, transpose_lhs_hint = false} : vector<1000x128xf32>, vector<128x128xf32>, vector<1000x128xf32> -> vector<1000x128xf32>
    %get3A_6 = arith.constant 0 : index
    %get3A_7 = arith.constant 0 : index
    %get3A_8 = vector.load %arg3[%get3A_6, %get3A_7] : memref<1x128xf32, #tpu.memory_space<vmem>>, vector<1x128xf32>
    %add3A = vector.broadcast %get3A_8 : vector<1x128xf32> to vector<1000x128xf32>
    %add3A_9 = arith.addf %dot_general3A_5, %add3A : vector<1000x128xf32>
    %swap3A = arith.constant 0 : index
    %swap3A_10 = arith.constant 0 : index
    %swap3A_11 = vector.load %arg8[%swap3A, %swap3A_10] : memref<1000x128xf32, #tpu.memory_space<vmem>>, vector<1000x128xf32>
    tpu.vector_store %arg8[%swap3A, %swap3A_10], %add3A_9 {strides = array<i32>} : memref<1000x128xf32, #tpu.memory_space<vmem>>, vector<1000x128xf32>,
    %get3A_12 = arith.constant 0 : index
    %get3A_13 = arith.constant 0 : index
    %get3A_14 = vector.load %arg4[%get3A_12, %get3A_13] : memref<128x128xf32, #tpu.memory_space<vmem>>, vector<128x128xf32>
    %dot_general3A_15 = arith.constant dense<0.000000e+00> : vector<1000x128xf32>
    %dot_general3A_16 = tpu.matmul %get3A_1, %get3A_14, %dot_general3A_15 {dimension_numbers = #tpu.dot_dimension_numbers<[1], [0], [0], [1], [0, 0, 1, 1], [], []>, transpose_lhs_hint = false} : vector<1000x128xf32>, vector<128x128xf32>, vector<1000x128xf32> -> vector<1000x128xf32>
    %get3A_17 = arith.constant 0 : index
    %get3A_18 = arith.constant 0 : index
    %get3A_19 = vector.load %arg5[%get3A_17, %get3A_18] : memref<1x128xf32, #tpu.memory_space<vmem>>, vector<1x128xf32>
    %add3A_20 = vector.broadcast %get3A_19 : vector<1x128xf32> to vector<1000x128xf32>
    %add3A_21 = arith.addf %dot_general3A_16, %add3A_20 : vector<1000x128xf32>
    %swap3A_22 = arith.constant 0 : index
    %swap3A_23 = arith.constant 0 : index
    %swap3A_24 = vector.load %arg9[%swap3A_22, %swap3A_23] : memref<1000x128xf32, #tpu.memory_space<vmem>>, vector<1000x128xf32>
    tpu.vector_store %arg9[%swap3A_22, %swap3A_23], %add3A_21 {strides = array<i32>} : memref<1000x128xf32, #tpu.memory_space<vmem>>, vector<1000x128xf32>,
    %get3A_25 = arith.constant 0 : index
    %get3A_26 = arith.constant 0 : index
    %get3A_27 = vector.load %arg6[%get3A_25, %get3A_26] : memref<128x128xf32, #tpu.memory_space<vmem>>, vector<128x128xf32>
    %dot_general3A_28 = arith.constant dense<0.000000e+00> : vector<1000x128xf32>
    %dot_general3A_29 = tpu.matmul %get3A_1, %get3A_27, %dot_general3A_28 {dimension_numbers = #tpu.dot_dimension_numbers<[1], [0], [0], [1], [0, 0, 1, 1], [], []>, transpose_lhs_hint = false} : vector<1000x128xf32>, vector<128x128xf32>, vector<1000x128xf32> -> vector<1000x128xf32>
    %get3A_30 = arith.constant 0 : index
    %get3A_31 = arith.constant 0 : index
    %get3A_32 = vector.load %arg7[%get3A_30, %get3A_31] : memref<1x128xf32, #tpu.memory_space<vmem>>, vector<1x128xf32>
    %add3A_33 = vector.broadcast %get3A_32 : vector<1x128xf32> to vector<1000x128xf32>
    %add3A_34 = arith.addf %dot_general3A_29, %add3A_33 : vector<1000x128xf32>
    %swap3A_35 = arith.constant 0 : index
    %swap3A_36 = arith.constant 0 : index
    %swap3A_37 = vector.load %arg10[%swap3A_35, %swap3A_36] : memref<1000x128xf32, #tpu.memory_space<vmem>>, vector<1000x128xf32>
    tpu.vector_store %arg10[%swap3A_35, %swap3A_36], %add3A_34 {strides = array<i32>} : memref<1000x128xf32, #tpu.memory_space<vmem>>, vector<1000x128xf32>,
    return
  }
  func.func @transform_0(%arg0: i32) -> (i32, i32) {
    %c0_i32 = arith.constant 0 : i32
    %c0_i32_0 = arith.constant 0 : i32
    return %arg0, %c0_i32 : i32, i32
  }
  func.func @transform_1(%arg0: i32) -> (i32, i32) {
    %c0_i32 = arith.constant 0 : i32
    %c0_i32_0 = arith.constant 0 : i32
    %c0_i32_1 = arith.constant 0 : i32
    return %c0_i32, %c0_i32_0 : i32, i32
  }
  func.func @transform_2(%arg0: i32) -> (i32, i32) {
    %c0_i32 = arith.constant 0 : i32
    %c0_i32_0 = arith.constant 0 : i32
    %c0_i32_1 = arith.constant 0 : i32
    return %c0_i32, %c0_i32_0 : i32, i32
  }
  func.func @transform_3(%arg0: i32) -> (i32, i32) {
    %c0_i32 = arith.constant 0 : i32
    %c0_i32_0 = arith.constant 0 : i32
    %c0_i32_1 = arith.constant 0 : i32
    return %c0_i32, %c0_i32_0 : i32, i32
  }
  func.func @transform_4(%arg0: i32) -> (i32, i32) {
    %c0_i32 = arith.constant 0 : i32
    %c0_i32_0 = arith.constant 0 : i32
    %c0_i32_1 = arith.constant 0 : i32
    return %c0_i32, %c0_i32_0 : i32, i32
  }
  func.func @transform_5(%arg0: i32) -> (i32, i32) {
    %c0_i32 = arith.constant 0 : i32
    %c0_i32_0 = arith.constant 0 : i32
    %c0_i32_1 = arith.constant 0 : i32
    return %c0_i32, %c0_i32_0 : i32, i32
  }
  func.func @transform_6(%arg0: i32) -> (i32, i32) {
    %c0_i32 = arith.constant 0 : i32
    %c0_i32_0 = arith.constant 0 : i32
    %c0_i32_1 = arith.constant 0 : i32
    return %c0_i32, %c0_i32_0 : i32, i32
  }
  func.func @transform_7(%arg0: i32) -> (i32, i32) {
    %c0_i32 = arith.constant 0 : i32
    %c0_i32_0 = arith.constant 0 : i32
    return %arg0, %c0_i32 : i32, i32
  }
  func.func @transform_8(%arg0: i32) -> (i32, i32) {
    %c0_i32 = arith.constant 0 : i32
    %c0_i32_0 = arith.constant 0 : i32
    return %arg0, %c0_i32 : i32, i32
  }
  func.func @transform_9(%arg0: i32) -> (i32, i32) {
    %c0_i32 = arith.constant 0 : i32
    %c0_i32_0 = arith.constant 0 : i32
    return %arg0, %c0_i32 : i32, i32
  }
}

</mosaic_0001>

<sc_bundles>
// kernel: kernel.5.cloned.1.call-start
scs
__scs_entry_jumppad:
0x0: {  	(pc) =	sbr.rel $0x88, $3  }
0x1: {  	(tag) =	ssettag $0x0;
	lr =	simm.s32 $0x1  }
0x2: {  	[smem:$0x3F99] =	sst lr;
	_ =	strace $0xD0000000  }
0x3: {  	_ = 	snop  }
0x4: {  	_ = 	snop  }
0x5: {  	_ = 	snop  }
0x6: {  	_ = 	snop  }
0x7: {  	_ = 	snop  }
__scs_overlays_trampoline_lowered:
0x8: {  	[smem:$0x3FA8] =	sst s0  }
0x9: {  	[smem:$0x3FA9] =	sst s1  }
0xa: {  	[smem:$0x3FAA] =	sst s2  }
0xb: {  	[smem:$0x3FAB] =	sst s3  }
0xc: {  	[smem:$0x3FAC] =	sst s4  }
0xd: {  	[smem:$0x3FAD] =	sst s5  }
0xe: {  	[smem:$0x3FAE] =	sst s6  }
0xf: {  	[smem:$0x3FAF] =	sst s7  }
0x10: {  	[smem:$0x3FB0] =	sst s8  }
0x11: {  	[smem:$0x3FB1] =	sst s9;
	s0 =	simm.s32 @!p0 $0x0  }
0x12: {  	s1 =	sld [smem:$0x3F97];
	s0 =	simm.s32 @p0 $0x1  }
0x13: {  	[smem:$0x3FB2] =	sst s0;
	s0 =	simm.s32 @!p1 $0x0  }
0x14: {  	s2 =	sld [smem:$0x3F96];
	s0 =	simm.s32 @p1 $0x1  }
0x15: {  	[smem:$0x3FB3] =	sst s0;
	s0 =	simm.s32 @!p2 $0x0  }
0x16: {  	s3 =	sld [smem:$0x3FDB];
	s0 =	simm.s32 @p2 $0x1  }
0x17: {  	s4 =	simm.s32 $0x1BF5;
	[smem:$0x3FB5] =	sst s0  }
0x18: {  	s0 =	sld [smem:$0x3F98];
	_ =	swait.ge [sflag:s4], $0x0  }
0x19: {  	s7 =	sld [smem:$0x3F99]  }
0x1a: {  	s8 =	sadd.s32 $0xFFFFE003, lr  }
0x1b: {  	s9 =	sadd.s32 $0xFFFFFEF7, lr;
	s5 =	simm.s32 $0xFFFFFFFF;
	p2 =	slt.u32 s8, $0xFFFFF086  }
0x1c: {  	p1 =	slt.u32 s9, $0xF7A;
	s5 =	simm.s32 @!p2 $0x0  }
0x1d: {  	s5 =	simm.s32 @p1 $0x1;
	p0 =	seq.s32 s7, s2  }
0x1e: {  	s7 =	smul.u32 @!p0 $0xF7A, s2;
	p2 =	seq.s32 @!p0 s5, $0x0  }
0x1f: {  	s9 =	smul.u32 $0xF7A, s1;
	s8 =	simm.s32 @!p0 $0x1BF5;
	p2 =	por !p2, p0  }
0x20: {  	[sflag:s8] =	ssyncset.s32 @!p0 $0xFFFFF086;
	s6 =	sadd.s32 @!p0 s3, s7;
	s7 =	simm.s32 @!p0 $0x108  }
0x21: {  	s3 =	sadd.s32 s3, s9;
	s6 =	sadd.s32 @!p0 $0x88, s6;
	s7 =	simm.s32 @p2 $0x1082  }
0x22: {  	[simem:s7], [sflag:s8] =	dma.local @!p0 [hbm:s6], $0xF7A  }
0x23: {  	s9 =	sor.u32 $0xD0000000, s2;
	s6 =	simm.s32 $0x108;
	_ =	swait.ge @!p0 [sflag:s8], $0x0  }
0x24: {  	s3 =	sadd.s32 $0x88, s3;
	s6 =	simm.s32 @!p1 $0x1082;
	[sflag:s4] =	ssyncset.s32 $0xFFFFF086  }
0x25: {  	[simem:s6], [sflag:s4] =	dma.local [hbm:s3], $0xF7A  }
0x26: {  	[smem:$0x3F99] =	sst s1;
	(tag) =	ssettag s2;
	_ =	strace s9  }
0x27: {  	s1 =	sld [smem:$0x3FA9]  }
0x28: {  	s2 =	sld [smem:$0x3FAA]  }
0x29: {  	s4 =	sld [smem:$0x3FAC]  }
0x2a: {  	p0 =	seq.s32 s5, $0x0;
	s5 =	sld [smem:$0x3FAD]  }
0x2b: {  	s6 =	sld [smem:$0x3FAE]  }
0x2c: {  	s7 =	sld [smem:$0x3FAF]  }
0x2d: {  	s3 =	simm.s32 $0x108;
	s8 =	sld [smem:$0x3FB0]  }
0x2e: {  	s3 =	simm.s32 @!p0 $0x1082;
	s9 =	sld [smem:$0x3FB1]  }
0x2f: {  	lr =	sadd.s32 s0, s3;
	s0 =	sld [smem:$0x3FA8]  }
0x30: {  	s3 =	sld [smem:$0x3FAB]  }
0x31: {  	[smem:$0x3FB4] =	sst s10  }
0x32: {  	s10 =	sld [smem:$0x3FB2];
	_ =	sdelay $0x3  }
0x33: {  	p0 =	seq.s32 s10, $0x1;
	s10 =	sld [smem:$0x3FB4];
	_ =	sdelay $0x3  }
0x34: {  	[smem:$0x3FB4] =	sst s10  }
0x35: {  	s10 =	sld [smem:$0x3FB3];
	_ =	sdelay $0x3  }
0x36: {  	p1 =	seq.s32 s10, $0x1;
	s10 =	sld [smem:$0x3FB4];
	_ =	sdelay $0x3  }
0x37: {  	[smem:$0x3FB4] =	sst s10  }
0x38: {  	s10 =	sld [smem:$0x3FB5]  }
0x39: {  	_ = 	snop;
	(pc) =	sbr.ind lr, $3  }
0x3a: {  	_ = 	snop  }
0x3b: {  	_ = 	snop  }
0x3c: {  	p2 =	seq.s32 s10, $0x1;
	s10 =	sld [smem:$0x3FB4]  }
0x3d: {  	_ =	shalt  }
0x3e: {  	_ =	shalt  }
0x3f: {  	_ =	shalt  }
0x40: {  	_ =	shalt  }
0x41: {  	_ =	shalt  }
0x42: {  	_ =	shalt  }
0x43: {  	_ =	shalt  }
0x44: {  	_ =	shalt  }
0x45: {  	_ =	shalt  }
0x46: {  	_ =	shalt  }
0x47: {  	_ =	shalt  }
0x48: {  	_ =	shalt  }
0x49: {  	_ =	shalt  }
0x4a: {  	_ =	shalt  }
0x4b: {  	_ =	shalt  }
0x4c: {  	_ =	shalt  }
0x4d: {  	_ =	shalt  }
0x4e: {  	_ =	shalt  }
0x4f: {  	_ =	shalt  }
0x50: {  	_ =	shalt  }
0x51: {  	_ =	shalt  }
0x52: {  	_ =	shalt  }
0x53: {  	_ =	shalt  }
0x54: {  	_ =	shalt  }
0x55: {  	_ =	shalt  }
0x56: {  	_ =	shalt  }
0x57: {  	_ =	shalt  }
0x58: {  	_ =	shalt  }
0x59: {  	_ =	shalt  }
0x5a: {  	_ =	shalt  }
0x5b: {  	_ =	shalt  }
0x5c: {  	_ =	shalt  }
0x5d: {  	_ =	shalt  }
0x5e: {  	_ =	shalt  }
0x5f: {  	_ =	shalt  }
0x60: {  	_ =	shalt  }
0x61: {  	_ =	shalt  }
0x62: {  	_ =	shalt  }
0x63: {  	_ =	shalt  }
0x64: {  	_ =	shalt  }
0x65: {  	_ =	shalt  }
0x66: {  	_ =	shalt  }
0x67: {  	_ =	shalt  }
0x68: {  	_ =	shalt  }
0x69: {  	_ =	shalt  }
0x6a: {  	_ =	shalt  }
0x6b: {  	_ =	shalt  }
0x6c: {  	_ =	shalt  }
0x6d: {  	_ =	shalt  }
0x6e: {  	_ =	shalt  }
0x6f: {  	_ =	shalt  }
0x70: {  	_ =	shalt  }
0x71: {  	_ =	shalt  }
0x72: {  	_ =	shalt  }
0x73: {  	_ =	shalt  }
0x74: {  	_ =	shalt  }
0x75: {  	_ =	shalt  }
0x76: {  	_ =	shalt  }
0x77: {  	_ =	shalt  }
0x78: {  	_ =	shalt  }
0x79: {  	_ =	shalt  }
0x7a: {  	_ =	shalt  }
0x7b: {  	_ =	shalt  }
0x7c: {  	_ =	shalt  }
0x7d: {  	_ =	shalt  }
0x7e: {  	_ =	shalt  }
0x7f: {  	_ =	shalt  }
0x80: {  	_ =	shalt  }
0x81: {  	_ =	shalt  }
0x82: {  	_ =	shalt  }
0x83: {  	_ =	shalt  }
0x84: {  	_ =	shalt  }
0x85: {  	_ =	shalt  }
0x86: {  	_ =	shalt  }
0x87: {  	_ =	shalt  }
.Lfunc_end0:
.L_simem_size_0:
called_computation_lowered:
.L_overlay_start_0:
0x88: {  	s2 =	sld [smem:$0x3FD9]  }
0x89: {  	s3 =	sld [smem:$0x3FFE];
	_ =	sdelay $0x1  }
0x8a: {  	s1 =	srdreg.scid  }
0x8b: {  	s0 =	sand.u32 $0x1, s1  }
0x8c: {  	s14 =	sshll.u32 s0, $0xA;
	s2 =	sadd.s32 s3, s2  }
0x8d: {  	s2 =	sadd.s32 s2, s14  }
0x8e: {  	[smem:$0x3FC0] =	sst s2  }
0x8f: {  	_ = 	snop  }
0x90: {  	s2 =	sld [smem:$0x3FD0];
	_ =	sdelay $0x2  }
0x91: {  	s15 =	simm.s32 $0xA;
	s4 =	simm.s32 $0x10  }
0x92: {  	[smem:s4], [sflag:s15] =	dma.local [hbm:s2], $0x1  }
0x93: {  	_ =	swait.eq [sflag:s15], $0x1  }
0x94: {  	[sflag:s15] =	ssyncset.done $0x0  }
0x95: {  	s16 =	sld [smem:$0x10];
	[sflag:s15] =	ssyncadd.s32 $0xFFFFFFFF  }
0x96: {  	s17 =	sld [smem:$0x11];
	(tm) =	ssettm $0x1  }
0x97: {  	s18 =	sld [smem:$0x3FFB];
	_ =	sdelay $0x3  }
0x98: {  	_ =	strace s18  }
0x99: {  	s4 =	sld [smem:$0x3FFC];
	_ =	sdelay $0x3  }
0x9a: {  	_ =	strace s4  }
0x9b: {  	s4 =	sld [smem:$0x3FFD];
	_ =	sdelay $0x3  }
0x9c: {  	_ =	strace s4  }
0x9d: {  	_ =	strace $0x8FFFFFFF  }
0x9e: {  	s19 =	sld [smem:$0x3FDB];
	_ =	sdelay $0x1  }
0x9f: {  	s5 =	simm.s32 $_scs_section_size  }
0xa0: {  	s6 =	simm.s32 $_size__tile_overlayer_lowered;
	s7 =	simm.s32 $_tile_overlayer_lowered  }
0xa1: {  	s22 =	simm.s32 $0x1BFF;
	s21 =	sshll.u32 s7, $0x1;
	s4 =	sadd.s32 s5, s19  }
0xa2: {  	s8 =	simm.s32 $0x0;
	s20 =	sshll.u32 s6, $0x1;
	s6 =	sadd.s32 s21, s4  }
0xa3: {  	[timem:s8], [sflag:s22] =	dma.local [hbm:s6], s20  }
0xa4: {  	_ =	swait.ge [sflag:s22], s20  }
0xa5: {  	s5 =	ssub.s32 $0x0, s20;
	[sflag:s22] =	ssyncset.done $0x0  }
0xa6: {  	[sflag:s22] =	ssyncadd.s32 s5;
	_ =	sdelay $0x1  }
0xa7: {  	s23 =	simm.s32 $0x1B8B  }
0xa8: {  	_ =	swait.ge [sflag:s23], $0x1  }
0xa9: {  	[sflag:s23] =	ssyncset.done $0x0  }
0xaa: {  	s25 =	simm.s32 $0x1B8E;
	s24 =	sld [smem:$0x3FFE];
	[sflag:s23] =	ssyncadd.s32 $0xFFFFFFFF  }
0xab: {  	s26 =	simm.s32 $execute0_lowered;
	[smem:$0x3FD2] =	sst s25  }
0xac: {  	s6 =	sshll.u32 s26, $0x1;
	_ =	strace $0x80000046;
	[dreg:$0x1] =	wrdreg $0xFFFFFFFF  }
0xad: {  	s28 =	simm.s32 $_size_execute0_lowered;
	s4 =	sadd.s32 s4, s6;
	[dreg:$0x0] =	wrdreg $0x0  }
0xae: {  	s6 =	sshll.u32 s28, $0x1;
	[dreg:$0x2] =	wrdreg s4  }
0xaf: {  	[dreg:$0x3] =	wrdreg s6  }
0xb0: {  	[dreg:$0x4] =	wrdreg $0xC0  }
0xb1: {  	_ =	task [dreg:s8], $0x5FFFF  }
0xb2: {  	[dreg:$0x1] =	wrdreg $0xFFFFFFFF  }
0xb3: {  	[dreg:$0x0] =	wrdreg $0x60  }
0xb4: {  	[dreg:$0x2] =	wrdreg s16  }
0xb5: {  	[dreg:$0x3] =	wrdreg s24  }
0xb6: {  	[dreg:$0x4] =	wrdreg s17  }
0xb7: {  	[dreg:$0x5] =	wrdreg $0x7C000  }
0xb8: {  	[dreg:$0x6] =	wrdreg $0x1BC000  }
0xb9: {  	[dreg:$0x7] =	wrdreg $0x9  }
0xba: {  	_ =	task.clear_ibuf [dreg:s8], $0x8FFFF;
	_ =	strace $0x90000046  }
0xbb: {  	s29 =	simm.s32 $0x9;
	_ =	strace $0x80000048  }
0xbc: {  	_ =	swait.ge [sflag:s29], $0x1  }
0xbd: {  	[sflag:s29] =	ssyncadd.s32 $0xFFFFFFFF  }
0xbe: {  	_ =	strace $0x90000048  }
0xbf: {  	_ =	sfence  }
0xc0: {  	s30 =	sld [smem:$0x0];
	_ =	sdelay $0x2  }
0xc1: {  	s31 =	sshll.u32 s1, $0xD;
	s1 =	sshrl.u32 s1, $0x2  }
0xc2: {  	s3 =	sand.u32 $0x4000, s31;
	s1 =	sadd.s32 s1, s30  }
0xc3: {  	s0 =	sor.u32 s3, s0;
	s1 =	sshll.u32 s1, $0x11  }
0xc4: {  	s0 =	sor.u32 s1, s0  }
0xc5: {  	s0 =	sadd.s32 $0x8F2B, s0  }
0xc6: {  	[sflag:s0] =	ssyncadd.remote.s32 $0x1  }
0xc7: {  	_ =	sfence.sel $0xFFFF  }
0xc8: {  	[dreg:$0x0] =	wrdreg $0xFFFFFFFF;
	(pc) =	sbr.abs _section_cstart, $3  }
0xc9: {  	[dreg:$0x1] =	wrdreg $0xFFFFFFFF  }
0xca: {  	_ =	task.clear_ibuf [dreg:s8], $0x2FFFF;
	_ =	strace $0x9FFFFFFF  }
0xcb: {  	(tm) =	ssettm $0x7FFFFFFF  }
tec
execute0_lowered:
.L_overlay_start_1:
0x0: {  	(tag) =	ssettag $0x1  }
0x1: {  	s31 =	rddreg [dreg:$0x0]  }
0x2: {  	s0 =	rddreg [dreg:$0x1]  }
0x3: {  	s10 =	rddreg [dreg:$0x2]  }
0x4: {  	s13 =	rddreg [dreg:$0x3]  }
0x5: {  	s19 =	rddreg [dreg:$0x4]  }
0x6: {  	s1 =	srdreg.scid;
	s11 =	stileid.u32  }
0x7: {  	s3 =	simm.s32 $0x0;
	s30 =	simm.s32 $0x50;
	s28 =	simm.s32 $0x0  }
0x8: {  	s1 =	sand.u32 $0x1, s1;
	s2 =	smul.u32 $0x280, s11;
	[smem:$0x7FF] =	sst s3  }
0x9: {  	s7 =	sadd.s32 $0xB400, s0;
	s8 =	sadd.s32 $0x32600, s0;
	s9 =	sadd.s32 $0x1600, s0  }
0xa: {  	s4 =	sadd.s32 $0x59A00, s0;
	s15 =	sadd.s32 $0x59800, s0;
	s12 =	sadd.s32 $0x5C200, s0  }
0xb: {  	s5 =	sshll.u32 s11, $0x1;
	s17 =	smul.u32 $0x50000, s11;
	s20 =	sshll.u32 s11, $0x6  }
0xc: {  	s11 =	simm.s32 $0x100;
	s14 =	smul.u32 $0x2800, s1;
	_ =	strace $0x80000047  }
0xd: {  	[dreg:$0x6] =	wrdreg s4;
	s6 =	ssub.s32 $0x2, s1;
	s1 =	sor.u32 s1, s5  }
0xe: {  	[dreg:$0x7] =	wrdreg s15;
	s18 =	sshrl.u32 s6, $0x1;
	s1 =	smul.u32 $0x2710, s1  }
0xf: {  	s5 =	sshrl.u32 s17, $0x2;
	s17 =	simm.s32 $0x1;
	s3 =	sadd.s32 s2, s14  }
0x10: {  	s5 =	sadd.s32 s5, s13;
	s2 =	sadd.s32 s2, s19;
	s16 =	sshll.u32 s3, $0x4  }
0x11: {  	s3 =	sshrl.u32 s3, $0x3;
	[dreg:$0x8] =	wrdreg s5;
	s21 =	sadd.s32 $0x50, s1  }
0x12: {  	[dreg:$0xb] =	wrdreg s2;
	s22 =	sshrl.u32 s1, $0x3;
	s25 =	sadd.s32 $0xA0, s1  }
0x13: {  	s1 =	sadd.s32 $0xF0, s1;
	s4 =	sadd.s32 s16, s0;
	[dreg:$0xa] =	wrdreg s21  }
0x14: {  	s0 =	sadd.s32 s3, s0;
	s3 =	ssub.s32 s6, s18;
	[dreg:$0x11] =	wrdreg s25  }
0x15: {  	s6 =	sor.u32 $0x1C08, s20;
	s23 =	sadd.s32 s10, s22;
	[dreg:$0x12] =	wrdreg s1  }
0x16: {  	s5 =	sshrl.u32 s21, $0x3;
	s24 =	sadd.s32 s9, s22;
	[dreg:$0xc] =	wrdreg s23  }
0x17: {  	s2 =	sadd.s32 s12, s22;
	s20 =	simm.s32 $0x180;
	[dreg:$0xd] =	wrdreg s24  }
0x18: {  	s16 =	simm.s32 $0x5300;
	s18 =	simm.s32 $0x4;
	[dreg:$0x10] =	wrdreg s2  }
0x19: {  	s21 =	simm.s32 $0x5;
	s10 =	sadd.s32 s10, s5;
	[dreg:$0x9] =	wrdreg s6  }
0x1a: {  	s25 =	simm.s32 $0x7;
	s5 =	sadd.s32 s9, s5;
	[dreg:$0xe] =	wrdreg s10  }
0x1b: {  	s1 =	simm.s32 $0x0;
	s26 =	sadd.s32 $0x66000, s4;
	[dreg:$0xf] =	wrdreg s5  }
0x1c: {  	s0 =	sadd.s32 $0xB6000, s0;
	s29 =	smax.u32 s3, $0x1;
	[dreg:$0x13] =	wrdreg s26  }
0x1d: {  	s2 =	simm.s32 $0x8;
	s3 =	simm.s32 $0x2;
	[dreg:$0x14] =	wrdreg s0  }
0x1e: {  	v0 =	vlaneseq.u32;
	s24 =	simm.s32 $0x6;
	[dreg:$0x15] =	wrdreg s29;
	s10 =	simm.s32 $0x3  }
.LBB2_1:
0x1f: {  	[dreg:$0x16] =	wrdreg s1  }
0x20: {  	s0 =	rddreg [dreg:$0x8]  }
0x21: {  	s29 =	rddreg [dreg:$0x6];
	s26 =	sshrl.u32 s0, $0x3  }
0x22: {  	[dreg:$0x17] =	wrdreg s26  }
0x23: {  	[spmem:s26], [sflag:s6] =	dma.local [hbm:s29], $0x2800  }
0x24: {  	_ =	swait.ge [sflag:s2], $0x2800  }
0x25: {  	s1 =	rddreg [dreg:$0xb]  }
0x26: {  	[sflag:s2] =	ssyncset.done $0x0;
	s5 =	rddreg [dreg:$0x7];
	s4 =	sshrl.u32 s1, $0x3  }
0x27: {  	[sflag:s2] =	ssyncadd.s32 $0xFFFFD800;
	[dreg:$0x18] =	wrdreg s4  }
0x28: {  	[spmem:s4], [sflag:s6] =	dma.local [hbm:s5], $0x50  }
0x29: {  	_ =	swait.ge [sflag:s2], $0x50  }
0x2a: {  	[sflag:s2] =	ssyncset.done $0x0  }
0x2b: {  	[sflag:s2] =	ssyncadd.s32 $0xFFFFFFB0  }
0x2c: {  	[bflag:$0x0] =	sbarrier.arrive $0xFFFF  }
0x2d: {  	s6 =	simm.s32 $0x0;
	s14 =	rddreg [dreg:$0xc]  }
0x2e: {  	[tilespmem:s6], [sflag:$0x8] =	stream.linear.gather [hbm4b:s14+s6], $0x50, $0x38;
	[tilespmem:$0x1BE80] =	vst v63  }
0x2f: {  	_ =	swait.ge [sflag:s2], $0x50  }
0x30: {  	[sflag:s2] =	ssyncset.done $0x0  }
0x31: {  	s4 =	simm.s32 $0x80;
	s15 =	rddreg [dreg:$0xd];
	[sflag:s2] =	ssyncadd.s32 $0xFFFFFFB0  }
0x32: {  	[tilespmem:s4], [sflag:$0x8] =	stream.linear.gather [hbm4b:s15+s6], $0x50, $0x38;
	[tilespmem:$0x1BE80] =	vst v63  }
0x33: {  	_ =	swait.ge [sflag:s2], $0x50  }
0x34: {  	[sflag:s2] =	ssyncset.done $0x0  }
0x35: {  	s22 =	simm.s32 $0x300;
	[sflag:s2] =	ssyncadd.s32 $0xFFFFFFB0  }
0x36: {  	[tilespmem:s22], [sflag:$0x2] =	stream.indirect.gather [hbm4b:s31+s30], $0x80, s6, s30, $0xb8;
	[tilespmem:$0x1BE80] =	vst v63  }
0x37: {  	s23 =	simm.s32 $0x2B00  }
0x38: {  	[tilespmem:s23], [sflag:$0x3] =	stream.indirect.gather [hbm4b:s7+s30], $0x80, s4, s30, $0xb8;
	[tilespmem:$0x1BE80] =	vst v63  }
0x39: {  	_ =	swait.ge [sflag:s3], $0x2800  }
0x3a: {  	[sflag:s3] =	ssyncset.done $0x0  }
0x3b: {  	[sflag:s3] =	ssyncadd.s32 $0xFFFFD800  }
0x3c: {  	_ =	swait.ge [sflag:s10], $0x2800  }
0x3d: {  	[sflag:s10] =	ssyncset.done $0x0  }
0x3e: {  	s26 =	rddreg [dreg:$0xe];
	[sflag:s10] =	ssyncadd.s32 $0xFFFFD800  }
0x3f: {  	[tilespmem:s11], [sflag:$0x1] =	stream.linear.gather [hbm4b:s26+s6], $0x50, $0x38;
	[tilespmem:$0x1BE80] =	vst v63  }
0x40: {  	s29 =	rddreg [dreg:$0xf]  }
0x41: {  	[tilespmem:s20], [sflag:$0x1] =	stream.linear.gather [hbm4b:s29+s6], $0x50, $0x38;
	[tilespmem:$0x1BE80] =	vst v63  }
0x42: {  	s5 =	simm.s32 $0x0;
	s2 =	simm.s32 $0x2C00;
	s4 =	simm.s32 $0x400  }
0x43: {  	[tilespmem:s16], [sflag:$0x4] =	stream.indirect.gather [hbm4b:s8+s30], $0x80, s6, s30, $0xb8;
	[tilespmem:$0x1BE80] =	vst v63  }
.LBB2_2:
0x44: {  	v3 =	vld [tilespmem:s4+$0x70]  }
0x45: {  	v21 =	vld [tilespmem:s2+$0x70]  }
0x46: {  	v12 =	vld [tilespmem:s4+$0xFFFFFFF0]  }
0x47: {  	v24 =	vld [tilespmem:s2+$0xFFFFFFF0]  }
0x48: {  	v1 =	vld [tilespmem:s4+$0xE0]  }
0x49: {  	v2 =	vld [tilespmem:s4+$0xFFFFFF70]  }
0x4a: {  	v30 =	vld [tilespmem:s4+$0x60]  }
0x4b: {  	v45 =	vld [tilespmem:s2+$0x60]  }
0x4c: {  	v46 =	vld [tilespmem:s4+$0xFFFFFFE0]  }
0x4d: {  	v47 =	vld [tilespmem:s2+$0xFFFFFFE0]  }
0x4e: {  	v4 =	vld [tilespmem:s4+$0xD0]  }
0x4f: {  	v5 =	vld [tilespmem:s4+$0xFFFFFF60]  }
0x50: {  	v15 =	vld [tilespmem:s4+$0x50]  }
0x51: {  	v18 =	vld [tilespmem:s2+$0x50]  }
0x52: {  	v13 =	vld [tilespmem:s4+$0xFFFFFFD0]  }
0x53: {  	v14 =	vld [tilespmem:s2+$0xFFFFFFD0]  }
0x54: {  	v6 =	vld [tilespmem:s4+$0xC0]  }
0x55: {  	v7 =	vld [tilespmem:s4+$0xFFFFFF50]  }
0x56: {  	v17 =	vld [tilespmem:s4+$0x40]  }
0x57: {  	v19 =	vld [tilespmem:s2+$0x40]  }
0x58: {  	v10 =	vld [tilespmem:s4+$0xFFFFFFC0]  }
0x59: {  	v16 =	vld [tilespmem:s2+$0xFFFFFFC0]  }
0x5a: {  	v8 =	vld [tilespmem:s4+$0xB0]  }
0x5b: {  	v9 =	vld [tilespmem:s4+$0xFFFFFF40]  }
0x5c: {  	v28 =	vld [tilespmem:s4+$0x30]  }
0x5d: {  	v29 =	vld [tilespmem:s2+$0x30]  }
0x5e: {  	v22 =	vld [tilespmem:s4+$0xFFFFFFB0]  }
0x5f: {  	v23 =	vld [tilespmem:s2+$0xFFFFFFB0]  }
0x60: {  	v11 =	vld [tilespmem:s4+$0xA0]  }
0x61: {  	v20 =	vld [tilespmem:s4+$0xFFFFFF30]  }
0x62: {  	v33 =	vld [tilespmem:s4+$0x20]  }
0x63: {  	v34 =	vld [tilespmem:s2+$0x20]  }
0x64: {  	v31 =	vld [tilespmem:s4+$0xFFFFFFA0]  }
0x65: {  	v32 =	vld [tilespmem:s2+$0xFFFFFFA0]  }
0x66: {  	v25 =	vld [tilespmem:s4+$0x80]  }
0x67: {  	v26 =	vld [tilespmem:s2+$0x80]  }
0x68: {  	v27 =	vld [tilespmem:s4+$0x90]  }
0x69: {  	v42 =	vld [tilespmem:s4+$0x0]  }
0x6a: {  	v43 =	vld [tilespmem:s2+$0x0]  }
0x6b: {  	v44 =	vld [tilespmem:s4+$0x10]  }
0x6c: {  	v48 =	vld [tilespmem:s2+$0x10]  }
0x6d: {  	v38 =	vld [tilespmem:s4+$0xFFFFFF80]  }
0x6e: {  	v39 =	vld [tilespmem:s2+$0xFFFFFF80]  }
0x6f: {  	v40 =	vld [tilespmem:s4+$0xFFFFFF90]  }
0x70: {  	v41 =	vld [tilespmem:s2+$0xFFFFFF90]  }
0x71: {  	v35 =	vld [tilespmem:s4+$0xFFFFFF00]  }
0x72: {  	v36 =	vld [tilespmem:s2+$0xFFFFFF00];
	v12 =	vmul.f32 v24, v12;
	v21 =	vmul.f32 v21, v3  }
0x73: {  	v37 =	vld [tilespmem:s4+$0xFFFFFF10];
	s6 =	simm.s32 $0x0;
	v43 =	vmul.f32 v43, v42;
	v44 =	vmul.f32 v48, v44  }
0x74: {  	s14 =	simm.s32 $0x4;
	s22 =	smov.u32 s4;
	s15 =	smov.u32 s2;
	v3 =	vimm.f32 $0.0e+00;
	v42 =	vld [tilespmem:s2+$0xFFFFFF10];
	v24 =	vmul.f32 v47, v46;
	v30 =	vmul.f32 v45, v30  }
.LBB2_3:
0x75: {  	p0 =	slt.u32 s14, $0xC;
	v45 =	vld [tilespmem:s22+$0xFFFFFF20];
	v43 =	vadd.f32 v44, v43;
	v33 =	vmul.f32 v34, v33;
	v15 =	vmul.f32 v18, v15  }
0x76: {  	v34 =	vmul.f32 v39, v38;
	v38 =	vmul.f32 v41, v40;
	v18 =	vld [tilespmem:s15+$0xFFFFFF20]  }
0x77: {  	v13 =	vmul.f32 v14, v13;
	v28 =	vmul.f32 v29, v28;
	v14 =	vadd.f32 v33, v43;
	v29 =	vld [tilespmem:s15+$0x90]  }
0x78: {  	v31 =	vmul.f32 v32, v31;
	v17 =	vmul.f32 v19, v17;
	v34 =	vadd.f32 v38, v34;
	v33 =	vld [tilespmem:s15+$0xFFFFFF30]  }
0x79: {  	v19 =	vmul.f32 v36, v35;
	v32 =	vmul.f32 v42, v37;
	v14 =	vadd.f32 v28, v14;
	v28 =	vld [tilespmem:s15+$0xA0]  }
0x7a: {  	v22 =	vmul.f32 v23, v22;
	v10 =	vmul.f32 v16, v10;
	v31 =	vadd.f32 v31, v34;
	v35 =	vld [tilespmem:s15+$0xFFFFFF40]  }
0x7b: {  	v16 =	vadd.f32 v32, v19;
	v18 =	vmul.f32 v18, v45;
	v14 =	vadd.f32 v17, v14;
	v17 =	vld [tilespmem:s15+$0xB0]  }
0x7c: {  	v23 =	vmul.f32 v26, v25;
	v22 =	vadd.f32 v22, v31;
	v19 =	vld [tilespmem:s15+$0xFFFFFF50];
	v25 =	vmul.f32 v29, v27  }
0x7d: {  	v16 =	vadd.f32 v18, v16;
	v18 =	vmul.f32 v33, v20;
	v14 =	vadd.f32 v15, v14;
	v15 =	vld [tilespmem:s15+$0xC0]  }
0x7e: {  	v10 =	vadd.f32 v10, v22;
	v20 =	vld [tilespmem:s15+$0xFFFFFF60];
	v22 =	vadd.f32 v25, v23;
	v11 =	vmul.f32 v28, v11  }
0x7f: {  	v16 =	vadd.f32 v18, v16;
	v9 =	vmul.f32 v35, v9;
	v14 =	vadd.f32 v30, v14;
	v18 =	vld [tilespmem:s15+$0xD0]  }
0x80: {  	v10 =	vadd.f32 v13, v10;
	v23 =	vld [tilespmem:s15+$0xFFFFFF70];
	v11 =	vadd.f32 v11, v22;
	v8 =	vmul.f32 v17, v8  }
0x81: {  	v9 =	vadd.f32 v9, v16;
	v7 =	vmul.f32 v19, v7;
	v13 =	vadd.f32 v21, v14;
	v14 =	vld [tilespmem:s15+$0xE0]  }
0x82: {  	v10 =	vadd.f32 v24, v10;
	v8 =	vadd.f32 v8, v11;
	v6 =	vmul.f32 v15, v6;
	v11 =	vld [tilespmem:s22+$0xF0]  }
0x83: {  	s22 =	sadd.s32 $0x200, s22;
	v7 =	vadd.f32 v7, v9;
	v5 =	vmul.f32 v20, v5;
	v9 =	vld [tilespmem:s15+$0xF0];
	(xrf2) =	vadd.scan.msk.f32 $0xffff, v13  }
0x84: {  	v10 =	vadd.f32 v12, v10;
	s15 =	sadd.s32 $0x200, s15;
	v21 =	vld [tilespmem:s22+$0x70];
	v6 =	vadd.f32 v6, v8;
	v4 =	vmul.f32 v18, v4  }
0x85: {  	v24 =	vld [tilespmem:s15+$0x70];
	v5 =	vadd.f32 v5, v7;
	v2 =	vmul.f32 v23, v2  }
0x86: {  	v12 =	vld [tilespmem:s22+$0xFFFFFFF0];
	v4 =	vadd.f32 v4, v6;
	v6 =	vmul.f32 v14, v1;
	(xrf2) =	vadd.scan.msk.f32 $0xffff, v10  }
0x87: {  	v30 =	vld [tilespmem:s15+$0xFFFFFFF0];
	v5 =	vadd.f32 v2, v5  }
0x88: {  	v1 =	vld [tilespmem:s22+$0xE0];
	v4 =	vadd.f32 v6, v4;
	v6 =	vmul.f32 v9, v11  }
0x89: {  	v2 =	vld [tilespmem:s22+$0xFFFFFF70];
	(xrf2) =	vadd.scan.msk.f32 $0xffff, v5  }
0x8a: {  	v45 =	vld [tilespmem:s22+$0x60];
	v4 =	vadd.f32 v6, v4  }
0x8b: {  	v46 =	vld [tilespmem:s15+$0x60]  }
0x8c: {  	v47 =	vld [tilespmem:s22+$0xFFFFFFE0];
	(xrf2) =	vadd.scan.msk.f32 $0xffff, v4  }
0x8d: {  	v48 =	vld [tilespmem:s15+$0xFFFFFFE0];
	v8, _, _ =	vpop (xrf2)  }
0x8e: {  	v4 =	vld [tilespmem:s22+$0xD0]  }
0x8f: {  	v5 =	vld [tilespmem:s22+$0xFFFFFF60]  }
0x90: {  	v15 =	vld [tilespmem:s22+$0x50];
	v9, _, _ =	vpop (xrf2)  }
0x91: {  	v18 =	vld [tilespmem:s15+$0x50]  }
0x92: {  	v13 =	vld [tilespmem:s22+$0xFFFFFFD0]  }
0x93: {  	s1 =	sadd.s32 $0x2, s6;
	s23 =	sadd.s32 $0x3, s6;
	v10 =	vmov s6;
	v14 =	vld [tilespmem:s15+$0xFFFFFFD0];
	v7, _, _ =	vpop (xrf2)  }
0x94: {  	s26 =	sadd.s32 $0x1, s6;
	v16 =	vmov s1;
	v20 =	vmov s23;
	s6 =	smov.u32 s14;
	v6 =	vld [tilespmem:s22+$0xC0];
	v11 =	vbroadcast v7, $0xF  }
0x95: {  	v19 =	vmov s26;
	vm0 =	veq.s32 v10, v0;
	v9 =	vbroadcast v9, $0xF;
	v7 =	vld [tilespmem:s22+$0xFFFFFF50]  }
0x96: {  	v8 =	vbroadcast v8, $0xF;
	v17 =	vld [tilespmem:s22+$0x40];
	v3 =	vsel vm0, v11, v3;
	vm0 =	veq.s32 v19, v0;
	v10, _, _ =	vpop (xrf2)  }
0x97: {  	v19 =	vld [tilespmem:s15+$0x40];
	v3 =	vsel vm0, v9, v3;
	vm0 =	veq.s32 v16, v0;
	v9 =	vbroadcast v10, $0xF  }
0x98: {  	v10 =	vld [tilespmem:s22+$0xFFFFFFC0];
	v3 =	vsel vm0, v8, v3;
	vm0 =	veq.s32 v20, v0  }
0x99: {  	v16 =	vld [tilespmem:s15+$0xFFFFFFC0];
	v3 =	vsel vm0, v9, v3  }
0x9a: {  	v8 =	vld [tilespmem:s22+$0xB0]  }
0x9b: {  	v9 =	vld [tilespmem:s22+$0xFFFFFF40]  }
0x9c: {  	v28 =	vld [tilespmem:s22+$0x30]  }
0x9d: {  	v29 =	vld [tilespmem:s15+$0x30]  }
0x9e: {  	v22 =	vld [tilespmem:s22+$0xFFFFFFB0]  }
0x9f: {  	v23 =	vld [tilespmem:s15+$0xFFFFFFB0]  }
0xa0: {  	v11 =	vld [tilespmem:s22+$0xA0]  }
0xa1: {  	v20 =	vld [tilespmem:s22+$0xFFFFFF30]  }
0xa2: {  	v33 =	vld [tilespmem:s22+$0x20]  }
0xa3: {  	v34 =	vld [tilespmem:s15+$0x20]  }
0xa4: {  	v31 =	vld [tilespmem:s22+$0xFFFFFFA0]  }
0xa5: {  	v32 =	vld [tilespmem:s15+$0xFFFFFFA0]  }
0xa6: {  	v25 =	vld [tilespmem:s22+$0x80]  }
0xa7: {  	v26 =	vld [tilespmem:s15+$0x80]  }
0xa8: {  	v27 =	vld [tilespmem:s22+$0x90]  }
0xa9: {  	v42 =	vld [tilespmem:s22+$0x0]  }
0xaa: {  	v43 =	vld [tilespmem:s15+$0x0]  }
0xab: {  	v44 =	vld [tilespmem:s22+$0x10]  }
0xac: {  	v49 =	vld [tilespmem:s15+$0x10]  }
0xad: {  	v38 =	vld [tilespmem:s22+$0xFFFFFF80]  }
0xae: {  	v39 =	vld [tilespmem:s15+$0xFFFFFF80]  }
0xaf: {  	v40 =	vld [tilespmem:s22+$0xFFFFFF90]  }
.Ltmp0:
0xb0: {  	v41 =	vld [tilespmem:s15+$0xFFFFFF90];
	(pc) =	sbr.rel @p0 .LBB2_3-.Ltmp0, $4  }
0xb1: {  	v35 =	vld [tilespmem:s22+$0xFFFFFF00]  }
0xb2: {  	v21 =	vmul.f32 v24, v21;
	v12 =	vmul.f32 v30, v12;
	v36 =	vld [tilespmem:s15+$0xFFFFFF00]  }
0xb3: {  	v43 =	vmul.f32 v43, v42;
	v44 =	vmul.f32 v49, v44;
	v37 =	vld [tilespmem:s22+$0xFFFFFF10]  }
0xb4: {  	s14 =	sadd.s32 $0x4, s14;
	v30 =	vmul.f32 v46, v45;
	v24 =	vmul.f32 v48, v47;
	v42 =	vld [tilespmem:s15+$0xFFFFFF10]  }
0xb5: {  	v45 =	vld [tilespmem:s22+$0xFFFFFF20];
	v33 =	vmul.f32 v34, v33;
	v15 =	vmul.f32 v18, v15  }
0xb6: {  	v54 =	vld [tilespmem:s15+$0xFFFFFF20];
	v55 =	vmul.f32 v39, v38;
	v56 =	vmul.f32 v41, v40  }
0xb7: {  	v57 =	vld [tilespmem:s15+$0x90];
	v13 =	vmul.f32 v14, v13;
	v28 =	vmul.f32 v29, v28  }
0xb8: {  	v59 =	vld [tilespmem:s15+$0xFFFFFF30];
	v31 =	vmul.f32 v32, v31;
	v17 =	vmul.f32 v19, v17  }
0xb9: {  	v43 =	vadd.f32 v44, v43;
	v63 =	vld [tilespmem:s15+$0xA0];
	v61 =	vmul.f32 v36, v35;
	v62 =	vmul.f32 v42, v37  }
0xba: {  	v40 =	vld [tilespmem:s15+$0xFFFFFF40];
	v22 =	vmul.f32 v23, v22;
	v25 =	vmul.f32 v26, v25;
	v60 =	vadd.f32 v56, v55  }
0xbb: {  	v58 =	vadd.f32 v33, v43;
	v42 =	vld [tilespmem:s15+$0xB0];
	v18 =	vmul.f32 v54, v45;
	v41 =	vadd.f32 v62, v61  }
0xbc: {  	v10 =	vmul.f32 v16, v10;
	v43 =	vld [tilespmem:s15+$0xFFFFFF50];
	v31 =	vadd.f32 v31, v60;
	v44 =	vmul.f32 v57, v27  }
0xbd: {  	v47 =	vld [tilespmem:s15+$0xC0];
	v14 =	vadd.f32 v28, v58;
	v46 =	vmul.f32 v59, v20;
	v45 =	vadd.f32 v18, v41  }
0xbe: {  	v48 =	vld [tilespmem:s15+$0xFFFFFF60];
	v11 =	vmul.f32 v63, v11;
	v22 =	vadd.f32 v22, v31;
	v25 =	vadd.f32 v44, v25  }
0xbf: {  	v49 =	vld [tilespmem:s15+$0xD0];
	v9 =	vmul.f32 v40, v9;
	v14 =	vadd.f32 v17, v14;
	v16 =	vadd.f32 v46, v45  }
0xc0: {  	v50 =	vld [tilespmem:s15+$0xFFFFFF70];
	v10 =	vadd.f32 v10, v22;
	v11 =	vadd.f32 v11, v25;
	v8 =	vmul.f32 v42, v8  }
0xc1: {  	v51 =	vld [tilespmem:s15+$0xE0];
	v7 =	vmul.f32 v43, v7;
	v14 =	vadd.f32 v15, v14;
	v9 =	vadd.f32 v9, v16  }
0xc2: {  	v52 =	vld [tilespmem:s22+$0xF0];
	v6 =	vmul.f32 v47, v6;
	v10 =	vadd.f32 v13, v10;
	v8 =	vadd.f32 v8, v11  }
0xc3: {  	v5 =	vmul.f32 v48, v5;
	v54 =	vld [tilespmem:s15+$0xF0];
	v53 =	vadd.f32 v30, v14;
	v7 =	vadd.f32 v7, v9  }
0xc4: {  	v4 =	vmul.f32 v49, v4;
	v10 =	vadd.f32 v24, v10;
	v6 =	vadd.f32 v6, v8  }
0xc5: {  	v2 =	vmul.f32 v50, v2;
	v55 =	vadd.f32 v21, v53;
	v5 =	vadd.f32 v5, v7  }
0xc6: {  	v1 =	vmul.f32 v51, v1;
	v56 =	vadd.f32 v12, v10;
	v4 =	vadd.f32 v4, v6  }
0xc7: {  	(xrf2) =	vadd.scan.msk.f32 $0xffff, v55;
	v2 =	vadd.f32 v2, v5  }
0xc8: {  	v57 =	vmul.f32 v54, v52;
	(xrf2) =	vadd.scan.msk.f32 $0xffff, v56;
	v1 =	vadd.f32 v1, v4  }
0xc9: {  	(xrf2) =	vadd.scan.msk.f32 $0xffff, v2  }
0xca: {  	v1 =	vadd.f32 v57, v1;
	_ =	sdelay $0x1  }
0xcb: {  	(xrf2) =	vadd.scan.msk.f32 $0xffff, v1;
	_ =	sdelay $0x4  }
0xcc: {  	v1, _, _ =	vpop (xrf2)  }
0xcd: {  	v2, _, _ =	vpop (xrf2)  }
0xce: {  	s1 =	sadd.s32 $0x2, s6;
	v58 =	vmov s6;
	v59, _, _ =	vpop (xrf2)  }
0xcf: {  	s26 =	sadd.s32 $0x1, s6;
	v60 =	vmov s1;
	vm0 =	veq.s32 v58, v0;
	v5 =	vbroadcast v59, $0xF  }
0xd0: {  	vm14 =	veq.s32 v60, v0;
	v62 =	vmov s26;
	v2 =	vbroadcast v2, $0xF  }
0xd1: {  	s14 =	sadd.s32 $0x3, s6;
	vm13 =	veq.s32 v62, v0;
	v1 =	vbroadcast v1, $0xF;
	v63, _, _ =	vpop (xrf2);
	v3 =	vsel vm0, v5, v3  }
0xd2: {  	v61 =	vmov s14;
	v2 =	vsel vm13, v2, v3;
	v3 =	vbroadcast v63, $0xF  }
0xd3: {  	vm15 =	veq.s32 v61, v0;
	v1 =	vsel vm14, v1, v2  }
0xd4: {  	v1 =	vsel vm15, v3, v1  }
0xd5: {  	v1 =	vmul.f32 $8.838834610e-02, v1;
	_ =	sdelay $0x1  }
0xd6: {  	v1 =	vmul.f32 $1.442695020e+00, v1;
	_ =	sdelay $0x1  }
0xd7: {  	(erf) = vpow2.f32 v1;
	_ =	sdelay $0x3  }
0xd8: {  	s29 =	sshll.u32 s5, $0x4;
	s5 =	sadd.s32 $0x1, s5  }
0xd9: {  	p0 =	sne.s32 s5, $0x5  }
.Ltmp1:
0xda: {  	_ = 	snop;
	(pc) =	sbr.rel @p0 .LBB2_2-.Ltmp1, $3  }
0xdb: {  	_ =	sdelay $0x1  }
0xdc: {  	s1 =	sand.u32 $0x3FFFFFF0, s29;
	v1 =	vpop (erf)  }
0xdd: {  	s2 =	sadd.s32 $0x800, s2;
	s4 =	sadd.s32 $0x800, s4;
	[tilespmem:s1+$0x7B00] =	vst v1  }
0xde: {  	_ =	swait.ge [sflag:s17], $0x50  }
0xdf: {  	[sflag:s17] =	ssyncset.done $0x0  }
0xe0: {  	[sflag:s17] =	ssyncadd.s32 $0xFFFFFFB0  }
0xe1: {  	_ =	swait.ge [sflag:s17], $0x50  }
0xe2: {  	[sflag:s17] =	ssyncset.done $0x0  }
0xe3: {  	s0 =	simm.s32 $0x300;
	[sflag:s17] =	ssyncadd.s32 $0xFFFFFFB0  }
0xe4: {  	[tilespmem:s0], [sflag:$0x2] =	stream.indirect.gather [hbm4b:s31+s30], $0x80, s11, s30, $0xb8;
	[tilespmem:$0x1BE80] =	vst v63  }
0xe5: {  	s29 =	simm.s32 $0x2B00  }
0xe6: {  	[tilespmem:s29], [sflag:$0x3] =	stream.indirect.gather [hbm4b:s7+s30], $0x80, s20, s30, $0xb8;
	[tilespmem:$0x1BE80] =	vst v63  }
0xe7: {  	_ =	swait.ge [sflag:s18], $0x2800  }
0xe8: {  	s2 =	simm.s32 $0x0;
	[sflag:s18] =	ssyncset.done $0x0  }
0xe9: {  	s4 =	simm.s32 $0x5400;
	s5 =	simm.s32 $0x0;
	[sflag:s18] =	ssyncadd.s32 $0xFFFFD800  }
.LBB2_6:
0xea: {  	s1 =	sshll.u32 s5, $0x4  }
0xeb: {  	v1 =	vld [tilespmem:s1+$0x7B00];
	_ =	sdelay $0x2  }
0xec: {  	v2 =	vmov s2  }
0xed: {  	vm0 =	veq.s32 v2, v0  }
0xee: {  	v2 =	vnsel vm0, $0x0, v1  }
0xef: {  	(xrf2) =	vadd.scan.msk.f32 $0xffff, v2;
	_ =	sdelay $0x3  }
0xf0: {  	s23 =	simm.s32 $0x1  }
0xf1: {  	v2 =	vmov s23  }
0xf2: {  	vm13 =	veq.s32 v2, v0  }
0xf3: {  	v2 =	vnsel vm13, $0x0, v1  }
0xf4: {  	(xrf2) =	vadd.scan.msk.f32 $0xffff, v2;
	v2 =	vld [tilespmem:s4+$0xFFFFFF10]  }
0xf5: {  	v3 =	vld [tilespmem:s4+$0xFFFFFF00]  }
0xf6: {  	v6 =	vld [tilespmem:s4+$0xFFFFFF30];
	v5, _, _ =	vpop (xrf2)  }
0xf7: {  	v4 =	vld [tilespmem:s4+$0xFFFFFF20];
	v5 =	vbroadcast v5, $0xF;
	_ =	sdelay $0x1  }
0xf8: {  	s26 =	simm.s32 $0x2;
	v7 =	vld [tilespmem:s4+$0xFFFFFF40];
	v2 =	vmul.f32 v2, v5  }
0xf9: {  	v8 =	vmov s26;
	v3 =	vmul.f32 v3, v5  }
0xfa: {  	vm14 =	veq.s32 v8, v0;
	v8 =	vld [tilespmem:s4+$0xFFFFFF60];
	[tilespmem:s4+$0xFFFFFF10] =	vst v2;
	v2 =	vmul.f32 v6, v5  }
0xfb: {  	v9 =	vld [tilespmem:s4+$0xFFFFFF50];
	[tilespmem:s4+$0xFFFFFF00] =	vst v3;
	v3 =	vmul.f32 v4, v5  }
0xfc: {  	v10 =	vnsel vm14, $0x0, v1;
	v6 =	vld [tilespmem:s4+$0xFFFFFF80]  }
0xfd: {  	(xrf2) =	vadd.scan.msk.f32 $0xffff, v10;
	v10 =	vld [tilespmem:s4+$0xFFFFFFA0];
	[tilespmem:s4+$0xFFFFFF20] =	vst v3;
	v3 =	vmul.f32 v7, v5  }
0xfe: {  	v4 =	vld [tilespmem:s4+$0xFFFFFF70];
	[tilespmem:s4+$0xFFFFFF30] =	vst v2;
	v2, _, _ =	vpop (xrf2)  }
0xff: {  	v7 =	vld [tilespmem:s4+$0xFFFFFF90];
	[tilespmem:s4+$0xFFFFFF40] =	vst v3;
	v3 =	vmul.f32 v8, v5;
	v2 =	vbroadcast v2, $0xF;
	_ =	sdelay $0x1  }
0x100: {  	[tilespmem:s4+$0xFFFFFF60] =	vst v3;
	v3 =	vmul.f32 v6, v2  }
0x101: {  	v9 =	vmul.f32 v9, v5  }
0x102: {  	s29 =	simm.s32 $0x3;
	v8 =	vld [tilespmem:s4+$0xFFFFFFB0];
	[tilespmem:s4+$0xFFFFFF80] =	vst v3;
	v3 =	vmul.f32 v10, v2  }
0x103: {  	[tilespmem:s4+$0xFFFFFF50] =	vst v9;
	v9 =	vld [tilespmem:s4+$0xFFFFFFC0];
	v4 =	vmul.f32 v4, v5;
	v6 =	vmul.f32 v7, v2;
	v7 =	vmov s29  }
0x104: {  	v11 =	vld [tilespmem:s4+$0xFFFFFFD0];
	vm15 =	veq.s32 v7, v0  }
0x105: {  	[tilespmem:s4+$0xFFFFFF70] =	vst v4;
	v4 =	vld [tilespmem:s4+$0xFFFFFFE0];
	v10 =	vnsel vm15, $0x0, v1  }
0x106: {  	v5 =	vld [tilespmem:s4+$0x0];
	[tilespmem:s4+$0xFFFFFFA0] =	vst v3;
	v3, _, _ =	vpop (xrf2);
	(xrf2) =	vadd.scan.msk.f32 $0xffff, v10  }
0x107: {  	[tilespmem:s4+$0xFFFFFF90] =	vst v6;
	v8 =	vmul.f32 v8, v2;
	v6 =	vld [tilespmem:s4+$0x10]  }
0x108: {  	v9 =	vmul.f32 v9, v2;
	v7 =	vld [tilespmem:s4+$0x20]  }
0x109: {  	s14 =	simm.s32 $0x4;
	s6 =	smov.u32 s4;
	s1 =	smov.u32 s4;
	[tilespmem:s4+$0xFFFFFFB0] =	vst v8;
	v8 =	vld [tilespmem:s4+$0x30];
	v10 =	vmul.f32 v11, v2;
	v3 =	vbroadcast v3, $0xF  }
.LBB2_7:
0x10a: {  	p0 =	slt.u32 s14, $0xC;
	[tilespmem:s6+$0xFFFFFFC0] =	vst v9;
	v4 =	vmul.f32 v4, v2;
	v9 =	vld [tilespmem:s6+$0x40]  }
0x10b: {  	[tilespmem:s6+$0xFFFFFFD0] =	vst v10;
	v5 =	vmul.f32 v5, v3;
	v10 =	vld [tilespmem:s6+$0x50]  }
0x10c: {  	v11 =	vmov s14;
	[tilespmem:s6+$0xFFFFFFE0] =	vst v4;
	v4 =	vmul.f32 v6, v3;
	v6 =	vld [tilespmem:s6+$0x60]  }
0x10d: {  	vm0 =	veq.s32 v11, v0;
	[tilespmem:s6+$0x0] =	vst v5;
	v5 =	vmul.f32 v7, v3;
	v7 =	vld [tilespmem:s6+$0x70]  }
0x10e: {  	v12 =	vnsel vm0, $0x0, v1;
	[tilespmem:s6+$0x10] =	vst v4;
	v4 =	vmul.f32 v8, v3;
	v8 =	vld [tilespmem:s6+$0x80]  }
0x10f: {  	(xrf2) =	vadd.scan.msk.f32 $0xffff, v12;
	[tilespmem:s6+$0x20] =	vst v5;
	v5 =	vmul.f32 v9, v3;
	v9 =	vld [tilespmem:s6+$0x90]  }
0x110: {  	[tilespmem:s6+$0x30] =	vst v4;
	v4 =	vmul.f32 v10, v3;
	v10 =	vld [tilespmem:s6+$0xA0];
	v11, _, _ =	vpop (xrf2)  }
0x111: {  	[tilespmem:s6+$0x40] =	vst v5;
	v5 =	vmul.f32 v6, v3;
	v6 =	vbroadcast v11, $0xF;
	v11 =	vld [tilespmem:s6+$0xB0]  }
0x112: {  	[tilespmem:s6+$0x50] =	vst v4;
	v3 =	vmul.f32 v7, v3;
	v4 =	vld [tilespmem:s6+$0xC0]  }
0x113: {  	s15 =	sadd.s32 $0x1, s14;
	[tilespmem:s6+$0x60] =	vst v5;
	v5 =	vmul.f32 v8, v6;
	v7 =	vld [tilespmem:s6+$0xD0]  }
0x114: {  	v8 =	vmov s15;
	[tilespmem:s6+$0x70] =	vst v3;
	v3 =	vmul.f32 v9, v6;
	v9 =	vld [tilespmem:s6+$0xE0]  }
0x115: {  	vm0 =	veq.s32 v8, v0;
	[tilespmem:s6+$0x80] =	vst v5;
	v5 =	vmul.f32 v10, v6;
	v8 =	vld [tilespmem:s6+$0xF0]  }
0x116: {  	v10 =	vnsel vm0, $0x0, v1;
	s6 =	sadd.s32 $0x200, s6;
	v12 =	vld [tilespmem:s1+$0xFFFFFFF0];
	[tilespmem:s1+$0x90] =	vst v3;
	v3 =	vmul.f32 v11, v6  }
0x117: {  	v11 =	vld [tilespmem:s6+$0xFFFFFF00];
	(xrf2) =	vadd.scan.msk.f32 $0xffff, v10;
	[tilespmem:s1+$0xA0] =	vst v5;
	v4 =	vmul.f32 v4, v6  }
0x118: {  	v5 =	vld [tilespmem:s6+$0xFFFFFF10];
	[tilespmem:s1+$0xB0] =	vst v3;
	v3 =	vmul.f32 v7, v6  }
0x119: {  	v7 =	vld [tilespmem:s6+$0xFFFFFF20];
	v10, _, _ =	vpop (xrf2);
	[tilespmem:s1+$0xC0] =	vst v4;
	v4 =	vmul.f32 v9, v6  }
0x11a: {  	s15 =	sadd.s32 $0x2, s14;
	v9 =	vbroadcast v10, $0xF;
	v10 =	vld [tilespmem:s6+$0xFFFFFF30];
	[tilespmem:s1+$0xD0] =	vst v3;
	v3 =	vmul.f32 v8, v6  }
0x11b: {  	v8 =	vmov s15;
	v6 =	vld [tilespmem:s6+$0xFFFFFF40];
	v2 =	vmul.f32 v12, v2;
	[tilespmem:s1+$0xE0] =	vst v4  }
0x11c: {  	vm0 =	veq.s32 v8, v0;
	v4 =	vmul.f32 v11, v9;
	v11 =	vld [tilespmem:s6+$0xFFFFFF50];
	[tilespmem:s1+$0xF0] =	vst v3  }
0x11d: {  	v8 =	vnsel vm0, $0x0, v1;
	v3 =	vmul.f32 v5, v9;
	v5 =	vld [tilespmem:s6+$0xFFFFFF60];
	[tilespmem:s1+$0xFFFFFFF0] =	vst v2;
	s1 =	smov.u32 s6  }
0x11e: {  	[tilespmem:s6+$0xFFFFFF00] =	vst v4;
	v2 =	vmul.f32 v7, v9;
	v4 =	vld [tilespmem:s6+$0xFFFFFF70];
	(xrf2) =	vadd.scan.msk.f32 $0xffff, v8  }
0x11f: {  	[tilespmem:s6+$0xFFFFFF10] =	vst v3;
	v3 =	vmul.f32 v10, v9;
	v7 =	vld [tilespmem:s6+$0xFFFFFF80]  }
0x120: {  	[tilespmem:s6+$0xFFFFFF20] =	vst v2;
	v2 =	vmul.f32 v6, v9;
	v6 =	vld [tilespmem:s6+$0xFFFFFF90]  }
0x121: {  	[tilespmem:s6+$0xFFFFFF30] =	vst v3;
	v3 =	vmul.f32 v11, v9;
	v8 =	vld [tilespmem:s6+$0xFFFFFFA0];
	v10, _, _ =	vpop (xrf2)  }
0x122: {  	s15 =	sadd.s32 $0x3, s14;
	[tilespmem:s6+$0xFFFFFF40] =	vst v2;
	v5 =	vmul.f32 v5, v9;
	v2 =	vbroadcast v10, $0xF;
	v10 =	vld [tilespmem:s6+$0xFFFFFFB0]  }
0x123: {  	[tilespmem:s6+$0xFFFFFF50] =	vst v3;
	v3 =	vmul.f32 v4, v9;
	v9 =	vld [tilespmem:s6+$0xFFFFFFC0];
	v4 =	vmov s15  }
0x124: {  	[tilespmem:s6+$0xFFFFFF60] =	vst v5;
	v5 =	vmul.f32 v7, v2;
	v11 =	vld [tilespmem:s6+$0xFFFFFFD0];
	vm0 =	veq.s32 v4, v0  }
.Ltmp2:
0x125: {  	[tilespmem:s6+$0xFFFFFF70] =	vst v3;
	v3 =	vmul.f32 v6, v2;
	v4 =	vld [tilespmem:s6+$0xFFFFFFE0];
	v6 =	vnsel vm0, $0x0, v1;
	(pc) =	sbr.rel @p0 .LBB2_7-.Ltmp2, $4  }
0x126: {  	[tilespmem:s6+$0xFFFFFF80] =	vst v5;
	v7 =	vmul.f32 v8, v2;
	v5 =	vld [tilespmem:s6+$0x0];
	(xrf2) =	vadd.scan.msk.f32 $0xffff, v6  }
0x127: {  	[tilespmem:s6+$0xFFFFFF90] =	vst v3;
	v3 =	vmul.f32 v10, v2;
	v6 =	vld [tilespmem:s6+$0x10]  }
0x128: {  	[tilespmem:s6+$0xFFFFFFA0] =	vst v7;
	v9 =	vmul.f32 v9, v2;
	v7 =	vld [tilespmem:s6+$0x20];
	v8, _, _ =	vpop (xrf2)  }
0x129: {  	s14 =	sadd.s32 $0x4, s14;
	[tilespmem:s6+$0xFFFFFFB0] =	vst v3;
	v10 =	vmul.f32 v11, v2;
	v3 =	vbroadcast v8, $0xF;
	v8 =	vld [tilespmem:s6+$0x30]  }
0x12a: {  	[tilespmem:s6+$0xFFFFFFC0] =	vst v9;
	v1 =	vmul.f32 v4, v2;
	v46 =	vld [tilespmem:s6+$0x40]  }
0x12b: {  	v47 =	vld [tilespmem:s6+$0x50];
	[tilespmem:s6+$0xFFFFFFD0] =	vst v10;
	v5 =	vmul.f32 v5, v3  }
0x12c: {  	v48 =	vld [tilespmem:s6+$0x60];
	[tilespmem:s6+$0xFFFFFFE0] =	vst v1;
	v1 =	vmul.f32 v6, v3  }
0x12d: {  	v50 =	vld [tilespmem:s6+$0x70];
	[tilespmem:s6+$0x0] =	vst v5;
	v49 =	vmul.f32 v7, v3  }
0x12e: {  	v51 =	vld [tilespmem:s6+$0x80];
	[tilespmem:s6+$0x10] =	vst v1;
	v1 =	vmul.f32 v8, v3  }
0x12f: {  	v52 =	vld [tilespmem:s6+$0x90];
	[tilespmem:s6+$0x20] =	vst v49;
	v4 =	vmul.f32 v46, v3  }
0x130: {  	v53 =	vld [tilespmem:s6+$0xA0];
	[tilespmem:s6+$0x30] =	vst v1;
	v1 =	vmul.f32 v47, v3;
	v54, _, _ =	vpop (xrf2)  }
0x131: {  	v55 =	vmul.f32 v48, v3;
	v63 =	vld [tilespmem:s1+$0xFFFFFFF0];
	[tilespmem:s6+$0x40] =	vst v4;
	v56 =	vbroadcast v54, $0xF  }
0x132: {  	v57 =	vld [tilespmem:s6+$0xB0];
	[tilespmem:s6+$0x50] =	vst v1;
	v1 =	vmul.f32 v50, v3  }
0x133: {  	[tilespmem:s6+$0x60] =	vst v55;
	v3 =	vld [tilespmem:s6+$0xC0];
	v58 =	vmul.f32 v51, v56  }
0x134: {  	v59 =	vld [tilespmem:s6+$0xD0];
	[tilespmem:s6+$0x70] =	vst v1;
	v1 =	vmul.f32 v52, v56  }
0x135: {  	v60 =	vld [tilespmem:s6+$0xE0];
	v61 =	vmul.f32 v53, v56;
	[tilespmem:s6+$0x80] =	vst v58  }
0x136: {  	v62 =	vld [tilespmem:s6+$0xF0];
	v2 =	vmul.f32 v63, v2;
	[tilespmem:s1+$0x90] =	vst v1  }
0x137: {  	s5 =	sadd.s32 $0x1, s5;
	v1 =	vmul.f32 v57, v56;
	[tilespmem:s1+$0xA0] =	vst v61  }
0x138: {  	p0 =	sne.s32 s5, $0x5;
	v3 =	vmul.f32 v3, v56;
	[tilespmem:s1+$0xFFFFFFF0] =	vst v2  }
.Ltmp3:
0x139: {  	[tilespmem:s1+$0xB0] =	vst v1;
	v1 =	vmul.f32 v59, v56;
	(pc) =	sbr.rel @p0 .LBB2_6-.Ltmp3, $4  }
0x13a: {  	[tilespmem:s1+$0xC0] =	vst v3;
	v3 =	vmul.f32 v60, v56  }
0x13b: {  	[tilespmem:s1+$0xD0] =	vst v1;
	v1 =	vmul.f32 v62, v56  }
0x13c: {  	[tilespmem:s1+$0xE0] =	vst v3  }
0x13d: {  	s4 =	sadd.s32 $0x800, s4;
	[tilespmem:s1+$0xF0] =	vst v1  }
0x13e: {  	v1 =	vld [tilespmem:$0x80]  }
0x13f: {  	v2 =	vld [tilespmem:$0x90]  }
0x140: {  	v3 =	vld [tilespmem:$0xA0]  }
0x141: {  	v4 =	vld [tilespmem:$0xB0]  }
0x142: {  	v5 =	vld [tilespmem:$0xC0]  }
0x143: {  	[tilespmem:$0x200] =	vst v1  }
0x144: {  	[tilespmem:$0x210] =	vst v2  }
0x145: {  	[tilespmem:$0x220] =	vst v3  }
0x146: {  	[tilespmem:$0x230] =	vst v4  }
0x147: {  	s0 =	simm.s32 $0x200;
	[tilespmem:$0x240] =	vst v5  }
0x148: {  	[spmem:s13] =	stream.indirect.scatter.add.f32 [tilespmem:s16], [sflag:$0x5], $0x80, s0, s30, $0xb8;
	[tilespmem:$0x1BE80] =	vst v63  }
0x149: {  	s1 =	simm.s32 $0x7B00  }
0x14a: {  	[spmem:s19] =	stream.indirect.scatter.add.f32 [tilespmem:s1], [sflag:$0x6], $0x1, s0, s30, $0xb8;
	[tilespmem:$0x1BE80] =	vst v63  }
0x14b: {  	s29 =	rddreg [dreg:$0x10];
	s6 =	simm.s32 $0x0  }
0x14c: {  	[hbm4b:s29+s28] =	stream.linear.scatter [tilespmem:s1], [sflag:$0x7], $0x50, $0x38;
	[tilespmem:$0x1BE80] =	vst v63  }
.LBB2_10:
0x14d: {  	_ =	swait.ge [sflag:s3], $0x2800  }
0x14e: {  	[sflag:s3] =	ssyncset.done $0x0  }
0x14f: {  	[sflag:s3] =	ssyncadd.s32 $0xFFFFD800  }
0x150: {  	s15 =	smul.u32 $0xA0, s6;
	_ =	swait.ge [sflag:s10], $0x2800  }
0x151: {  	s0 =	rddreg [dreg:$0x11];
	[sflag:s10] =	ssyncset.done $0x0  }
0x152: {  	s1 =	sadd.s32 s15, s0;
	[sflag:s10] =	ssyncadd.s32 $0xFFFFD800  }
0x153: {  	s2 =	sshrl.u32 s1, $0x3;
	s26 =	rddreg [dreg:$0x2]  }
0x154: {  	s20 =	smov.u32 s19;
	s19 =	smov.u32 s13;
	s1 =	sadd.s32 s26, s2  }
0x155: {  	[tilespmem:s28], [sflag:$0x1] =	stream.linear.gather [hbm4b:s1+s28], $0x50, $0x38;
	[tilespmem:$0x1BE80] =	vst v63  }
0x156: {  	s13 =	smov.u32 s31;
	s31 =	simm.s32 $0x80;
	s29 =	sadd.s32 s9, s2  }
0x157: {  	[tilespmem:s31], [sflag:$0x1] =	stream.linear.gather [hbm4b:s29+s28], $0x50, $0x38;
	[tilespmem:$0x1BE80] =	vst v63  }
0x158: {  	_ =	swait.ge [sflag:s21], $0x2800  }
0x159: {  	[sflag:s21] =	ssyncset.done $0x0  }
0x15a: {  	[sflag:s21] =	ssyncadd.s32 $0xFFFFD800  }
0x15b: {  	_ =	swait.ge [sflag:s24], $0x50  }
0x15c: {  	[sflag:s24] =	ssyncset.done $0x0  }
0x15d: {  	[sflag:s24] =	ssyncadd.s32 $0xFFFFFFB0  }
0x15e: {  	_ =	swait.ge [sflag:s25], $0x50  }
0x15f: {  	s14 =	simm.s32 $0x400;
	[sflag:s25] =	ssyncset.done $0x0  }
0x160: {  	s22 =	simm.s32 $0x0;
	s26 =	simm.s32 $0x2C00;
	[sflag:s25] =	ssyncadd.s32 $0xFFFFFFB0  }
0x161: {  	[tilespmem:s16], [sflag:$0x4] =	stream.indirect.gather [hbm4b:s8+s30], $0x80, s11, s30, $0xb8;
	[tilespmem:$0x1BE80] =	vst v63  }
.LBB2_11:
0x162: {  	v3 =	vld [tilespmem:s14+$0x70]  }
0x163: {  	v21 =	vld [tilespmem:s26+$0x70]  }
0x164: {  	v12 =	vld [tilespmem:s14+$0xFFFFFFF0]  }
0x165: {  	v24 =	vld [tilespmem:s26+$0xFFFFFFF0]  }
0x166: {  	v1 =	vld [tilespmem:s14+$0xE0]  }
0x167: {  	v2 =	vld [tilespmem:s14+$0xFFFFFF70]  }
0x168: {  	v30 =	vld [tilespmem:s14+$0x60]  }
0x169: {  	v45 =	vld [tilespmem:s26+$0x60]  }
0x16a: {  	v46 =	vld [tilespmem:s14+$0xFFFFFFE0]  }
0x16b: {  	v47 =	vld [tilespmem:s26+$0xFFFFFFE0]  }
0x16c: {  	v4 =	vld [tilespmem:s14+$0xD0]  }
0x16d: {  	v5 =	vld [tilespmem:s14+$0xFFFFFF60]  }
0x16e: {  	v15 =	vld [tilespmem:s14+$0x50]  }
0x16f: {  	v18 =	vld [tilespmem:s26+$0x50]  }
0x170: {  	v13 =	vld [tilespmem:s14+$0xFFFFFFD0]  }
0x171: {  	v14 =	vld [tilespmem:s26+$0xFFFFFFD0]  }
0x172: {  	v6 =	vld [tilespmem:s14+$0xC0]  }
0x173: {  	v7 =	vld [tilespmem:s14+$0xFFFFFF50]  }
0x174: {  	v17 =	vld [tilespmem:s14+$0x40]  }
0x175: {  	v19 =	vld [tilespmem:s26+$0x40]  }
0x176: {  	v10 =	vld [tilespmem:s14+$0xFFFFFFC0]  }
0x177: {  	v16 =	vld [tilespmem:s26+$0xFFFFFFC0]  }
0x178: {  	v8 =	vld [tilespmem:s14+$0xB0]  }
0x179: {  	v9 =	vld [tilespmem:s14+$0xFFFFFF40]  }
0x17a: {  	v28 =	vld [tilespmem:s14+$0x30]  }
0x17b: {  	v29 =	vld [tilespmem:s26+$0x30]  }
0x17c: {  	v22 =	vld [tilespmem:s14+$0xFFFFFFB0]  }
0x17d: {  	v23 =	vld [tilespmem:s26+$0xFFFFFFB0]  }
0x17e: {  	v11 =	vld [tilespmem:s14+$0xA0]  }
0x17f: {  	v20 =	vld [tilespmem:s14+$0xFFFFFF30]  }
0x180: {  	v33 =	vld [tilespmem:s14+$0x20]  }
0x181: {  	v34 =	vld [tilespmem:s26+$0x20]  }
0x182: {  	v31 =	vld [tilespmem:s14+$0xFFFFFFA0]  }
0x183: {  	v32 =	vld [tilespmem:s26+$0xFFFFFFA0]  }
0x184: {  	v25 =	vld [tilespmem:s14+$0x80]  }
0x185: {  	v26 =	vld [tilespmem:s26+$0x80]  }
0x186: {  	v27 =	vld [tilespmem:s14+$0x90]  }
0x187: {  	v42 =	vld [tilespmem:s14+$0x0]  }
0x188: {  	v43 =	vld [tilespmem:s26+$0x0]  }
0x189: {  	v44 =	vld [tilespmem:s14+$0x10]  }
0x18a: {  	v48 =	vld [tilespmem:s26+$0x10]  }
0x18b: {  	v38 =	vld [tilespmem:s14+$0xFFFFFF80]  }
0x18c: {  	v39 =	vld [tilespmem:s26+$0xFFFFFF80]  }
0x18d: {  	v40 =	vld [tilespmem:s14+$0xFFFFFF90]  }
0x18e: {  	v41 =	vld [tilespmem:s26+$0xFFFFFF90]  }
0x18f: {  	v35 =	vld [tilespmem:s14+$0xFFFFFF00]  }
0x190: {  	v36 =	vld [tilespmem:s26+$0xFFFFFF00];
	v12 =	vmul.f32 v24, v12;
	v21 =	vmul.f32 v21, v3  }
0x191: {  	v37 =	vld [tilespmem:s14+$0xFFFFFF10];
	s23 =	simm.s32 $0x0;
	v43 =	vmul.f32 v43, v42;
	v44 =	vmul.f32 v48, v44  }
0x192: {  	s1 =	simm.s32 $0x4;
	s5 =	smov.u32 s14;
	s4 =	smov.u32 s26;
	v3 =	vimm.f32 $0.0e+00;
	v42 =	vld [tilespmem:s26+$0xFFFFFF10];
	v24 =	vmul.f32 v47, v46;
	v30 =	vmul.f32 v45, v30  }
.LBB2_12:
0x193: {  	p0 =	slt.u32 s1, $0xC;
	v45 =	vld [tilespmem:s5+$0xFFFFFF20];
	v43 =	vadd.f32 v44, v43;
	v33 =	vmul.f32 v34, v33;
	v15 =	vmul.f32 v18, v15  }
0x194: {  	v34 =	vmul.f32 v39, v38;
	v38 =	vmul.f32 v41, v40;
	v18 =	vld [tilespmem:s4+$0xFFFFFF20]  }
0x195: {  	v13 =	vmul.f32 v14, v13;
	v28 =	vmul.f32 v29, v28;
	v14 =	vadd.f32 v33, v43;
	v29 =	vld [tilespmem:s4+$0x90]  }
0x196: {  	v31 =	vmul.f32 v32, v31;
	v17 =	vmul.f32 v19, v17;
	v34 =	vadd.f32 v38, v34;
	v33 =	vld [tilespmem:s4+$0xFFFFFF30]  }
0x197: {  	v19 =	vmul.f32 v36, v35;
	v32 =	vmul.f32 v42, v37;
	v14 =	vadd.f32 v28, v14;
	v28 =	vld [tilespmem:s4+$0xA0]  }
0x198: {  	v22 =	vmul.f32 v23, v22;
	v10 =	vmul.f32 v16, v10;
	v31 =	vadd.f32 v31, v34;
	v35 =	vld [tilespmem:s4+$0xFFFFFF40]  }
0x199: {  	v16 =	vadd.f32 v32, v19;
	v18 =	vmul.f32 v18, v45;
	v14 =	vadd.f32 v17, v14;
	v17 =	vld [tilespmem:s4+$0xB0]  }
0x19a: {  	v23 =	vmul.f32 v26, v25;
	v22 =	vadd.f32 v22, v31;
	v19 =	vld [tilespmem:s4+$0xFFFFFF50];
	v25 =	vmul.f32 v29, v27  }
0x19b: {  	v16 =	vadd.f32 v18, v16;
	v18 =	vmul.f32 v33, v20;
	v14 =	vadd.f32 v15, v14;
	v15 =	vld [tilespmem:s4+$0xC0]  }
0x19c: {  	v10 =	vadd.f32 v10, v22;
	v20 =	vld [tilespmem:s4+$0xFFFFFF60];
	v22 =	vadd.f32 v25, v23;
	v11 =	vmul.f32 v28, v11  }
0x19d: {  	v16 =	vadd.f32 v18, v16;
	v9 =	vmul.f32 v35, v9;
	v14 =	vadd.f32 v30, v14;
	v18 =	vld [tilespmem:s4+$0xD0]  }
0x19e: {  	v10 =	vadd.f32 v13, v10;
	v23 =	vld [tilespmem:s4+$0xFFFFFF70];
	v11 =	vadd.f32 v11, v22;
	v8 =	vmul.f32 v17, v8  }
0x19f: {  	v9 =	vadd.f32 v9, v16;
	v7 =	vmul.f32 v19, v7;
	v13 =	vadd.f32 v21, v14;
	v14 =	vld [tilespmem:s4+$0xE0]  }
0x1a0: {  	v10 =	vadd.f32 v24, v10;
	v8 =	vadd.f32 v8, v11;
	v6 =	vmul.f32 v15, v6;
	v11 =	vld [tilespmem:s5+$0xF0]  }
0x1a1: {  	s5 =	sadd.s32 $0x200, s5;
	v7 =	vadd.f32 v7, v9;
	v5 =	vmul.f32 v20, v5;
	v9 =	vld [tilespmem:s4+$0xF0];
	(xrf2) =	vadd.scan.msk.f32 $0xffff, v13  }
0x1a2: {  	v10 =	vadd.f32 v12, v10;
	s4 =	sadd.s32 $0x200, s4;
	v21 =	vld [tilespmem:s5+$0x70];
	v6 =	vadd.f32 v6, v8;
	v4 =	vmul.f32 v18, v4  }
0x1a3: {  	v24 =	vld [tilespmem:s4+$0x70];
	v5 =	vadd.f32 v5, v7;
	v2 =	vmul.f32 v23, v2  }
0x1a4: {  	v12 =	vld [tilespmem:s5+$0xFFFFFFF0];
	v4 =	vadd.f32 v4, v6;
	v6 =	vmul.f32 v14, v1;
	(xrf2) =	vadd.scan.msk.f32 $0xffff, v10  }
0x1a5: {  	v30 =	vld [tilespmem:s4+$0xFFFFFFF0];
	v5 =	vadd.f32 v2, v5  }
0x1a6: {  	v1 =	vld [tilespmem:s5+$0xE0];
	v4 =	vadd.f32 v6, v4;
	v6 =	vmul.f32 v9, v11  }
0x1a7: {  	v2 =	vld [tilespmem:s5+$0xFFFFFF70];
	(xrf2) =	vadd.scan.msk.f32 $0xffff, v5  }
0x1a8: {  	v45 =	vld [tilespmem:s5+$0x60];
	v4 =	vadd.f32 v6, v4  }
0x1a9: {  	v46 =	vld [tilespmem:s4+$0x60]  }
0x1aa: {  	v47 =	vld [tilespmem:s5+$0xFFFFFFE0];
	(xrf2) =	vadd.scan.msk.f32 $0xffff, v4  }
0x1ab: {  	v48 =	vld [tilespmem:s4+$0xFFFFFFE0];
	v8, _, _ =	vpop (xrf2)  }
0x1ac: {  	v4 =	vld [tilespmem:s5+$0xD0]  }
0x1ad: {  	v5 =	vld [tilespmem:s5+$0xFFFFFF60]  }
0x1ae: {  	v15 =	vld [tilespmem:s5+$0x50];
	v9, _, _ =	vpop (xrf2)  }
0x1af: {  	v18 =	vld [tilespmem:s4+$0x50]  }
0x1b0: {  	v13 =	vld [tilespmem:s5+$0xFFFFFFD0]  }
0x1b1: {  	s29 =	sadd.s32 $0x2, s23;
	s31 =	sadd.s32 $0x3, s23;
	v10 =	vmov s23;
	v14 =	vld [tilespmem:s4+$0xFFFFFFD0];
	v7, _, _ =	vpop (xrf2)  }
0x1b2: {  	s0 =	sadd.s32 $0x1, s23;
	v16 =	vmov s29;
	v20 =	vmov s31;
	s23 =	smov.u32 s1;
	v6 =	vld [tilespmem:s5+$0xC0];
	v11 =	vbroadcast v7, $0xF  }
0x1b3: {  	v19 =	vmov s0;
	vm0 =	veq.s32 v10, v0;
	v9 =	vbroadcast v9, $0xF;
	v7 =	vld [tilespmem:s5+$0xFFFFFF50]  }
0x1b4: {  	v8 =	vbroadcast v8, $0xF;
	v17 =	vld [tilespmem:s5+$0x40];
	v3 =	vsel vm0, v11, v3;
	vm0 =	veq.s32 v19, v0;
	v10, _, _ =	vpop (xrf2)  }
0x1b5: {  	v19 =	vld [tilespmem:s4+$0x40];
	v3 =	vsel vm0, v9, v3;
	vm0 =	veq.s32 v16, v0;
	v9 =	vbroadcast v10, $0xF  }
0x1b6: {  	v10 =	vld [tilespmem:s5+$0xFFFFFFC0];
	v3 =	vsel vm0, v8, v3;
	vm0 =	veq.s32 v20, v0  }
0x1b7: {  	v16 =	vld [tilespmem:s4+$0xFFFFFFC0];
	v3 =	vsel vm0, v9, v3  }
0x1b8: {  	v8 =	vld [tilespmem:s5+$0xB0]  }
0x1b9: {  	v9 =	vld [tilespmem:s5+$0xFFFFFF40]  }
0x1ba: {  	v28 =	vld [tilespmem:s5+$0x30]  }
0x1bb: {  	v29 =	vld [tilespmem:s4+$0x30]  }
0x1bc: {  	v22 =	vld [tilespmem:s5+$0xFFFFFFB0]  }
0x1bd: {  	v23 =	vld [tilespmem:s4+$0xFFFFFFB0]  }
0x1be: {  	v11 =	vld [tilespmem:s5+$0xA0]  }
0x1bf: {  	v20 =	vld [tilespmem:s5+$0xFFFFFF30]  }
0x1c0: {  	v33 =	vld [tilespmem:s5+$0x20]  }
0x1c1: {  	v34 =	vld [tilespmem:s4+$0x20]  }
0x1c2: {  	v31 =	vld [tilespmem:s5+$0xFFFFFFA0]  }
0x1c3: {  	v32 =	vld [tilespmem:s4+$0xFFFFFFA0]  }
0x1c4: {  	v25 =	vld [tilespmem:s5+$0x80]  }
0x1c5: {  	v26 =	vld [tilespmem:s4+$0x80]  }
0x1c6: {  	v27 =	vld [tilespmem:s5+$0x90]  }
0x1c7: {  	v42 =	vld [tilespmem:s5+$0x0]  }
0x1c8: {  	v43 =	vld [tilespmem:s4+$0x0]  }
0x1c9: {  	v44 =	vld [tilespmem:s5+$0x10]  }
0x1ca: {  	v49 =	vld [tilespmem:s4+$0x10]  }
0x1cb: {  	v38 =	vld [tilespmem:s5+$0xFFFFFF80]  }
0x1cc: {  	v39 =	vld [tilespmem:s4+$0xFFFFFF80]  }
0x1cd: {  	v40 =	vld [tilespmem:s5+$0xFFFFFF90]  }
.Ltmp4:
0x1ce: {  	v41 =	vld [tilespmem:s4+$0xFFFFFF90];
	(pc) =	sbr.rel @p0 .LBB2_12-.Ltmp4, $4  }
0x1cf: {  	v35 =	vld [tilespmem:s5+$0xFFFFFF00]  }
0x1d0: {  	v21 =	vmul.f32 v24, v21;
	v12 =	vmul.f32 v30, v12;
	v36 =	vld [tilespmem:s4+$0xFFFFFF00]  }
0x1d1: {  	v43 =	vmul.f32 v43, v42;
	v44 =	vmul.f32 v49, v44;
	v37 =	vld [tilespmem:s5+$0xFFFFFF10]  }
0x1d2: {  	s1 =	sadd.s32 $0x4, s1;
	v30 =	vmul.f32 v46, v45;
	v24 =	vmul.f32 v48, v47;
	v42 =	vld [tilespmem:s4+$0xFFFFFF10]  }
0x1d3: {  	v45 =	vld [tilespmem:s5+$0xFFFFFF20];
	v33 =	vmul.f32 v34, v33;
	v15 =	vmul.f32 v18, v15  }
0x1d4: {  	v54 =	vld [tilespmem:s4+$0xFFFFFF20];
	v55 =	vmul.f32 v39, v38;
	v56 =	vmul.f32 v41, v40  }
0x1d5: {  	v57 =	vld [tilespmem:s4+$0x90];
	v13 =	vmul.f32 v14, v13;
	v28 =	vmul.f32 v29, v28  }
0x1d6: {  	v59 =	vld [tilespmem:s4+$0xFFFFFF30];
	v31 =	vmul.f32 v32, v31;
	v17 =	vmul.f32 v19, v17  }
0x1d7: {  	v43 =	vadd.f32 v44, v43;
	v63 =	vld [tilespmem:s4+$0xA0];
	v61 =	vmul.f32 v36, v35;
	v62 =	vmul.f32 v42, v37  }
0x1d8: {  	v40 =	vld [tilespmem:s4+$0xFFFFFF40];
	v22 =	vmul.f32 v23, v22;
	v25 =	vmul.f32 v26, v25;
	v60 =	vadd.f32 v56, v55  }
0x1d9: {  	v58 =	vadd.f32 v33, v43;
	v42 =	vld [tilespmem:s4+$0xB0];
	v18 =	vmul.f32 v54, v45;
	v41 =	vadd.f32 v62, v61  }
0x1da: {  	v10 =	vmul.f32 v16, v10;
	v43 =	vld [tilespmem:s4+$0xFFFFFF50];
	v31 =	vadd.f32 v31, v60;
	v44 =	vmul.f32 v57, v27  }
0x1db: {  	v47 =	vld [tilespmem:s4+$0xC0];
	v14 =	vadd.f32 v28, v58;
	v46 =	vmul.f32 v59, v20;
	v45 =	vadd.f32 v18, v41  }
0x1dc: {  	v48 =	vld [tilespmem:s4+$0xFFFFFF60];
	v11 =	vmul.f32 v63, v11;
	v22 =	vadd.f32 v22, v31;
	v25 =	vadd.f32 v44, v25  }
0x1dd: {  	v49 =	vld [tilespmem:s4+$0xD0];
	v9 =	vmul.f32 v40, v9;
	v14 =	vadd.f32 v17, v14;
	v16 =	vadd.f32 v46, v45  }
0x1de: {  	v50 =	vld [tilespmem:s4+$0xFFFFFF70];
	v10 =	vadd.f32 v10, v22;
	v11 =	vadd.f32 v11, v25;
	v8 =	vmul.f32 v42, v8  }
0x1df: {  	v51 =	vld [tilespmem:s4+$0xE0];
	v7 =	vmul.f32 v43, v7;
	v14 =	vadd.f32 v15, v14;
	v9 =	vadd.f32 v9, v16  }
0x1e0: {  	v52 =	vld [tilespmem:s5+$0xF0];
	v6 =	vmul.f32 v47, v6;
	v10 =	vadd.f32 v13, v10;
	v8 =	vadd.f32 v8, v11  }
0x1e1: {  	v5 =	vmul.f32 v48, v5;
	v54 =	vld [tilespmem:s4+$0xF0];
	v53 =	vadd.f32 v30, v14;
	v7 =	vadd.f32 v7, v9  }
0x1e2: {  	v4 =	vmul.f32 v49, v4;
	v10 =	vadd.f32 v24, v10;
	v6 =	vadd.f32 v6, v8  }
0x1e3: {  	v2 =	vmul.f32 v50, v2;
	v55 =	vadd.f32 v21, v53;
	v5 =	vadd.f32 v5, v7  }
0x1e4: {  	v1 =	vmul.f32 v51, v1;
	v56 =	vadd.f32 v12, v10;
	v4 =	vadd.f32 v4, v6  }
0x1e5: {  	(xrf2) =	vadd.scan.msk.f32 $0xffff, v55;
	v2 =	vadd.f32 v2, v5  }
0x1e6: {  	v57 =	vmul.f32 v54, v52;
	(xrf2) =	vadd.scan.msk.f32 $0xffff, v56;
	v1 =	vadd.f32 v1, v4  }
0x1e7: {  	(xrf2) =	vadd.scan.msk.f32 $0xffff, v2  }
0x1e8: {  	v1 =	vadd.f32 v57, v1;
	_ =	sdelay $0x1  }
0x1e9: {  	(xrf2) =	vadd.scan.msk.f32 $0xffff, v1;
	_ =	sdelay $0x4  }
0x1ea: {  	v1, _, _ =	vpop (xrf2)  }
0x1eb: {  	v2, _, _ =	vpop (xrf2)  }
0x1ec: {  	s0 =	sadd.s32 $0x2, s23;
	v58 =	vmov s23;
	v59, _, _ =	vpop (xrf2)  }
0x1ed: {  	s29 =	sadd.s32 $0x1, s23;
	v60 =	vmov s0;
	vm0 =	veq.s32 v58, v0;
	v5 =	vbroadcast v59, $0xF  }
0x1ee: {  	vm14 =	veq.s32 v60, v0;
	v62 =	vmov s29;
	v2 =	vbroadcast v2, $0xF  }
0x1ef: {  	s1 =	sadd.s32 $0x3, s23;
	vm13 =	veq.s32 v62, v0;
	v1 =	vbroadcast v1, $0xF;
	v63, _, _ =	vpop (xrf2);
	v3 =	vsel vm0, v5, v3  }
0x1f0: {  	v61 =	vmov s1;
	v2 =	vsel vm13, v2, v3;
	v3 =	vbroadcast v63, $0xF  }
0x1f1: {  	vm15 =	veq.s32 v61, v0;
	v1 =	vsel vm14, v1, v2  }
0x1f2: {  	v1 =	vsel vm15, v3, v1  }
0x1f3: {  	v1 =	vmul.f32 $8.838834610e-02, v1;
	_ =	sdelay $0x1  }
0x1f4: {  	v1 =	vmul.f32 $1.442695020e+00, v1;
	_ =	sdelay $0x1  }
0x1f5: {  	(erf) = vpow2.f32 v1;
	_ =	sdelay $0x3  }
0x1f6: {  	s31 =	sshll.u32 s22, $0x4;
	s22 =	sadd.s32 $0x1, s22  }
0x1f7: {  	p0 =	sne.s32 s22, $0x5  }
.Ltmp5:
0x1f8: {  	_ = 	snop;
	(pc) =	sbr.rel @p0 .LBB2_11-.Ltmp5, $3  }
0x1f9: {  	_ =	sdelay $0x1  }
0x1fa: {  	s0 =	sand.u32 $0x3FFFFFF0, s31;
	v1 =	vpop (erf)  }
0x1fb: {  	s26 =	sadd.s32 $0x800, s26;
	s14 =	sadd.s32 $0x800, s14;
	[tilespmem:s0+$0x7B80] =	vst v1  }
0x1fc: {  	_ =	swait.ge [sflag:s17], $0x50  }
0x1fd: {  	[sflag:s17] =	ssyncset.done $0x0  }
0x1fe: {  	[sflag:s17] =	ssyncadd.s32 $0xFFFFFFB0  }
0x1ff: {  	_ =	swait.ge [sflag:s17], $0x50  }
0x200: {  	[sflag:s17] =	ssyncset.done $0x0  }
0x201: {  	s4 =	simm.s32 $0x0;
	s0 =	simm.s32 $0x300;
	[sflag:s17] =	ssyncadd.s32 $0xFFFFFFB0  }
0x202: {  	[tilespmem:s0], [sflag:$0x2] =	stream.indirect.gather [hbm4b:s13+s30], $0x80, s4, s30, $0xb8;
	[tilespmem:$0x1BE80] =	vst v63  }
0x203: {  	s29 =	simm.s32 $0x80;
	s1 =	simm.s32 $0x2B00  }
0x204: {  	[tilespmem:s1], [sflag:$0x3] =	stream.indirect.gather [hbm4b:s7+s30], $0x80, s29, s30, $0xb8;
	[tilespmem:$0x1BE80] =	vst v63  }
0x205: {  	s31 =	smov.u32 s13;
	s5 =	simm.s32 $0x5400;
	_ =	swait.ge [sflag:s18], $0x2800  }
0x206: {  	s22 =	simm.s32 $0x0;
	s13 =	smov.u32 s19;
	[sflag:s18] =	ssyncset.done $0x0  }
0x207: {  	s19 =	smov.u32 s20;
	s20 =	simm.s32 $0x180;
	[sflag:s18] =	ssyncadd.s32 $0xFFFFD800  }
.LBB2_15:
0x208: {  	s0 =	sshll.u32 s22, $0x4  }
0x209: {  	v1 =	vld [tilespmem:s0+$0x7B80];
	_ =	sdelay $0x2  }
0x20a: {  	v2 =	vmov s4  }
0x20b: {  	vm0 =	veq.s32 v2, v0  }
0x20c: {  	v2 =	vnsel vm0, $0x0, v1  }
0x20d: {  	(xrf2) =	vadd.scan.msk.f32 $0xffff, v2;
	_ =	sdelay $0x3  }
0x20e: {  	s23 =	simm.s32 $0x1  }
0x20f: {  	v2 =	vmov s23  }
0x210: {  	vm13 =	veq.s32 v2, v0  }
0x211: {  	v2 =	vnsel vm13, $0x0, v1  }
0x212: {  	(xrf2) =	vadd.scan.msk.f32 $0xffff, v2;
	v2 =	vld [tilespmem:s5+$0xFFFFFF10]  }
0x213: {  	v3 =	vld [tilespmem:s5+$0xFFFFFF00]  }
0x214: {  	v6 =	vld [tilespmem:s5+$0xFFFFFF30];
	v5, _, _ =	vpop (xrf2)  }
0x215: {  	v4 =	vld [tilespmem:s5+$0xFFFFFF20];
	v5 =	vbroadcast v5, $0xF;
	_ =	sdelay $0x1  }
0x216: {  	s26 =	simm.s32 $0x2;
	v7 =	vld [tilespmem:s5+$0xFFFFFF40];
	v2 =	vmul.f32 v2, v5  }
0x217: {  	v8 =	vmov s26;
	v3 =	vmul.f32 v3, v5  }
0x218: {  	vm14 =	veq.s32 v8, v0;
	v8 =	vld [tilespmem:s5+$0xFFFFFF60];
	[tilespmem:s5+$0xFFFFFF10] =	vst v2;
	v2 =	vmul.f32 v6, v5  }
0x219: {  	v9 =	vld [tilespmem:s5+$0xFFFFFF50];
	[tilespmem:s5+$0xFFFFFF00] =	vst v3;
	v3 =	vmul.f32 v4, v5  }
0x21a: {  	v10 =	vnsel vm14, $0x0, v1;
	v6 =	vld [tilespmem:s5+$0xFFFFFF80]  }
0x21b: {  	(xrf2) =	vadd.scan.msk.f32 $0xffff, v10;
	v10 =	vld [tilespmem:s5+$0xFFFFFFA0];
	[tilespmem:s5+$0xFFFFFF20] =	vst v3;
	v3 =	vmul.f32 v7, v5  }
0x21c: {  	v4 =	vld [tilespmem:s5+$0xFFFFFF70];
	[tilespmem:s5+$0xFFFFFF30] =	vst v2;
	v2, _, _ =	vpop (xrf2)  }
0x21d: {  	v7 =	vld [tilespmem:s5+$0xFFFFFF90];
	[tilespmem:s5+$0xFFFFFF40] =	vst v3;
	v3 =	vmul.f32 v8, v5;
	v2 =	vbroadcast v2, $0xF;
	_ =	sdelay $0x1  }
0x21e: {  	[tilespmem:s5+$0xFFFFFF60] =	vst v3;
	v3 =	vmul.f32 v6, v2  }
0x21f: {  	v9 =	vmul.f32 v9, v5  }
0x220: {  	s29 =	simm.s32 $0x3;
	v8 =	vld [tilespmem:s5+$0xFFFFFFB0];
	[tilespmem:s5+$0xFFFFFF80] =	vst v3;
	v3 =	vmul.f32 v10, v2  }
0x221: {  	[tilespmem:s5+$0xFFFFFF50] =	vst v9;
	v9 =	vld [tilespmem:s5+$0xFFFFFFC0];
	v4 =	vmul.f32 v4, v5;
	v6 =	vmul.f32 v7, v2;
	v7 =	vmov s29  }
0x222: {  	v11 =	vld [tilespmem:s5+$0xFFFFFFD0];
	vm15 =	veq.s32 v7, v0  }
0x223: {  	[tilespmem:s5+$0xFFFFFF70] =	vst v4;
	v4 =	vld [tilespmem:s5+$0xFFFFFFE0];
	v10 =	vnsel vm15, $0x0, v1  }
0x224: {  	v5 =	vld [tilespmem:s5+$0x0];
	[tilespmem:s5+$0xFFFFFFA0] =	vst v3;
	v3, _, _ =	vpop (xrf2);
	(xrf2) =	vadd.scan.msk.f32 $0xffff, v10  }
0x225: {  	[tilespmem:s5+$0xFFFFFF90] =	vst v6;
	v8 =	vmul.f32 v8, v2;
	v6 =	vld [tilespmem:s5+$0x10]  }
0x226: {  	v9 =	vmul.f32 v9, v2;
	v7 =	vld [tilespmem:s5+$0x20]  }
0x227: {  	s14 =	smov.u32 s5;
	s1 =	smov.u32 s5;
	s23 =	simm.s32 $0x4;
	[tilespmem:s5+$0xFFFFFFB0] =	vst v8;
	v8 =	vld [tilespmem:s5+$0x30];
	v10 =	vmul.f32 v11, v2;
	v3 =	vbroadcast v3, $0xF  }
.LBB2_16:
0x228: {  	p0 =	slt.u32 s23, $0xC;
	[tilespmem:s14+$0xFFFFFFC0] =	vst v9;
	v4 =	vmul.f32 v4, v2;
	v9 =	vld [tilespmem:s14+$0x40]  }
0x229: {  	[tilespmem:s14+$0xFFFFFFD0] =	vst v10;
	v5 =	vmul.f32 v5, v3;
	v10 =	vld [tilespmem:s14+$0x50]  }
0x22a: {  	v11 =	vmov s23;
	[tilespmem:s14+$0xFFFFFFE0] =	vst v4;
	v4 =	vmul.f32 v6, v3;
	v6 =	vld [tilespmem:s14+$0x60]  }
0x22b: {  	vm0 =	veq.s32 v11, v0;
	[tilespmem:s14+$0x0] =	vst v5;
	v5 =	vmul.f32 v7, v3;
	v7 =	vld [tilespmem:s14+$0x70]  }
0x22c: {  	v12 =	vnsel vm0, $0x0, v1;
	[tilespmem:s14+$0x10] =	vst v4;
	v4 =	vmul.f32 v8, v3;
	v8 =	vld [tilespmem:s14+$0x80]  }
0x22d: {  	(xrf2) =	vadd.scan.msk.f32 $0xffff, v12;
	[tilespmem:s14+$0x20] =	vst v5;
	v5 =	vmul.f32 v9, v3;
	v9 =	vld [tilespmem:s14+$0x90]  }
0x22e: {  	[tilespmem:s14+$0x30] =	vst v4;
	v4 =	vmul.f32 v10, v3;
	v10 =	vld [tilespmem:s14+$0xA0];
	v11, _, _ =	vpop (xrf2)  }
0x22f: {  	[tilespmem:s14+$0x40] =	vst v5;
	v5 =	vmul.f32 v6, v3;
	v6 =	vbroadcast v11, $0xF;
	v11 =	vld [tilespmem:s14+$0xB0]  }
0x230: {  	[tilespmem:s14+$0x50] =	vst v4;
	v3 =	vmul.f32 v7, v3;
	v4 =	vld [tilespmem:s14+$0xC0]  }
0x231: {  	s0 =	sadd.s32 $0x1, s23;
	[tilespmem:s14+$0x60] =	vst v5;
	v5 =	vmul.f32 v8, v6;
	v7 =	vld [tilespmem:s14+$0xD0]  }
0x232: {  	v8 =	vmov s0;
	[tilespmem:s14+$0x70] =	vst v3;
	v3 =	vmul.f32 v9, v6;
	v9 =	vld [tilespmem:s14+$0xE0]  }
0x233: {  	vm0 =	veq.s32 v8, v0;
	[tilespmem:s14+$0x80] =	vst v5;
	v5 =	vmul.f32 v10, v6;
	v8 =	vld [tilespmem:s14+$0xF0]  }
0x234: {  	v10 =	vnsel vm0, $0x0, v1;
	s14 =	sadd.s32 $0x200, s14;
	v12 =	vld [tilespmem:s1+$0xFFFFFFF0];
	[tilespmem:s1+$0x90] =	vst v3;
	v3 =	vmul.f32 v11, v6  }
0x235: {  	v11 =	vld [tilespmem:s14+$0xFFFFFF00];
	(xrf2) =	vadd.scan.msk.f32 $0xffff, v10;
	[tilespmem:s1+$0xA0] =	vst v5;
	v4 =	vmul.f32 v4, v6  }
0x236: {  	v5 =	vld [tilespmem:s14+$0xFFFFFF10];
	[tilespmem:s1+$0xB0] =	vst v3;
	v3 =	vmul.f32 v7, v6  }
0x237: {  	v7 =	vld [tilespmem:s14+$0xFFFFFF20];
	v10, _, _ =	vpop (xrf2);
	[tilespmem:s1+$0xC0] =	vst v4;
	v4 =	vmul.f32 v9, v6  }
0x238: {  	s0 =	sadd.s32 $0x2, s23;
	v9 =	vbroadcast v10, $0xF;
	v10 =	vld [tilespmem:s14+$0xFFFFFF30];
	[tilespmem:s1+$0xD0] =	vst v3;
	v3 =	vmul.f32 v8, v6  }
0x239: {  	v8 =	vmov s0;
	v6 =	vld [tilespmem:s14+$0xFFFFFF40];
	v2 =	vmul.f32 v12, v2;
	[tilespmem:s1+$0xE0] =	vst v4  }
0x23a: {  	vm0 =	veq.s32 v8, v0;
	v4 =	vmul.f32 v11, v9;
	v11 =	vld [tilespmem:s14+$0xFFFFFF50];
	[tilespmem:s1+$0xF0] =	vst v3  }
0x23b: {  	v8 =	vnsel vm0, $0x0, v1;
	v3 =	vmul.f32 v5, v9;
	v5 =	vld [tilespmem:s14+$0xFFFFFF60];
	[tilespmem:s1+$0xFFFFFFF0] =	vst v2;
	s1 =	smov.u32 s14  }
0x23c: {  	[tilespmem:s14+$0xFFFFFF00] =	vst v4;
	v2 =	vmul.f32 v7, v9;
	v4 =	vld [tilespmem:s14+$0xFFFFFF70];
	(xrf2) =	vadd.scan.msk.f32 $0xffff, v8  }
0x23d: {  	[tilespmem:s14+$0xFFFFFF10] =	vst v3;
	v3 =	vmul.f32 v10, v9;
	v7 =	vld [tilespmem:s14+$0xFFFFFF80]  }
0x23e: {  	[tilespmem:s14+$0xFFFFFF20] =	vst v2;
	v2 =	vmul.f32 v6, v9;
	v6 =	vld [tilespmem:s14+$0xFFFFFF90]  }
0x23f: {  	[tilespmem:s14+$0xFFFFFF30] =	vst v3;
	v3 =	vmul.f32 v11, v9;
	v8 =	vld [tilespmem:s14+$0xFFFFFFA0];
	v10, _, _ =	vpop (xrf2)  }
0x240: {  	s0 =	sadd.s32 $0x3, s23;
	[tilespmem:s14+$0xFFFFFF40] =	vst v2;
	v5 =	vmul.f32 v5, v9;
	v2 =	vbroadcast v10, $0xF;
	v10 =	vld [tilespmem:s14+$0xFFFFFFB0]  }
0x241: {  	[tilespmem:s14+$0xFFFFFF50] =	vst v3;
	v3 =	vmul.f32 v4, v9;
	v9 =	vld [tilespmem:s14+$0xFFFFFFC0];
	v4 =	vmov s0  }
0x242: {  	[tilespmem:s14+$0xFFFFFF60] =	vst v5;
	v5 =	vmul.f32 v7, v2;
	v11 =	vld [tilespmem:s14+$0xFFFFFFD0];
	vm0 =	veq.s32 v4, v0  }
.Ltmp6:
0x243: {  	[tilespmem:s14+$0xFFFFFF70] =	vst v3;
	v3 =	vmul.f32 v6, v2;
	v4 =	vld [tilespmem:s14+$0xFFFFFFE0];
	v6 =	vnsel vm0, $0x0, v1;
	(pc) =	sbr.rel @p0 .LBB2_16-.Ltmp6, $4  }
0x244: {  	[tilespmem:s14+$0xFFFFFF80] =	vst v5;
	v7 =	vmul.f32 v8, v2;
	v5 =	vld [tilespmem:s14+$0x0];
	(xrf2) =	vadd.scan.msk.f32 $0xffff, v6  }
0x245: {  	[tilespmem:s14+$0xFFFFFF90] =	vst v3;
	v3 =	vmul.f32 v10, v2;
	v6 =	vld [tilespmem:s14+$0x10]  }
0x246: {  	[tilespmem:s14+$0xFFFFFFA0] =	vst v7;
	v9 =	vmul.f32 v9, v2;
	v7 =	vld [tilespmem:s14+$0x20];
	v8, _, _ =	vpop (xrf2)  }
0x247: {  	s23 =	sadd.s32 $0x4, s23;
	[tilespmem:s14+$0xFFFFFFB0] =	vst v3;
	v10 =	vmul.f32 v11, v2;
	v3 =	vbroadcast v8, $0xF;
	v8 =	vld [tilespmem:s14+$0x30]  }
0x248: {  	[tilespmem:s14+$0xFFFFFFC0] =	vst v9;
	v1 =	vmul.f32 v4, v2;
	v46 =	vld [tilespmem:s14+$0x40]  }
0x249: {  	v47 =	vld [tilespmem:s14+$0x50];
	[tilespmem:s14+$0xFFFFFFD0] =	vst v10;
	v5 =	vmul.f32 v5, v3  }
0x24a: {  	v48 =	vld [tilespmem:s14+$0x60];
	[tilespmem:s14+$0xFFFFFFE0] =	vst v1;
	v1 =	vmul.f32 v6, v3  }
0x24b: {  	v50 =	vld [tilespmem:s14+$0x70];
	[tilespmem:s14+$0x0] =	vst v5;
	v49 =	vmul.f32 v7, v3  }
0x24c: {  	v51 =	vld [tilespmem:s14+$0x80];
	[tilespmem:s14+$0x10] =	vst v1;
	v1 =	vmul.f32 v8, v3  }
0x24d: {  	v52 =	vld [tilespmem:s14+$0x90];
	[tilespmem:s14+$0x20] =	vst v49;
	v4 =	vmul.f32 v46, v3  }
0x24e: {  	v53 =	vld [tilespmem:s14+$0xA0];
	[tilespmem:s14+$0x30] =	vst v1;
	v1 =	vmul.f32 v47, v3;
	v54, _, _ =	vpop (xrf2)  }
0x24f: {  	v55 =	vmul.f32 v48, v3;
	v63 =	vld [tilespmem:s1+$0xFFFFFFF0];
	[tilespmem:s14+$0x40] =	vst v4;
	v56 =	vbroadcast v54, $0xF  }
0x250: {  	v57 =	vld [tilespmem:s14+$0xB0];
	[tilespmem:s14+$0x50] =	vst v1;
	v1 =	vmul.f32 v50, v3  }
0x251: {  	[tilespmem:s14+$0x60] =	vst v55;
	v3 =	vld [tilespmem:s14+$0xC0];
	v58 =	vmul.f32 v51, v56  }
0x252: {  	v59 =	vld [tilespmem:s14+$0xD0];
	[tilespmem:s14+$0x70] =	vst v1;
	v1 =	vmul.f32 v52, v56  }
0x253: {  	v60 =	vld [tilespmem:s14+$0xE0];
	v61 =	vmul.f32 v53, v56;
	[tilespmem:s14+$0x80] =	vst v58  }
0x254: {  	v62 =	vld [tilespmem:s14+$0xF0];
	v2 =	vmul.f32 v63, v2;
	[tilespmem:s1+$0x90] =	vst v1  }
0x255: {  	s22 =	sadd.s32 $0x1, s22;
	v1 =	vmul.f32 v57, v56;
	[tilespmem:s1+$0xA0] =	vst v61  }
0x256: {  	p0 =	sne.s32 s22, $0x5;
	v3 =	vmul.f32 v3, v56;
	[tilespmem:s1+$0xFFFFFFF0] =	vst v2  }
.Ltmp7:
0x257: {  	[tilespmem:s1+$0xB0] =	vst v1;
	v1 =	vmul.f32 v59, v56;
	(pc) =	sbr.rel @p0 .LBB2_15-.Ltmp7, $4  }
0x258: {  	[tilespmem:s1+$0xC0] =	vst v3;
	v3 =	vmul.f32 v60, v56  }
0x259: {  	[tilespmem:s1+$0xD0] =	vst v1;
	v1 =	vmul.f32 v62, v56  }
0x25a: {  	[tilespmem:s1+$0xE0] =	vst v3  }
0x25b: {  	s5 =	sadd.s32 $0x800, s5;
	[tilespmem:s1+$0xF0] =	vst v1  }
0x25c: {  	v1 =	vld [tilespmem:$0x180]  }
0x25d: {  	v2 =	vld [tilespmem:$0x190]  }
0x25e: {  	v3 =	vld [tilespmem:$0x1A0]  }
0x25f: {  	v4 =	vld [tilespmem:$0x1B0]  }
0x260: {  	v5 =	vld [tilespmem:$0x1C0]  }
0x261: {  	[tilespmem:$0x280] =	vst v1  }
0x262: {  	[tilespmem:$0x290] =	vst v2  }
0x263: {  	[tilespmem:$0x2A0] =	vst v3  }
0x264: {  	s0 =	rddreg [dreg:$0xa];
	[tilespmem:$0x2B0] =	vst v4  }
0x265: {  	s1 =	simm.s32 $0x280;
	s0 =	sadd.s32 s15, s0;
	[tilespmem:$0x2C0] =	vst v5  }
0x266: {  	[spmem:s13] =	stream.indirect.scatter.add.f32 [tilespmem:s16], [sflag:$0x5], $0x80, s1, s30, $0xb8;
	[tilespmem:$0x1BE80] =	vst v63  }
0x267: {  	s5 =	simm.s32 $0x7B80;
	s0 =	sshrl.u32 s0, $0x3  }
0x268: {  	[spmem:s19] =	stream.indirect.scatter.add.f32 [tilespmem:s5], [sflag:$0x6], $0x1, s1, s30, $0xb8;
	[tilespmem:$0x1BE80] =	vst v63  }
0x269: {  	s4 =	simm.s32 $0x0;
	s0 =	sadd.s32 s12, s0  }
0x26a: {  	[hbm4b:s0+s4] =	stream.linear.scatter [tilespmem:s5], [sflag:$0x7], $0x50, $0x38;
	[tilespmem:$0x1BE80] =	vst v63  }
0x26b: {  	_ =	swait.ge [sflag:s3], $0x2800  }
0x26c: {  	[sflag:s3] =	ssyncset.done $0x0  }
0x26d: {  	s26 =	rddreg [dreg:$0x12];
	[sflag:s3] =	ssyncadd.s32 $0xFFFFD800  }
0x26e: {  	s0 =	sadd.s32 s15, s26;
	_ =	swait.ge [sflag:s10], $0x2800  }
0x26f: {  	p0 =	slt.s32 s0, $0x4E1B0;
	[sflag:s10] =	ssyncset.done $0x0  }
0x270: {  	s0 =	simm.s32 @!p0 $0x4E1B0;
	[sflag:s10] =	ssyncadd.s32 $0xFFFFD800  }
0x271: {  	s0 =	sshrl.u32 s0, $0x3;
	s29 =	rddreg [dreg:$0x2]  }
0x272: {  	s1 =	sadd.s32 s29, s0  }
0x273: {  	[tilespmem:s11], [sflag:$0x1] =	stream.linear.gather [hbm4b:s1+s4], $0x50, $0x38;
	[tilespmem:$0x1BE80] =	vst v63  }
0x274: {  	s0 =	sadd.s32 s9, s0  }
0x275: {  	[tilespmem:s20], [sflag:$0x1] =	stream.linear.gather [hbm4b:s0+s4], $0x50, $0x38;
	[tilespmem:$0x1BE80] =	vst v63  }
0x276: {  	_ =	swait.ge [sflag:s21], $0x2800  }
0x277: {  	[sflag:s21] =	ssyncset.done $0x0  }
0x278: {  	[sflag:s21] =	ssyncadd.s32 $0xFFFFD800  }
0x279: {  	_ =	swait.ge [sflag:s24], $0x50  }
0x27a: {  	[sflag:s24] =	ssyncset.done $0x0  }
0x27b: {  	[sflag:s24] =	ssyncadd.s32 $0xFFFFFFB0  }
0x27c: {  	_ =	swait.ge [sflag:s25], $0x50  }
0x27d: {  	[sflag:s25] =	ssyncset.done $0x0  }
0x27e: {  	s5 =	simm.s32 $0x2C00;
	s15 =	simm.s32 $0x400;
	[sflag:s25] =	ssyncadd.s32 $0xFFFFFFB0  }
0x27f: {  	[tilespmem:s16], [sflag:$0x4] =	stream.indirect.gather [hbm4b:s8+s30], $0x80, s4, s30, $0xb8;
	[tilespmem:$0x1BE80] =	vst v63  }
.LBB2_19:
0x280: {  	v3 =	vld [tilespmem:s15+$0x70]  }
0x281: {  	v21 =	vld [tilespmem:s5+$0x70]  }
0x282: {  	v12 =	vld [tilespmem:s15+$0xFFFFFFF0]  }
0x283: {  	v24 =	vld [tilespmem:s5+$0xFFFFFFF0]  }
0x284: {  	v1 =	vld [tilespmem:s15+$0xE0]  }
0x285: {  	v2 =	vld [tilespmem:s15+$0xFFFFFF70]  }
0x286: {  	v30 =	vld [tilespmem:s15+$0x60]  }
0x287: {  	v45 =	vld [tilespmem:s5+$0x60]  }
0x288: {  	v46 =	vld [tilespmem:s15+$0xFFFFFFE0]  }
0x289: {  	v47 =	vld [tilespmem:s5+$0xFFFFFFE0]  }
0x28a: {  	v4 =	vld [tilespmem:s15+$0xD0]  }
0x28b: {  	v5 =	vld [tilespmem:s15+$0xFFFFFF60]  }
0x28c: {  	v15 =	vld [tilespmem:s15+$0x50]  }
0x28d: {  	v18 =	vld [tilespmem:s5+$0x50]  }
0x28e: {  	v13 =	vld [tilespmem:s15+$0xFFFFFFD0]  }
0x28f: {  	v14 =	vld [tilespmem:s5+$0xFFFFFFD0]  }
0x290: {  	v6 =	vld [tilespmem:s15+$0xC0]  }
0x291: {  	v7 =	vld [tilespmem:s15+$0xFFFFFF50]  }
0x292: {  	v17 =	vld [tilespmem:s15+$0x40]  }
0x293: {  	v19 =	vld [tilespmem:s5+$0x40]  }
0x294: {  	v10 =	vld [tilespmem:s15+$0xFFFFFFC0]  }
0x295: {  	v16 =	vld [tilespmem:s5+$0xFFFFFFC0]  }
0x296: {  	v8 =	vld [tilespmem:s15+$0xB0]  }
0x297: {  	v9 =	vld [tilespmem:s15+$0xFFFFFF40]  }
0x298: {  	v28 =	vld [tilespmem:s15+$0x30]  }
0x299: {  	v29 =	vld [tilespmem:s5+$0x30]  }
0x29a: {  	v22 =	vld [tilespmem:s15+$0xFFFFFFB0]  }
0x29b: {  	v23 =	vld [tilespmem:s5+$0xFFFFFFB0]  }
0x29c: {  	v11 =	vld [tilespmem:s15+$0xA0]  }
0x29d: {  	v20 =	vld [tilespmem:s15+$0xFFFFFF30]  }
0x29e: {  	v33 =	vld [tilespmem:s15+$0x20]  }
0x29f: {  	v34 =	vld [tilespmem:s5+$0x20]  }
0x2a0: {  	v31 =	vld [tilespmem:s15+$0xFFFFFFA0]  }
0x2a1: {  	v32 =	vld [tilespmem:s5+$0xFFFFFFA0]  }
0x2a2: {  	v25 =	vld [tilespmem:s15+$0x80]  }
0x2a3: {  	v26 =	vld [tilespmem:s5+$0x80]  }
0x2a4: {  	v27 =	vld [tilespmem:s15+$0x90]  }
0x2a5: {  	v42 =	vld [tilespmem:s15+$0x0]  }
0x2a6: {  	v43 =	vld [tilespmem:s5+$0x0]  }
0x2a7: {  	v44 =	vld [tilespmem:s15+$0x10]  }
0x2a8: {  	v48 =	vld [tilespmem:s5+$0x10]  }
0x2a9: {  	v38 =	vld [tilespmem:s15+$0xFFFFFF80]  }
0x2aa: {  	v39 =	vld [tilespmem:s5+$0xFFFFFF80]  }
0x2ab: {  	v40 =	vld [tilespmem:s15+$0xFFFFFF90]  }
0x2ac: {  	v41 =	vld [tilespmem:s5+$0xFFFFFF90]  }
0x2ad: {  	v35 =	vld [tilespmem:s15+$0xFFFFFF00]  }
0x2ae: {  	v36 =	vld [tilespmem:s5+$0xFFFFFF00];
	v12 =	vmul.f32 v24, v12;
	v21 =	vmul.f32 v21, v3  }
0x2af: {  	v37 =	vld [tilespmem:s15+$0xFFFFFF10];
	s14 =	simm.s32 $0x4;
	v43 =	vmul.f32 v43, v42;
	v44 =	vmul.f32 v48, v44  }
0x2b0: {  	s26 =	smov.u32 s15;
	s23 =	smov.u32 s5;
	s22 =	simm.s32 $0x0;
	v3 =	vimm.f32 $0.0e+00;
	v42 =	vld [tilespmem:s5+$0xFFFFFF10];
	v24 =	vmul.f32 v47, v46;
	v30 =	vmul.f32 v45, v30  }
.LBB2_20:
0x2b1: {  	p0 =	slt.u32 s14, $0xC;
	v45 =	vld [tilespmem:s26+$0xFFFFFF20];
	v43 =	vadd.f32 v44, v43;
	v33 =	vmul.f32 v34, v33;
	v15 =	vmul.f32 v18, v15  }
0x2b2: {  	v34 =	vmul.f32 v39, v38;
	v38 =	vmul.f32 v41, v40;
	v18 =	vld [tilespmem:s23+$0xFFFFFF20]  }
0x2b3: {  	v13 =	vmul.f32 v14, v13;
	v28 =	vmul.f32 v29, v28;
	v14 =	vadd.f32 v33, v43;
	v29 =	vld [tilespmem:s23+$0x90]  }
0x2b4: {  	v31 =	vmul.f32 v32, v31;
	v17 =	vmul.f32 v19, v17;
	v34 =	vadd.f32 v38, v34;
	v33 =	vld [tilespmem:s23+$0xFFFFFF30]  }
0x2b5: {  	v19 =	vmul.f32 v36, v35;
	v32 =	vmul.f32 v42, v37;
	v14 =	vadd.f32 v28, v14;
	v28 =	vld [tilespmem:s23+$0xA0]  }
0x2b6: {  	v22 =	vmul.f32 v23, v22;
	v10 =	vmul.f32 v16, v10;
	v31 =	vadd.f32 v31, v34;
	v35 =	vld [tilespmem:s23+$0xFFFFFF40]  }
0x2b7: {  	v16 =	vadd.f32 v32, v19;
	v18 =	vmul.f32 v18, v45;
	v14 =	vadd.f32 v17, v14;
	v17 =	vld [tilespmem:s23+$0xB0]  }
0x2b8: {  	v23 =	vmul.f32 v26, v25;
	v22 =	vadd.f32 v22, v31;
	v19 =	vld [tilespmem:s23+$0xFFFFFF50];
	v25 =	vmul.f32 v29, v27  }
0x2b9: {  	v16 =	vadd.f32 v18, v16;
	v18 =	vmul.f32 v33, v20;
	v14 =	vadd.f32 v15, v14;
	v15 =	vld [tilespmem:s23+$0xC0]  }
0x2ba: {  	v10 =	vadd.f32 v10, v22;
	v20 =	vld [tilespmem:s23+$0xFFFFFF60];
	v22 =	vadd.f32 v25, v23;
	v11 =	vmul.f32 v28, v11  }
0x2bb: {  	v16 =	vadd.f32 v18, v16;
	v9 =	vmul.f32 v35, v9;
	v14 =	vadd.f32 v30, v14;
	v18 =	vld [tilespmem:s23+$0xD0]  }
0x2bc: {  	v10 =	vadd.f32 v13, v10;
	v23 =	vld [tilespmem:s23+$0xFFFFFF70];
	v11 =	vadd.f32 v11, v22;
	v8 =	vmul.f32 v17, v8  }
0x2bd: {  	v9 =	vadd.f32 v9, v16;
	v7 =	vmul.f32 v19, v7;
	v13 =	vadd.f32 v21, v14;
	v14 =	vld [tilespmem:s23+$0xE0]  }
0x2be: {  	v10 =	vadd.f32 v24, v10;
	v8 =	vadd.f32 v8, v11;
	v6 =	vmul.f32 v15, v6;
	v11 =	vld [tilespmem:s26+$0xF0]  }
0x2bf: {  	s26 =	sadd.s32 $0x200, s26;
	v7 =	vadd.f32 v7, v9;
	v5 =	vmul.f32 v20, v5;
	v9 =	vld [tilespmem:s23+$0xF0];
	(xrf2) =	vadd.scan.msk.f32 $0xffff, v13  }
0x2c0: {  	v10 =	vadd.f32 v12, v10;
	s23 =	sadd.s32 $0x200, s23;
	v21 =	vld [tilespmem:s26+$0x70];
	v6 =	vadd.f32 v6, v8;
	v4 =	vmul.f32 v18, v4  }
0x2c1: {  	v24 =	vld [tilespmem:s23+$0x70];
	v5 =	vadd.f32 v5, v7;
	v2 =	vmul.f32 v23, v2  }
0x2c2: {  	v12 =	vld [tilespmem:s26+$0xFFFFFFF0];
	v4 =	vadd.f32 v4, v6;
	v6 =	vmul.f32 v14, v1;
	(xrf2) =	vadd.scan.msk.f32 $0xffff, v10  }
0x2c3: {  	v30 =	vld [tilespmem:s23+$0xFFFFFFF0];
	v5 =	vadd.f32 v2, v5  }
0x2c4: {  	v1 =	vld [tilespmem:s26+$0xE0];
	v4 =	vadd.f32 v6, v4;
	v6 =	vmul.f32 v9, v11  }
0x2c5: {  	v2 =	vld [tilespmem:s26+$0xFFFFFF70];
	(xrf2) =	vadd.scan.msk.f32 $0xffff, v5  }
0x2c6: {  	v45 =	vld [tilespmem:s26+$0x60];
	v4 =	vadd.f32 v6, v4  }
0x2c7: {  	v46 =	vld [tilespmem:s23+$0x60]  }
0x2c8: {  	v47 =	vld [tilespmem:s26+$0xFFFFFFE0];
	(xrf2) =	vadd.scan.msk.f32 $0xffff, v4  }
0x2c9: {  	v48 =	vld [tilespmem:s23+$0xFFFFFFE0];
	v8, _, _ =	vpop (xrf2)  }
0x2ca: {  	v4 =	vld [tilespmem:s26+$0xD0]  }
0x2cb: {  	v5 =	vld [tilespmem:s26+$0xFFFFFF60]  }
0x2cc: {  	v15 =	vld [tilespmem:s26+$0x50];
	v9, _, _ =	vpop (xrf2)  }
0x2cd: {  	v18 =	vld [tilespmem:s23+$0x50]  }
0x2ce: {  	v13 =	vld [tilespmem:s26+$0xFFFFFFD0]  }
0x2cf: {  	s0 =	sadd.s32 $0x2, s22;
	s1 =	sadd.s32 $0x3, s22;
	v10 =	vmov s22;
	v14 =	vld [tilespmem:s23+$0xFFFFFFD0];
	v7, _, _ =	vpop (xrf2)  }
0x2d0: {  	s29 =	sadd.s32 $0x1, s22;
	v16 =	vmov s0;
	v20 =	vmov s1;
	s22 =	smov.u32 s14;
	v6 =	vld [tilespmem:s26+$0xC0];
	v11 =	vbroadcast v7, $0xF  }
0x2d1: {  	v19 =	vmov s29;
	vm0 =	veq.s32 v10, v0;
	v9 =	vbroadcast v9, $0xF;
	v7 =	vld [tilespmem:s26+$0xFFFFFF50]  }
0x2d2: {  	v8 =	vbroadcast v8, $0xF;
	v17 =	vld [tilespmem:s26+$0x40];
	v3 =	vsel vm0, v11, v3;
	vm0 =	veq.s32 v19, v0;
	v10, _, _ =	vpop (xrf2)  }
0x2d3: {  	v19 =	vld [tilespmem:s23+$0x40];
	v3 =	vsel vm0, v9, v3;
	vm0 =	veq.s32 v16, v0;
	v9 =	vbroadcast v10, $0xF  }
0x2d4: {  	v10 =	vld [tilespmem:s26+$0xFFFFFFC0];
	v3 =	vsel vm0, v8, v3;
	vm0 =	veq.s32 v20, v0  }
0x2d5: {  	v16 =	vld [tilespmem:s23+$0xFFFFFFC0];
	v3 =	vsel vm0, v9, v3  }
0x2d6: {  	v8 =	vld [tilespmem:s26+$0xB0]  }
0x2d7: {  	v9 =	vld [tilespmem:s26+$0xFFFFFF40]  }
0x2d8: {  	v28 =	vld [tilespmem:s26+$0x30]  }
0x2d9: {  	v29 =	vld [tilespmem:s23+$0x30]  }
0x2da: {  	v22 =	vld [tilespmem:s26+$0xFFFFFFB0]  }
0x2db: {  	v23 =	vld [tilespmem:s23+$0xFFFFFFB0]  }
0x2dc: {  	v11 =	vld [tilespmem:s26+$0xA0]  }
0x2dd: {  	v20 =	vld [tilespmem:s26+$0xFFFFFF30]  }
0x2de: {  	v33 =	vld [tilespmem:s26+$0x20]  }
0x2df: {  	v34 =	vld [tilespmem:s23+$0x20]  }
0x2e0: {  	v31 =	vld [tilespmem:s26+$0xFFFFFFA0]  }
0x2e1: {  	v32 =	vld [tilespmem:s23+$0xFFFFFFA0]  }
0x2e2: {  	v25 =	vld [tilespmem:s26+$0x80]  }
0x2e3: {  	v26 =	vld [tilespmem:s23+$0x80]  }
0x2e4: {  	v27 =	vld [tilespmem:s26+$0x90]  }
0x2e5: {  	v42 =	vld [tilespmem:s26+$0x0]  }
0x2e6: {  	v43 =	vld [tilespmem:s23+$0x0]  }
0x2e7: {  	v44 =	vld [tilespmem:s26+$0x10]  }
0x2e8: {  	v49 =	vld [tilespmem:s23+$0x10]  }
0x2e9: {  	v38 =	vld [tilespmem:s26+$0xFFFFFF80]  }
0x2ea: {  	v39 =	vld [tilespmem:s23+$0xFFFFFF80]  }
0x2eb: {  	v40 =	vld [tilespmem:s26+$0xFFFFFF90]  }
.Ltmp8:
0x2ec: {  	v41 =	vld [tilespmem:s23+$0xFFFFFF90];
	(pc) =	sbr.rel @p0 .LBB2_20-.Ltmp8, $4  }
0x2ed: {  	v35 =	vld [tilespmem:s26+$0xFFFFFF00]  }
0x2ee: {  	v21 =	vmul.f32 v24, v21;
	v12 =	vmul.f32 v30, v12;
	v36 =	vld [tilespmem:s23+$0xFFFFFF00]  }
0x2ef: {  	v43 =	vmul.f32 v43, v42;
	v44 =	vmul.f32 v49, v44;
	v37 =	vld [tilespmem:s26+$0xFFFFFF10]  }
0x2f0: {  	s14 =	sadd.s32 $0x4, s14;
	v30 =	vmul.f32 v46, v45;
	v24 =	vmul.f32 v48, v47;
	v42 =	vld [tilespmem:s23+$0xFFFFFF10]  }
0x2f1: {  	v45 =	vld [tilespmem:s26+$0xFFFFFF20];
	v33 =	vmul.f32 v34, v33;
	v15 =	vmul.f32 v18, v15  }
0x2f2: {  	v54 =	vld [tilespmem:s23+$0xFFFFFF20];
	v55 =	vmul.f32 v39, v38;
	v56 =	vmul.f32 v41, v40  }
0x2f3: {  	v57 =	vld [tilespmem:s23+$0x90];
	v13 =	vmul.f32 v14, v13;
	v28 =	vmul.f32 v29, v28  }
0x2f4: {  	v59 =	vld [tilespmem:s23+$0xFFFFFF30];
	v31 =	vmul.f32 v32, v31;
	v17 =	vmul.f32 v19, v17  }
0x2f5: {  	v43 =	vadd.f32 v44, v43;
	v63 =	vld [tilespmem:s23+$0xA0];
	v61 =	vmul.f32 v36, v35;
	v62 =	vmul.f32 v42, v37  }
0x2f6: {  	v40 =	vld [tilespmem:s23+$0xFFFFFF40];
	v22 =	vmul.f32 v23, v22;
	v25 =	vmul.f32 v26, v25;
	v60 =	vadd.f32 v56, v55  }
0x2f7: {  	v58 =	vadd.f32 v33, v43;
	v42 =	vld [tilespmem:s23+$0xB0];
	v18 =	vmul.f32 v54, v45;
	v41 =	vadd.f32 v62, v61  }
0x2f8: {  	v10 =	vmul.f32 v16, v10;
	v43 =	vld [tilespmem:s23+$0xFFFFFF50];
	v31 =	vadd.f32 v31, v60;
	v44 =	vmul.f32 v57, v27  }
0x2f9: {  	v47 =	vld [tilespmem:s23+$0xC0];
	v14 =	vadd.f32 v28, v58;
	v46 =	vmul.f32 v59, v20;
	v45 =	vadd.f32 v18, v41  }
0x2fa: {  	v48 =	vld [tilespmem:s23+$0xFFFFFF60];
	v11 =	vmul.f32 v63, v11;
	v22 =	vadd.f32 v22, v31;
	v25 =	vadd.f32 v44, v25  }
0x2fb: {  	v49 =	vld [tilespmem:s23+$0xD0];
	v9 =	vmul.f32 v40, v9;
	v14 =	vadd.f32 v17, v14;
	v16 =	vadd.f32 v46, v45  }
0x2fc: {  	v50 =	vld [tilespmem:s23+$0xFFFFFF70];
	v10 =	vadd.f32 v10, v22;
	v11 =	vadd.f32 v11, v25;
	v8 =	vmul.f32 v42, v8  }
0x2fd: {  	v51 =	vld [tilespmem:s23+$0xE0];
	v7 =	vmul.f32 v43, v7;
	v14 =	vadd.f32 v15, v14;
	v9 =	vadd.f32 v9, v16  }
0x2fe: {  	v52 =	vld [tilespmem:s26+$0xF0];
	v6 =	vmul.f32 v47, v6;
	v10 =	vadd.f32 v13, v10;
	v8 =	vadd.f32 v8, v11  }
0x2ff: {  	v5 =	vmul.f32 v48, v5;
	v54 =	vld [tilespmem:s23+$0xF0];
	v53 =	vadd.f32 v30, v14;
	v7 =	vadd.f32 v7, v9  }
0x300: {  	v4 =	vmul.f32 v49, v4;
	v10 =	vadd.f32 v24, v10;
	v6 =	vadd.f32 v6, v8  }
0x301: {  	v2 =	vmul.f32 v50, v2;
	v55 =	vadd.f32 v21, v53;
	v5 =	vadd.f32 v5, v7  }
0x302: {  	v1 =	vmul.f32 v51, v1;
	v56 =	vadd.f32 v12, v10;
	v4 =	vadd.f32 v4, v6  }
0x303: {  	(xrf2) =	vadd.scan.msk.f32 $0xffff, v55;
	v2 =	vadd.f32 v2, v5  }
0x304: {  	v57 =	vmul.f32 v54, v52;
	(xrf2) =	vadd.scan.msk.f32 $0xffff, v56;
	v1 =	vadd.f32 v1, v4  }
0x305: {  	(xrf2) =	vadd.scan.msk.f32 $0xffff, v2  }
0x306: {  	v1 =	vadd.f32 v57, v1;
	_ =	sdelay $0x1  }
0x307: {  	(xrf2) =	vadd.scan.msk.f32 $0xffff, v1;
	_ =	sdelay $0x4  }
0x308: {  	v1, _, _ =	vpop (xrf2)  }
0x309: {  	v2, _, _ =	vpop (xrf2)  }
0x30a: {  	s0 =	sadd.s32 $0x2, s22;
	v58 =	vmov s22;
	v59, _, _ =	vpop (xrf2)  }
0x30b: {  	s14 =	sadd.s32 $0x1, s22;
	v60 =	vmov s0;
	vm0 =	veq.s32 v58, v0;
	v5 =	vbroadcast v59, $0xF  }
0x30c: {  	vm14 =	veq.s32 v60, v0;
	v62 =	vmov s14;
	v2 =	vbroadcast v2, $0xF  }
0x30d: {  	s1 =	sadd.s32 $0x3, s22;
	vm13 =	veq.s32 v62, v0;
	v1 =	vbroadcast v1, $0xF;
	v63, _, _ =	vpop (xrf2);
	v3 =	vsel vm0, v5, v3  }
0x30e: {  	v61 =	vmov s1;
	v2 =	vsel vm13, v2, v3;
	v3 =	vbroadcast v63, $0xF  }
0x30f: {  	vm15 =	veq.s32 v61, v0;
	v1 =	vsel vm14, v1, v2  }
0x310: {  	v1 =	vsel vm15, v3, v1  }
0x311: {  	v1 =	vmul.f32 $8.838834610e-02, v1;
	_ =	sdelay $0x1  }
0x312: {  	v1 =	vmul.f32 $1.442695020e+00, v1;
	_ =	sdelay $0x1  }
0x313: {  	(erf) = vpow2.f32 v1;
	_ =	sdelay $0x3  }
0x314: {  	s29 =	sshll.u32 s4, $0x4;
	s4 =	sadd.s32 $0x1, s4  }
0x315: {  	p0 =	sne.s32 s4, $0x5  }
.Ltmp9:
0x316: {  	_ = 	snop;
	(pc) =	sbr.rel @p0 .LBB2_19-.Ltmp9, $3  }
0x317: {  	_ =	sdelay $0x1  }
0x318: {  	s0 =	sand.u32 $0x3FFFFFF0, s29;
	v1 =	vpop (erf)  }
0x319: {  	s5 =	sadd.s32 $0x800, s5;
	s15 =	sadd.s32 $0x800, s15;
	[tilespmem:s0+$0x7B00] =	vst v1  }
0x31a: {  	_ =	swait.ge [sflag:s17], $0x50  }
0x31b: {  	[sflag:s17] =	ssyncset.done $0x0  }
0x31c: {  	[sflag:s17] =	ssyncadd.s32 $0xFFFFFFB0  }
0x31d: {  	_ =	swait.ge [sflag:s17], $0x50  }
0x31e: {  	[sflag:s17] =	ssyncset.done $0x0  }
0x31f: {  	s0 =	simm.s32 $0x300;
	[sflag:s17] =	ssyncadd.s32 $0xFFFFFFB0  }
0x320: {  	[tilespmem:s0], [sflag:$0x2] =	stream.indirect.gather [hbm4b:s31+s30], $0x80, s11, s30, $0xb8;
	[tilespmem:$0x1BE80] =	vst v63  }
0x321: {  	s29 =	simm.s32 $0x2B00  }
0x322: {  	[tilespmem:s29], [sflag:$0x3] =	stream.indirect.gather [hbm4b:s7+s30], $0x80, s20, s30, $0xb8;
	[tilespmem:$0x1BE80] =	vst v63  }
0x323: {  	_ =	swait.ge [sflag:s18], $0x2800  }
0x324: {  	s4 =	simm.s32 $0x0;
	[sflag:s18] =	ssyncset.done $0x0  }
0x325: {  	s5 =	simm.s32 $0x5400;
	s15 =	simm.s32 $0x0;
	[sflag:s18] =	ssyncadd.s32 $0xFFFFD800  }
.LBB2_23:
0x326: {  	s0 =	sshll.u32 s15, $0x4  }
0x327: {  	v1 =	vld [tilespmem:s0+$0x7B00];
	_ =	sdelay $0x2  }
0x328: {  	v2 =	vmov s4  }
0x329: {  	vm0 =	veq.s32 v2, v0  }
0x32a: {  	v2 =	vnsel vm0, $0x0, v1  }
0x32b: {  	(xrf2) =	vadd.scan.msk.f32 $0xffff, v2;
	_ =	sdelay $0x3  }
0x32c: {  	s23 =	simm.s32 $0x1  }
0x32d: {  	v2 =	vmov s23  }
0x32e: {  	vm13 =	veq.s32 v2, v0  }
0x32f: {  	v2 =	vnsel vm13, $0x0, v1  }
0x330: {  	(xrf2) =	vadd.scan.msk.f32 $0xffff, v2;
	v2 =	vld [tilespmem:s5+$0xFFFFFF10]  }
0x331: {  	v3 =	vld [tilespmem:s5+$0xFFFFFF00]  }
0x332: {  	v6 =	vld [tilespmem:s5+$0xFFFFFF30];
	v5, _, _ =	vpop (xrf2)  }
0x333: {  	v4 =	vld [tilespmem:s5+$0xFFFFFF20];
	v5 =	vbroadcast v5, $0xF;
	_ =	sdelay $0x1  }
0x334: {  	s26 =	simm.s32 $0x2;
	v7 =	vld [tilespmem:s5+$0xFFFFFF40];
	v2 =	vmul.f32 v2, v5  }
0x335: {  	v8 =	vmov s26;
	v3 =	vmul.f32 v3, v5  }
0x336: {  	vm14 =	veq.s32 v8, v0;
	v8 =	vld [tilespmem:s5+$0xFFFFFF60];
	[tilespmem:s5+$0xFFFFFF10] =	vst v2;
	v2 =	vmul.f32 v6, v5  }
0x337: {  	v9 =	vld [tilespmem:s5+$0xFFFFFF50];
	[tilespmem:s5+$0xFFFFFF00] =	vst v3;
	v3 =	vmul.f32 v4, v5  }
0x338: {  	v10 =	vnsel vm14, $0x0, v1;
	v6 =	vld [tilespmem:s5+$0xFFFFFF80]  }
0x339: {  	(xrf2) =	vadd.scan.msk.f32 $0xffff, v10;
	v10 =	vld [tilespmem:s5+$0xFFFFFFA0];
	[tilespmem:s5+$0xFFFFFF20] =	vst v3;
	v3 =	vmul.f32 v7, v5  }
0x33a: {  	v4 =	vld [tilespmem:s5+$0xFFFFFF70];
	[tilespmem:s5+$0xFFFFFF30] =	vst v2;
	v2, _, _ =	vpop (xrf2)  }
0x33b: {  	v7 =	vld [tilespmem:s5+$0xFFFFFF90];
	[tilespmem:s5+$0xFFFFFF40] =	vst v3;
	v3 =	vmul.f32 v8, v5;
	v2 =	vbroadcast v2, $0xF;
	_ =	sdelay $0x1  }
0x33c: {  	[tilespmem:s5+$0xFFFFFF60] =	vst v3;
	v3 =	vmul.f32 v6, v2  }
0x33d: {  	v9 =	vmul.f32 v9, v5  }
0x33e: {  	s29 =	simm.s32 $0x3;
	v8 =	vld [tilespmem:s5+$0xFFFFFFB0];
	[tilespmem:s5+$0xFFFFFF80] =	vst v3;
	v3 =	vmul.f32 v10, v2  }
0x33f: {  	[tilespmem:s5+$0xFFFFFF50] =	vst v9;
	v9 =	vld [tilespmem:s5+$0xFFFFFFC0];
	v4 =	vmul.f32 v4, v5;
	v6 =	vmul.f32 v7, v2;
	v7 =	vmov s29  }
0x340: {  	v11 =	vld [tilespmem:s5+$0xFFFFFFD0];
	vm15 =	veq.s32 v7, v0  }
0x341: {  	[tilespmem:s5+$0xFFFFFF70] =	vst v4;
	v4 =	vld [tilespmem:s5+$0xFFFFFFE0];
	v10 =	vnsel vm15, $0x0, v1  }
0x342: {  	v5 =	vld [tilespmem:s5+$0x0];
	[tilespmem:s5+$0xFFFFFFA0] =	vst v3;
	v3, _, _ =	vpop (xrf2);
	(xrf2) =	vadd.scan.msk.f32 $0xffff, v10  }
0x343: {  	[tilespmem:s5+$0xFFFFFF90] =	vst v6;
	v8 =	vmul.f32 v8, v2;
	v6 =	vld [tilespmem:s5+$0x10]  }
0x344: {  	v9 =	vmul.f32 v9, v2;
	v7 =	vld [tilespmem:s5+$0x20]  }
0x345: {  	s22 =	simm.s32 $0x4;
	s14 =	smov.u32 s5;
	s1 =	smov.u32 s5;
	[tilespmem:s5+$0xFFFFFFB0] =	vst v8;
	v8 =	vld [tilespmem:s5+$0x30];
	v10 =	vmul.f32 v11, v2;
	v3 =	vbroadcast v3, $0xF  }
.LBB2_24:
0x346: {  	p0 =	slt.u32 s22, $0xC;
	[tilespmem:s14+$0xFFFFFFC0] =	vst v9;
	v4 =	vmul.f32 v4, v2;
	v9 =	vld [tilespmem:s14+$0x40]  }
0x347: {  	[tilespmem:s14+$0xFFFFFFD0] =	vst v10;
	v5 =	vmul.f32 v5, v3;
	v10 =	vld [tilespmem:s14+$0x50]  }
0x348: {  	v11 =	vmov s22;
	[tilespmem:s14+$0xFFFFFFE0] =	vst v4;
	v4 =	vmul.f32 v6, v3;
	v6 =	vld [tilespmem:s14+$0x60]  }
0x349: {  	vm0 =	veq.s32 v11, v0;
	[tilespmem:s14+$0x0] =	vst v5;
	v5 =	vmul.f32 v7, v3;
	v7 =	vld [tilespmem:s14+$0x70]  }
0x34a: {  	v12 =	vnsel vm0, $0x0, v1;
	[tilespmem:s14+$0x10] =	vst v4;
	v4 =	vmul.f32 v8, v3;
	v8 =	vld [tilespmem:s14+$0x80]  }
0x34b: {  	(xrf2) =	vadd.scan.msk.f32 $0xffff, v12;
	[tilespmem:s14+$0x20] =	vst v5;
	v5 =	vmul.f32 v9, v3;
	v9 =	vld [tilespmem:s14+$0x90]  }
0x34c: {  	[tilespmem:s14+$0x30] =	vst v4;
	v4 =	vmul.f32 v10, v3;
	v10 =	vld [tilespmem:s14+$0xA0];
	v11, _, _ =	vpop (xrf2)  }
0x34d: {  	[tilespmem:s14+$0x40] =	vst v5;
	v5 =	vmul.f32 v6, v3;
	v6 =	vbroadcast v11, $0xF;
	v11 =	vld [tilespmem:s14+$0xB0]  }
0x34e: {  	[tilespmem:s14+$0x50] =	vst v4;
	v3 =	vmul.f32 v7, v3;
	v4 =	vld [tilespmem:s14+$0xC0]  }
0x34f: {  	s0 =	sadd.s32 $0x1, s22;
	[tilespmem:s14+$0x60] =	vst v5;
	v5 =	vmul.f32 v8, v6;
	v7 =	vld [tilespmem:s14+$0xD0]  }
0x350: {  	v8 =	vmov s0;
	[tilespmem:s14+$0x70] =	vst v3;
	v3 =	vmul.f32 v9, v6;
	v9 =	vld [tilespmem:s14+$0xE0]  }
0x351: {  	vm0 =	veq.s32 v8, v0;
	[tilespmem:s14+$0x80] =	vst v5;
	v5 =	vmul.f32 v10, v6;
	v8 =	vld [tilespmem:s14+$0xF0]  }
0x352: {  	v10 =	vnsel vm0, $0x0, v1;
	s14 =	sadd.s32 $0x200, s14;
	v12 =	vld [tilespmem:s1+$0xFFFFFFF0];
	[tilespmem:s1+$0x90] =	vst v3;
	v3 =	vmul.f32 v11, v6  }
0x353: {  	v11 =	vld [tilespmem:s14+$0xFFFFFF00];
	(xrf2) =	vadd.scan.msk.f32 $0xffff, v10;
	[tilespmem:s1+$0xA0] =	vst v5;
	v4 =	vmul.f32 v4, v6  }
0x354: {  	v5 =	vld [tilespmem:s14+$0xFFFFFF10];
	[tilespmem:s1+$0xB0] =	vst v3;
	v3 =	vmul.f32 v7, v6  }
0x355: {  	v7 =	vld [tilespmem:s14+$0xFFFFFF20];
	v10, _, _ =	vpop (xrf2);
	[tilespmem:s1+$0xC0] =	vst v4;
	v4 =	vmul.f32 v9, v6  }
0x356: {  	s0 =	sadd.s32 $0x2, s22;
	v9 =	vbroadcast v10, $0xF;
	v10 =	vld [tilespmem:s14+$0xFFFFFF30];
	[tilespmem:s1+$0xD0] =	vst v3;
	v3 =	vmul.f32 v8, v6  }
0x357: {  	v8 =	vmov s0;
	v6 =	vld [tilespmem:s14+$0xFFFFFF40];
	v2 =	vmul.f32 v12, v2;
	[tilespmem:s1+$0xE0] =	vst v4  }
0x358: {  	vm0 =	veq.s32 v8, v0;
	v4 =	vmul.f32 v11, v9;
	v11 =	vld [tilespmem:s14+$0xFFFFFF50];
	[tilespmem:s1+$0xF0] =	vst v3  }
0x359: {  	v8 =	vnsel vm0, $0x0, v1;
	v3 =	vmul.f32 v5, v9;
	v5 =	vld [tilespmem:s14+$0xFFFFFF60];
	[tilespmem:s1+$0xFFFFFFF0] =	vst v2;
	s1 =	smov.u32 s14  }
0x35a: {  	[tilespmem:s14+$0xFFFFFF00] =	vst v4;
	v2 =	vmul.f32 v7, v9;
	v4 =	vld [tilespmem:s14+$0xFFFFFF70];
	(xrf2) =	vadd.scan.msk.f32 $0xffff, v8  }
0x35b: {  	[tilespmem:s14+$0xFFFFFF10] =	vst v3;
	v3 =	vmul.f32 v10, v9;
	v7 =	vld [tilespmem:s14+$0xFFFFFF80]  }
0x35c: {  	[tilespmem:s14+$0xFFFFFF20] =	vst v2;
	v2 =	vmul.f32 v6, v9;
	v6 =	vld [tilespmem:s14+$0xFFFFFF90]  }
0x35d: {  	[tilespmem:s14+$0xFFFFFF30] =	vst v3;
	v3 =	vmul.f32 v11, v9;
	v8 =	vld [tilespmem:s14+$0xFFFFFFA0];
	v10, _, _ =	vpop (xrf2)  }
0x35e: {  	s0 =	sadd.s32 $0x3, s22;
	[tilespmem:s14+$0xFFFFFF40] =	vst v2;
	v5 =	vmul.f32 v5, v9;
	v2 =	vbroadcast v10, $0xF;
	v10 =	vld [tilespmem:s14+$0xFFFFFFB0]  }
0x35f: {  	[tilespmem:s14+$0xFFFFFF50] =	vst v3;
	v3 =	vmul.f32 v4, v9;
	v9 =	vld [tilespmem:s14+$0xFFFFFFC0];
	v4 =	vmov s0  }
0x360: {  	[tilespmem:s14+$0xFFFFFF60] =	vst v5;
	v5 =	vmul.f32 v7, v2;
	v11 =	vld [tilespmem:s14+$0xFFFFFFD0];
	vm0 =	veq.s32 v4, v0  }
.Ltmp10:
0x361: {  	[tilespmem:s14+$0xFFFFFF70] =	vst v3;
	v3 =	vmul.f32 v6, v2;
	v4 =	vld [tilespmem:s14+$0xFFFFFFE0];
	v6 =	vnsel vm0, $0x0, v1;
	(pc) =	sbr.rel @p0 .LBB2_24-.Ltmp10, $4  }
0x362: {  	[tilespmem:s14+$0xFFFFFF80] =	vst v5;
	v7 =	vmul.f32 v8, v2;
	v5 =	vld [tilespmem:s14+$0x0];
	(xrf2) =	vadd.scan.msk.f32 $0xffff, v6  }
0x363: {  	[tilespmem:s14+$0xFFFFFF90] =	vst v3;
	v3 =	vmul.f32 v10, v2;
	v6 =	vld [tilespmem:s14+$0x10]  }
0x364: {  	[tilespmem:s14+$0xFFFFFFA0] =	vst v7;
	v9 =	vmul.f32 v9, v2;
	v7 =	vld [tilespmem:s14+$0x20];
	v8, _, _ =	vpop (xrf2)  }
0x365: {  	s22 =	sadd.s32 $0x4, s22;
	[tilespmem:s14+$0xFFFFFFB0] =	vst v3;
	v10 =	vmul.f32 v11, v2;
	v3 =	vbroadcast v8, $0xF;
	v8 =	vld [tilespmem:s14+$0x30]  }
0x366: {  	[tilespmem:s14+$0xFFFFFFC0] =	vst v9;
	v1 =	vmul.f32 v4, v2;
	v46 =	vld [tilespmem:s14+$0x40]  }
0x367: {  	v47 =	vld [tilespmem:s14+$0x50];
	[tilespmem:s14+$0xFFFFFFD0] =	vst v10;
	v5 =	vmul.f32 v5, v3  }
0x368: {  	v48 =	vld [tilespmem:s14+$0x60];
	[tilespmem:s14+$0xFFFFFFE0] =	vst v1;
	v1 =	vmul.f32 v6, v3  }
0x369: {  	v50 =	vld [tilespmem:s14+$0x70];
	[tilespmem:s14+$0x0] =	vst v5;
	v49 =	vmul.f32 v7, v3  }
0x36a: {  	v51 =	vld [tilespmem:s14+$0x80];
	[tilespmem:s14+$0x10] =	vst v1;
	v1 =	vmul.f32 v8, v3  }
0x36b: {  	v52 =	vld [tilespmem:s14+$0x90];
	[tilespmem:s14+$0x20] =	vst v49;
	v4 =	vmul.f32 v46, v3  }
0x36c: {  	v53 =	vld [tilespmem:s14+$0xA0];
	[tilespmem:s14+$0x30] =	vst v1;
	v1 =	vmul.f32 v47, v3;
	v54, _, _ =	vpop (xrf2)  }
0x36d: {  	v55 =	vmul.f32 v48, v3;
	v63 =	vld [tilespmem:s1+$0xFFFFFFF0];
	[tilespmem:s14+$0x40] =	vst v4;
	v56 =	vbroadcast v54, $0xF  }
0x36e: {  	v57 =	vld [tilespmem:s14+$0xB0];
	[tilespmem:s14+$0x50] =	vst v1;
	v1 =	vmul.f32 v50, v3  }
0x36f: {  	[tilespmem:s14+$0x60] =	vst v55;
	v3 =	vld [tilespmem:s14+$0xC0];
	v58 =	vmul.f32 v51, v56  }
0x370: {  	v59 =	vld [tilespmem:s14+$0xD0];
	[tilespmem:s14+$0x70] =	vst v1;
	v1 =	vmul.f32 v52, v56  }
0x371: {  	v60 =	vld [tilespmem:s14+$0xE0];
	v61 =	vmul.f32 v53, v56;
	[tilespmem:s14+$0x80] =	vst v58  }
0x372: {  	v62 =	vld [tilespmem:s14+$0xF0];
	v2 =	vmul.f32 v63, v2;
	[tilespmem:s1+$0x90] =	vst v1  }
0x373: {  	s15 =	sadd.s32 $0x1, s15;
	v1 =	vmul.f32 v57, v56;
	[tilespmem:s1+$0xA0] =	vst v61  }
0x374: {  	p0 =	sne.s32 s15, $0x5;
	v3 =	vmul.f32 v3, v56;
	[tilespmem:s1+$0xFFFFFFF0] =	vst v2  }
.Ltmp11:
0x375: {  	[tilespmem:s1+$0xB0] =	vst v1;
	v1 =	vmul.f32 v59, v56;
	(pc) =	sbr.rel @p0 .LBB2_23-.Ltmp11, $4  }
0x376: {  	[tilespmem:s1+$0xC0] =	vst v3;
	v3 =	vmul.f32 v60, v56  }
0x377: {  	[tilespmem:s1+$0xD0] =	vst v1;
	v1 =	vmul.f32 v62, v56  }
0x378: {  	[tilespmem:s1+$0xE0] =	vst v3  }
0x379: {  	s5 =	sadd.s32 $0x800, s5;
	[tilespmem:s1+$0xF0] =	vst v1  }
0x37a: {  	v1 =	vld [tilespmem:$0x80]  }
0x37b: {  	v2 =	vld [tilespmem:$0x90]  }
0x37c: {  	v3 =	vld [tilespmem:$0xA0]  }
0x37d: {  	v4 =	vld [tilespmem:$0xB0]  }
0x37e: {  	v5 =	vld [tilespmem:$0xC0]  }
0x37f: {  	[tilespmem:$0x200] =	vst v1  }
0x380: {  	[tilespmem:$0x210] =	vst v2  }
0x381: {  	[tilespmem:$0x220] =	vst v3  }
0x382: {  	s6 =	sadd.s32 $0x1, s6;
	[tilespmem:$0x230] =	vst v4  }
0x383: {  	s0 =	simm.s32 $0x200;
	p0 =	sne.s32 s6, $0x3E;
	[tilespmem:$0x240] =	vst v5  }
0x384: {  	[spmem:s13] =	stream.indirect.scatter.add.f32 [tilespmem:s16], [sflag:$0x5], $0x80, s0, s30, $0xb8;
	[tilespmem:$0x1BE80] =	vst v63  }
.Ltmp12:
0x385: {  	_ = 	snop;
	(pc) =	sbr.rel @p0 .LBB2_10-.Ltmp12, $4  }
0x386: {  	s4 =	simm.s32 $0x7B00  }
0x387: {  	[spmem:s19] =	stream.indirect.scatter.add.f32 [tilespmem:s4], [sflag:$0x6], $0x1, s0, s30, $0xb8;
	[tilespmem:$0x1BE80] =	vst v63  }
0x388: {  	s29 =	sadd.s32 s12, s2;
	s1 =	simm.s32 $0x0  }
0x389: {  	[hbm4b:s29+s1] =	stream.linear.scatter [tilespmem:s4], [sflag:$0x7], $0x50, $0x38;
	[tilespmem:$0x1BE80] =	vst v63  }
0x38a: {  	_ =	swait.ge [sflag:s21], $0x2800  }
0x38b: {  	[sflag:s21] =	ssyncset.done $0x0  }
0x38c: {  	[sflag:s21] =	ssyncadd.s32 $0xFFFFD800  }
0x38d: {  	_ =	swait.ge [sflag:s24], $0x50  }
0x38e: {  	[sflag:s24] =	ssyncset.done $0x0  }
0x38f: {  	[sflag:s24] =	ssyncadd.s32 $0xFFFFFFB0  }
0x390: {  	_ =	swait.ge [sflag:s25], $0x50  }
0x391: {  	[sflag:s25] =	ssyncset.done $0x0  }
0x392: {  	[sflag:s25] =	ssyncadd.s32 $0xFFFFFFB0  }
0x393: {  	_ =	swait.ge [sflag:s3], $0x2800  }
0x394: {  	[sflag:s3] =	ssyncset.done $0x0  }
0x395: {  	[sflag:s3] =	ssyncadd.s32 $0xFFFFD800  }
0x396: {  	_ =	swait.ge [sflag:s10], $0x2800  }
0x397: {  	[sflag:s10] =	ssyncset.done $0x0  }
0x398: {  	[sflag:s10] =	ssyncadd.s32 $0xFFFFD800  }
0x399: {  	[bflag:$0x0] =	sbarrier.arrive $0xFFFF  }
0x39a: {  	s6 =	rddreg [dreg:$0x9]  }
0x39b: {  	s0 =	rddreg [dreg:$0x13]  }
0x39c: {  	s2 =	simm.s32 $0x8;
	s1 =	rddreg [dreg:$0x17]  }
0x39d: {  	[hbm:s0], [sflag:s6] =	dma.local [spmem:s1], $0x2800  }
0x39e: {  	_ =	swait.ge [sflag:s2], $0x2800  }
0x39f: {  	[sflag:s2] =	ssyncset.done $0x0;
	s22 =	rddreg [dreg:$0x14]  }
0x3a0: {  	s23 =	rddreg [dreg:$0x18];
	[sflag:s2] =	ssyncadd.s32 $0xFFFFD800  }
0x3a1: {  	[hbm:s22], [sflag:s6] =	dma.local [spmem:s23], $0x50  }
0x3a2: {  	_ =	swait.ge [sflag:s2], $0x50  }
0x3a3: {  	s26 =	rddreg [dreg:$0x16]  }
0x3a4: {  	s29 =	rddreg [dreg:$0x15];
	s1 =	sadd.s32 $0x1, s26  }
0x3a5: {  	p0 =	sne.s32 s1, s29  }
.Ltmp13:
0x3a6: {  	_ = 	snop;
	(pc) =	sbr.rel @p0 .LBB2_1-.Ltmp13, $3  }
0x3a7: {  	_ =	sdelay $0x1  }
0x3a8: {  	[sflag:s2] =	ssyncset.done $0x0  }
0x3a9: {  	[sflag:s2] =	ssyncadd.s32 $0xFFFFFFB0  }
0x3aa: {  	_ =	sfence.sel $0x180000  }
0x3ab: {  	[bflag:$0x0] =	sbarrier.arrive $0xFFFF  }
0x3ac: {  	_ =	strace $0x90000047  }
0x3ad: {  	s0 =	stileid.u32;
	[bflag:$0x2] =	sbarrier.arrive $0xFFFF  }
0x3ae: {  	p0 =	sne.s32 s0, $0x0;
	s0 =	rddreg [dreg:$0x5]  }
0x3af: {  	s0 =	sadd.s32 @!p0 $0x100000, s0  }
0x3b0: {  	[sflag:s0] =	ssyncadd.tile.s32 @!p0 $0x1;
	_ =	shalt  }
.Lfunc_end2:
_tile_overlayer_lowered:
.L_overlay_start_2:
0x3b1: {  	(tag) =	ssettag $0x2  }
0x3b2: {  	s0 =	rddreg [dreg:$0x0];
	s2 =	stileid.u32  }
0x3b3: {  	s1 =	rddreg [dreg:$0x1];
	p0 =	sne.s32 s2, $0x0  }
0x3b4: {  	s3 =	rddreg [dreg:$0x2];
	[bflag:$0x3] =	sbarrier.arrive $0xFFFF;
	s2 =	simm.s32 @!p0 $0x1C08  }
0x3b5: {  	[timem:s3], [sflag:s2] =	dma.local @!p0 [hbm:s0], s1  }
0x3b6: {  	s0 =	simm.s32 @!p0 $0x8  }
0x3b7: {  	_ =	swait.ge @!p0 [sflag:s0], s1  }
0x3b8: {  	s1 =	ssub.s32 @!p0 $0x0, s1;
	[sflag:s0] =	ssyncset.done @!p0 $0x0  }
0x3b9: {  	[sflag:s0] =	ssyncadd.s32 @!p0 s1  }
0x3ba: {  	[bflag:$0x3] =	sbarrier.arrive $0xFFFF  }
0x3bb: {  	_ =	shalt  }

// kernel: kernel.8.cloned.1.call-start
scs
__scs_entry_jumppad:
0x0: {  	(pc) =	sbr.rel $0x88, $3  }
0x1: {  	(tag) =	ssettag $0x0;
	lr =	simm.s32 $0x1  }
0x2: {  	[smem:$0x3F99] =	sst lr;
	_ =	strace $0xD0000000  }
0x3: {  	_ = 	snop  }
0x4: {  	_ = 	snop  }
0x5: {  	_ = 	snop  }
0x6: {  	_ = 	snop  }
0x7: {  	_ = 	snop  }
__scs_overlays_trampoline_lowered:
0x8: {  	[smem:$0x3FA8] =	sst s0  }
0x9: {  	[smem:$0x3FA9] =	sst s1  }
0xa: {  	[smem:$0x3FAA] =	sst s2  }
0xb: {  	[smem:$0x3FAB] =	sst s3  }
0xc: {  	[smem:$0x3FAC] =	sst s4  }
0xd: {  	[smem:$0x3FAD] =	sst s5  }
0xe: {  	[smem:$0x3FAE] =	sst s6  }
0xf: {  	[smem:$0x3FAF] =	sst s7  }
0x10: {  	[smem:$0x3FB0] =	sst s8  }
0x11: {  	[smem:$0x3FB1] =	sst s9;
	s0 =	simm.s32 @!p0 $0x0  }
0x12: {  	s1 =	sld [smem:$0x3F97];
	s0 =	simm.s32 @p0 $0x1  }
0x13: {  	[smem:$0x3FB2] =	sst s0;
	s0 =	simm.s32 @!p1 $0x0  }
0x14: {  	s2 =	sld [smem:$0x3F96];
	s0 =	simm.s32 @p1 $0x1  }
0x15: {  	[smem:$0x3FB3] =	sst s0;
	s0 =	simm.s32 @!p2 $0x0  }
0x16: {  	s3 =	sld [smem:$0x3FDB];
	s0 =	simm.s32 @p2 $0x1  }
0x17: {  	s4 =	simm.s32 $0x1BF5;
	[smem:$0x3FB5] =	sst s0  }
0x18: {  	s0 =	sld [smem:$0x3F98];
	_ =	swait.ge [sflag:s4], $0x0  }
0x19: {  	s7 =	sld [smem:$0x3F99]  }
0x1a: {  	s8 =	sadd.s32 $0xFFFFE003, lr  }
0x1b: {  	s9 =	sadd.s32 $0xFFFFFEF7, lr;
	s5 =	simm.s32 $0xFFFFFFFF;
	p2 =	slt.u32 s8, $0xFFFFF086  }
0x1c: {  	p1 =	slt.u32 s9, $0xF7A;
	s5 =	simm.s32 @!p2 $0x0  }
0x1d: {  	s5 =	simm.s32 @p1 $0x1;
	p0 =	seq.s32 s7, s2  }
0x1e: {  	s7 =	smul.u32 @!p0 $0xF7A, s2;
	p2 =	seq.s32 @!p0 s5, $0x0  }
0x1f: {  	s9 =	smul.u32 $0xF7A, s1;
	s8 =	simm.s32 @!p0 $0x1BF5;
	p2 =	por !p2, p0  }
0x20: {  	[sflag:s8] =	ssyncset.s32 @!p0 $0xFFFFF086;
	s6 =	sadd.s32 @!p0 s3, s7;
	s7 =	simm.s32 @!p0 $0x108  }
0x21: {  	s3 =	sadd.s32 s3, s9;
	s6 =	sadd.s32 @!p0 $0x88, s6;
	s7 =	simm.s32 @p2 $0x1082  }
0x22: {  	[simem:s7], [sflag:s8] =	dma.local @!p0 [hbm:s6], $0xF7A  }
0x23: {  	s9 =	sor.u32 $0xD0000000, s2;
	s6 =	simm.s32 $0x108;
	_ =	swait.ge @!p0 [sflag:s8], $0x0  }
0x24: {  	s3 =	sadd.s32 $0x88, s3;
	s6 =	simm.s32 @!p1 $0x1082;
	[sflag:s4] =	ssyncset.s32 $0xFFFFF086  }
0x25: {  	[simem:s6], [sflag:s4] =	dma.local [hbm:s3], $0xF7A  }
0x26: {  	[smem:$0x3F99] =	sst s1;
	(tag) =	ssettag s2;
	_ =	strace s9  }
0x27: {  	s1 =	sld [smem:$0x3FA9]  }
0x28: {  	s2 =	sld [smem:$0x3FAA]  }
0x29: {  	s4 =	sld [smem:$0x3FAC]  }
0x2a: {  	p0 =	seq.s32 s5, $0x0;
	s5 =	sld [smem:$0x3FAD]  }
0x2b: {  	s6 =	sld [smem:$0x3FAE]  }
0x2c: {  	s7 =	sld [smem:$0x3FAF]  }
0x2d: {  	s3 =	simm.s32 $0x108;
	s8 =	sld [smem:$0x3FB0]  }
0x2e: {  	s3 =	simm.s32 @!p0 $0x1082;
	s9 =	sld [smem:$0x3FB1]  }
0x2f: {  	lr =	sadd.s32 s0, s3;
	s0 =	sld [smem:$0x3FA8]  }
0x30: {  	s3 =	sld [smem:$0x3FAB]  }
0x31: {  	[smem:$0x3FB4] =	sst s10  }
0x32: {  	s10 =	sld [smem:$0x3FB2];
	_ =	sdelay $0x3  }
0x33: {  	p0 =	seq.s32 s10, $0x1;
	s10 =	sld [smem:$0x3FB4];
	_ =	sdelay $0x3  }
0x34: {  	[smem:$0x3FB4] =	sst s10  }
0x35: {  	s10 =	sld [smem:$0x3FB3];
	_ =	sdelay $0x3  }
0x36: {  	p1 =	seq.s32 s10, $0x1;
	s10 =	sld [smem:$0x3FB4];
	_ =	sdelay $0x3  }
0x37: {  	[smem:$0x3FB4] =	sst s10  }
0x38: {  	s10 =	sld [smem:$0x3FB5]  }
0x39: {  	_ = 	snop;
	(pc) =	sbr.ind lr, $3  }
0x3a: {  	_ = 	snop  }
0x3b: {  	_ = 	snop  }
0x3c: {  	p2 =	seq.s32 s10, $0x1;
	s10 =	sld [smem:$0x3FB4]  }
0x3d: {  	_ =	shalt  }
0x3e: {  	_ =	shalt  }
0x3f: {  	_ =	shalt  }
0x40: {  	_ =	shalt  }
0x41: {  	_ =	shalt  }
0x42: {  	_ =	shalt  }
0x43: {  	_ =	shalt  }
0x44: {  	_ =	shalt  }
0x45: {  	_ =	shalt  }
0x46: {  	_ =	shalt  }
0x47: {  	_ =	shalt  }
0x48: {  	_ =	shalt  }
0x49: {  	_ =	shalt  }
0x4a: {  	_ =	shalt  }
0x4b: {  	_ =	shalt  }
0x4c: {  	_ =	shalt  }
0x4d: {  	_ =	shalt  }
0x4e: {  	_ =	shalt  }
0x4f: {  	_ =	shalt  }
0x50: {  	_ =	shalt  }
0x51: {  	_ =	shalt  }
0x52: {  	_ =	shalt  }
0x53: {  	_ =	shalt  }
0x54: {  	_ =	shalt  }
0x55: {  	_ =	shalt  }
0x56: {  	_ =	shalt  }
0x57: {  	_ =	shalt  }
0x58: {  	_ =	shalt  }
0x59: {  	_ =	shalt  }
0x5a: {  	_ =	shalt  }
0x5b: {  	_ =	shalt  }
0x5c: {  	_ =	shalt  }
0x5d: {  	_ =	shalt  }
0x5e: {  	_ =	shalt  }
0x5f: {  	_ =	shalt  }
0x60: {  	_ =	shalt  }
0x61: {  	_ =	shalt  }
0x62: {  	_ =	shalt  }
0x63: {  	_ =	shalt  }
0x64: {  	_ =	shalt  }
0x65: {  	_ =	shalt  }
0x66: {  	_ =	shalt  }
0x67: {  	_ =	shalt  }
0x68: {  	_ =	shalt  }
0x69: {  	_ =	shalt  }
0x6a: {  	_ =	shalt  }
0x6b: {  	_ =	shalt  }
0x6c: {  	_ =	shalt  }
0x6d: {  	_ =	shalt  }
0x6e: {  	_ =	shalt  }
0x6f: {  	_ =	shalt  }
0x70: {  	_ =	shalt  }
0x71: {  	_ =	shalt  }
0x72: {  	_ =	shalt  }
0x73: {  	_ =	shalt  }
0x74: {  	_ =	shalt  }
0x75: {  	_ =	shalt  }
0x76: {  	_ =	shalt  }
0x77: {  	_ =	shalt  }
0x78: {  	_ =	shalt  }
0x79: {  	_ =	shalt  }
0x7a: {  	_ =	shalt  }
0x7b: {  	_ =	shalt  }
0x7c: {  	_ =	shalt  }
0x7d: {  	_ =	shalt  }
0x7e: {  	_ =	shalt  }
0x7f: {  	_ =	shalt  }
0x80: {  	_ =	shalt  }
0x81: {  	_ =	shalt  }
0x82: {  	_ =	shalt  }
0x83: {  	_ =	shalt  }
0x84: {  	_ =	shalt  }
0x85: {  	_ =	shalt  }
0x86: {  	_ =	shalt  }
0x87: {  	_ =	shalt  }
.Lfunc_end0:
.L_simem_size_0:
called_computation.1_lowered:
.L_overlay_start_0:
0x88: {  	s2 =	sld [smem:$0x3FD9]  }
0x89: {  	s3 =	sld [smem:$0x3FFE];
	_ =	sdelay $0x1  }
0x8a: {  	s1 =	srdreg.scid  }
0x8b: {  	s0 =	sand.u32 $0x1, s1  }
0x8c: {  	s14 =	sshll.u32 s0, $0xA;
	s2 =	sadd.s32 s3, s2  }
0x8d: {  	s2 =	sadd.s32 s2, s14  }
0x8e: {  	[smem:$0x3FC0] =	sst s2  }
0x8f: {  	_ = 	snop  }
0x90: {  	s2 =	sld [smem:$0x3FD0];
	_ =	sdelay $0x2  }
0x91: {  	s15 =	simm.s32 $0xA;
	s4 =	simm.s32 $0x10  }
0x92: {  	[smem:s4], [sflag:s15] =	dma.local [hbm:s2], $0x1  }
0x93: {  	_ =	swait.eq [sflag:s15], $0x1  }
0x94: {  	[sflag:s15] =	ssyncset.done $0x0  }
0x95: {  	s16 =	sld [smem:$0x10];
	[sflag:s15] =	ssyncadd.s32 $0xFFFFFFFF  }
0x96: {  	s17 =	sld [smem:$0x11];
	(tm) =	ssettm $0x1  }
0x97: {  	s18 =	sld [smem:$0x3FFB];
	_ =	sdelay $0x3  }
0x98: {  	_ =	strace s18  }
0x99: {  	s4 =	sld [smem:$0x3FFC];
	_ =	sdelay $0x3  }
0x9a: {  	_ =	strace s4  }
0x9b: {  	s4 =	sld [smem:$0x3FFD];
	_ =	sdelay $0x3  }
0x9c: {  	_ =	strace s4  }
0x9d: {  	_ =	strace $0x8FFFFFFF  }
0x9e: {  	s19 =	sld [smem:$0x3FDB];
	_ =	sdelay $0x1  }
0x9f: {  	s5 =	simm.s32 $_scs_section_size  }
0xa0: {  	s6 =	simm.s32 $_size__tile_overlayer_lowered;
	s7 =	simm.s32 $_tile_overlayer_lowered  }
0xa1: {  	s22 =	simm.s32 $0x1BFF;
	s21 =	sshll.u32 s7, $0x1;
	s4 =	sadd.s32 s5, s19  }
0xa2: {  	s8 =	simm.s32 $0x0;
	s20 =	sshll.u32 s6, $0x1;
	s6 =	sadd.s32 s21, s4  }
0xa3: {  	[timem:s8], [sflag:s22] =	dma.local [hbm:s6], s20  }
0xa4: {  	_ =	swait.ge [sflag:s22], s20  }
0xa5: {  	s5 =	ssub.s32 $0x0, s20;
	[sflag:s22] =	ssyncset.done $0x0  }
0xa6: {  	[sflag:s22] =	ssyncadd.s32 s5;
	_ =	sdelay $0x1  }
0xa7: {  	s23 =	simm.s32 $0x1B8B  }
0xa8: {  	_ =	swait.ge [sflag:s23], $0x1  }
0xa9: {  	[sflag:s23] =	ssyncset.done $0x0  }
0xaa: {  	s25 =	simm.s32 $0x1B8E;
	s24 =	sld [smem:$0x3FFE];
	[sflag:s23] =	ssyncadd.s32 $0xFFFFFFFF  }
0xab: {  	s26 =	simm.s32 $execute0_lowered;
	[smem:$0x3FD2] =	sst s25  }
0xac: {  	s6 =	sshll.u32 s26, $0x1;
	_ =	strace $0x80000049;
	[dreg:$0x1] =	wrdreg $0xFFFFFFFF  }
0xad: {  	s28 =	simm.s32 $_size_execute0_lowered;
	s4 =	sadd.s32 s4, s6;
	[dreg:$0x0] =	wrdreg $0x0  }
0xae: {  	s6 =	sshll.u32 s28, $0x1;
	[dreg:$0x2] =	wrdreg s4  }
0xaf: {  	[dreg:$0x3] =	wrdreg s6  }
0xb0: {  	[dreg:$0x4] =	wrdreg $0xC0  }
0xb1: {  	_ =	task [dreg:s8], $0x5FFFF  }
0xb2: {  	[dreg:$0x1] =	wrdreg $0xFFFFFFFF  }
0xb3: {  	[dreg:$0x0] =	wrdreg $0x60  }
0xb4: {  	[dreg:$0x2] =	wrdreg s24  }
0xb5: {  	[dreg:$0x3] =	wrdreg s16  }
0xb6: {  	[dreg:$0x4] =	wrdreg s17  }
0xb7: {  	[dreg:$0x5] =	wrdreg $0x9  }
0xb8: {  	_ =	task.clear_ibuf [dreg:s8], $0x6FFFF;
	_ =	strace $0x90000049  }
0xb9: {  	s29 =	simm.s32 $0x9;
	_ =	strace $0x8000004B  }
0xba: {  	_ =	swait.ge [sflag:s29], $0x1  }
0xbb: {  	[sflag:s29] =	ssyncadd.s32 $0xFFFFFFFF  }
0xbc: {  	_ =	strace $0x9000004B  }
0xbd: {  	_ =	sfence  }
0xbe: {  	s30 =	sld [smem:$0x0];
	_ =	sdelay $0x2  }
0xbf: {  	s31 =	sshll.u32 s1, $0xD;
	s1 =	sshrl.u32 s1, $0x2  }
0xc0: {  	s3 =	sand.u32 $0x4000, s31;
	s1 =	sadd.s32 s1, s30  }
0xc1: {  	s0 =	sor.u32 s3, s0;
	s1 =	sshll.u32 s1, $0x11  }
0xc2: {  	s0 =	sor.u32 s1, s0  }
0xc3: {  	s0 =	sadd.s32 $0x8F2B, s0  }
0xc4: {  	[sflag:s0] =	ssyncadd.remote.s32 $0x1  }
0xc5: {  	_ =	sfence.sel $0xFFFF  }
0xc6: {  	[dreg:$0x0] =	wrdreg $0xFFFFFFFF;
	(pc) =	sbr.abs _section_cstart, $3  }
0xc7: {  	[dreg:$0x1] =	wrdreg $0xFFFFFFFF  }
0xc8: {  	_ =	task.clear_ibuf [dreg:s8], $0x2FFFF;
	_ =	strace $0x9FFFFFFF  }
0xc9: {  	(tm) =	ssettm $0x7FFFFFFF  }
tec
execute0_lowered:
.L_overlay_start_1:
0x0: {  	(tag) =	ssettag $0x1  }
0x1: {  	s0 =	rddreg [dreg:$0x0]  }
0x2: {  	s2 =	rddreg [dreg:$0x1];
	s1 =	srdreg.scid  }
0x3: {  	s3 =	stileid.u32;
	s9 =	rddreg [dreg:$0x2];
	s14 =	simm.s32 $0x5  }
0x4: {  	s15 =	simm.s32 $0x7800;
	s16 =	simm.s32 $0xA000;
	s17 =	simm.s32 $0x1  }
0x5: {  	s18 =	simm.s32 $0x2;
	s19 =	simm.s32 $0xC800;
	s20 =	simm.s32 $0x3  }
0x6: {  	s21 =	simm.s32 $0x4;
	s22 =	simm.s32 $0x5000;
	s24 =	simm.s32 $0x0  }
0x7: {  	s25 =	simm.s32 $0x0;
	s1 =	sand.u32 $0x1, s1;
	s4 =	sshll.u32 s3, $0x1  }
0x8: {  	s3 =	simm.s32 $0x0;
	s5 =	sadd.s32 $0x66000, s0;
	s4 =	sor.u32 s1, s4  }
0x9: {  	[smem:$0x7FF] =	sst s3;
	s1 =	ssub.s32 $0x2, s1;
	s10 =	smul.u32 $0x4E2, s4  }
0xa: {  	_ =	strace $0x8000004A;
	s7 =	sshrl.u32 s1, $0x1;
	s31 =	ssub.s32 $0x9C, s4  }
0xb: {  	s30 =	ssub.s32 s1, s7;
	s8 =	sadd.s32 s10, s0;
	s0 =	sadd.s32 $0xB6000, s0  }
0xc: {  	s9 =	sadd.s32 s9, s10;
	s10 =	sshrl.u32 s31, $0x5;
	s11 =	smax.u32 s30, $0x1  }
0xd: {  	v0 =	vlaneseq.u32;
	[dreg:$0x4] =	wrdreg s0;
	s7 =	sadd.s32 $0x5C200, s8;
	s8 =	sadd.s32 $0x1600, s8  }
.LBB2_1:
0xe: {  	s0 =	simm.s32 $0xF000  }
0xf: {  	[tilespmem:s0], [sflag:$0x3] =	stream.linear.gather [hbm4b:s7+s3], $0x2710, $0x38;
	[tilespmem:$0x16680] =	vst v63  }
0x10: {  	s30 =	simm.s32 $0x11780  }
0x11: {  	[tilespmem:s30], [sflag:$0x4] =	stream.linear.gather [hbm4b:s8+s3], $0x2710, $0x38;
	[tilespmem:$0x16680] =	vst v63  }
0x12: {  	s31 =	rddreg [dreg:$0x4]  }
0x13: {  	[tilespmem:s3], [sflag:$0x5] =	stream.linear.gather [hbm4b:s31+s3], $0x5000, $0x38;
	[tilespmem:$0x16680] =	vst v63  }
0x14: {  	_ =	swait.ge [sflag:s14], $0x5000  }
0x15: {  	[sflag:s14] =	ssyncset.done $0x0  }
0x16: {  	s0 =	simm.s32 $0x2870;
	[sflag:s14] =	ssyncadd.s32 $0xFFFFB000  }
0x17: {  	v1 =	vld [tilespmem:s0+$0xFFFFD790]  }
0x18: {  	v2 =	vld [tilespmem:s0+$0xFFFFFF90];
	_ =	sdelay $0x4  }
0x19: {  	v1 =	vadd.f32 v2, v1  }
0x1a: {  	s1 =	simm.s32 $0x5040  }
0x1b: {  	[tilespmem:s1+$0xFFFFFFC0] =	vst v1  }
0x1c: {  	v1 =	vld [tilespmem:s0+$0xFFFFFFA0]  }
0x1d: {  	v2 =	vld [tilespmem:s0+$0xFFFFD7A0];
	_ =	sdelay $0x4  }
0x1e: {  	v1 =	vadd.f32 v1, v2;
	_ =	sdelay $0x1  }
0x1f: {  	[tilespmem:s1+$0xFFFFFFD0] =	vst v1  }
0x20: {  	v1 =	vld [tilespmem:s0+$0xFFFFD7B0]  }
0x21: {  	v2 =	vld [tilespmem:s0+$0xFFFFFFB0];
	_ =	sdelay $0x4  }
0x22: {  	v1 =	vadd.f32 v2, v1;
	_ =	sdelay $0x1  }
0x23: {  	[tilespmem:s1+$0xFFFFFFE0] =	vst v1  }
0x24: {  	v1 =	vld [tilespmem:s0+$0xFFFFD7C0]  }
0x25: {  	v2 =	vld [tilespmem:s0+$0xFFFFFFC0];
	_ =	sdelay $0x4  }
0x26: {  	v1 =	vadd.f32 v2, v1;
	_ =	sdelay $0x1  }
0x27: {  	[tilespmem:s1+$0xFFFFFFF0] =	vst v1  }
0x28: {  	v1 =	vld [tilespmem:s0+$0xFFFFD7D0]  }
0x29: {  	v2 =	vld [tilespmem:s0+$0xFFFFFFD0];
	_ =	sdelay $0x4  }
0x2a: {  	v1 =	vadd.f32 v2, v1;
	_ =	sdelay $0x1  }
0x2b: {  	[tilespmem:s1+$0x0] =	vst v1  }
0x2c: {  	v1 =	vld [tilespmem:s0+$0xFFFFD7E0]  }
0x2d: {  	v2 =	vld [tilespmem:s0+$0xFFFFFFE0];
	_ =	sdelay $0x4  }
0x2e: {  	v1 =	vadd.f32 v2, v1;
	_ =	sdelay $0x1  }
0x2f: {  	[tilespmem:s1+$0x10] =	vst v1  }
0x30: {  	v1 =	vld [tilespmem:s0+$0xFFFFD7F0]  }
0x31: {  	v2 =	vld [tilespmem:s0+$0xFFFFFFF0];
	_ =	sdelay $0x4  }
0x32: {  	v1 =	vadd.f32 v2, v1;
	_ =	sdelay $0x1  }
0x33: {  	[tilespmem:s1+$0x20] =	vst v1  }
0x34: {  	s13 =	simm.s32 $0x0;
	s12 =	simm.s32 $0x5040;
	v1 =	vld [tilespmem:s0+$0xFFFFD800]  }
.LBB2_2:
0x35: {  	s13 =	sadd.s32 $0x8, s13;
	v2 =	vld [tilespmem:s0+$0x0];
	s0 =	sadd.s32 $0x80, s0;
	s1 =	sadd.s32 $0x80, s1  }
0x36: {  	p0 =	slt.u32 s13, $0x278;
	_ =	sdelay $0x3  }
0x37: {  	v1 =	vadd.f32 v2, v1;
	_ =	sdelay $0x1  }
0x38: {  	[tilespmem:s12+$0x30] =	vst v1;
	s12 =	smov.u32 s1  }
0x39: {  	v1 =	vld [tilespmem:s0+$0xFFFFD790]  }
0x3a: {  	v2 =	vld [tilespmem:s0+$0xFFFFFF90];
	_ =	sdelay $0x4  }
0x3b: {  	v1 =	vadd.f32 v2, v1;
	_ =	sdelay $0x1  }
0x3c: {  	[tilespmem:s1+$0xFFFFFFC0] =	vst v1  }
0x3d: {  	v1 =	vld [tilespmem:s0+$0xFFFFFFA0]  }
0x3e: {  	v2 =	vld [tilespmem:s0+$0xFFFFD7A0];
	_ =	sdelay $0x4  }
0x3f: {  	v1 =	vadd.f32 v1, v2;
	_ =	sdelay $0x1  }
0x40: {  	[tilespmem:s1+$0xFFFFFFD0] =	vst v1  }
0x41: {  	v1 =	vld [tilespmem:s0+$0xFFFFD7B0]  }
0x42: {  	v2 =	vld [tilespmem:s0+$0xFFFFFFB0];
	_ =	sdelay $0x4  }
0x43: {  	v1 =	vadd.f32 v2, v1;
	_ =	sdelay $0x1  }
0x44: {  	[tilespmem:s1+$0xFFFFFFE0] =	vst v1  }
0x45: {  	v1 =	vld [tilespmem:s0+$0xFFFFD7C0]  }
0x46: {  	v2 =	vld [tilespmem:s0+$0xFFFFFFC0];
	_ =	sdelay $0x4  }
0x47: {  	v1 =	vadd.f32 v2, v1;
	_ =	sdelay $0x1  }
0x48: {  	[tilespmem:s1+$0xFFFFFFF0] =	vst v1  }
0x49: {  	v1 =	vld [tilespmem:s0+$0xFFFFD7D0]  }
0x4a: {  	v2 =	vld [tilespmem:s0+$0xFFFFFFD0];
	_ =	sdelay $0x4  }
0x4b: {  	v1 =	vadd.f32 v2, v1;
	_ =	sdelay $0x1  }
0x4c: {  	[tilespmem:s1+$0x0] =	vst v1  }
0x4d: {  	v1 =	vld [tilespmem:s0+$0xFFFFD7E0]  }
0x4e: {  	v2 =	vld [tilespmem:s0+$0xFFFFFFE0];
	_ =	sdelay $0x4  }
0x4f: {  	v1 =	vadd.f32 v2, v1;
	_ =	sdelay $0x1  }
0x50: {  	[tilespmem:s1+$0x10] =	vst v1  }
0x51: {  	v1 =	vld [tilespmem:s0+$0xFFFFD7F0]  }
0x52: {  	v2 =	vld [tilespmem:s0+$0xFFFFFFF0];
	_ =	sdelay $0x3  }
.Ltmp0:
0x53: {  	(pc) =	sbr.rel @p0 .LBB2_2-.Ltmp0, $3  }
0x54: {  	v1 =	vadd.f32 v2, v1;
	_ =	sdelay $0x1  }
0x55: {  	[tilespmem:s1+$0x20] =	vst v1  }
0x56: {  	v1 =	vld [tilespmem:s0+$0xFFFFD800]  }
0x57: {  	v2 =	vld [tilespmem:s0+$0x0];
	_ =	sdelay $0x4  }
0x58: {  	v1 =	vadd.f32 v2, v1;
	_ =	sdelay $0x1  }
0x59: {  	s26 =	simm.s32 $0x0;
	[tilespmem:s12+$0x30] =	vst v1  }
.LBB2_4:
0x5a: {  	s0 =	sshll.u32 s26, $0x5  }
0x5b: {  	s0 =	sor.u32 s4, s0  }
0x5c: {  	s1 =	smul.u32 $0x2800, s0;
	_ =	sdelay $0x1  }
0x5d: {  	s28 =	sshrl.u32 s1, $0x3;
	s1 =	sadd.s32 $0x140000, s1  }
0x5e: {  	s12 =	sadd.s32 s5, s28;
	s1 =	sshrl.u32 s1, $0x3  }
0x5f: {  	[tilespmem:s15], [sflag:$0x1] =	stream.linear.gather [hbm4b:s12+s25], $0x2800, $0x38;
	[tilespmem:$0x16680] =	vst v63  }
0x60: {  	s1 =	sadd.s32 s5, s1  }
0x61: {  	[tilespmem:s16], [sflag:$0x2] =	stream.linear.gather [hbm4b:s1+s25], $0x2800, $0x38;
	[tilespmem:$0x16680] =	vst v63  }
0x62: {  	_ =	swait.ge [sflag:s17], $0x2800  }
0x63: {  	s0 =	smul.u32 $0x140, s0;
	[sflag:s17] =	ssyncset.done $0x0  }
0x64: {  	[sflag:s17] =	ssyncadd.s32 $0xFFFFD800  }
0x65: {  	s23 =	simm.s32 $0xA100;
	s0 =	sshra.s32 s0, $0x2;
	_ =	swait.ge [sflag:s18], $0x2800  }
0x66: {  	s13 =	simm.s32 $0xC900;
	s0 =	sadd.s32 $0x5000, s0;
	[sflag:s18] =	ssyncset.done $0x0  }
0x67: {  	s12 =	simm.s32 $0x7900;
	v1 =	vmov s0;
	s1 =	simm.s32 $0x0;
	[sflag:s18] =	ssyncadd.s32 $0xFFFFD800  }
.LBB2_5:
0x68: {  	_ =	sdelay $0x2  }
0x69: {  	s0 =	sshll.u32 s1, $0x4  }
0x6a: {  	v2 =	vld.idx.msk [tilespmem:v1+s0+$0x0 ss:$0x1], $0xffff;
	_ =	sdelay $0x4  }
0x6b: {  	(erf) = vrcp.f32 v2;
	_ =	sdelay $0x8  }
0x6c: {  	s31 =	smov.u32 s12;
	vm0 =	vgt.f32 v2, $0.0e+00;
	v2 =	vpop (erf)  }
0x6d: {  	s30 =	smov.u32 s13;
	s29 =	smov.u32 s23;
	s0 =	simm.s32 $0x0;
	v2 =	vnsel vm0, $0x0, v2  }
.LBB2_6:
0x6e: {  	v3 =	vmov s0  }
0x6f: {  	vm0 =	veq.s32 v3, v0  }
0x70: {  	v3 =	vnsel vm0, $0x0, v2  }
0x71: {  	(xrf2) =	vadd.scan.msk.f32 $0xffff, v3;
	_ =	sdelay $0x4  }
0x72: {  	v4 =	vld [tilespmem:s29+$0xFFFFFF00]  }
0x73: {  	v3 =	vld [tilespmem:s31+$0xFFFFFF00];
	_ =	sdelay $0x3  }
0x74: {  	v5, _, _ =	vpop (xrf2)  }
0x75: {  	v3 =	vadd.f32 v4, v3;
	v24 =	vbroadcast v5, $0xF;
	_ =	sdelay $0x1  }
0x76: {  	v3 =	vmul.f32 v3, v24;
	_ =	sdelay $0x1  }
0x77: {  	[tilespmem:s30+$0xFFFFFF00] =	vst v3  }
0x78: {  	v3 =	vld [tilespmem:s31+$0xFFFFFF10]  }
0x79: {  	v25 =	vld [tilespmem:s29+$0xFFFFFF10];
	_ =	sdelay $0x4  }
0x7a: {  	v3 =	vadd.f32 v25, v3;
	_ =	sdelay $0x1  }
0x7b: {  	v3 =	vmul.f32 v3, v24;
	_ =	sdelay $0x1  }
0x7c: {  	[tilespmem:s30+$0xFFFFFF10] =	vst v3  }
0x7d: {  	v3 =	vld [tilespmem:s31+$0xFFFFFF20]  }
0x7e: {  	v26 =	vld [tilespmem:s29+$0xFFFFFF20];
	_ =	sdelay $0x4  }
0x7f: {  	v3 =	vadd.f32 v26, v3;
	_ =	sdelay $0x1  }
0x80: {  	v3 =	vmul.f32 v3, v24;
	_ =	sdelay $0x1  }
0x81: {  	[tilespmem:s30+$0xFFFFFF20] =	vst v3  }
0x82: {  	v3 =	vld [tilespmem:s31+$0xFFFFFF30]  }
0x83: {  	v27 =	vld [tilespmem:s29+$0xFFFFFF30];
	_ =	sdelay $0x4  }
0x84: {  	v3 =	vadd.f32 v27, v3;
	_ =	sdelay $0x1  }
0x85: {  	v3 =	vmul.f32 v3, v24;
	_ =	sdelay $0x1  }
0x86: {  	[tilespmem:s30+$0xFFFFFF30] =	vst v3  }
0x87: {  	v3 =	vld [tilespmem:s31+$0xFFFFFF40]  }
0x88: {  	v28 =	vld [tilespmem:s29+$0xFFFFFF40];
	_ =	sdelay $0x4  }
0x89: {  	v3 =	vadd.f32 v28, v3;
	_ =	sdelay $0x1  }
0x8a: {  	v3 =	vmul.f32 v3, v24;
	_ =	sdelay $0x1  }
0x8b: {  	[tilespmem:s30+$0xFFFFFF40] =	vst v3  }
0x8c: {  	v3 =	vld [tilespmem:s31+$0xFFFFFF50]  }
0x8d: {  	v29 =	vld [tilespmem:s29+$0xFFFFFF50];
	_ =	sdelay $0x4  }
0x8e: {  	v3 =	vadd.f32 v29, v3;
	_ =	sdelay $0x1  }
0x8f: {  	v3 =	vmul.f32 v3, v24;
	_ =	sdelay $0x1  }
0x90: {  	[tilespmem:s30+$0xFFFFFF50] =	vst v3  }
0x91: {  	v3 =	vld [tilespmem:s31+$0xFFFFFF60]  }
0x92: {  	v30 =	vld [tilespmem:s29+$0xFFFFFF60];
	_ =	sdelay $0x4  }
0x93: {  	v3 =	vadd.f32 v30, v3;
	_ =	sdelay $0x1  }
0x94: {  	v3 =	vmul.f32 v3, v24;
	_ =	sdelay $0x1  }
0x95: {  	[tilespmem:s30+$0xFFFFFF60] =	vst v3  }
0x96: {  	v3 =	vld [tilespmem:s31+$0xFFFFFF70]  }
0x97: {  	v31 =	vld [tilespmem:s29+$0xFFFFFF70]  }
0x98: {  	s6 =	sadd.s32 $0x1, s0  }
0x99: {  	v6 =	vmov s6  }
0x9a: {  	vm13 =	veq.s32 v6, v0  }
0x9b: {  	v6 =	vnsel vm13, $0x0, v2  }
0x9c: {  	(xrf2) =	vadd.scan.msk.f32 $0xffff, v6;
	v3 =	vadd.f32 v31, v3;
	_ =	sdelay $0x1  }
0x9d: {  	v3 =	vmul.f32 v3, v24;
	_ =	sdelay $0x1  }
0x9e: {  	[tilespmem:s30+$0xFFFFFF70] =	vst v3  }
0x9f: {  	v3 =	vld [tilespmem:s31+$0xFFFFFF80]  }
0xa0: {  	v32 =	vld [tilespmem:s29+$0xFFFFFF80];
	_ =	sdelay $0x3  }
0xa1: {  	v33, _, _ =	vpop (xrf2)  }
0xa2: {  	v34 =	vbroadcast v33, $0xF;
	v3 =	vadd.f32 v32, v3;
	_ =	sdelay $0x1  }
0xa3: {  	v3 =	vmul.f32 v3, v34;
	_ =	sdelay $0x1  }
0xa4: {  	[tilespmem:s30+$0xFFFFFF80] =	vst v3  }
0xa5: {  	v3 =	vld [tilespmem:s31+$0xFFFFFF90]  }
0xa6: {  	v35 =	vld [tilespmem:s29+$0xFFFFFF90];
	_ =	sdelay $0x4  }
0xa7: {  	v3 =	vadd.f32 v35, v3;
	_ =	sdelay $0x1  }
0xa8: {  	v3 =	vmul.f32 v3, v34;
	_ =	sdelay $0x1  }
0xa9: {  	[tilespmem:s30+$0xFFFFFF90] =	vst v3  }
0xaa: {  	v3 =	vld [tilespmem:s31+$0xFFFFFFA0]  }
0xab: {  	v36 =	vld [tilespmem:s29+$0xFFFFFFA0];
	_ =	sdelay $0x4  }
0xac: {  	v3 =	vadd.f32 v36, v3;
	_ =	sdelay $0x1  }
0xad: {  	v3 =	vmul.f32 v3, v34;
	_ =	sdelay $0x1  }
0xae: {  	[tilespmem:s30+$0xFFFFFFA0] =	vst v3  }
0xaf: {  	v3 =	vld [tilespmem:s31+$0xFFFFFFB0]  }
0xb0: {  	v37 =	vld [tilespmem:s29+$0xFFFFFFB0];
	_ =	sdelay $0x4  }
0xb1: {  	v3 =	vadd.f32 v37, v3;
	_ =	sdelay $0x1  }
0xb2: {  	v3 =	vmul.f32 v3, v34;
	_ =	sdelay $0x1  }
0xb3: {  	[tilespmem:s30+$0xFFFFFFB0] =	vst v3  }
0xb4: {  	v3 =	vld [tilespmem:s31+$0xFFFFFFC0]  }
0xb5: {  	v38 =	vld [tilespmem:s29+$0xFFFFFFC0];
	_ =	sdelay $0x4  }
0xb6: {  	v3 =	vadd.f32 v38, v3;
	_ =	sdelay $0x1  }
0xb7: {  	v3 =	vmul.f32 v3, v34;
	_ =	sdelay $0x1  }
0xb8: {  	[tilespmem:s30+$0xFFFFFFC0] =	vst v3  }
0xb9: {  	v3 =	vld [tilespmem:s31+$0xFFFFFFD0]  }
0xba: {  	v39 =	vld [tilespmem:s29+$0xFFFFFFD0];
	_ =	sdelay $0x4  }
0xbb: {  	v3 =	vadd.f32 v39, v3;
	_ =	sdelay $0x1  }
0xbc: {  	v3 =	vmul.f32 v3, v34;
	_ =	sdelay $0x1  }
0xbd: {  	[tilespmem:s30+$0xFFFFFFD0] =	vst v3  }
0xbe: {  	v3 =	vld [tilespmem:s31+$0xFFFFFFE0]  }
0xbf: {  	v40 =	vld [tilespmem:s29+$0xFFFFFFE0];
	_ =	sdelay $0x4  }
0xc0: {  	v3 =	vadd.f32 v40, v3;
	_ =	sdelay $0x1  }
0xc1: {  	v3 =	vmul.f32 v3, v34;
	_ =	sdelay $0x1  }
0xc2: {  	[tilespmem:s30+$0xFFFFFFE0] =	vst v3  }
0xc3: {  	v3 =	vld [tilespmem:s31+$0xFFFFFFF0]  }
0xc4: {  	v41 =	vld [tilespmem:s29+$0xFFFFFFF0]  }
0xc5: {  	s6 =	sadd.s32 $0x2, s0  }
0xc6: {  	v42 =	vmov s6  }
0xc7: {  	vm14 =	veq.s32 v42, v0  }
0xc8: {  	v6 =	vnsel vm14, $0x0, v2  }
0xc9: {  	(xrf2) =	vadd.scan.msk.f32 $0xffff, v6;
	v3 =	vadd.f32 v41, v3;
	_ =	sdelay $0x1  }
0xca: {  	v3 =	vmul.f32 v3, v34;
	_ =	sdelay $0x1  }
0xcb: {  	[tilespmem:s30+$0xFFFFFFF0] =	vst v3  }
0xcc: {  	v3 =	vld [tilespmem:s31+$0x0]  }
0xcd: {  	v43 =	vld [tilespmem:s29+$0x0];
	_ =	sdelay $0x3  }
0xce: {  	v44, _, _ =	vpop (xrf2)  }
0xcf: {  	v45 =	vbroadcast v44, $0xF;
	v3 =	vadd.f32 v43, v3;
	_ =	sdelay $0x1  }
0xd0: {  	v3 =	vmul.f32 v3, v45;
	_ =	sdelay $0x1  }
0xd1: {  	[tilespmem:s30+$0x0] =	vst v3  }
0xd2: {  	v3 =	vld [tilespmem:s31+$0x10]  }
0xd3: {  	v46 =	vld [tilespmem:s29+$0x10];
	_ =	sdelay $0x4  }
0xd4: {  	v3 =	vadd.f32 v46, v3;
	_ =	sdelay $0x1  }
0xd5: {  	v3 =	vmul.f32 v3, v45;
	_ =	sdelay $0x1  }
0xd6: {  	[tilespmem:s30+$0x10] =	vst v3  }
0xd7: {  	v3 =	vld [tilespmem:s31+$0x20]  }
0xd8: {  	v47 =	vld [tilespmem:s29+$0x20];
	_ =	sdelay $0x4  }
0xd9: {  	v3 =	vadd.f32 v47, v3;
	_ =	sdelay $0x1  }
0xda: {  	v3 =	vmul.f32 v3, v45;
	_ =	sdelay $0x1  }
0xdb: {  	[tilespmem:s30+$0x20] =	vst v3  }
0xdc: {  	v3 =	vld [tilespmem:s31+$0x30]  }
0xdd: {  	v48 =	vld [tilespmem:s29+$0x30];
	_ =	sdelay $0x4  }
0xde: {  	v3 =	vadd.f32 v48, v3;
	_ =	sdelay $0x1  }
0xdf: {  	v3 =	vmul.f32 v3, v45;
	_ =	sdelay $0x1  }
0xe0: {  	[tilespmem:s30+$0x30] =	vst v3  }
0xe1: {  	v3 =	vld [tilespmem:s31+$0x40]  }
0xe2: {  	v49 =	vld [tilespmem:s29+$0x40];
	_ =	sdelay $0x4  }
0xe3: {  	v3 =	vadd.f32 v49, v3;
	_ =	sdelay $0x1  }
0xe4: {  	v3 =	vmul.f32 v3, v45;
	_ =	sdelay $0x1  }
0xe5: {  	[tilespmem:s30+$0x40] =	vst v3  }
0xe6: {  	v3 =	vld [tilespmem:s31+$0x50]  }
0xe7: {  	v50 =	vld [tilespmem:s29+$0x50];
	_ =	sdelay $0x4  }
0xe8: {  	v3 =	vadd.f32 v50, v3;
	_ =	sdelay $0x1  }
0xe9: {  	v3 =	vmul.f32 v3, v45;
	_ =	sdelay $0x1  }
0xea: {  	[tilespmem:s30+$0x50] =	vst v3  }
0xeb: {  	v3 =	vld [tilespmem:s31+$0x60]  }
0xec: {  	v51 =	vld [tilespmem:s29+$0x60];
	_ =	sdelay $0x4  }
0xed: {  	v3 =	vadd.f32 v51, v3;
	_ =	sdelay $0x1  }
0xee: {  	v3 =	vmul.f32 v3, v45;
	_ =	sdelay $0x1  }
0xef: {  	[tilespmem:s30+$0x60] =	vst v3  }
0xf0: {  	v3 =	vld [tilespmem:s31+$0x70]  }
0xf1: {  	v52 =	vld [tilespmem:s29+$0x70]  }
0xf2: {  	s6 =	sadd.s32 $0x3, s0  }
0xf3: {  	v53 =	vmov s6  }
0xf4: {  	vm15 =	veq.s32 v53, v0  }
0xf5: {  	v6 =	vnsel vm15, $0x0, v2  }
0xf6: {  	(xrf2) =	vadd.scan.msk.f32 $0xffff, v6;
	v3 =	vadd.f32 v52, v3;
	_ =	sdelay $0x1  }
0xf7: {  	v3 =	vmul.f32 v3, v45;
	_ =	sdelay $0x1  }
0xf8: {  	[tilespmem:s30+$0x70] =	vst v3  }
0xf9: {  	v3 =	vld [tilespmem:s31+$0x80]  }
0xfa: {  	v54 =	vld [tilespmem:s29+$0x80];
	_ =	sdelay $0x3  }
0xfb: {  	v55, _, _ =	vpop (xrf2)  }
0xfc: {  	v56 =	vbroadcast v55, $0xF;
	v3 =	vadd.f32 v54, v3;
	_ =	sdelay $0x1  }
0xfd: {  	v3 =	vmul.f32 v3, v56;
	_ =	sdelay $0x1  }
0xfe: {  	[tilespmem:s30+$0x80] =	vst v3  }
0xff: {  	v3 =	vld [tilespmem:s31+$0x90]  }
0x100: {  	v57 =	vld [tilespmem:s29+$0x90];
	_ =	sdelay $0x4  }
0x101: {  	v3 =	vadd.f32 v57, v3;
	_ =	sdelay $0x1  }
0x102: {  	v3 =	vmul.f32 v3, v56;
	_ =	sdelay $0x1  }
0x103: {  	[tilespmem:s30+$0x90] =	vst v3  }
0x104: {  	v3 =	vld [tilespmem:s31+$0xA0]  }
0x105: {  	v58 =	vld [tilespmem:s29+$0xA0];
	_ =	sdelay $0x4  }
0x106: {  	v3 =	vadd.f32 v58, v3;
	_ =	sdelay $0x1  }
0x107: {  	v3 =	vmul.f32 v3, v56;
	_ =	sdelay $0x1  }
0x108: {  	[tilespmem:s30+$0xA0] =	vst v3  }
0x109: {  	v3 =	vld [tilespmem:s31+$0xB0]  }
0x10a: {  	v59 =	vld [tilespmem:s29+$0xB0];
	_ =	sdelay $0x4  }
0x10b: {  	v3 =	vadd.f32 v59, v3;
	_ =	sdelay $0x1  }
0x10c: {  	v3 =	vmul.f32 v3, v56;
	_ =	sdelay $0x1  }
0x10d: {  	[tilespmem:s30+$0xB0] =	vst v3  }
0x10e: {  	v3 =	vld [tilespmem:s31+$0xC0]  }
0x10f: {  	v60 =	vld [tilespmem:s29+$0xC0];
	_ =	sdelay $0x4  }
0x110: {  	v3 =	vadd.f32 v60, v3;
	_ =	sdelay $0x1  }
0x111: {  	v3 =	vmul.f32 v3, v56;
	_ =	sdelay $0x1  }
0x112: {  	[tilespmem:s30+$0xC0] =	vst v3  }
0x113: {  	v3 =	vld [tilespmem:s31+$0xD0]  }
0x114: {  	v61 =	vld [tilespmem:s29+$0xD0];
	_ =	sdelay $0x4  }
0x115: {  	v3 =	vadd.f32 v61, v3;
	_ =	sdelay $0x1  }
0x116: {  	v3 =	vmul.f32 v3, v56;
	_ =	sdelay $0x1  }
0x117: {  	[tilespmem:s30+$0xD0] =	vst v3  }
0x118: {  	v3 =	vld [tilespmem:s31+$0xE0]  }
0x119: {  	v62 =	vld [tilespmem:s29+$0xE0];
	_ =	sdelay $0x4  }
0x11a: {  	v3 =	vadd.f32 v62, v3;
	_ =	sdelay $0x1  }
0x11b: {  	v3 =	vmul.f32 v3, v56;
	_ =	sdelay $0x1  }
0x11c: {  	[tilespmem:s30+$0xE0] =	vst v3  }
0x11d: {  	v3 =	vld [tilespmem:s31+$0xF0]  }
0x11e: {  	v63 =	vld [tilespmem:s29+$0xF0];
	_ =	sdelay $0x3  }
0x11f: {  	p0 =	slt.u32 s0, $0xC  }
.Ltmp1:
0x120: {  	v3 =	vadd.f32 v63, v3;
	(pc) =	sbr.rel @p0 .LBB2_6-.Ltmp1, $4  }
0x121: {  	_ = 	snop  }
0x122: {  	v3 =	vmul.f32 v3, v56  }
0x123: {  	s0 =	sadd.s32 $0x4, s0  }
0x124: {  	s29 =	sadd.s32 $0x200, s29;
	s31 =	sadd.s32 $0x200, s31;
	[tilespmem:s30+$0xF0] =	vst v3;
	s30 =	sadd.s32 $0x200, s30  }
0x125: {  	s1 =	sadd.s32 $0x1, s1  }
0x126: {  	p0 =	sne.s32 s1, $0x5  }
.Ltmp2:
0x127: {  	_ = 	snop;
	(pc) =	sbr.rel @p0 .LBB2_5-.Ltmp2, $2  }
0x128: {  	_ =	sdelay $0x2  }
0x129: {  	s23 =	sadd.s32 $0x800, s23;
	s13 =	sadd.s32 $0x800, s13;
	s12 =	sadd.s32 $0x800, s12  }
0x12a: {  	s26 =	sadd.s32 $0x1, s26  }
0x12b: {  	p0 =	sne.s32 s26, s10  }
.Ltmp3:
0x12c: {  	s0 =	sadd.s32 s2, s28;
	(pc) =	sbr.rel @p0 .LBB2_4-.Ltmp3, $4  }
0x12d: {  	[hbm4b:s0+s3] =	stream.linear.scatter [tilespmem:s19], [sflag:$0x5], $0x2800, $0x38;
	[tilespmem:$0x16680] =	vst v63  }
0x12e: {  	_ =	swait.ge [sflag:s14], $0x2800  }
0x12f: {  	[sflag:s14] =	ssyncset.done $0x0  }
0x130: {  	[sflag:s14] =	ssyncadd.s32 $0xFFFFD800  }
0x131: {  	_ =	swait.ge [sflag:s20], $0x2710  }
0x132: {  	[sflag:s20] =	ssyncset.done $0x0  }
0x133: {  	[sflag:s20] =	ssyncadd.s32 $0xFFFFD8F0  }
0x134: {  	_ =	swait.ge [sflag:s21], $0x2710  }
0x135: {  	s0 =	simm.s32 $0xFFFFFFFC;
	s1 =	simm.s32 $0x13F20;
	[sflag:s21] =	ssyncset.done $0x0  }
0x136: {  	s12 =	simm.s32 $0xF020;
	s13 =	simm.s32 $0x117A0;
	[sflag:s21] =	ssyncadd.s32 $0xFFFFD8F0  }
.LBB2_10:
0x137: {  	v1 =	vld [tilespmem:s13+$0xFFFFFFE0];
	_ =	sdelay $0x7  }
0x138: {  	v1 =	vld.idx.msk [tilespmem:v1+s22+$0x0], $0xffff;
	_ =	sdelay $0x4  }
0x139: {  	(erf) = vrcp.f32 v1;
	_ =	sdelay $0x4  }
0x13a: {  	v1 =	vld [tilespmem:s12+$0xFFFFFFE0];
	_ =	sdelay $0x3  }
0x13b: {  	v2 =	vpop (erf)  }
0x13c: {  	v1 =	vmul.f32 v2, v1;
	_ =	sdelay $0x1  }
0x13d: {  	[tilespmem:s1+$0xFFFFFFE0] =	vst v1  }
0x13e: {  	v1 =	vld [tilespmem:s13+$0xFFFFFFF0];
	_ =	sdelay $0x7  }
0x13f: {  	v1 =	vld.idx.msk [tilespmem:v1+s22+$0x0], $0xffff;
	_ =	sdelay $0x4  }
0x140: {  	(erf) = vrcp.f32 v1;
	_ =	sdelay $0x4  }
0x141: {  	v1 =	vld [tilespmem:s12+$0xFFFFFFF0];
	_ =	sdelay $0x3  }
0x142: {  	v2 =	vpop (erf)  }
0x143: {  	v1 =	vmul.f32 v2, v1;
	_ =	sdelay $0x1  }
0x144: {  	[tilespmem:s1+$0xFFFFFFF0] =	vst v1  }
0x145: {  	v1 =	vld [tilespmem:s13+$0x0];
	_ =	sdelay $0x7  }
0x146: {  	v1 =	vld.idx.msk [tilespmem:v1+s22+$0x0], $0xffff;
	_ =	sdelay $0x4  }
0x147: {  	(erf) = vrcp.f32 v1;
	_ =	sdelay $0x4  }
0x148: {  	v1 =	vld [tilespmem:s12+$0x0];
	_ =	sdelay $0x3  }
0x149: {  	v2 =	vpop (erf)  }
0x14a: {  	v1 =	vmul.f32 v2, v1;
	_ =	sdelay $0x1  }
0x14b: {  	[tilespmem:s1+$0x0] =	vst v1  }
0x14c: {  	v1 =	vld [tilespmem:s13+$0x10];
	_ =	sdelay $0x7  }
0x14d: {  	v1 =	vld.idx.msk [tilespmem:v1+s22+$0x0], $0xffff;
	_ =	sdelay $0x4  }
0x14e: {  	(erf) = vrcp.f32 v1;
	_ =	sdelay $0x4  }
0x14f: {  	v1 =	vld [tilespmem:s12+$0x10]  }
0x150: {  	s0 =	sadd.s32 $0x4, s0  }
0x151: {  	p0 =	slt.u32 s0, $0x26C  }
.Ltmp4:
0x152: {  	_ = 	snop;
	(pc) =	sbr.rel @p0 .LBB2_10-.Ltmp4, $3  }
0x153: {  	v2 =	vpop (erf)  }
0x154: {  	v1 =	vmul.f32 v2, v1;
	_ =	sdelay $0x1  }
0x155: {  	s13 =	sadd.s32 $0x40, s13;
	s12 =	sadd.s32 $0x40, s12;
	[tilespmem:s1+$0x10] =	vst v1;
	s1 =	sadd.s32 $0x40, s1  }
0x156: {  	v1 =	vld [tilespmem:$0x13E80];
	_ =	sdelay $0x7  }
0x157: {  	v1 =	vld.idx.msk [tilespmem:v1+s22+$0x0], $0xffff;
	_ =	sdelay $0x4  }
0x158: {  	(erf) = vrcp.f32 v1;
	_ =	sdelay $0x4  }
0x159: {  	v1 =	vld [tilespmem:$0x11700];
	_ =	sdelay $0x3  }
0x15a: {  	v2 =	vpop (erf)  }
0x15b: {  	s24 =	sadd.s32 $0x1, s24;
	v1 =	vmul.f32 v2, v1  }
0x15c: {  	p0 =	sne.s32 s24, s11  }
.Ltmp5:
0x15d: {  	s0 =	simm.s32 $0x13F00;
	[tilespmem:$0x16600] =	vst v1;
	(pc) =	sbr.rel @p0 .LBB2_1-.Ltmp5, $4  }
0x15e: {  	[hbm4b:s9+s3] =	stream.linear.scatter [tilespmem:s0], [sflag:$0x5], $0x2710, $0x38;
	[tilespmem:$0x16680] =	vst v63  }
0x15f: {  	_ =	swait.ge [sflag:s14], $0x2710  }
0x160: {  	[sflag:s14] =	ssyncset.done $0x0  }
0x161: {  	[sflag:s14] =	ssyncadd.s32 $0xFFFFD8F0  }
0x162: {  	_ =	sfence.sel $0x180000  }
0x163: {  	[bflag:$0x0] =	sbarrier.arrive $0xFFFF  }
0x164: {  	_ =	strace $0x9000004A  }
0x165: {  	s0 =	stileid.u32;
	[bflag:$0x2] =	sbarrier.arrive $0xFFFF  }
0x166: {  	p0 =	sne.s32 s0, $0x0;
	s0 =	rddreg [dreg:$0x3]  }
0x167: {  	s0 =	sadd.s32 @!p0 $0x100000, s0  }
0x168: {  	[sflag:s0] =	ssyncadd.tile.s32 @!p0 $0x1;
	_ =	shalt  }
.Lfunc_end2:
_tile_overlayer_lowered:
.L_overlay_start_2:
0x169: {  	(tag) =	ssettag $0x2  }
0x16a: {  	s0 =	rddreg [dreg:$0x0];
	s2 =	stileid.u32  }
0x16b: {  	s1 =	rddreg [dreg:$0x1];
	p0 =	sne.s32 s2, $0x0  }
0x16c: {  	s3 =	rddreg [dreg:$0x2];
	[bflag:$0x3] =	sbarrier.arrive $0xFFFF;
	s2 =	simm.s32 @!p0 $0x1C05  }
0x16d: {  	[timem:s3], [sflag:s2] =	dma.local @!p0 [hbm:s0], s1  }
0x16e: {  	s0 =	simm.s32 @!p0 $0x5  }
0x16f: {  	_ =	swait.ge @!p0 [sflag:s0], s1  }
0x170: {  	s1 =	ssub.s32 @!p0 $0x0, s1;
	[sflag:s0] =	ssyncset.done @!p0 $0x0  }
0x171: {  	[sflag:s0] =	ssyncadd.s32 @!p0 s1  }
0x172: {  	[bflag:$0x3] =	sbarrier.arrive $0xFFFF  }
0x173: {  	_ =	shalt  }

</sc_bundles>
